<compile_context>
chip_gen: v7x
topology: tpu7x:2x2x1
jax: 0.10.2.dev20260603
libtpu: 0.0.44.dev20260713+nightly
codegen_flags: <defaults>
</compile_context>

<pallas_src>
import jax
import jax.numpy as jnp
from jax import lax
from jax.experimental import pallas as pl
from jax.experimental.pallas import tpu as pltpu
from jax.experimental.pallas import tpu_sc as plsc

_CH = 256
_NC = 4


def _sc_body(nk, kb, ok, buf0, buf1, srows, outbufs,
             sem_l0, sem_l1, sem_w0, sem_w1, sem_t, sem_tw):
    B, H, S, D = nk.shape
    W = kb.shape[2]
    L = 16
    cid = lax.axis_index("c")
    h = lax.axis_index("s")
    base = pl.multiple_of(cid * (W // 2 - 8), 8)
    bufs = (buf0, buf1)
    lsems = (sem_l0, sem_l1)
    wsems = (sem_w0, sem_w1)

    def load(c):
        return pltpu.async_copy(
            kb.at[0, h, pl.ds(base + c * _CH, _CH + 8), :],
            bufs[c % 2].at[pl.ds(0, _CH + 8), :], lsems[c % 2])

    loads = [None] * _NC
    loads[0] = load(0)
    loads[1] = load(1)
    tail_loads = []
    for b in range(B):
        tail_loads.append(pltpu.async_copy(
            kb.at[0, h, pl.ds(W - 8, 8), :],
            outbufs.at[b, pl.ds(0, 8), :], sem_t))
        tail_loads.append(pltpu.async_copy(nk.at[b, h, :, :],
                                           srows.at[b], sem_t))

    for t in tail_loads:
        t.wait()
    tail_writes = []
    for b in range(B):
        for j in range(D // L):
            outbufs[b, 8, pl.ds(j * L, L)] = srows[b, S - 1, pl.ds(j * L, L)]
        tail_writes.append(pltpu.async_copy(
            outbufs.at[b, pl.ds(1, 8), :],
            ok.at[b, h, pl.ds(W - 8, 8), :], sem_tw))

    writes = [[] for _ in range(_NC)]
    for c in range(_NC):
        if c >= 2:
            for w in writes[c - 2]:
                w.wait()
            loads[c] = load(c)
        loads[c].wait()
        buf = bufs[c % 2]
        for b in range(B):
            writes[c].append(pltpu.async_copy(
                buf.at[pl.ds(1, _CH), :],
                ok.at[b, h, pl.ds(base + c * _CH, _CH), :],
                wsems[c % 2]))

    for c in (_NC - 2, _NC - 1):
        for w in writes[c]:
            w.wait()
    for t in tail_writes:
        t.wait()


def _tc_body(nv_ref, vb_ref, ov_ref):
    B = ov_ref.shape[0]
    W = ov_ref.shape[2]
    D = ov_ref.shape[3]
    S = nv_ref.shape[2]
    shifted_v = vb_ref[:, :, 1:, :]
    ov_ref[:, :, : W - 1, :] = jnp.broadcast_to(shifted_v, (B, 1, W - 1, D))
    ov_ref[:, :, W - 1 :, :] = nv_ref[:, :, S - 1 :, :]


def kernel(new_k, new_v, k_buf, v_buf):
    B, H, S, D = new_k.shape
    W = k_buf.shape[2]
    out = jax.ShapeDtypeStruct((B, H, W, D), new_k.dtype)

    mesh = plsc.VectorSubcoreMesh(core_axis_name="c", subcore_axis_name="s")
    sc_fn = pl.kernel(
        _sc_body,
        out_type=out,
        mesh=mesh,
        scratch_types=[
            pltpu.VMEM((_CH + 8, D), jnp.float32),
            pltpu.VMEM((_CH + 8, D), jnp.float32),
            pltpu.VMEM((B, S, D), jnp.float32),
            pltpu.VMEM((B, 9, D), jnp.float32),
            pltpu.SemaphoreType.DMA,
            pltpu.SemaphoreType.DMA,
            pltpu.SemaphoreType.DMA,
            pltpu.SemaphoreType.DMA,
            pltpu.SemaphoreType.DMA,
            pltpu.SemaphoreType.DMA,
        ],
    )
    updated_v = pl.pallas_call(
        _tc_body,
        grid=(H,),
        in_specs=[
            pl.BlockSpec((B, 1, S, D), lambda h: (0, h, 0, 0)),
            pl.BlockSpec((1, 1, W, D), lambda h: (0, h, 0, 0)),
        ],
        out_specs=pl.BlockSpec((B, 1, W, D), lambda h: (0, h, 0, 0)),
        out_shape=out,
    )(new_v, v_buf)
    updated_k = sc_fn(new_k, k_buf)
    return (updated_k, updated_v)

# --- scband reference (transcript-rebuilt; emitter-appended) ---
"""Pipeline reference for scband-sliding-window-13503377178737 (READ-ONLY COPY).

The authoritative reference and input builder live on the scoring server;
editing this copy changes nothing except your own understanding.
"""

import jax, jax.numpy as jnp
import numpy as np


def setup_inputs(seed: int = 0) -> dict:
    key = jax.random.key(seed)
    k1, k2 = jax.random.split(key)
    B, H, S, D, W = 8, 16, 4, 128, 2048
    new_k = jax.random.normal(k1, (B, H, S, D), dtype=jnp.float32)
    new_v = jax.random.normal(k2, (B, H, S, D), dtype=jnp.float32)
    k_buf = jnp.zeros((1, H, W, D), dtype=jnp.float32)
    v_buf = jnp.zeros((1, H, W, D), dtype=jnp.float32)
    return {"new_k": new_k, "new_v": new_v, "k_buf": k_buf, "v_buf": v_buf}


def reference(new_k, new_v, k_buf, v_buf):
    batch_size = new_k.shape[0]
    nk = new_k[:, :, -1:, :]
    nv = new_v[:, :, -1:, :]
    kb = jnp.broadcast_to(k_buf, (batch_size,) + k_buf.shape[1:])
    vb = jnp.broadcast_to(v_buf, (batch_size,) + v_buf.shape[1:])
    updated_k = jnp.concatenate([kb[:, :, 1:], nk], axis=2)
    updated_v = jnp.concatenate([vb[:, :, 1:], nv], axis=2)
    # buffer state update (side effect in torch; returned values are the forward outputs)
    # new_k_buf = jnp.mean(updated_k, axis=0, keepdims=True)  # not part of output
    # new_v_buf = jnp.mean(updated_v, axis=0, keepdims=True)
    return (updated_k, updated_v)

if __name__ == "__main__":
    import jax
    _d = setup_inputs()
    print(jax.jit(kernel)(*tuple(_d.values())))

</pallas_src>

<mosaic_0001>
#map = affine_map<(d0, d1) -> (0, 0, 0, 0)>
module attributes {stable_mosaic.version = 14 : i64} {
  func.func @_sc_body(%arg0: i32, %arg1: i32, %arg2: memref<8x16x4x128xf32, #tpu.memory_space<hbm>>, %arg3: memref<1x16x2048x128xf32, #tpu.memory_space<hbm>>, %arg4: memref<8x16x2048x128xf32, #tpu.memory_space<hbm>>, %arg5: memref<264x128xf32, #tpu.memory_space<vmem>>, %arg6: memref<264x128xf32, #tpu.memory_space<vmem>>, %arg7: memref<8x4x128xf32, #tpu.memory_space<vmem>>, %arg8: memref<8x9x128xf32, #tpu.memory_space<vmem>>, %arg9: memref<!tpu.dma_semaphore, #tpu.memory_space<semaphore_mem>>, %arg10: memref<!tpu.dma_semaphore, #tpu.memory_space<semaphore_mem>>, %arg11: memref<!tpu.dma_semaphore, #tpu.memory_space<semaphore_mem>>, %arg12: memref<!tpu.dma_semaphore, #tpu.memory_space<semaphore_mem>>, %arg13: memref<!tpu.dma_semaphore, #tpu.memory_space<semaphore_mem>>, %arg14: memref<!tpu.dma_semaphore, #tpu.memory_space<semaphore_mem>>) attributes {dimension_semantics = [#tpu.dimension_semantics<core_parallel>, #tpu.dimension_semantics<subcore_parallel>], iteration_bounds = array<i64: 2, 16>, scalar_prefetch = 0 : i64, scratch_operands = 10 : i64, tpu.core_type = #tpu.core_type<sc_vector_subcore>, window_params = [{transform_indices = #map}, {transform_indices = #map}, {transform_indices = #map}]} {
    %mul3A = arith.constant 1016 : i32
    %mul3A_0 = arith.muli %arg0, %mul3A : i32
    %multiple_of3A = tpu.assume_multiple %mul3A_0, 8 : i32
    %add3A = arith.constant 0 : i32
    %add3A_1 = arith.addi %multiple_of3A, %add3A : i32
    %dma_start3A = arith.constant 0 : i32
    %dma_start3A_2 = arith.constant 0 : i32
    %dma_start3A_3 = arith.constant 0 : i32
    %dma_start3A_4 = tpu.memref_slice %arg5[%dma_start3A_2, %dma_start3A_3] : memref<264x128xf32, #tpu.memory_space<vmem>> -> memref<264x128xf32, #tpu.memory_space<vmem>>
    %dma_start3A_5 = arith.constant 0 : i32
    %dma_start3A_6 = tpu.memref_slice %arg3[%dma_start3A, %arg1, %add3A_1, %dma_start3A_5] : memref<1x16x2048x128xf32, #tpu.memory_space<hbm>> -> memref<1x1x264x128xf32, #tpu.memory_space<hbm>>
    %dma_start3A_7 = tpu.memref_squeeze %dma_start3A_6 : memref<1x1x264x128xf32, #tpu.memory_space<hbm>> -> memref<264x128xf32, #tpu.memory_space<hbm>>
    %dma_start3A_8 = arith.constant 0 : i32
    %dma_start3A_9 = arith.constant 0 : i32
    %dma_start3A_10 = tpu.memref_slice %arg5[%dma_start3A_8, %dma_start3A_9] : memref<264x128xf32, #tpu.memory_space<vmem>> -> memref<264x128xf32, #tpu.memory_space<vmem>>
    %dma_start3A_11 = arith.constant 0 : i32
    %dma_start3A_12 = tpu.memref_slice %arg3[%dma_start3A, %arg1, %add3A_1, %dma_start3A_11] : memref<1x16x2048x128xf32, #tpu.memory_space<hbm>> -> memref<1x1x264x128xf32, #tpu.memory_space<hbm>>
    %dma_start3A_13 = tpu.memref_squeeze %dma_start3A_12 : memref<1x1x264x128xf32, #tpu.memory_space<hbm>> -> memref<264x128xf32, #tpu.memory_space<hbm>>
    tpu.enqueue_dma source(%dma_start3A_13 : memref<264x128xf32, #tpu.memory_space<hbm>>) target(%dma_start3A_10 : memref<264x128xf32, #tpu.memory_space<vmem>>) target_semaphore(%arg9 : memref<!tpu.dma_semaphore, #tpu.memory_space<semaphore_mem>>)
    %add3A_14 = arith.constant 256 : i32
    %add3A_15 = arith.addi %multiple_of3A, %add3A_14 : i32
    %dma_start3A_16 = arith.constant 0 : i32
    %dma_start3A_17 = arith.constant 0 : i32
    %dma_start3A_18 = arith.constant 0 : i32
    %dma_start3A_19 = tpu.memref_slice %arg6[%dma_start3A_17, %dma_start3A_18] : memref<264x128xf32, #tpu.memory_space<vmem>> -> memref<264x128xf32, #tpu.memory_space<vmem>>
    %dma_start3A_20 = arith.constant 0 : i32
    %dma_start3A_21 = tpu.memref_slice %arg3[%dma_start3A_16, %arg1, %add3A_15, %dma_start3A_20] : memref<1x16x2048x128xf32, #tpu.memory_space<hbm>> -> memref<1x1x264x128xf32, #tpu.memory_space<hbm>>
    %dma_start3A_22 = tpu.memref_squeeze %dma_start3A_21 : memref<1x1x264x128xf32, #tpu.memory_space<hbm>> -> memref<264x128xf32, #tpu.memory_space<hbm>>
    %dma_start3A_23 = arith.constant 0 : i32
    %dma_start3A_24 = arith.constant 0 : i32
    %dma_start3A_25 = tpu.memref_slice %arg6[%dma_start3A_23, %dma_start3A_24] : memref<264x128xf32, #tpu.memory_space<vmem>> -> memref<264x128xf32, #tpu.memory_space<vmem>>
    %dma_start3A_26 = arith.constant 0 : i32
    %dma_start3A_27 = tpu.memref_slice %arg3[%dma_start3A_16, %arg1, %add3A_15, %dma_start3A_26] : memref<1x16x2048x128xf32, #tpu.memory_space<hbm>> -> memref<1x1x264x128xf32, #tpu.memory_space<hbm>>
    %dma_start3A_28 = tpu.memref_squeeze %dma_start3A_27 : memref<1x1x264x128xf32, #tpu.memory_space<hbm>> -> memref<264x128xf32, #tpu.memory_space<hbm>>
    tpu.enqueue_dma source(%dma_start3A_28 : memref<264x128xf32, #tpu.memory_space<hbm>>) target(%dma_start3A_25 : memref<264x128xf32, #tpu.memory_space<vmem>>) target_semaphore(%arg10 : memref<!tpu.dma_semaphore, #tpu.memory_space<semaphore_mem>>)
    %dma_start3A_29 = arith.constant 0 : i32
    %dma_start3A_30 = arith.constant 0 : i32
    %dma_start3A_31 = arith.constant 0 : i32
    %dma_start3A_32 = arith.constant 0 : i32
    %dma_start3A_33 = tpu.memref_slice %arg8[%dma_start3A_30, %dma_start3A_31, %dma_start3A_32] : memref<8x9x128xf32, #tpu.memory_space<vmem>> -> memref<1x8x128xf32, #tpu.memory_space<vmem>>
    %dma_start3A_34 = tpu.memref_squeeze %dma_start3A_33 : memref<1x8x128xf32, #tpu.memory_space<vmem>> -> memref<8x128xf32, #tpu.memory_space<vmem>>
    %dma_start3A_35 = arith.constant 2040 : i32
    %dma_start3A_36 = arith.constant 0 : i32
    %dma_start3A_37 = tpu.memref_slice %arg3[%dma_start3A_29, %arg1, %dma_start3A_35, %dma_start3A_36] : memref<1x16x2048x128xf32, #tpu.memory_space<hbm>> -> memref<1x1x8x128xf32, #tpu.memory_space<hbm>>
    %dma_start3A_38 = tpu.memref_squeeze %dma_start3A_37 : memref<1x1x8x128xf32, #tpu.memory_space<hbm>> -> memref<8x128xf32, #tpu.memory_space<hbm>>
    %dma_start3A_39 = arith.constant 0 : i32
    %dma_start3A_40 = arith.constant 0 : i32
    %dma_start3A_41 = tpu.memref_slice %arg8[%dma_start3A_30, %dma_start3A_39, %dma_start3A_40] : memref<8x9x128xf32, #tpu.memory_space<vmem>> -> memref<1x8x128xf32, #tpu.memory_space<vmem>>
    %dma_start3A_42 = tpu.memref_squeeze %dma_start3A_41 : memref<1x8x128xf32, #tpu.memory_space<vmem>> -> memref<8x128xf32, #tpu.memory_space<vmem>>
    %dma_start3A_43 = arith.constant 2040 : i32
    %dma_start3A_44 = arith.constant 0 : i32
    %dma_start3A_45 = tpu.memref_slice %arg3[%dma_start3A_29, %arg1, %dma_start3A_43, %dma_start3A_44] : memref<1x16x2048x128xf32, #tpu.memory_space<hbm>> -> memref<1x1x8x128xf32, #tpu.memory_space<hbm>>
    %dma_start3A_46 = tpu.memref_squeeze %dma_start3A_45 : memref<1x1x8x128xf32, #tpu.memory_space<hbm>> -> memref<8x128xf32, #tpu.memory_space<hbm>>
    tpu.enqueue_dma source(%dma_start3A_46 : memref<8x128xf32, #tpu.memory_space<hbm>>) target(%dma_start3A_42 : memref<8x128xf32, #tpu.memory_space<vmem>>) target_semaphore(%arg13 : memref<!tpu.dma_semaphore, #tpu.memory_space<semaphore_mem>>)
    %dma_start3A_47 = arith.constant 0 : i32
    %dma_start3A_48 = arith.constant 0 : i32
    %dma_start3A_49 = arith.constant 0 : i32
    %dma_start3A_50 = arith.constant 0 : i32
    %dma_start3A_51 = tpu.memref_slice %arg7[%dma_start3A_48, %dma_start3A_49, %dma_start3A_50] : memref<8x4x128xf32, #tpu.memory_space<vmem>> -> memref<1x4x128xf32, #tpu.memory_space<vmem>>
    %dma_start3A_52 = tpu.memref_squeeze %dma_start3A_51 : memref<1x4x128xf32, #tpu.memory_space<vmem>> -> memref<4x128xf32, #tpu.memory_space<vmem>>
    %dma_start3A_53 = arith.constant 0 : i32
    %dma_start3A_54 = arith.constant 0 : i32
    %dma_start3A_55 = tpu.memref_slice %arg2[%dma_start3A_47, %arg1, %dma_start3A_53, %dma_start3A_54] : memref<8x16x4x128xf32, #tpu.memory_space<hbm>> -> memref<1x1x4x128xf32, #tpu.memory_space<hbm>>
    %dma_start3A_56 = tpu.memref_squeeze %dma_start3A_55 : memref<1x1x4x128xf32, #tpu.memory_space<hbm>> -> memref<4x128xf32, #tpu.memory_space<hbm>>
    %dma_start3A_57 = arith.constant 0 : i32
    %dma_start3A_58 = arith.constant 0 : i32
    %dma_start3A_59 = tpu.memref_slice %arg7[%dma_start3A_48, %dma_start3A_57, %dma_start3A_58] : memref<8x4x128xf32, #tpu.memory_space<vmem>> -> memref<1x4x128xf32, #tpu.memory_space<vmem>>
    %dma_start3A_60 = tpu.memref_squeeze %dma_start3A_59 : memref<1x4x128xf32, #tpu.memory_space<vmem>> -> memref<4x128xf32, #tpu.memory_space<vmem>>
    %dma_start3A_61 = arith.constant 0 : i32
    %dma_start3A_62 = arith.constant 0 : i32
    %dma_start3A_63 = tpu.memref_slice %arg2[%dma_start3A_47, %arg1, %dma_start3A_61, %dma_start3A_62] : memref<8x16x4x128xf32, #tpu.memory_space<hbm>> -> memref<1x1x4x128xf32, #tpu.memory_space<hbm>>
    %dma_start3A_64 = tpu.memref_squeeze %dma_start3A_63 : memref<1x1x4x128xf32, #tpu.memory_space<hbm>> -> memref<4x128xf32, #tpu.memory_space<hbm>>
    tpu.enqueue_dma source(%dma_start3A_64 : memref<4x128xf32, #tpu.memory_space<hbm>>) target(%dma_start3A_60 : memref<4x128xf32, #tpu.memory_space<vmem>>) target_semaphore(%arg13 : memref<!tpu.dma_semaphore, #tpu.memory_space<semaphore_mem>>)
    %dma_start3A_65 = arith.constant 0 : i32
    %dma_start3A_66 = arith.constant 1 : i32
    %dma_start3A_67 = arith.constant 0 : i32
    %dma_start3A_68 = arith.constant 0 : i32
    %dma_start3A_69 = tpu.memref_slice %arg8[%dma_start3A_66, %dma_start3A_67, %dma_start3A_68] : memref<8x9x128xf32, #tpu.memory_space<vmem>> -> memref<1x8x128xf32, #tpu.memory_space<vmem>>
    %dma_start3A_70 = tpu.memref_squeeze %dma_start3A_69 : memref<1x8x128xf32, #tpu.memory_space<vmem>> -> memref<8x128xf32, #tpu.memory_space<vmem>>
    %dma_start3A_71 = arith.constant 2040 : i32
    %dma_start3A_72 = arith.constant 0 : i32
    %dma_start3A_73 = tpu.memref_slice %arg3[%dma_start3A_65, %arg1, %dma_start3A_71, %dma_start3A_72] : memref<1x16x2048x128xf32, #tpu.memory_space<hbm>> -> memref<1x1x8x128xf32, #tpu.memory_space<hbm>>
    %dma_start3A_74 = tpu.memref_squeeze %dma_start3A_73 : memref<1x1x8x128xf32, #tpu.memory_space<hbm>> -> memref<8x128xf32, #tpu.memory_space<hbm>>
    %dma_start3A_75 = arith.constant 0 : i32
    %dma_start3A_76 = arith.constant 0 : i32
    %dma_start3A_77 = tpu.memref_slice %arg8[%dma_start3A_66, %dma_start3A_75, %dma_start3A_76] : memref<8x9x128xf32, #tpu.memory_space<vmem>> -> memref<1x8x128xf32, #tpu.memory_space<vmem>>
    %dma_start3A_78 = tpu.memref_squeeze %dma_start3A_77 : memref<1x8x128xf32, #tpu.memory_space<vmem>> -> memref<8x128xf32, #tpu.memory_space<vmem>>
    %dma_start3A_79 = arith.constant 2040 : i32
    %dma_start3A_80 = arith.constant 0 : i32
    %dma_start3A_81 = tpu.memref_slice %arg3[%dma_start3A_65, %arg1, %dma_start3A_79, %dma_start3A_80] : memref<1x16x2048x128xf32, #tpu.memory_space<hbm>> -> memref<1x1x8x128xf32, #tpu.memory_space<hbm>>
    %dma_start3A_82 = tpu.memref_squeeze %dma_start3A_81 : memref<1x1x8x128xf32, #tpu.memory_space<hbm>> -> memref<8x128xf32, #tpu.memory_space<hbm>>
    tpu.enqueue_dma source(%dma_start3A_82 : memref<8x128xf32, #tpu.memory_space<hbm>>) target(%dma_start3A_78 : memref<8x128xf32, #tpu.memory_space<vmem>>) target_semaphore(%arg13 : memref<!tpu.dma_semaphore, #tpu.memory_space<semaphore_mem>>)
    %dma_start3A_83 = arith.constant 1 : i32
    %dma_start3A_84 = arith.constant 1 : i32
    %dma_start3A_85 = arith.constant 0 : i32
    %dma_start3A_86 = arith.constant 0 : i32
    %dma_start3A_87 = tpu.memref_slice %arg7[%dma_start3A_84, %dma_start3A_85, %dma_start3A_86] : memref<8x4x128xf32, #tpu.memory_space<vmem>> -> memref<1x4x128xf32, #tpu.memory_space<vmem>>
    %dma_start3A_88 = tpu.memref_squeeze %dma_start3A_87 : memref<1x4x128xf32, #tpu.memory_space<vmem>> -> memref<4x128xf32, #tpu.memory_space<vmem>>
    %dma_start3A_89 = arith.constant 0 : i32
    %dma_start3A_90 = arith.constant 0 : i32
    %dma_start3A_91 = tpu.memref_slice %arg2[%dma_start3A_83, %arg1, %dma_start3A_89, %dma_start3A_90] : memref<8x16x4x128xf32, #tpu.memory_space<hbm>> -> memref<1x1x4x128xf32, #tpu.memory_space<hbm>>
    %dma_start3A_92 = tpu.memref_squeeze %dma_start3A_91 : memref<1x1x4x128xf32, #tpu.memory_space<hbm>> -> memref<4x128xf32, #tpu.memory_space<hbm>>
    %dma_start3A_93 = arith.constant 0 : i32
    %dma_start3A_94 = arith.constant 0 : i32
    %dma_start3A_95 = tpu.memref_slice %arg7[%dma_start3A_84, %dma_start3A_93, %dma_start3A_94] : memref<8x4x128xf32, #tpu.memory_space<vmem>> -> memref<1x4x128xf32, #tpu.memory_space<vmem>>
    %dma_start3A_96 = tpu.memref_squeeze %dma_start3A_95 : memref<1x4x128xf32, #tpu.memory_space<vmem>> -> memref<4x128xf32, #tpu.memory_space<vmem>>
    %dma_start3A_97 = arith.constant 0 : i32
    %dma_start3A_98 = arith.constant 0 : i32
    %dma_start3A_99 = tpu.memref_slice %arg2[%dma_start3A_83, %arg1, %dma_start3A_97, %dma_start3A_98] : memref<8x16x4x128xf32, #tpu.memory_space<hbm>> -> memref<1x1x4x128xf32, #tpu.memory_space<hbm>>
    %dma_start3A_100 = tpu.memref_squeeze %dma_start3A_99 : memref<1x1x4x128xf32, #tpu.memory_space<hbm>> -> memref<4x128xf32, #tpu.memory_space<hbm>>
    tpu.enqueue_dma source(%dma_start3A_100 : memref<4x128xf32, #tpu.memory_space<hbm>>) target(%dma_start3A_96 : memref<4x128xf32, #tpu.memory_space<vmem>>) target_semaphore(%arg13 : memref<!tpu.dma_semaphore, #tpu.memory_space<semaphore_mem>>)
    %dma_start3A_101 = arith.constant 0 : i32
    %dma_start3A_102 = arith.constant 2 : i32
    %dma_start3A_103 = arith.constant 0 : i32
    %dma_start3A_104 = arith.constant 0 : i32
    %dma_start3A_105 = tpu.memref_slice %arg8[%dma_start3A_102, %dma_start3A_103, %dma_start3A_104] : memref<8x9x128xf32, #tpu.memory_space<vmem>> -> memref<1x8x128xf32, #tpu.memory_space<vmem>>
    %dma_start3A_106 = tpu.memref_squeeze %dma_start3A_105 : memref<1x8x128xf32, #tpu.memory_space<vmem>> -> memref<8x128xf32, #tpu.memory_space<vmem>>
    %dma_start3A_107 = arith.constant 2040 : i32
    %dma_start3A_108 = arith.constant 0 : i32
    %dma_start3A_109 = tpu.memref_slice %arg3[%dma_start3A_101, %arg1, %dma_start3A_107, %dma_start3A_108] : memref<1x16x2048x128xf32, #tpu.memory_space<hbm>> -> memref<1x1x8x128xf32, #tpu.memory_space<hbm>>
    %dma_start3A_110 = tpu.memref_squeeze %dma_start3A_109 : memref<1x1x8x128xf32, #tpu.memory_space<hbm>> -> memref<8x128xf32, #tpu.memory_space<hbm>>
    %dma_start3A_111 = arith.constant 0 : i32
    %dma_start3A_112 = arith.constant 0 : i32
    %dma_start3A_113 = tpu.memref_slice %arg8[%dma_start3A_102, %dma_start3A_111, %dma_start3A_112] : memref<8x9x128xf32, #tpu.memory_space<vmem>> -> memref<1x8x128xf32, #tpu.memory_space<vmem>>
    %dma_start3A_114 = tpu.memref_squeeze %dma_start3A_113 : memref<1x8x128xf32, #tpu.memory_space<vmem>> -> memref<8x128xf32, #tpu.memory_space<vmem>>
    %dma_start3A_115 = arith.constant 2040 : i32
    %dma_start3A_116 = arith.constant 0 : i32
    %dma_start3A_117 = tpu.memref_slice %arg3[%dma_start3A_101, %arg1, %dma_start3A_115, %dma_start3A_116] : memref<1x16x2048x128xf32, #tpu.memory_space<hbm>> -> memref<1x1x8x128xf32, #tpu.memory_space<hbm>>
    %dma_start3A_118 = tpu.memref_squeeze %dma_start3A_117 : memref<1x1x8x128xf32, #tpu.memory_space<hbm>> -> memref<8x128xf32, #tpu.memory_space<hbm>>
    tpu.enqueue_dma source(%dma_start3A_118 : memref<8x128xf32, #tpu.memory_space<hbm>>) target(%dma_start3A_114 : memref<8x128xf32, #tpu.memory_space<vmem>>) target_semaphore(%arg13 : memref<!tpu.dma_semaphore, #tpu.memory_space<semaphore_mem>>)
    %dma_start3A_119 = arith.constant 2 : i32
    %dma_start3A_120 = arith.constant 2 : i32
    %dma_start3A_121 = arith.constant 0 : i32
    %dma_start3A_122 = arith.constant 0 : i32
    %dma_start3A_123 = tpu.memref_slice %arg7[%dma_start3A_120, %dma_start3A_121, %dma_start3A_122] : memref<8x4x128xf32, #tpu.memory_space<vmem>> -> memref<1x4x128xf32, #tpu.memory_space<vmem>>
    %dma_start3A_124 = tpu.memref_squeeze %dma_start3A_123 : memref<1x4x128xf32, #tpu.memory_space<vmem>> -> memref<4x128xf32, #tpu.memory_space<vmem>>
    %dma_start3A_125 = arith.constant 0 : i32
    %dma_start3A_126 = arith.constant 0 : i32
    %dma_start3A_127 = tpu.memref_slice %arg2[%dma_start3A_119, %arg1, %dma_start3A_125, %dma_start3A_126] : memref<8x16x4x128xf32, #tpu.memory_space<hbm>> -> memref<1x1x4x128xf32, #tpu.memory_space<hbm>>
    %dma_start3A_128 = tpu.memref_squeeze %dma_start3A_127 : memref<1x1x4x128xf32, #tpu.memory_space<hbm>> -> memref<4x128xf32, #tpu.memory_space<hbm>>
    %dma_start3A_129 = arith.constant 0 : i32
    %dma_start3A_130 = arith.constant 0 : i32
    %dma_start3A_131 = tpu.memref_slice %arg7[%dma_start3A_120, %dma_start3A_129, %dma_start3A_130] : memref<8x4x128xf32, #tpu.memory_space<vmem>> -> memref<1x4x128xf32, #tpu.memory_space<vmem>>
    %dma_start3A_132 = tpu.memref_squeeze %dma_start3A_131 : memref<1x4x128xf32, #tpu.memory_space<vmem>> -> memref<4x128xf32, #tpu.memory_space<vmem>>
    %dma_start3A_133 = arith.constant 0 : i32
    %dma_start3A_134 = arith.constant 0 : i32
    %dma_start3A_135 = tpu.memref_slice %arg2[%dma_start3A_119, %arg1, %dma_start3A_133, %dma_start3A_134] : memref<8x16x4x128xf32, #tpu.memory_space<hbm>> -> memref<1x1x4x128xf32, #tpu.memory_space<hbm>>
    %dma_start3A_136 = tpu.memref_squeeze %dma_start3A_135 : memref<1x1x4x128xf32, #tpu.memory_space<hbm>> -> memref<4x128xf32, #tpu.memory_space<hbm>>
    tpu.enqueue_dma source(%dma_start3A_136 : memref<4x128xf32, #tpu.memory_space<hbm>>) target(%dma_start3A_132 : memref<4x128xf32, #tpu.memory_space<vmem>>) target_semaphore(%arg13 : memref<!tpu.dma_semaphore, #tpu.memory_space<semaphore_mem>>)
    %dma_start3A_137 = arith.constant 0 : i32
    %dma_start3A_138 = arith.constant 3 : i32
    %dma_start3A_139 = arith.constant 0 : i32
    %dma_start3A_140 = arith.constant 0 : i32
    %dma_start3A_141 = tpu.memref_slice %arg8[%dma_start3A_138, %dma_start3A_139, %dma_start3A_140] : memref<8x9x128xf32, #tpu.memory_space<vmem>> -> memref<1x8x128xf32, #tpu.memory_space<vmem>>
    %dma_start3A_142 = tpu.memref_squeeze %dma_start3A_141 : memref<1x8x128xf32, #tpu.memory_space<vmem>> -> memref<8x128xf32, #tpu.memory_space<vmem>>
    %dma_start3A_143 = arith.constant 2040 : i32
    %dma_start3A_144 = arith.constant 0 : i32
    %dma_start3A_145 = tpu.memref_slice %arg3[%dma_start3A_137, %arg1, %dma_start3A_143, %dma_start3A_144] : memref<1x16x2048x128xf32, #tpu.memory_space<hbm>> -> memref<1x1x8x128xf32, #tpu.memory_space<hbm>>
    %dma_start3A_146 = tpu.memref_squeeze %dma_start3A_145 : memref<1x1x8x128xf32, #tpu.memory_space<hbm>> -> memref<8x128xf32, #tpu.memory_space<hbm>>
    %dma_start3A_147 = arith.constant 0 : i32
    %dma_start3A_148 = arith.constant 0 : i32
    %dma_start3A_149 = tpu.memref_slice %arg8[%dma_start3A_138, %dma_start3A_147, %dma_start3A_148] : memref<8x9x128xf32, #tpu.memory_space<vmem>> -> memref<1x8x128xf32, #tpu.memory_space<vmem>>
    %dma_start3A_150 = tpu.memref_squeeze %dma_start3A_149 : memref<1x8x128xf32, #tpu.memory_space<vmem>> -> memref<8x128xf32, #tpu.memory_space<vmem>>
    %dma_start3A_151 = arith.constant 2040 : i32
    %dma_start3A_152 = arith.constant 0 : i32
    %dma_start3A_153 = tpu.memref_slice %arg3[%dma_start3A_137, %arg1, %dma_start3A_151, %dma_start3A_152] : memref<1x16x2048x128xf32, #tpu.memory_space<hbm>> -> memref<1x1x8x128xf32, #tpu.memory_space<hbm>>
    %dma_start3A_154 = tpu.memref_squeeze %dma_start3A_153 : memref<1x1x8x128xf32, #tpu.memory_space<hbm>> -> memref<8x128xf32, #tpu.memory_space<hbm>>
    tpu.enqueue_dma source(%dma_start3A_154 : memref<8x128xf32, #tpu.memory_space<hbm>>) target(%dma_start3A_150 : memref<8x128xf32, #tpu.memory_space<vmem>>) target_semaphore(%arg13 : memref<!tpu.dma_semaphore, #tpu.memory_space<semaphore_mem>>)
    %dma_start3A_155 = arith.constant 3 : i32
    %dma_start3A_156 = arith.constant 3 : i32
    %dma_start3A_157 = arith.constant 0 : i32
    %dma_start3A_158 = arith.constant 0 : i32
    %dma_start3A_159 = tpu.memref_slice %arg7[%dma_start3A_156, %dma_start3A_157, %dma_start3A_158] : memref<8x4x128xf32, #tpu.memory_space<vmem>> -> memref<1x4x128xf32, #tpu.memory_space<vmem>>
    %dma_start3A_160 = tpu.memref_squeeze %dma_start3A_159 : memref<1x4x128xf32, #tpu.memory_space<vmem>> -> memref<4x128xf32, #tpu.memory_space<vmem>>
    %dma_start3A_161 = arith.constant 0 : i32
    %dma_start3A_162 = arith.constant 0 : i32
    %dma_start3A_163 = tpu.memref_slice %arg2[%dma_start3A_155, %arg1, %dma_start3A_161, %dma_start3A_162] : memref<8x16x4x128xf32, #tpu.memory_space<hbm>> -> memref<1x1x4x128xf32, #tpu.memory_space<hbm>>
    %dma_start3A_164 = tpu.memref_squeeze %dma_start3A_163 : memref<1x1x4x128xf32, #tpu.memory_space<hbm>> -> memref<4x128xf32, #tpu.memory_space<hbm>>
    %dma_start3A_165 = arith.constant 0 : i32
    %dma_start3A_166 = arith.constant 0 : i32
    %dma_start3A_167 = tpu.memref_slice %arg7[%dma_start3A_156, %dma_start3A_165, %dma_start3A_166] : memref<8x4x128xf32, #tpu.memory_space<vmem>> -> memref<1x4x128xf32, #tpu.memory_space<vmem>>
    %dma_start3A_168 = tpu.memref_squeeze %dma_start3A_167 : memref<1x4x128xf32, #tpu.memory_space<vmem>> -> memref<4x128xf32, #tpu.memory_space<vmem>>
    %dma_start3A_169 = arith.constant 0 : i32
    %dma_start3A_170 = arith.constant 0 : i32
    %dma_start3A_171 = tpu.memref_slice %arg2[%dma_start3A_155, %arg1, %dma_start3A_169, %dma_start3A_170] : memref<8x16x4x128xf32, #tpu.memory_space<hbm>> -> memref<1x1x4x128xf32, #tpu.memory_space<hbm>>
    %dma_start3A_172 = tpu.memref_squeeze %dma_start3A_171 : memref<1x1x4x128xf32, #tpu.memory_space<hbm>> -> memref<4x128xf32, #tpu.memory_space<hbm>>
    tpu.enqueue_dma source(%dma_start3A_172 : memref<4x128xf32, #tpu.memory_space<hbm>>) target(%dma_start3A_168 : memref<4x128xf32, #tpu.memory_space<vmem>>) target_semaphore(%arg13 : memref<!tpu.dma_semaphore, #tpu.memory_space<semaphore_mem>>)
    %dma_start3A_173 = arith.constant 0 : i32
    %dma_start3A_174 = arith.constant 4 : i32
    %dma_start3A_175 = arith.constant 0 : i32
    %dma_start3A_176 = arith.constant 0 : i32
    %dma_start3A_177 = tpu.memref_slice %arg8[%dma_start3A_174, %dma_start3A_175, %dma_start3A_176] : memref<8x9x128xf32, #tpu.memory_space<vmem>> -> memref<1x8x128xf32, #tpu.memory_space<vmem>>
    %dma_start3A_178 = tpu.memref_squeeze %dma_start3A_177 : memref<1x8x128xf32, #tpu.memory_space<vmem>> -> memref<8x128xf32, #tpu.memory_space<vmem>>
    %dma_start3A_179 = arith.constant 2040 : i32
    %dma_start3A_180 = arith.constant 0 : i32
    %dma_start3A_181 = tpu.memref_slice %arg3[%dma_start3A_173, %arg1, %dma_start3A_179, %dma_start3A_180] : memref<1x16x2048x128xf32, #tpu.memory_space<hbm>> -> memref<1x1x8x128xf32, #tpu.memory_space<hbm>>
    %dma_start3A_182 = tpu.memref_squeeze %dma_start3A_181 : memref<1x1x8x128xf32, #tpu.memory_space<hbm>> -> memref<8x128xf32, #tpu.memory_space<hbm>>
    %dma_start3A_183 = arith.constant 0 : i32
    %dma_start3A_184 = arith.constant 0 : i32
    %dma_start3A_185 = tpu.memref_slice %arg8[%dma_start3A_174, %dma_start3A_183, %dma_start3A_184] : memref<8x9x128xf32, #tpu.memory_space<vmem>> -> memref<1x8x128xf32, #tpu.memory_space<vmem>>
    %dma_start3A_186 = tpu.memref_squeeze %dma_start3A_185 : memref<1x8x128xf32, #tpu.memory_space<vmem>> -> memref<8x128xf32, #tpu.memory_space<vmem>>
    %dma_start3A_187 = arith.constant 2040 : i32
    %dma_start3A_188 = arith.constant 0 : i32
    %dma_start3A_189 = tpu.memref_slice %arg3[%dma_start3A_173, %arg1, %dma_start3A_187, %dma_start3A_188] : memref<1x16x2048x128xf32, #tpu.memory_space<hbm>> -> memref<1x1x8x128xf32, #tpu.memory_space<hbm>>
    %dma_start3A_190 = tpu.memref_squeeze %dma_start3A_189 : memref<1x1x8x128xf32, #tpu.memory_space<hbm>> -> memref<8x128xf32, #tpu.memory_space<hbm>>
    tpu.enqueue_dma source(%dma_start3A_190 : memref<8x128xf32, #tpu.memory_space<hbm>>) target(%dma_start3A_186 : memref<8x128xf32, #tpu.memory_space<vmem>>) target_semaphore(%arg13 : memref<!tpu.dma_semaphore, #tpu.memory_space<semaphore_mem>>)
    %dma_start3A_191 = arith.constant 4 : i32
    %dma_start3A_192 = arith.constant 4 : i32
    %dma_start3A_193 = arith.constant 0 : i32
    %dma_start3A_194 = arith.constant 0 : i32
    %dma_start3A_195 = tpu.memref_slice %arg7[%dma_start3A_192, %dma_start3A_193, %dma_start3A_194] : memref<8x4x128xf32, #tpu.memory_space<vmem>> -> memref<1x4x128xf32, #tpu.memory_space<vmem>>
    %dma_start3A_196 = tpu.memref_squeeze %dma_start3A_195 : memref<1x4x128xf32, #tpu.memory_space<vmem>> -> memref<4x128xf32, #tpu.memory_space<vmem>>
    %dma_start3A_197 = arith.constant 0 : i32
    %dma_start3A_198 = arith.constant 0 : i32
    %dma_start3A_199 = tpu.memref_slice %arg2[%dma_start3A_191, %arg1, %dma_start3A_197, %dma_start3A_198] : memref<8x16x4x128xf32, #tpu.memory_space<hbm>> -> memref<1x1x4x128xf32, #tpu.memory_space<hbm>>
    %dma_start3A_200 = tpu.memref_squeeze %dma_start3A_199 : memref<1x1x4x128xf32, #tpu.memory_space<hbm>> -> memref<4x128xf32, #tpu.memory_space<hbm>>
    %dma_start3A_201 = arith.constant 0 : i32
    %dma_start3A_202 = arith.constant 0 : i32
    %dma_start3A_203 = tpu.memref_slice %arg7[%dma_start3A_192, %dma_start3A_201, %dma_start3A_202] : memref<8x4x128xf32, #tpu.memory_space<vmem>> -> memref<1x4x128xf32, #tpu.memory_space<vmem>>
    %dma_start3A_204 = tpu.memref_squeeze %dma_start3A_203 : memref<1x4x128xf32, #tpu.memory_space<vmem>> -> memref<4x128xf32, #tpu.memory_space<vmem>>
    %dma_start3A_205 = arith.constant 0 : i32
    %dma_start3A_206 = arith.constant 0 : i32
    %dma_start3A_207 = tpu.memref_slice %arg2[%dma_start3A_191, %arg1, %dma_start3A_205, %dma_start3A_206] : memref<8x16x4x128xf32, #tpu.memory_space<hbm>> -> memref<1x1x4x128xf32, #tpu.memory_space<hbm>>
    %dma_start3A_208 = tpu.memref_squeeze %dma_start3A_207 : memref<1x1x4x128xf32, #tpu.memory_space<hbm>> -> memref<4x128xf32, #tpu.memory_space<hbm>>
    tpu.enqueue_dma source(%dma_start3A_208 : memref<4x128xf32, #tpu.memory_space<hbm>>) target(%dma_start3A_204 : memref<4x128xf32, #tpu.memory_space<vmem>>) target_semaphore(%arg13 : memref<!tpu.dma_semaphore, #tpu.memory_space<semaphore_mem>>)
    %dma_start3A_209 = arith.constant 0 : i32
    %dma_start3A_210 = arith.constant 5 : i32
    %dma_start3A_211 = arith.constant 0 : i32
    %dma_start3A_212 = arith.constant 0 : i32
    %dma_start3A_213 = tpu.memref_slice %arg8[%dma_start3A_210, %dma_start3A_211, %dma_start3A_212] : memref<8x9x128xf32, #tpu.memory_space<vmem>> -> memref<1x8x128xf32, #tpu.memory_space<vmem>>
    %dma_start3A_214 = tpu.memref_squeeze %dma_start3A_213 : memref<1x8x128xf32, #tpu.memory_space<vmem>> -> memref<8x128xf32, #tpu.memory_space<vmem>>
    %dma_start3A_215 = arith.constant 2040 : i32
    %dma_start3A_216 = arith.constant 0 : i32
    %dma_start3A_217 = tpu.memref_slice %arg3[%dma_start3A_209, %arg1, %dma_start3A_215, %dma_start3A_216] : memref<1x16x2048x128xf32, #tpu.memory_space<hbm>> -> memref<1x1x8x128xf32, #tpu.memory_space<hbm>>
    %dma_start3A_218 = tpu.memref_squeeze %dma_start3A_217 : memref<1x1x8x128xf32, #tpu.memory_space<hbm>> -> memref<8x128xf32, #tpu.memory_space<hbm>>
    %dma_start3A_219 = arith.constant 0 : i32
    %dma_start3A_220 = arith.constant 0 : i32
    %dma_start3A_221 = tpu.memref_slice %arg8[%dma_start3A_210, %dma_start3A_219, %dma_start3A_220] : memref<8x9x128xf32, #tpu.memory_space<vmem>> -> memref<1x8x128xf32, #tpu.memory_space<vmem>>
    %dma_start3A_222 = tpu.memref_squeeze %dma_start3A_221 : memref<1x8x128xf32, #tpu.memory_space<vmem>> -> memref<8x128xf32, #tpu.memory_space<vmem>>
    %dma_start3A_223 = arith.constant 2040 : i32
    %dma_start3A_224 = arith.constant 0 : i32
    %dma_start3A_225 = tpu.memref_slice %arg3[%dma_start3A_209, %arg1, %dma_start3A_223, %dma_start3A_224] : memref<1x16x2048x128xf32, #tpu.memory_space<hbm>> -> memref<1x1x8x128xf32, #tpu.memory_space<hbm>>
    %dma_start3A_226 = tpu.memref_squeeze %dma_start3A_225 : memref<1x1x8x128xf32, #tpu.memory_space<hbm>> -> memref<8x128xf32, #tpu.memory_space<hbm>>
    tpu.enqueue_dma source(%dma_start3A_226 : memref<8x128xf32, #tpu.memory_space<hbm>>) target(%dma_start3A_222 : memref<8x128xf32, #tpu.memory_space<vmem>>) target_semaphore(%arg13 : memref<!tpu.dma_semaphore, #tpu.memory_space<semaphore_mem>>)
    %dma_start3A_227 = arith.constant 5 : i32
    %dma_start3A_228 = arith.constant 5 : i32
    %dma_start3A_229 = arith.constant 0 : i32
    %dma_start3A_230 = arith.constant 0 : i32
    %dma_start3A_231 = tpu.memref_slice %arg7[%dma_start3A_228, %dma_start3A_229, %dma_start3A_230] : memref<8x4x128xf32, #tpu.memory_space<vmem>> -> memref<1x4x128xf32, #tpu.memory_space<vmem>>
    %dma_start3A_232 = tpu.memref_squeeze %dma_start3A_231 : memref<1x4x128xf32, #tpu.memory_space<vmem>> -> memref<4x128xf32, #tpu.memory_space<vmem>>
    %dma_start3A_233 = arith.constant 0 : i32
    %dma_start3A_234 = arith.constant 0 : i32
    %dma_start3A_235 = tpu.memref_slice %arg2[%dma_start3A_227, %arg1, %dma_start3A_233, %dma_start3A_234] : memref<8x16x4x128xf32, #tpu.memory_space<hbm>> -> memref<1x1x4x128xf32, #tpu.memory_space<hbm>>
    %dma_start3A_236 = tpu.memref_squeeze %dma_start3A_235 : memref<1x1x4x128xf32, #tpu.memory_space<hbm>> -> memref<4x128xf32, #tpu.memory_space<hbm>>
    %dma_start3A_237 = arith.constant 0 : i32
    %dma_start3A_238 = arith.constant 0 : i32
    %dma_start3A_239 = tpu.memref_slice %arg7[%dma_start3A_228, %dma_start3A_237, %dma_start3A_238] : memref<8x4x128xf32, #tpu.memory_space<vmem>> -> memref<1x4x128xf32, #tpu.memory_space<vmem>>
    %dma_start3A_240 = tpu.memref_squeeze %dma_start3A_239 : memref<1x4x128xf32, #tpu.memory_space<vmem>> -> memref<4x128xf32, #tpu.memory_space<vmem>>
    %dma_start3A_241 = arith.constant 0 : i32
    %dma_start3A_242 = arith.constant 0 : i32
    %dma_start3A_243 = tpu.memref_slice %arg2[%dma_start3A_227, %arg1, %dma_start3A_241, %dma_start3A_242] : memref<8x16x4x128xf32, #tpu.memory_space<hbm>> -> memref<1x1x4x128xf32, #tpu.memory_space<hbm>>
    %dma_start3A_244 = tpu.memref_squeeze %dma_start3A_243 : memref<1x1x4x128xf32, #tpu.memory_space<hbm>> -> memref<4x128xf32, #tpu.memory_space<hbm>>
    tpu.enqueue_dma source(%dma_start3A_244 : memref<4x128xf32, #tpu.memory_space<hbm>>) target(%dma_start3A_240 : memref<4x128xf32, #tpu.memory_space<vmem>>) target_semaphore(%arg13 : memref<!tpu.dma_semaphore, #tpu.memory_space<semaphore_mem>>)
    %dma_start3A_245 = arith.constant 0 : i32
    %dma_start3A_246 = arith.constant 6 : i32
    %dma_start3A_247 = arith.constant 0 : i32
    %dma_start3A_248 = arith.constant 0 : i32
    %dma_start3A_249 = tpu.memref_slice %arg8[%dma_start3A_246, %dma_start3A_247, %dma_start3A_248] : memref<8x9x128xf32, #tpu.memory_space<vmem>> -> memref<1x8x128xf32, #tpu.memory_space<vmem>>
    %dma_start3A_250 = tpu.memref_squeeze %dma_start3A_249 : memref<1x8x128xf32, #tpu.memory_space<vmem>> -> memref<8x128xf32, #tpu.memory_space<vmem>>
    %dma_start3A_251 = arith.constant 2040 : i32
    %dma_start3A_252 = arith.constant 0 : i32
    %dma_start3A_253 = tpu.memref_slice %arg3[%dma_start3A_245, %arg1, %dma_start3A_251, %dma_start3A_252] : memref<1x16x2048x128xf32, #tpu.memory_space<hbm>> -> memref<1x1x8x128xf32, #tpu.memory_space<hbm>>
    %dma_start3A_254 = tpu.memref_squeeze %dma_start3A_253 : memref<1x1x8x128xf32, #tpu.memory_space<hbm>> -> memref<8x128xf32, #tpu.memory_space<hbm>>
    %dma_start3A_255 = arith.constant 0 : i32
    %dma_start3A_256 = arith.constant 0 : i32
    %dma_start3A_257 = tpu.memref_slice %arg8[%dma_start3A_246, %dma_start3A_255, %dma_start3A_256] : memref<8x9x128xf32, #tpu.memory_space<vmem>> -> memref<1x8x128xf32, #tpu.memory_space<vmem>>
    %dma_start3A_258 = tpu.memref_squeeze %dma_start3A_257 : memref<1x8x128xf32, #tpu.memory_space<vmem>> -> memref<8x128xf32, #tpu.memory_space<vmem>>
    %dma_start3A_259 = arith.constant 2040 : i32
    %dma_start3A_260 = arith.constant 0 : i32
    %dma_start3A_261 = tpu.memref_slice %arg3[%dma_start3A_245, %arg1, %dma_start3A_259, %dma_start3A_260] : memref<1x16x2048x128xf32, #tpu.memory_space<hbm>> -> memref<1x1x8x128xf32, #tpu.memory_space<hbm>>
    %dma_start3A_262 = tpu.memref_squeeze %dma_start3A_261 : memref<1x1x8x128xf32, #tpu.memory_space<hbm>> -> memref<8x128xf32, #tpu.memory_space<hbm>>
    tpu.enqueue_dma source(%dma_start3A_262 : memref<8x128xf32, #tpu.memory_space<hbm>>) target(%dma_start3A_258 : memref<8x128xf32, #tpu.memory_space<vmem>>) target_semaphore(%arg13 : memref<!tpu.dma_semaphore, #tpu.memory_space<semaphore_mem>>)
    %dma_start3A_263 = arith.constant 6 : i32
    %dma_start3A_264 = arith.constant 6 : i32
    %dma_start3A_265 = arith.constant 0 : i32
    %dma_start3A_266 = arith.constant 0 : i32
    %dma_start3A_267 = tpu.memref_slice %arg7[%dma_start3A_264, %dma_start3A_265, %dma_start3A_266] : memref<8x4x128xf32, #tpu.memory_space<vmem>> -> memref<1x4x128xf32, #tpu.memory_space<vmem>>
    %dma_start3A_268 = tpu.memref_squeeze %dma_start3A_267 : memref<1x4x128xf32, #tpu.memory_space<vmem>> -> memref<4x128xf32, #tpu.memory_space<vmem>>
    %dma_start3A_269 = arith.constant 0 : i32
    %dma_start3A_270 = arith.constant 0 : i32
    %dma_start3A_271 = tpu.memref_slice %arg2[%dma_start3A_263, %arg1, %dma_start3A_269, %dma_start3A_270] : memref<8x16x4x128xf32, #tpu.memory_space<hbm>> -> memref<1x1x4x128xf32, #tpu.memory_space<hbm>>
    %dma_start3A_272 = tpu.memref_squeeze %dma_start3A_271 : memref<1x1x4x128xf32, #tpu.memory_space<hbm>> -> memref<4x128xf32, #tpu.memory_space<hbm>>
    %dma_start3A_273 = arith.constant 0 : i32
    %dma_start3A_274 = arith.constant 0 : i32
    %dma_start3A_275 = tpu.memref_slice %arg7[%dma_start3A_264, %dma_start3A_273, %dma_start3A_274] : memref<8x4x128xf32, #tpu.memory_space<vmem>> -> memref<1x4x128xf32, #tpu.memory_space<vmem>>
    %dma_start3A_276 = tpu.memref_squeeze %dma_start3A_275 : memref<1x4x128xf32, #tpu.memory_space<vmem>> -> memref<4x128xf32, #tpu.memory_space<vmem>>
    %dma_start3A_277 = arith.constant 0 : i32
    %dma_start3A_278 = arith.constant 0 : i32
    %dma_start3A_279 = tpu.memref_slice %arg2[%dma_start3A_263, %arg1, %dma_start3A_277, %dma_start3A_278] : memref<8x16x4x128xf32, #tpu.memory_space<hbm>> -> memref<1x1x4x128xf32, #tpu.memory_space<hbm>>
    %dma_start3A_280 = tpu.memref_squeeze %dma_start3A_279 : memref<1x1x4x128xf32, #tpu.memory_space<hbm>> -> memref<4x128xf32, #tpu.memory_space<hbm>>
    tpu.enqueue_dma source(%dma_start3A_280 : memref<4x128xf32, #tpu.memory_space<hbm>>) target(%dma_start3A_276 : memref<4x128xf32, #tpu.memory_space<vmem>>) target_semaphore(%arg13 : memref<!tpu.dma_semaphore, #tpu.memory_space<semaphore_mem>>)
    %dma_start3A_281 = arith.constant 0 : i32
    %dma_start3A_282 = arith.constant 7 : i32
    %dma_start3A_283 = arith.constant 0 : i32
    %dma_start3A_284 = arith.constant 0 : i32
    %dma_start3A_285 = tpu.memref_slice %arg8[%dma_start3A_282, %dma_start3A_283, %dma_start3A_284] : memref<8x9x128xf32, #tpu.memory_space<vmem>> -> memref<1x8x128xf32, #tpu.memory_space<vmem>>
    %dma_start3A_286 = tpu.memref_squeeze %dma_start3A_285 : memref<1x8x128xf32, #tpu.memory_space<vmem>> -> memref<8x128xf32, #tpu.memory_space<vmem>>
    %dma_start3A_287 = arith.constant 2040 : i32
    %dma_start3A_288 = arith.constant 0 : i32
    %dma_start3A_289 = tpu.memref_slice %arg3[%dma_start3A_281, %arg1, %dma_start3A_287, %dma_start3A_288] : memref<1x16x2048x128xf32, #tpu.memory_space<hbm>> -> memref<1x1x8x128xf32, #tpu.memory_space<hbm>>
    %dma_start3A_290 = tpu.memref_squeeze %dma_start3A_289 : memref<1x1x8x128xf32, #tpu.memory_space<hbm>> -> memref<8x128xf32, #tpu.memory_space<hbm>>
    %dma_start3A_291 = arith.constant 0 : i32
    %dma_start3A_292 = arith.constant 0 : i32
    %dma_start3A_293 = tpu.memref_slice %arg8[%dma_start3A_282, %dma_start3A_291, %dma_start3A_292] : memref<8x9x128xf32, #tpu.memory_space<vmem>> -> memref<1x8x128xf32, #tpu.memory_space<vmem>>
    %dma_start3A_294 = tpu.memref_squeeze %dma_start3A_293 : memref<1x8x128xf32, #tpu.memory_space<vmem>> -> memref<8x128xf32, #tpu.memory_space<vmem>>
    %dma_start3A_295 = arith.constant 2040 : i32
    %dma_start3A_296 = arith.constant 0 : i32
    %dma_start3A_297 = tpu.memref_slice %arg3[%dma_start3A_281, %arg1, %dma_start3A_295, %dma_start3A_296] : memref<1x16x2048x128xf32, #tpu.memory_space<hbm>> -> memref<1x1x8x128xf32, #tpu.memory_space<hbm>>
    %dma_start3A_298 = tpu.memref_squeeze %dma_start3A_297 : memref<1x1x8x128xf32, #tpu.memory_space<hbm>> -> memref<8x128xf32, #tpu.memory_space<hbm>>
    tpu.enqueue_dma source(%dma_start3A_298 : memref<8x128xf32, #tpu.memory_space<hbm>>) target(%dma_start3A_294 : memref<8x128xf32, #tpu.memory_space<vmem>>) target_semaphore(%arg13 : memref<!tpu.dma_semaphore, #tpu.memory_space<semaphore_mem>>)
    %dma_start3A_299 = arith.constant 7 : i32
    %dma_start3A_300 = arith.constant 7 : i32
    %dma_start3A_301 = arith.constant 0 : i32
    %dma_start3A_302 = arith.constant 0 : i32
    %dma_start3A_303 = tpu.memref_slice %arg7[%dma_start3A_300, %dma_start3A_301, %dma_start3A_302] : memref<8x4x128xf32, #tpu.memory_space<vmem>> -> memref<1x4x128xf32, #tpu.memory_space<vmem>>
    %dma_start3A_304 = tpu.memref_squeeze %dma_start3A_303 : memref<1x4x128xf32, #tpu.memory_space<vmem>> -> memref<4x128xf32, #tpu.memory_space<vmem>>
    %dma_start3A_305 = arith.constant 0 : i32
    %dma_start3A_306 = arith.constant 0 : i32
    %dma_start3A_307 = tpu.memref_slice %arg2[%dma_start3A_299, %arg1, %dma_start3A_305, %dma_start3A_306] : memref<8x16x4x128xf32, #tpu.memory_space<hbm>> -> memref<1x1x4x128xf32, #tpu.memory_space<hbm>>
    %dma_start3A_308 = tpu.memref_squeeze %dma_start3A_307 : memref<1x1x4x128xf32, #tpu.memory_space<hbm>> -> memref<4x128xf32, #tpu.memory_space<hbm>>
    %dma_start3A_309 = arith.constant 0 : i32
    %dma_start3A_310 = arith.constant 0 : i32
    %dma_start3A_311 = tpu.memref_slice %arg7[%dma_start3A_300, %dma_start3A_309, %dma_start3A_310] : memref<8x4x128xf32, #tpu.memory_space<vmem>> -> memref<1x4x128xf32, #tpu.memory_space<vmem>>
    %dma_start3A_312 = tpu.memref_squeeze %dma_start3A_311 : memref<1x4x128xf32, #tpu.memory_space<vmem>> -> memref<4x128xf32, #tpu.memory_space<vmem>>
    %dma_start3A_313 = arith.constant 0 : i32
    %dma_start3A_314 = arith.constant 0 : i32
    %dma_start3A_315 = tpu.memref_slice %arg2[%dma_start3A_299, %arg1, %dma_start3A_313, %dma_start3A_314] : memref<8x16x4x128xf32, #tpu.memory_space<hbm>> -> memref<1x1x4x128xf32, #tpu.memory_space<hbm>>
    %dma_start3A_316 = tpu.memref_squeeze %dma_start3A_315 : memref<1x1x4x128xf32, #tpu.memory_space<hbm>> -> memref<4x128xf32, #tpu.memory_space<hbm>>
    tpu.enqueue_dma source(%dma_start3A_316 : memref<4x128xf32, #tpu.memory_space<hbm>>) target(%dma_start3A_312 : memref<4x128xf32, #tpu.memory_space<vmem>>) target_semaphore(%arg13 : memref<!tpu.dma_semaphore, #tpu.memory_space<semaphore_mem>>)
    %dma_wait3A = arith.constant 0 : i32
    %dma_wait3A_317 = arith.constant 0 : i32
    %dma_wait3A_318 = arith.constant 0 : i32
    %dma_wait3A_319 = arith.constant 0 : i32
    %dma_wait3A_320 = tpu.memref_slice %arg8[%dma_wait3A_317, %dma_wait3A_318, %dma_wait3A_319] : memref<8x9x128xf32, #tpu.memory_space<vmem>> -> memref<1x8x128xf32, #tpu.memory_space<vmem>>
    %dma_wait3A_321 = tpu.memref_squeeze %dma_wait3A_320 : memref<1x8x128xf32, #tpu.memory_space<vmem>> -> memref<8x128xf32, #tpu.memory_space<vmem>>
    %dma_wait3A_322 = arith.constant 2040 : i32
    %dma_wait3A_323 = arith.constant 0 : i32
    %dma_wait3A_324 = tpu.memref_slice %arg3[%dma_wait3A, %arg1, %dma_wait3A_322, %dma_wait3A_323] : memref<1x16x2048x128xf32, #tpu.memory_space<hbm>> -> memref<1x1x8x128xf32, #tpu.memory_space<hbm>>
    %dma_wait3A_325 = tpu.memref_squeeze %dma_wait3A_324 : memref<1x1x8x128xf32, #tpu.memory_space<hbm>> -> memref<8x128xf32, #tpu.memory_space<hbm>>
    %dma_wait3A_326 = arith.constant 0 : i32
    %dma_wait3A_327 = arith.constant 0 : i32
    %dma_wait3A_328 = tpu.memref_slice %arg8[%dma_wait3A_317, %dma_wait3A_326, %dma_wait3A_327] : memref<8x9x128xf32, #tpu.memory_space<vmem>> -> memref<1x8x128xf32, #tpu.memory_space<vmem>>
    %dma_wait3A_329 = tpu.memref_squeeze %dma_wait3A_328 : memref<1x8x128xf32, #tpu.memory_space<vmem>> -> memref<8x128xf32, #tpu.memory_space<vmem>>
    %dma_wait3A_330 = arith.constant 2040 : i32
    %dma_wait3A_331 = arith.constant 0 : i32
    %dma_wait3A_332 = tpu.memref_slice %arg3[%dma_wait3A, %arg1, %dma_wait3A_330, %dma_wait3A_331] : memref<1x16x2048x128xf32, #tpu.memory_space<hbm>> -> memref<1x1x8x128xf32, #tpu.memory_space<hbm>>
    %dma_wait3A_333 = tpu.memref_squeeze %dma_wait3A_332 : memref<1x1x8x128xf32, #tpu.memory_space<hbm>> -> memref<8x128xf32, #tpu.memory_space<hbm>>
    tpu.wait_dma2 semaphore(%arg13 : memref<!tpu.dma_semaphore, #tpu.memory_space<semaphore_mem>>) src(%dma_wait3A_333 : memref<8x128xf32, #tpu.memory_space<hbm>>) dst(%dma_wait3A_329 : memref<8x128xf32, #tpu.memory_space<vmem>>)
    %dma_wait3A_334 = arith.constant 0 : i32
    %dma_wait3A_335 = arith.constant 0 : i32
    %dma_wait3A_336 = arith.constant 0 : i32
    %dma_wait3A_337 = arith.constant 0 : i32
    %dma_wait3A_338 = tpu.memref_slice %arg7[%dma_wait3A_335, %dma_wait3A_336, %dma_wait3A_337] : memref<8x4x128xf32, #tpu.memory_space<vmem>> -> memref<1x4x128xf32, #tpu.memory_space<vmem>>
    %dma_wait3A_339 = tpu.memref_squeeze %dma_wait3A_338 : memref<1x4x128xf32, #tpu.memory_space<vmem>> -> memref<4x128xf32, #tpu.memory_space<vmem>>
    %dma_wait3A_340 = arith.constant 0 : i32
    %dma_wait3A_341 = arith.constant 0 : i32
    %dma_wait3A_342 = tpu.memref_slice %arg2[%dma_wait3A_334, %arg1, %dma_wait3A_340, %dma_wait3A_341] : memref<8x16x4x128xf32, #tpu.memory_space<hbm>> -> memref<1x1x4x128xf32, #tpu.memory_space<hbm>>
    %dma_wait3A_343 = tpu.memref_squeeze %dma_wait3A_342 : memref<1x1x4x128xf32, #tpu.memory_space<hbm>> -> memref<4x128xf32, #tpu.memory_space<hbm>>
    %dma_wait3A_344 = arith.constant 0 : i32
    %dma_wait3A_345 = arith.constant 0 : i32
    %dma_wait3A_346 = tpu.memref_slice %arg7[%dma_wait3A_335, %dma_wait3A_344, %dma_wait3A_345] : memref<8x4x128xf32, #tpu.memory_space<vmem>> -> memref<1x4x128xf32, #tpu.memory_space<vmem>>
    %dma_wait3A_347 = tpu.memref_squeeze %dma_wait3A_346 : memref<1x4x128xf32, #tpu.memory_space<vmem>> -> memref<4x128xf32, #tpu.memory_space<vmem>>
    %dma_wait3A_348 = arith.constant 0 : i32
    %dma_wait3A_349 = arith.constant 0 : i32
    %dma_wait3A_350 = tpu.memref_slice %arg2[%dma_wait3A_334, %arg1, %dma_wait3A_348, %dma_wait3A_349] : memref<8x16x4x128xf32, #tpu.memory_space<hbm>> -> memref<1x1x4x128xf32, #tpu.memory_space<hbm>>
    %dma_wait3A_351 = tpu.memref_squeeze %dma_wait3A_350 : memref<1x1x4x128xf32, #tpu.memory_space<hbm>> -> memref<4x128xf32, #tpu.memory_space<hbm>>
    tpu.wait_dma2 semaphore(%arg13 : memref<!tpu.dma_semaphore, #tpu.memory_space<semaphore_mem>>) src(%dma_wait3A_351 : memref<4x128xf32, #tpu.memory_space<hbm>>) dst(%dma_wait3A_347 : memref<4x128xf32, #tpu.memory_space<vmem>>)
    %dma_wait3A_352 = arith.constant 0 : i32
    %dma_wait3A_353 = arith.constant 1 : i32
    %dma_wait3A_354 = arith.constant 0 : i32
    %dma_wait3A_355 = arith.constant 0 : i32
    %dma_wait3A_356 = tpu.memref_slice %arg8[%dma_wait3A_353, %dma_wait3A_354, %dma_wait3A_355] : memref<8x9x128xf32, #tpu.memory_space<vmem>> -> memref<1x8x128xf32, #tpu.memory_space<vmem>>
    %dma_wait3A_357 = tpu.memref_squeeze %dma_wait3A_356 : memref<1x8x128xf32, #tpu.memory_space<vmem>> -> memref<8x128xf32, #tpu.memory_space<vmem>>
    %dma_wait3A_358 = arith.constant 2040 : i32
    %dma_wait3A_359 = arith.constant 0 : i32
    %dma_wait3A_360 = tpu.memref_slice %arg3[%dma_wait3A_352, %arg1, %dma_wait3A_358, %dma_wait3A_359] : memref<1x16x2048x128xf32, #tpu.memory_space<hbm>> -> memref<1x1x8x128xf32, #tpu.memory_space<hbm>>
    %dma_wait3A_361 = tpu.memref_squeeze %dma_wait3A_360 : memref<1x1x8x128xf32, #tpu.memory_space<hbm>> -> memref<8x128xf32, #tpu.memory_space<hbm>>
    %dma_wait3A_362 = arith.constant 0 : i32
    %dma_wait3A_363 = arith.constant 0 : i32
    %dma_wait3A_364 = tpu.memref_slice %arg8[%dma_wait3A_353, %dma_wait3A_362, %dma_wait3A_363] : memref<8x9x128xf32, #tpu.memory_space<vmem>> -> memref<1x8x128xf32, #tpu.memory_space<vmem>>
    %dma_wait3A_365 = tpu.memref_squeeze %dma_wait3A_364 : memref<1x8x128xf32, #tpu.memory_space<vmem>> -> memref<8x128xf32, #tpu.memory_space<vmem>>
    %dma_wait3A_366 = arith.constant 2040 : i32
    %dma_wait3A_367 = arith.constant 0 : i32
    %dma_wait3A_368 = tpu.memref_slice %arg3[%dma_wait3A_352, %arg1, %dma_wait3A_366, %dma_wait3A_367] : memref<1x16x2048x128xf32, #tpu.memory_space<hbm>> -> memref<1x1x8x128xf32, #tpu.memory_space<hbm>>
    %dma_wait3A_369 = tpu.memref_squeeze %dma_wait3A_368 : memref<1x1x8x128xf32, #tpu.memory_space<hbm>> -> memref<8x128xf32, #tpu.memory_space<hbm>>
    tpu.wait_dma2 semaphore(%arg13 : memref<!tpu.dma_semaphore, #tpu.memory_space<semaphore_mem>>) src(%dma_wait3A_369 : memref<8x128xf32, #tpu.memory_space<hbm>>) dst(%dma_wait3A_365 : memref<8x128xf32, #tpu.memory_space<vmem>>)
    %dma_wait3A_370 = arith.constant 1 : i32
    %dma_wait3A_371 = arith.constant 1 : i32
    %dma_wait3A_372 = arith.constant 0 : i32
    %dma_wait3A_373 = arith.constant 0 : i32
    %dma_wait3A_374 = tpu.memref_slice %arg7[%dma_wait3A_371, %dma_wait3A_372, %dma_wait3A_373] : memref<8x4x128xf32, #tpu.memory_space<vmem>> -> memref<1x4x128xf32, #tpu.memory_space<vmem>>
    %dma_wait3A_375 = tpu.memref_squeeze %dma_wait3A_374 : memref<1x4x128xf32, #tpu.memory_space<vmem>> -> memref<4x128xf32, #tpu.memory_space<vmem>>
    %dma_wait3A_376 = arith.constant 0 : i32
    %dma_wait3A_377 = arith.constant 0 : i32
    %dma_wait3A_378 = tpu.memref_slice %arg2[%dma_wait3A_370, %arg1, %dma_wait3A_376, %dma_wait3A_377] : memref<8x16x4x128xf32, #tpu.memory_space<hbm>> -> memref<1x1x4x128xf32, #tpu.memory_space<hbm>>
    %dma_wait3A_379 = tpu.memref_squeeze %dma_wait3A_378 : memref<1x1x4x128xf32, #tpu.memory_space<hbm>> -> memref<4x128xf32, #tpu.memory_space<hbm>>
    %dma_wait3A_380 = arith.constant 0 : i32
    %dma_wait3A_381 = arith.constant 0 : i32
    %dma_wait3A_382 = tpu.memref_slice %arg7[%dma_wait3A_371, %dma_wait3A_380, %dma_wait3A_381] : memref<8x4x128xf32, #tpu.memory_space<vmem>> -> memref<1x4x128xf32, #tpu.memory_space<vmem>>
    %dma_wait3A_383 = tpu.memref_squeeze %dma_wait3A_382 : memref<1x4x128xf32, #tpu.memory_space<vmem>> -> memref<4x128xf32, #tpu.memory_space<vmem>>
    %dma_wait3A_384 = arith.constant 0 : i32
    %dma_wait3A_385 = arith.constant 0 : i32
    %dma_wait3A_386 = tpu.memref_slice %arg2[%dma_wait3A_370, %arg1, %dma_wait3A_384, %dma_wait3A_385] : memref<8x16x4x128xf32, #tpu.memory_space<hbm>> -> memref<1x1x4x128xf32, #tpu.memory_space<hbm>>
    %dma_wait3A_387 = tpu.memref_squeeze %dma_wait3A_386 : memref<1x1x4x128xf32, #tpu.memory_space<hbm>> -> memref<4x128xf32, #tpu.memory_space<hbm>>
    tpu.wait_dma2 semaphore(%arg13 : memref<!tpu.dma_semaphore, #tpu.memory_space<semaphore_mem>>) src(%dma_wait3A_387 : memref<4x128xf32, #tpu.memory_space<hbm>>) dst(%dma_wait3A_383 : memref<4x128xf32, #tpu.memory_space<vmem>>)
    %dma_wait3A_388 = arith.constant 0 : i32
    %dma_wait3A_389 = arith.constant 2 : i32
    %dma_wait3A_390 = arith.constant 0 : i32
    %dma_wait3A_391 = arith.constant 0 : i32
    %dma_wait3A_392 = tpu.memref_slice %arg8[%dma_wait3A_389, %dma_wait3A_390, %dma_wait3A_391] : memref<8x9x128xf32, #tpu.memory_space<vmem>> -> memref<1x8x128xf32, #tpu.memory_space<vmem>>
    %dma_wait3A_393 = tpu.memref_squeeze %dma_wait3A_392 : memref<1x8x128xf32, #tpu.memory_space<vmem>> -> memref<8x128xf32, #tpu.memory_space<vmem>>
    %dma_wait3A_394 = arith.constant 2040 : i32
    %dma_wait3A_395 = arith.constant 0 : i32
    %dma_wait3A_396 = tpu.memref_slice %arg3[%dma_wait3A_388, %arg1, %dma_wait3A_394, %dma_wait3A_395] : memref<1x16x2048x128xf32, #tpu.memory_space<hbm>> -> memref<1x1x8x128xf32, #tpu.memory_space<hbm>>
    %dma_wait3A_397 = tpu.memref_squeeze %dma_wait3A_396 : memref<1x1x8x128xf32, #tpu.memory_space<hbm>> -> memref<8x128xf32, #tpu.memory_space<hbm>>
    %dma_wait3A_398 = arith.constant 0 : i32
    %dma_wait3A_399 = arith.constant 0 : i32
    %dma_wait3A_400 = tpu.memref_slice %arg8[%dma_wait3A_389, %dma_wait3A_398, %dma_wait3A_399] : memref<8x9x128xf32, #tpu.memory_space<vmem>> -> memref<1x8x128xf32, #tpu.memory_space<vmem>>
    %dma_wait3A_401 = tpu.memref_squeeze %dma_wait3A_400 : memref<1x8x128xf32, #tpu.memory_space<vmem>> -> memref<8x128xf32, #tpu.memory_space<vmem>>
    %dma_wait3A_402 = arith.constant 2040 : i32
    %dma_wait3A_403 = arith.constant 0 : i32
    %dma_wait3A_404 = tpu.memref_slice %arg3[%dma_wait3A_388, %arg1, %dma_wait3A_402, %dma_wait3A_403] : memref<1x16x2048x128xf32, #tpu.memory_space<hbm>> -> memref<1x1x8x128xf32, #tpu.memory_space<hbm>>
    %dma_wait3A_405 = tpu.memref_squeeze %dma_wait3A_404 : memref<1x1x8x128xf32, #tpu.memory_space<hbm>> -> memref<8x128xf32, #tpu.memory_space<hbm>>
    tpu.wait_dma2 semaphore(%arg13 : memref<!tpu.dma_semaphore, #tpu.memory_space<semaphore_mem>>) src(%dma_wait3A_405 : memref<8x128xf32, #tpu.memory_space<hbm>>) dst(%dma_wait3A_401 : memref<8x128xf32, #tpu.memory_space<vmem>>)
    %dma_wait3A_406 = arith.constant 2 : i32
    %dma_wait3A_407 = arith.constant 2 : i32
    %dma_wait3A_408 = arith.constant 0 : i32
    %dma_wait3A_409 = arith.constant 0 : i32
    %dma_wait3A_410 = tpu.memref_slice %arg7[%dma_wait3A_407, %dma_wait3A_408, %dma_wait3A_409] : memref<8x4x128xf32, #tpu.memory_space<vmem>> -> memref<1x4x128xf32, #tpu.memory_space<vmem>>
    %dma_wait3A_411 = tpu.memref_squeeze %dma_wait3A_410 : memref<1x4x128xf32, #tpu.memory_space<vmem>> -> memref<4x128xf32, #tpu.memory_space<vmem>>
    %dma_wait3A_412 = arith.constant 0 : i32
    %dma_wait3A_413 = arith.constant 0 : i32
    %dma_wait3A_414 = tpu.memref_slice %arg2[%dma_wait3A_406, %arg1, %dma_wait3A_412, %dma_wait3A_413] : memref<8x16x4x128xf32, #tpu.memory_space<hbm>> -> memref<1x1x4x128xf32, #tpu.memory_space<hbm>>
    %dma_wait3A_415 = tpu.memref_squeeze %dma_wait3A_414 : memref<1x1x4x128xf32, #tpu.memory_space<hbm>> -> memref<4x128xf32, #tpu.memory_space<hbm>>
    %dma_wait3A_416 = arith.constant 0 : i32
    %dma_wait3A_417 = arith.constant 0 : i32
    %dma_wait3A_418 = tpu.memref_slice %arg7[%dma_wait3A_407, %dma_wait3A_416, %dma_wait3A_417] : memref<8x4x128xf32, #tpu.memory_space<vmem>> -> memref<1x4x128xf32, #tpu.memory_space<vmem>>
    %dma_wait3A_419 = tpu.memref_squeeze %dma_wait3A_418 : memref<1x4x128xf32, #tpu.memory_space<vmem>> -> memref<4x128xf32, #tpu.memory_space<vmem>>
    %dma_wait3A_420 = arith.constant 0 : i32
    %dma_wait3A_421 = arith.constant 0 : i32
    %dma_wait3A_422 = tpu.memref_slice %arg2[%dma_wait3A_406, %arg1, %dma_wait3A_420, %dma_wait3A_421] : memref<8x16x4x128xf32, #tpu.memory_space<hbm>> -> memref<1x1x4x128xf32, #tpu.memory_space<hbm>>
    %dma_wait3A_423 = tpu.memref_squeeze %dma_wait3A_422 : memref<1x1x4x128xf32, #tpu.memory_space<hbm>> -> memref<4x128xf32, #tpu.memory_space<hbm>>
    tpu.wait_dma2 semaphore(%arg13 : memref<!tpu.dma_semaphore, #tpu.memory_space<semaphore_mem>>) src(%dma_wait3A_423 : memref<4x128xf32, #tpu.memory_space<hbm>>) dst(%dma_wait3A_419 : memref<4x128xf32, #tpu.memory_space<vmem>>)
    %dma_wait3A_424 = arith.constant 0 : i32
    %dma_wait3A_425 = arith.constant 3 : i32
    %dma_wait3A_426 = arith.constant 0 : i32
    %dma_wait3A_427 = arith.constant 0 : i32
    %dma_wait3A_428 = tpu.memref_slice %arg8[%dma_wait3A_425, %dma_wait3A_426, %dma_wait3A_427] : memref<8x9x128xf32, #tpu.memory_space<vmem>> -> memref<1x8x128xf32, #tpu.memory_space<vmem>>
    %dma_wait3A_429 = tpu.memref_squeeze %dma_wait3A_428 : memref<1x8x128xf32, #tpu.memory_space<vmem>> -> memref<8x128xf32, #tpu.memory_space<vmem>>
    %dma_wait3A_430 = arith.constant 2040 : i32
    %dma_wait3A_431 = arith.constant 0 : i32
    %dma_wait3A_432 = tpu.memref_slice %arg3[%dma_wait3A_424, %arg1, %dma_wait3A_430, %dma_wait3A_431] : memref<1x16x2048x128xf32, #tpu.memory_space<hbm>> -> memref<1x1x8x128xf32, #tpu.memory_space<hbm>>
    %dma_wait3A_433 = tpu.memref_squeeze %dma_wait3A_432 : memref<1x1x8x128xf32, #tpu.memory_space<hbm>> -> memref<8x128xf32, #tpu.memory_space<hbm>>
    %dma_wait3A_434 = arith.constant 0 : i32
    %dma_wait3A_435 = arith.constant 0 : i32
    %dma_wait3A_436 = tpu.memref_slice %arg8[%dma_wait3A_425, %dma_wait3A_434, %dma_wait3A_435] : memref<8x9x128xf32, #tpu.memory_space<vmem>> -> memref<1x8x128xf32, #tpu.memory_space<vmem>>
    %dma_wait3A_437 = tpu.memref_squeeze %dma_wait3A_436 : memref<1x8x128xf32, #tpu.memory_space<vmem>> -> memref<8x128xf32, #tpu.memory_space<vmem>>
    %dma_wait3A_438 = arith.constant 2040 : i32
    %dma_wait3A_439 = arith.constant 0 : i32
    %dma_wait3A_440 = tpu.memref_slice %arg3[%dma_wait3A_424, %arg1, %dma_wait3A_438, %dma_wait3A_439] : memref<1x16x2048x128xf32, #tpu.memory_space<hbm>> -> memref<1x1x8x128xf32, #tpu.memory_space<hbm>>
    %dma_wait3A_441 = tpu.memref_squeeze %dma_wait3A_440 : memref<1x1x8x128xf32, #tpu.memory_space<hbm>> -> memref<8x128xf32, #tpu.memory_space<hbm>>
    tpu.wait_dma2 semaphore(%arg13 : memref<!tpu.dma_semaphore, #tpu.memory_space<semaphore_mem>>) src(%dma_wait3A_441 : memref<8x128xf32, #tpu.memory_space<hbm>>) dst(%dma_wait3A_437 : memref<8x128xf32, #tpu.memory_space<vmem>>)
    %dma_wait3A_442 = arith.constant 3 : i32
    %dma_wait3A_443 = arith.constant 3 : i32
    %dma_wait3A_444 = arith.constant 0 : i32
    %dma_wait3A_445 = arith.constant 0 : i32
    %dma_wait3A_446 = tpu.memref_slice %arg7[%dma_wait3A_443, %dma_wait3A_444, %dma_wait3A_445] : memref<8x4x128xf32, #tpu.memory_space<vmem>> -> memref<1x4x128xf32, #tpu.memory_space<vmem>>
    %dma_wait3A_447 = tpu.memref_squeeze %dma_wait3A_446 : memref<1x4x128xf32, #tpu.memory_space<vmem>> -> memref<4x128xf32, #tpu.memory_space<vmem>>
    %dma_wait3A_448 = arith.constant 0 : i32
    %dma_wait3A_449 = arith.constant 0 : i32
    %dma_wait3A_450 = tpu.memref_slice %arg2[%dma_wait3A_442, %arg1, %dma_wait3A_448, %dma_wait3A_449] : memref<8x16x4x128xf32, #tpu.memory_space<hbm>> -> memref<1x1x4x128xf32, #tpu.memory_space<hbm>>
    %dma_wait3A_451 = tpu.memref_squeeze %dma_wait3A_450 : memref<1x1x4x128xf32, #tpu.memory_space<hbm>> -> memref<4x128xf32, #tpu.memory_space<hbm>>
    %dma_wait3A_452 = arith.constant 0 : i32
    %dma_wait3A_453 = arith.constant 0 : i32
    %dma_wait3A_454 = tpu.memref_slice %arg7[%dma_wait3A_443, %dma_wait3A_452, %dma_wait3A_453] : memref<8x4x128xf32, #tpu.memory_space<vmem>> -> memref<1x4x128xf32, #tpu.memory_space<vmem>>
    %dma_wait3A_455 = tpu.memref_squeeze %dma_wait3A_454 : memref<1x4x128xf32, #tpu.memory_space<vmem>> -> memref<4x128xf32, #tpu.memory_space<vmem>>
    %dma_wait3A_456 = arith.constant 0 : i32
    %dma_wait3A_457 = arith.constant 0 : i32
    %dma_wait3A_458 = tpu.memref_slice %arg2[%dma_wait3A_442, %arg1, %dma_wait3A_456, %dma_wait3A_457] : memref<8x16x4x128xf32, #tpu.memory_space<hbm>> -> memref<1x1x4x128xf32, #tpu.memory_space<hbm>>
    %dma_wait3A_459 = tpu.memref_squeeze %dma_wait3A_458 : memref<1x1x4x128xf32, #tpu.memory_space<hbm>> -> memref<4x128xf32, #tpu.memory_space<hbm>>
    tpu.wait_dma2 semaphore(%arg13 : memref<!tpu.dma_semaphore, #tpu.memory_space<semaphore_mem>>) src(%dma_wait3A_459 : memref<4x128xf32, #tpu.memory_space<hbm>>) dst(%dma_wait3A_455 : memref<4x128xf32, #tpu.memory_space<vmem>>)
    %dma_wait3A_460 = arith.constant 0 : i32
    %dma_wait3A_461 = arith.constant 4 : i32
    %dma_wait3A_462 = arith.constant 0 : i32
    %dma_wait3A_463 = arith.constant 0 : i32
    %dma_wait3A_464 = tpu.memref_slice %arg8[%dma_wait3A_461, %dma_wait3A_462, %dma_wait3A_463] : memref<8x9x128xf32, #tpu.memory_space<vmem>> -> memref<1x8x128xf32, #tpu.memory_space<vmem>>
    %dma_wait3A_465 = tpu.memref_squeeze %dma_wait3A_464 : memref<1x8x128xf32, #tpu.memory_space<vmem>> -> memref<8x128xf32, #tpu.memory_space<vmem>>
    %dma_wait3A_466 = arith.constant 2040 : i32
    %dma_wait3A_467 = arith.constant 0 : i32
    %dma_wait3A_468 = tpu.memref_slice %arg3[%dma_wait3A_460, %arg1, %dma_wait3A_466, %dma_wait3A_467] : memref<1x16x2048x128xf32, #tpu.memory_space<hbm>> -> memref<1x1x8x128xf32, #tpu.memory_space<hbm>>
    %dma_wait3A_469 = tpu.memref_squeeze %dma_wait3A_468 : memref<1x1x8x128xf32, #tpu.memory_space<hbm>> -> memref<8x128xf32, #tpu.memory_space<hbm>>
    %dma_wait3A_470 = arith.constant 0 : i32
    %dma_wait3A_471 = arith.constant 0 : i32
    %dma_wait3A_472 = tpu.memref_slice %arg8[%dma_wait3A_461, %dma_wait3A_470, %dma_wait3A_471] : memref<8x9x128xf32, #tpu.memory_space<vmem>> -> memref<1x8x128xf32, #tpu.memory_space<vmem>>
    %dma_wait3A_473 = tpu.memref_squeeze %dma_wait3A_472 : memref<1x8x128xf32, #tpu.memory_space<vmem>> -> memref<8x128xf32, #tpu.memory_space<vmem>>
    %dma_wait3A_474 = arith.constant 2040 : i32
    %dma_wait3A_475 = arith.constant 0 : i32
    %dma_wait3A_476 = tpu.memref_slice %arg3[%dma_wait3A_460, %arg1, %dma_wait3A_474, %dma_wait3A_475] : memref<1x16x2048x128xf32, #tpu.memory_space<hbm>> -> memref<1x1x8x128xf32, #tpu.memory_space<hbm>>
    %dma_wait3A_477 = tpu.memref_squeeze %dma_wait3A_476 : memref<1x1x8x128xf32, #tpu.memory_space<hbm>> -> memref<8x128xf32, #tpu.memory_space<hbm>>
    tpu.wait_dma2 semaphore(%arg13 : memref<!tpu.dma_semaphore, #tpu.memory_space<semaphore_mem>>) src(%dma_wait3A_477 : memref<8x128xf32, #tpu.memory_space<hbm>>) dst(%dma_wait3A_473 : memref<8x128xf32, #tpu.memory_space<vmem>>)
    %dma_wait3A_478 = arith.constant 4 : i32
    %dma_wait3A_479 = arith.constant 4 : i32
    %dma_wait3A_480 = arith.constant 0 : i32
    %dma_wait3A_481 = arith.constant 0 : i32
    %dma_wait3A_482 = tpu.memref_slice %arg7[%dma_wait3A_479, %dma_wait3A_480, %dma_wait3A_481] : memref<8x4x128xf32, #tpu.memory_space<vmem>> -> memref<1x4x128xf32, #tpu.memory_space<vmem>>
    %dma_wait3A_483 = tpu.memref_squeeze %dma_wait3A_482 : memref<1x4x128xf32, #tpu.memory_space<vmem>> -> memref<4x128xf32, #tpu.memory_space<vmem>>
    %dma_wait3A_484 = arith.constant 0 : i32
    %dma_wait3A_485 = arith.constant 0 : i32
    %dma_wait3A_486 = tpu.memref_slice %arg2[%dma_wait3A_478, %arg1, %dma_wait3A_484, %dma_wait3A_485] : memref<8x16x4x128xf32, #tpu.memory_space<hbm>> -> memref<1x1x4x128xf32, #tpu.memory_space<hbm>>
    %dma_wait3A_487 = tpu.memref_squeeze %dma_wait3A_486 : memref<1x1x4x128xf32, #tpu.memory_space<hbm>> -> memref<4x128xf32, #tpu.memory_space<hbm>>
    %dma_wait3A_488 = arith.constant 0 : i32
    %dma_wait3A_489 = arith.constant 0 : i32
    %dma_wait3A_490 = tpu.memref_slice %arg7[%dma_wait3A_479, %dma_wait3A_488, %dma_wait3A_489] : memref<8x4x128xf32, #tpu.memory_space<vmem>> -> memref<1x4x128xf32, #tpu.memory_space<vmem>>
    %dma_wait3A_491 = tpu.memref_squeeze %dma_wait3A_490 : memref<1x4x128xf32, #tpu.memory_space<vmem>> -> memref<4x128xf32, #tpu.memory_space<vmem>>
    %dma_wait3A_492 = arith.constant 0 : i32
    %dma_wait3A_493 = arith.constant 0 : i32
    %dma_wait3A_494 = tpu.memref_slice %arg2[%dma_wait3A_478, %arg1, %dma_wait3A_492, %dma_wait3A_493] : memref<8x16x4x128xf32, #tpu.memory_space<hbm>> -> memref<1x1x4x128xf32, #tpu.memory_space<hbm>>
    %dma_wait3A_495 = tpu.memref_squeeze %dma_wait3A_494 : memref<1x1x4x128xf32, #tpu.memory_space<hbm>> -> memref<4x128xf32, #tpu.memory_space<hbm>>
    tpu.wait_dma2 semaphore(%arg13 : memref<!tpu.dma_semaphore, #tpu.memory_space<semaphore_mem>>) src(%dma_wait3A_495 : memref<4x128xf32, #tpu.memory_space<hbm>>) dst(%dma_wait3A_491 : memref<4x128xf32, #tpu.memory_space<vmem>>)
    %dma_wait3A_496 = arith.constant 0 : i32
    %dma_wait3A_497 = arith.constant 5 : i32
    %dma_wait3A_498 = arith.constant 0 : i32
    %dma_wait3A_499 = arith.constant 0 : i32
    %dma_wait3A_500 = tpu.memref_slice %arg8[%dma_wait3A_497, %dma_wait3A_498, %dma_wait3A_499] : memref<8x9x128xf32, #tpu.memory_space<vmem>> -> memref<1x8x128xf32, #tpu.memory_space<vmem>>
    %dma_wait3A_501 = tpu.memref_squeeze %dma_wait3A_500 : memref<1x8x128xf32, #tpu.memory_space<vmem>> -> memref<8x128xf32, #tpu.memory_space<vmem>>
    %dma_wait3A_502 = arith.constant 2040 : i32
    %dma_wait3A_503 = arith.constant 0 : i32
    %dma_wait3A_504 = tpu.memref_slice %arg3[%dma_wait3A_496, %arg1, %dma_wait3A_502, %dma_wait3A_503] : memref<1x16x2048x128xf32, #tpu.memory_space<hbm>> -> memref<1x1x8x128xf32, #tpu.memory_space<hbm>>
    %dma_wait3A_505 = tpu.memref_squeeze %dma_wait3A_504 : memref<1x1x8x128xf32, #tpu.memory_space<hbm>> -> memref<8x128xf32, #tpu.memory_space<hbm>>
    %dma_wait3A_506 = arith.constant 0 : i32
    %dma_wait3A_507 = arith.constant 0 : i32
    %dma_wait3A_508 = tpu.memref_slice %arg8[%dma_wait3A_497, %dma_wait3A_506, %dma_wait3A_507] : memref<8x9x128xf32, #tpu.memory_space<vmem>> -> memref<1x8x128xf32, #tpu.memory_space<vmem>>
    %dma_wait3A_509 = tpu.memref_squeeze %dma_wait3A_508 : memref<1x8x128xf32, #tpu.memory_space<vmem>> -> memref<8x128xf32, #tpu.memory_space<vmem>>
    %dma_wait3A_510 = arith.constant 2040 : i32
    %dma_wait3A_511 = arith.constant 0 : i32
    %dma_wait3A_512 = tpu.memref_slice %arg3[%dma_wait3A_496, %arg1, %dma_wait3A_510, %dma_wait3A_511] : memref<1x16x2048x128xf32, #tpu.memory_space<hbm>> -> memref<1x1x8x128xf32, #tpu.memory_space<hbm>>
    %dma_wait3A_513 = tpu.memref_squeeze %dma_wait3A_512 : memref<1x1x8x128xf32, #tpu.memory_space<hbm>> -> memref<8x128xf32, #tpu.memory_space<hbm>>
    tpu.wait_dma2 semaphore(%arg13 : memref<!tpu.dma_semaphore, #tpu.memory_space<semaphore_mem>>) src(%dma_wait3A_513 : memref<8x128xf32, #tpu.memory_space<hbm>>) dst(%dma_wait3A_509 : memref<8x128xf32, #tpu.memory_space<vmem>>)
    %dma_wait3A_514 = arith.constant 5 : i32
    %dma_wait3A_515 = arith.constant 5 : i32
    %dma_wait3A_516 = arith.constant 0 : i32
    %dma_wait3A_517 = arith.constant 0 : i32
    %dma_wait3A_518 = tpu.memref_slice %arg7[%dma_wait3A_515, %dma_wait3A_516, %dma_wait3A_517] : memref<8x4x128xf32, #tpu.memory_space<vmem>> -> memref<1x4x128xf32, #tpu.memory_space<vmem>>
    %dma_wait3A_519 = tpu.memref_squeeze %dma_wait3A_518 : memref<1x4x128xf32, #tpu.memory_space<vmem>> -> memref<4x128xf32, #tpu.memory_space<vmem>>
    %dma_wait3A_520 = arith.constant 0 : i32
    %dma_wait3A_521 = arith.constant 0 : i32
    %dma_wait3A_522 = tpu.memref_slice %arg2[%dma_wait3A_514, %arg1, %dma_wait3A_520, %dma_wait3A_521] : memref<8x16x4x128xf32, #tpu.memory_space<hbm>> -> memref<1x1x4x128xf32, #tpu.memory_space<hbm>>
    %dma_wait3A_523 = tpu.memref_squeeze %dma_wait3A_522 : memref<1x1x4x128xf32, #tpu.memory_space<hbm>> -> memref<4x128xf32, #tpu.memory_space<hbm>>
    %dma_wait3A_524 = arith.constant 0 : i32
    %dma_wait3A_525 = arith.constant 0 : i32
    %dma_wait3A_526 = tpu.memref_slice %arg7[%dma_wait3A_515, %dma_wait3A_524, %dma_wait3A_525] : memref<8x4x128xf32, #tpu.memory_space<vmem>> -> memref<1x4x128xf32, #tpu.memory_space<vmem>>
    %dma_wait3A_527 = tpu.memref_squeeze %dma_wait3A_526 : memref<1x4x128xf32, #tpu.memory_space<vmem>> -> memref<4x128xf32, #tpu.memory_space<vmem>>
    %dma_wait3A_528 = arith.constant 0 : i32
    %dma_wait3A_529 = arith.constant 0 : i32
    %dma_wait3A_530 = tpu.memref_slice %arg2[%dma_wait3A_514, %arg1, %dma_wait3A_528, %dma_wait3A_529] : memref<8x16x4x128xf32, #tpu.memory_space<hbm>> -> memref<1x1x4x128xf32, #tpu.memory_space<hbm>>
    %dma_wait3A_531 = tpu.memref_squeeze %dma_wait3A_530 : memref<1x1x4x128xf32, #tpu.memory_space<hbm>> -> memref<4x128xf32, #tpu.memory_space<hbm>>
    tpu.wait_dma2 semaphore(%arg13 : memref<!tpu.dma_semaphore, #tpu.memory_space<semaphore_mem>>) src(%dma_wait3A_531 : memref<4x128xf32, #tpu.memory_space<hbm>>) dst(%dma_wait3A_527 : memref<4x128xf32, #tpu.memory_space<vmem>>)
    %dma_wait3A_532 = arith.constant 0 : i32
    %dma_wait3A_533 = arith.constant 6 : i32
    %dma_wait3A_534 = arith.constant 0 : i32
    %dma_wait3A_535 = arith.constant 0 : i32
    %dma_wait3A_536 = tpu.memref_slice %arg8[%dma_wait3A_533, %dma_wait3A_534, %dma_wait3A_535] : memref<8x9x128xf32, #tpu.memory_space<vmem>> -> memref<1x8x128xf32, #tpu.memory_space<vmem>>
    %dma_wait3A_537 = tpu.memref_squeeze %dma_wait3A_536 : memref<1x8x128xf32, #tpu.memory_space<vmem>> -> memref<8x128xf32, #tpu.memory_space<vmem>>
    %dma_wait3A_538 = arith.constant 2040 : i32
    %dma_wait3A_539 = arith.constant 0 : i32
    %dma_wait3A_540 = tpu.memref_slice %arg3[%dma_wait3A_532, %arg1, %dma_wait3A_538, %dma_wait3A_539] : memref<1x16x2048x128xf32, #tpu.memory_space<hbm>> -> memref<1x1x8x128xf32, #tpu.memory_space<hbm>>
    %dma_wait3A_541 = tpu.memref_squeeze %dma_wait3A_540 : memref<1x1x8x128xf32, #tpu.memory_space<hbm>> -> memref<8x128xf32, #tpu.memory_space<hbm>>
    %dma_wait3A_542 = arith.constant 0 : i32
    %dma_wait3A_543 = arith.constant 0 : i32
    %dma_wait3A_544 = tpu.memref_slice %arg8[%dma_wait3A_533, %dma_wait3A_542, %dma_wait3A_543] : memref<8x9x128xf32, #tpu.memory_space<vmem>> -> memref<1x8x128xf32, #tpu.memory_space<vmem>>
    %dma_wait3A_545 = tpu.memref_squeeze %dma_wait3A_544 : memref<1x8x128xf32, #tpu.memory_space<vmem>> -> memref<8x128xf32, #tpu.memory_space<vmem>>
    %dma_wait3A_546 = arith.constant 2040 : i32
    %dma_wait3A_547 = arith.constant 0 : i32
    %dma_wait3A_548 = tpu.memref_slice %arg3[%dma_wait3A_532, %arg1, %dma_wait3A_546, %dma_wait3A_547] : memref<1x16x2048x128xf32, #tpu.memory_space<hbm>> -> memref<1x1x8x128xf32, #tpu.memory_space<hbm>>
    %dma_wait3A_549 = tpu.memref_squeeze %dma_wait3A_548 : memref<1x1x8x128xf32, #tpu.memory_space<hbm>> -> memref<8x128xf32, #tpu.memory_space<hbm>>
    tpu.wait_dma2 semaphore(%arg13 : memref<!tpu.dma_semaphore, #tpu.memory_space<semaphore_mem>>) src(%dma_wait3A_549 : memref<8x128xf32, #tpu.memory_space<hbm>>) dst(%dma_wait3A_545 : memref<8x128xf32, #tpu.memory_space<vmem>>)
    %dma_wait3A_550 = arith.constant 6 : i32
    %dma_wait3A_551 = arith.constant 6 : i32
    %dma_wait3A_552 = arith.constant 0 : i32
    %dma_wait3A_553 = arith.constant 0 : i32
    %dma_wait3A_554 = tpu.memref_slice %arg7[%dma_wait3A_551, %dma_wait3A_552, %dma_wait3A_553] : memref<8x4x128xf32, #tpu.memory_space<vmem>> -> memref<1x4x128xf32, #tpu.memory_space<vmem>>
    %dma_wait3A_555 = tpu.memref_squeeze %dma_wait3A_554 : memref<1x4x128xf32, #tpu.memory_space<vmem>> -> memref<4x128xf32, #tpu.memory_space<vmem>>
    %dma_wait3A_556 = arith.constant 0 : i32
    %dma_wait3A_557 = arith.constant 0 : i32
    %dma_wait3A_558 = tpu.memref_slice %arg2[%dma_wait3A_550, %arg1, %dma_wait3A_556, %dma_wait3A_557] : memref<8x16x4x128xf32, #tpu.memory_space<hbm>> -> memref<1x1x4x128xf32, #tpu.memory_space<hbm>>
    %dma_wait3A_559 = tpu.memref_squeeze %dma_wait3A_558 : memref<1x1x4x128xf32, #tpu.memory_space<hbm>> -> memref<4x128xf32, #tpu.memory_space<hbm>>
    %dma_wait3A_560 = arith.constant 0 : i32
    %dma_wait3A_561 = arith.constant 0 : i32
    %dma_wait3A_562 = tpu.memref_slice %arg7[%dma_wait3A_551, %dma_wait3A_560, %dma_wait3A_561] : memref<8x4x128xf32, #tpu.memory_space<vmem>> -> memref<1x4x128xf32, #tpu.memory_space<vmem>>
    %dma_wait3A_563 = tpu.memref_squeeze %dma_wait3A_562 : memref<1x4x128xf32, #tpu.memory_space<vmem>> -> memref<4x128xf32, #tpu.memory_space<vmem>>
    %dma_wait3A_564 = arith.constant 0 : i32
    %dma_wait3A_565 = arith.constant 0 : i32
    %dma_wait3A_566 = tpu.memref_slice %arg2[%dma_wait3A_550, %arg1, %dma_wait3A_564, %dma_wait3A_565] : memref<8x16x4x128xf32, #tpu.memory_space<hbm>> -> memref<1x1x4x128xf32, #tpu.memory_space<hbm>>
    %dma_wait3A_567 = tpu.memref_squeeze %dma_wait3A_566 : memref<1x1x4x128xf32, #tpu.memory_space<hbm>> -> memref<4x128xf32, #tpu.memory_space<hbm>>
    tpu.wait_dma2 semaphore(%arg13 : memref<!tpu.dma_semaphore, #tpu.memory_space<semaphore_mem>>) src(%dma_wait3A_567 : memref<4x128xf32, #tpu.memory_space<hbm>>) dst(%dma_wait3A_563 : memref<4x128xf32, #tpu.memory_space<vmem>>)
    %dma_wait3A_568 = arith.constant 0 : i32
    %dma_wait3A_569 = arith.constant 7 : i32
    %dma_wait3A_570 = arith.constant 0 : i32
    %dma_wait3A_571 = arith.constant 0 : i32
    %dma_wait3A_572 = tpu.memref_slice %arg8[%dma_wait3A_569, %dma_wait3A_570, %dma_wait3A_571] : memref<8x9x128xf32, #tpu.memory_space<vmem>> -> memref<1x8x128xf32, #tpu.memory_space<vmem>>
    %dma_wait3A_573 = tpu.memref_squeeze %dma_wait3A_572 : memref<1x8x128xf32, #tpu.memory_space<vmem>> -> memref<8x128xf32, #tpu.memory_space<vmem>>
    %dma_wait3A_574 = arith.constant 2040 : i32
    %dma_wait3A_575 = arith.constant 0 : i32
    %dma_wait3A_576 = tpu.memref_slice %arg3[%dma_wait3A_568, %arg1, %dma_wait3A_574, %dma_wait3A_575] : memref<1x16x2048x128xf32, #tpu.memory_space<hbm>> -> memref<1x1x8x128xf32, #tpu.memory_space<hbm>>
    %dma_wait3A_577 = tpu.memref_squeeze %dma_wait3A_576 : memref<1x1x8x128xf32, #tpu.memory_space<hbm>> -> memref<8x128xf32, #tpu.memory_space<hbm>>
    %dma_wait3A_578 = arith.constant 0 : i32
    %dma_wait3A_579 = arith.constant 0 : i32
    %dma_wait3A_580 = tpu.memref_slice %arg8[%dma_wait3A_569, %dma_wait3A_578, %dma_wait3A_579] : memref<8x9x128xf32, #tpu.memory_space<vmem>> -> memref<1x8x128xf32, #tpu.memory_space<vmem>>
    %dma_wait3A_581 = tpu.memref_squeeze %dma_wait3A_580 : memref<1x8x128xf32, #tpu.memory_space<vmem>> -> memref<8x128xf32, #tpu.memory_space<vmem>>
    %dma_wait3A_582 = arith.constant 2040 : i32
    %dma_wait3A_583 = arith.constant 0 : i32
    %dma_wait3A_584 = tpu.memref_slice %arg3[%dma_wait3A_568, %arg1, %dma_wait3A_582, %dma_wait3A_583] : memref<1x16x2048x128xf32, #tpu.memory_space<hbm>> -> memref<1x1x8x128xf32, #tpu.memory_space<hbm>>
    %dma_wait3A_585 = tpu.memref_squeeze %dma_wait3A_584 : memref<1x1x8x128xf32, #tpu.memory_space<hbm>> -> memref<8x128xf32, #tpu.memory_space<hbm>>
    tpu.wait_dma2 semaphore(%arg13 : memref<!tpu.dma_semaphore, #tpu.memory_space<semaphore_mem>>) src(%dma_wait3A_585 : memref<8x128xf32, #tpu.memory_space<hbm>>) dst(%dma_wait3A_581 : memref<8x128xf32, #tpu.memory_space<vmem>>)
    %dma_wait3A_586 = arith.constant 7 : i32
    %dma_wait3A_587 = arith.constant 7 : i32
    %dma_wait3A_588 = arith.constant 0 : i32
    %dma_wait3A_589 = arith.constant 0 : i32
    %dma_wait3A_590 = tpu.memref_slice %arg7[%dma_wait3A_587, %dma_wait3A_588, %dma_wait3A_589] : memref<8x4x128xf32, #tpu.memory_space<vmem>> -> memref<1x4x128xf32, #tpu.memory_space<vmem>>
    %dma_wait3A_591 = tpu.memref_squeeze %dma_wait3A_590 : memref<1x4x128xf32, #tpu.memory_space<vmem>> -> memref<4x128xf32, #tpu.memory_space<vmem>>
    %dma_wait3A_592 = arith.constant 0 : i32
    %dma_wait3A_593 = arith.constant 0 : i32
    %dma_wait3A_594 = tpu.memref_slice %arg2[%dma_wait3A_586, %arg1, %dma_wait3A_592, %dma_wait3A_593] : memref<8x16x4x128xf32, #tpu.memory_space<hbm>> -> memref<1x1x4x128xf32, #tpu.memory_space<hbm>>
    %dma_wait3A_595 = tpu.memref_squeeze %dma_wait3A_594 : memref<1x1x4x128xf32, #tpu.memory_space<hbm>> -> memref<4x128xf32, #tpu.memory_space<hbm>>
    %dma_wait3A_596 = arith.constant 0 : i32
    %dma_wait3A_597 = arith.constant 0 : i32
    %dma_wait3A_598 = tpu.memref_slice %arg7[%dma_wait3A_587, %dma_wait3A_596, %dma_wait3A_597] : memref<8x4x128xf32, #tpu.memory_space<vmem>> -> memref<1x4x128xf32, #tpu.memory_space<vmem>>
    %dma_wait3A_599 = tpu.memref_squeeze %dma_wait3A_598 : memref<1x4x128xf32, #tpu.memory_space<vmem>> -> memref<4x128xf32, #tpu.memory_space<vmem>>
    %dma_wait3A_600 = arith.constant 0 : i32
    %dma_wait3A_601 = arith.constant 0 : i32
    %dma_wait3A_602 = tpu.memref_slice %arg2[%dma_wait3A_586, %arg1, %dma_wait3A_600, %dma_wait3A_601] : memref<8x16x4x128xf32, #tpu.memory_space<hbm>> -> memref<1x1x4x128xf32, #tpu.memory_space<hbm>>
    %dma_wait3A_603 = tpu.memref_squeeze %dma_wait3A_602 : memref<1x1x4x128xf32, #tpu.memory_space<hbm>> -> memref<4x128xf32, #tpu.memory_space<hbm>>
    tpu.wait_dma2 semaphore(%arg13 : memref<!tpu.dma_semaphore, #tpu.memory_space<semaphore_mem>>) src(%dma_wait3A_603 : memref<4x128xf32, #tpu.memory_space<hbm>>) dst(%dma_wait3A_599 : memref<4x128xf32, #tpu.memory_space<vmem>>)
    %get3A = arith.constant 0 : i32
    %get3A_604 = arith.constant 3 : i32
    %get3A_605 = arith.index_cast %get3A : i32 to index
    %get3A_606 = arith.index_cast %get3A_604 : i32 to index
    %get3A_607 = arith.constant 0 : index
    %get3A_608 = tpu.vector_load %arg7[%get3A_605, %get3A_606, %get3A_607] {strides = array<i32>} : memref<8x4x128xf32, #tpu.memory_space<vmem>>, vector<1x1x16xf32>,
    %get3A_609 = vector.shape_cast %get3A_608 : vector<1x1x16xf32> to vector<16xf32>
    %swap3A = arith.constant 0 : i32
    %swap3A_610 = arith.constant 8 : i32
    %swap3A_611 = arith.index_cast %swap3A : i32 to index
    %swap3A_612 = arith.index_cast %swap3A_610 : i32 to index
    %swap3A_613 = arith.constant 0 : index
    %swap3A_614 = tpu.vector_load %arg8[%swap3A_611, %swap3A_612, %swap3A_613] {strides = array<i32>} : memref<8x9x128xf32, #tpu.memory_space<vmem>>, vector<1x1x16xf32>,
    %swap3A_615 = vector.shape_cast %swap3A_614 : vector<1x1x16xf32> to vector<16xf32>
    %swap3A_616 = vector.shape_cast %get3A_609 : vector<16xf32> to vector<1x1x16xf32>
    tpu.vector_store %arg8[%swap3A_611, %swap3A_612, %swap3A_613], %swap3A_616 {strides = array<i32>} : memref<8x9x128xf32, #tpu.memory_space<vmem>>, vector<1x1x16xf32>,
    %get3A_617 = arith.constant 0 : i32
    %get3A_618 = arith.constant 3 : i32
    %get3A_619 = arith.index_cast %get3A_617 : i32 to index
    %get3A_620 = arith.index_cast %get3A_618 : i32 to index
    %get3A_621 = arith.constant 16 : index
    %get3A_622 = tpu.vector_load %arg7[%get3A_619, %get3A_620, %get3A_621] {strides = array<i32>} : memref<8x4x128xf32, #tpu.memory_space<vmem>>, vector<1x1x16xf32>,
    %get3A_623 = vector.shape_cast %get3A_622 : vector<1x1x16xf32> to vector<16xf32>
    %swap3A_624 = arith.constant 0 : i32
    %swap3A_625 = arith.constant 8 : i32
    %swap3A_626 = arith.index_cast %swap3A_624 : i32 to index
    %swap3A_627 = arith.index_cast %swap3A_625 : i32 to index
    %swap3A_628 = arith.constant 16 : index
    %swap3A_629 = tpu.vector_load %arg8[%swap3A_626, %swap3A_627, %swap3A_628] {strides = array<i32>} : memref<8x9x128xf32, #tpu.memory_space<vmem>>, vector<1x1x16xf32>,
    %swap3A_630 = vector.shape_cast %swap3A_629 : vector<1x1x16xf32> to vector<16xf32>
    %swap3A_631 = vector.shape_cast %get3A_623 : vector<16xf32> to vector<1x1x16xf32>
    tpu.vector_store %arg8[%swap3A_626, %swap3A_627, %swap3A_628], %swap3A_631 {strides = array<i32>} : memref<8x9x128xf32, #tpu.memory_space<vmem>>, vector<1x1x16xf32>,
    %get3A_632 = arith.constant 0 : i32
    %get3A_633 = arith.constant 3 : i32
    %get3A_634 = arith.index_cast %get3A_632 : i32 to index
    %get3A_635 = arith.index_cast %get3A_633 : i32 to index
    %get3A_636 = arith.constant 32 : index
    %get3A_637 = tpu.vector_load %arg7[%get3A_634, %get3A_635, %get3A_636] {strides = array<i32>} : memref<8x4x128xf32, #tpu.memory_space<vmem>>, vector<1x1x16xf32>,
    %get3A_638 = vector.shape_cast %get3A_637 : vector<1x1x16xf32> to vector<16xf32>
    %swap3A_639 = arith.constant 0 : i32
    %swap3A_640 = arith.constant 8 : i32
    %swap3A_641 = arith.index_cast %swap3A_639 : i32 to index
    %swap3A_642 = arith.index_cast %swap3A_640 : i32 to index
    %swap3A_643 = arith.constant 32 : index
    %swap3A_644 = tpu.vector_load %arg8[%swap3A_641, %swap3A_642, %swap3A_643] {strides = array<i32>} : memref<8x9x128xf32, #tpu.memory_space<vmem>>, vector<1x1x16xf32>,
    %swap3A_645 = vector.shape_cast %swap3A_644 : vector<1x1x16xf32> to vector<16xf32>
    %swap3A_646 = vector.shape_cast %get3A_638 : vector<16xf32> to vector<1x1x16xf32>
    tpu.vector_store %arg8[%swap3A_641, %swap3A_642, %swap3A_643], %swap3A_646 {strides = array<i32>} : memref<8x9x128xf32, #tpu.memory_space<vmem>>, vector<1x1x16xf32>,
    %get3A_647 = arith.constant 0 : i32
    %get3A_648 = arith.constant 3 : i32
    %get3A_649 = arith.index_cast %get3A_647 : i32 to index
    %get3A_650 = arith.index_cast %get3A_648 : i32 to index
    %get3A_651 = arith.constant 48 : index
    %get3A_652 = tpu.vector_load %arg7[%get3A_649, %get3A_650, %get3A_651] {strides = array<i32>} : memref<8x4x128xf32, #tpu.memory_space<vmem>>, vector<1x1x16xf32>,
    %get3A_653 = vector.shape_cast %get3A_652 : vector<1x1x16xf32> to vector<16xf32>
    %swap3A_654 = arith.constant 0 : i32
    %swap3A_655 = arith.constant 8 : i32
    %swap3A_656 = arith.index_cast %swap3A_654 : i32 to index
    %swap3A_657 = arith.index_cast %swap3A_655 : i32 to index
    %swap3A_658 = arith.constant 48 : index
    %swap3A_659 = tpu.vector_load %arg8[%swap3A_656, %swap3A_657, %swap3A_658] {strides = array<i32>} : memref<8x9x128xf32, #tpu.memory_space<vmem>>, vector<1x1x16xf32>,
    %swap3A_660 = vector.shape_cast %swap3A_659 : vector<1x1x16xf32> to vector<16xf32>
    %swap3A_661 = vector.shape_cast %get3A_653 : vector<16xf32> to vector<1x1x16xf32>
    tpu.vector_store %arg8[%swap3A_656, %swap3A_657, %swap3A_658], %swap3A_661 {strides = array<i32>} : memref<8x9x128xf32, #tpu.memory_space<vmem>>, vector<1x1x16xf32>,
    %get3A_662 = arith.constant 0 : i32
    %get3A_663 = arith.constant 3 : i32
    %get3A_664 = arith.index_cast %get3A_662 : i32 to index
    %get3A_665 = arith.index_cast %get3A_663 : i32 to index
    %get3A_666 = arith.constant 64 : index
    %get3A_667 = tpu.vector_load %arg7[%get3A_664, %get3A_665, %get3A_666] {strides = array<i32>} : memref<8x4x128xf32, #tpu.memory_space<vmem>>, vector<1x1x16xf32>,
    %get3A_668 = vector.shape_cast %get3A_667 : vector<1x1x16xf32> to vector<16xf32>
    %swap3A_669 = arith.constant 0 : i32
    %swap3A_670 = arith.constant 8 : i32
    %swap3A_671 = arith.index_cast %swap3A_669 : i32 to index
    %swap3A_672 = arith.index_cast %swap3A_670 : i32 to index
    %swap3A_673 = arith.constant 64 : index
    %swap3A_674 = tpu.vector_load %arg8[%swap3A_671, %swap3A_672, %swap3A_673] {strides = array<i32>} : memref<8x9x128xf32, #tpu.memory_space<vmem>>, vector<1x1x16xf32>,
    %swap3A_675 = vector.shape_cast %swap3A_674 : vector<1x1x16xf32> to vector<16xf32>
    %swap3A_676 = vector.shape_cast %get3A_668 : vector<16xf32> to vector<1x1x16xf32>
    tpu.vector_store %arg8[%swap3A_671, %swap3A_672, %swap3A_673], %swap3A_676 {strides = array<i32>} : memref<8x9x128xf32, #tpu.memory_space<vmem>>, vector<1x1x16xf32>,
    %get3A_677 = arith.constant 0 : i32
    %get3A_678 = arith.constant 3 : i32
    %get3A_679 = arith.index_cast %get3A_677 : i32 to index
    %get3A_680 = arith.index_cast %get3A_678 : i32 to index
    %get3A_681 = arith.constant 80 : index
    %get3A_682 = tpu.vector_load %arg7[%get3A_679, %get3A_680, %get3A_681] {strides = array<i32>} : memref<8x4x128xf32, #tpu.memory_space<vmem>>, vector<1x1x16xf32>,
    %get3A_683 = vector.shape_cast %get3A_682 : vector<1x1x16xf32> to vector<16xf32>
    %swap3A_684 = arith.constant 0 : i32
    %swap3A_685 = arith.constant 8 : i32
    %swap3A_686 = arith.index_cast %swap3A_684 : i32 to index
    %swap3A_687 = arith.index_cast %swap3A_685 : i32 to index
    %swap3A_688 = arith.constant 80 : index
    %swap3A_689 = tpu.vector_load %arg8[%swap3A_686, %swap3A_687, %swap3A_688] {strides = array<i32>} : memref<8x9x128xf32, #tpu.memory_space<vmem>>, vector<1x1x16xf32>,
    %swap3A_690 = vector.shape_cast %swap3A_689 : vector<1x1x16xf32> to vector<16xf32>
    %swap3A_691 = vector.shape_cast %get3A_683 : vector<16xf32> to vector<1x1x16xf32>
    tpu.vector_store %arg8[%swap3A_686, %swap3A_687, %swap3A_688], %swap3A_691 {strides = array<i32>} : memref<8x9x128xf32, #tpu.memory_space<vmem>>, vector<1x1x16xf32>,
    %get3A_692 = arith.constant 0 : i32
    %get3A_693 = arith.constant 3 : i32
    %get3A_694 = arith.index_cast %get3A_692 : i32 to index
    %get3A_695 = arith.index_cast %get3A_693 : i32 to index
    %get3A_696 = arith.constant 96 : index
    %get3A_697 = tpu.vector_load %arg7[%get3A_694, %get3A_695, %get3A_696] {strides = array<i32>} : memref<8x4x128xf32, #tpu.memory_space<vmem>>, vector<1x1x16xf32>,
    %get3A_698 = vector.shape_cast %get3A_697 : vector<1x1x16xf32> to vector<16xf32>
    %swap3A_699 = arith.constant 0 : i32
    %swap3A_700 = arith.constant 8 : i32
    %swap3A_701 = arith.index_cast %swap3A_699 : i32 to index
    %swap3A_702 = arith.index_cast %swap3A_700 : i32 to index
    %swap3A_703 = arith.constant 96 : index
    %swap3A_704 = tpu.vector_load %arg8[%swap3A_701, %swap3A_702, %swap3A_703] {strides = array<i32>} : memref<8x9x128xf32, #tpu.memory_space<vmem>>, vector<1x1x16xf32>,
    %swap3A_705 = vector.shape_cast %swap3A_704 : vector<1x1x16xf32> to vector<16xf32>
    %swap3A_706 = vector.shape_cast %get3A_698 : vector<16xf32> to vector<1x1x16xf32>
    tpu.vector_store %arg8[%swap3A_701, %swap3A_702, %swap3A_703], %swap3A_706 {strides = array<i32>} : memref<8x9x128xf32, #tpu.memory_space<vmem>>, vector<1x1x16xf32>,
    %get3A_707 = arith.constant 0 : i32
    %get3A_708 = arith.constant 3 : i32
    %get3A_709 = arith.index_cast %get3A_707 : i32 to index
    %get3A_710 = arith.index_cast %get3A_708 : i32 to index
    %get3A_711 = arith.constant 112 : index
    %get3A_712 = tpu.vector_load %arg7[%get3A_709, %get3A_710, %get3A_711] {strides = array<i32>} : memref<8x4x128xf32, #tpu.memory_space<vmem>>, vector<1x1x16xf32>,
    %get3A_713 = vector.shape_cast %get3A_712 : vector<1x1x16xf32> to vector<16xf32>
    %swap3A_714 = arith.constant 0 : i32
    %swap3A_715 = arith.constant 8 : i32
    %swap3A_716 = arith.index_cast %swap3A_714 : i32 to index
    %swap3A_717 = arith.index_cast %swap3A_715 : i32 to index
    %swap3A_718 = arith.constant 112 : index
    %swap3A_719 = tpu.vector_load %arg8[%swap3A_716, %swap3A_717, %swap3A_718] {strides = array<i32>} : memref<8x9x128xf32, #tpu.memory_space<vmem>>, vector<1x1x16xf32>,
    %swap3A_720 = vector.shape_cast %swap3A_719 : vector<1x1x16xf32> to vector<16xf32>
    %swap3A_721 = vector.shape_cast %get3A_713 : vector<16xf32> to vector<1x1x16xf32>
    tpu.vector_store %arg8[%swap3A_716, %swap3A_717, %swap3A_718], %swap3A_721 {strides = array<i32>} : memref<8x9x128xf32, #tpu.memory_space<vmem>>, vector<1x1x16xf32>,
    %dma_start3A_722 = arith.constant 0 : i32
    %dma_start3A_723 = arith.constant 0 : i32
    %dma_start3A_724 = arith.constant 1 : i32
    %dma_start3A_725 = arith.constant 0 : i32
    %dma_start3A_726 = tpu.memref_slice %arg8[%dma_start3A_722, %dma_start3A_724, %dma_start3A_725] : memref<8x9x128xf32, #tpu.memory_space<vmem>> -> memref<1x8x128xf32, #tpu.memory_space<vmem>>
    %dma_start3A_727 = tpu.memref_squeeze %dma_start3A_726 : memref<1x8x128xf32, #tpu.memory_space<vmem>> -> memref<8x128xf32, #tpu.memory_space<vmem>>
    %dma_start3A_728 = arith.constant 2040 : i32
    %dma_start3A_729 = arith.constant 0 : i32
    %dma_start3A_730 = tpu.memref_slice %arg4[%dma_start3A_723, %arg1, %dma_start3A_728, %dma_start3A_729] : memref<8x16x2048x128xf32, #tpu.memory_space<hbm>> -> memref<1x1x8x128xf32, #tpu.memory_space<hbm>>
    %dma_start3A_731 = tpu.memref_squeeze %dma_start3A_730 : memref<1x1x8x128xf32, #tpu.memory_space<hbm>> -> memref<8x128xf32, #tpu.memory_space<hbm>>
    %dma_start3A_732 = arith.constant 2040 : i32
    %dma_start3A_733 = arith.constant 0 : i32
    %dma_start3A_734 = tpu.memref_slice %arg4[%dma_start3A_723, %arg1, %dma_start3A_732, %dma_start3A_733] : memref<8x16x2048x128xf32, #tpu.memory_space<hbm>> -> memref<1x1x8x128xf32, #tpu.memory_space<hbm>>
    %dma_start3A_735 = tpu.memref_squeeze %dma_start3A_734 : memref<1x1x8x128xf32, #tpu.memory_space<hbm>> -> memref<8x128xf32, #tpu.memory_space<hbm>>
    %dma_start3A_736 = arith.constant 1 : i32
    %dma_start3A_737 = arith.constant 0 : i32
    %dma_start3A_738 = tpu.memref_slice %arg8[%dma_start3A_722, %dma_start3A_736, %dma_start3A_737] : memref<8x9x128xf32, #tpu.memory_space<vmem>> -> memref<1x8x128xf32, #tpu.memory_space<vmem>>
    %dma_start3A_739 = tpu.memref_squeeze %dma_start3A_738 : memref<1x8x128xf32, #tpu.memory_space<vmem>> -> memref<8x128xf32, #tpu.memory_space<vmem>>
    tpu.enqueue_dma source(%dma_start3A_739 : memref<8x128xf32, #tpu.memory_space<vmem>>) target(%dma_start3A_735 : memref<8x128xf32, #tpu.memory_space<hbm>>) target_semaphore(%arg14 : memref<!tpu.dma_semaphore, #tpu.memory_space<semaphore_mem>>)
    %get3A_740 = arith.constant 1 : i32
    %get3A_741 = arith.constant 3 : i32
    %get3A_742 = arith.index_cast %get3A_740 : i32 to index
    %get3A_743 = arith.index_cast %get3A_741 : i32 to index
    %get3A_744 = arith.constant 0 : index
    %get3A_745 = tpu.vector_load %arg7[%get3A_742, %get3A_743, %get3A_744] {strides = array<i32>} : memref<8x4x128xf32, #tpu.memory_space<vmem>>, vector<1x1x16xf32>,
    %get3A_746 = vector.shape_cast %get3A_745 : vector<1x1x16xf32> to vector<16xf32>
    %swap3A_747 = arith.constant 1 : i32
    %swap3A_748 = arith.constant 8 : i32
    %swap3A_749 = arith.index_cast %swap3A_747 : i32 to index
    %swap3A_750 = arith.index_cast %swap3A_748 : i32 to index
    %swap3A_751 = arith.constant 0 : index
    %swap3A_752 = tpu.vector_load %arg8[%swap3A_749, %swap3A_750, %swap3A_751] {strides = array<i32>} : memref<8x9x128xf32, #tpu.memory_space<vmem>>, vector<1x1x16xf32>,
    %swap3A_753 = vector.shape_cast %swap3A_752 : vector<1x1x16xf32> to vector<16xf32>
    %swap3A_754 = vector.shape_cast %get3A_746 : vector<16xf32> to vector<1x1x16xf32>
    tpu.vector_store %arg8[%swap3A_749, %swap3A_750, %swap3A_751], %swap3A_754 {strides = array<i32>} : memref<8x9x128xf32, #tpu.memory_space<vmem>>, vector<1x1x16xf32>,
    %get3A_755 = arith.constant 1 : i32
    %get3A_756 = arith.constant 3 : i32
    %get3A_757 = arith.index_cast %get3A_755 : i32 to index
    %get3A_758 = arith.index_cast %get3A_756 : i32 to index
    %get3A_759 = arith.constant 16 : index
    %get3A_760 = tpu.vector_load %arg7[%get3A_757, %get3A_758, %get3A_759] {strides = array<i32>} : memref<8x4x128xf32, #tpu.memory_space<vmem>>, vector<1x1x16xf32>,
    %get3A_761 = vector.shape_cast %get3A_760 : vector<1x1x16xf32> to vector<16xf32>
    %swap3A_762 = arith.constant 1 : i32
    %swap3A_763 = arith.constant 8 : i32
    %swap3A_764 = arith.index_cast %swap3A_762 : i32 to index
    %swap3A_765 = arith.index_cast %swap3A_763 : i32 to index
    %swap3A_766 = arith.constant 16 : index
    %swap3A_767 = tpu.vector_load %arg8[%swap3A_764, %swap3A_765, %swap3A_766] {strides = array<i32>} : memref<8x9x128xf32, #tpu.memory_space<vmem>>, vector<1x1x16xf32>,
    %swap3A_768 = vector.shape_cast %swap3A_767 : vector<1x1x16xf32> to vector<16xf32>
    %swap3A_769 = vector.shape_cast %get3A_761 : vector<16xf32> to vector<1x1x16xf32>
    tpu.vector_store %arg8[%swap3A_764, %swap3A_765, %swap3A_766], %swap3A_769 {strides = array<i32>} : memref<8x9x128xf32, #tpu.memory_space<vmem>>, vector<1x1x16xf32>,
    %get3A_770 = arith.constant 1 : i32
    %get3A_771 = arith.constant 3 : i32
    %get3A_772 = arith.index_cast %get3A_770 : i32 to index
    %get3A_773 = arith.index_cast %get3A_771 : i32 to index
    %get3A_774 = arith.constant 32 : index
    %get3A_775 = tpu.vector_load %arg7[%get3A_772, %get3A_773, %get3A_774] {strides = array<i32>} : memref<8x4x128xf32, #tpu.memory_space<vmem>>, vector<1x1x16xf32>,
    %get3A_776 = vector.shape_cast %get3A_775 : vector<1x1x16xf32> to vector<16xf32>
    %swap3A_777 = arith.constant 1 : i32
    %swap3A_778 = arith.constant 8 : i32
    %swap3A_779 = arith.index_cast %swap3A_777 : i32 to index
    %swap3A_780 = arith.index_cast %swap3A_778 : i32 to index
    %swap3A_781 = arith.constant 32 : index
    %swap3A_782 = tpu.vector_load %arg8[%swap3A_779, %swap3A_780, %swap3A_781] {strides = array<i32>} : memref<8x9x128xf32, #tpu.memory_space<vmem>>, vector<1x1x16xf32>,
    %swap3A_783 = vector.shape_cast %swap3A_782 : vector<1x1x16xf32> to vector<16xf32>
    %swap3A_784 = vector.shape_cast %get3A_776 : vector<16xf32> to vector<1x1x16xf32>
    tpu.vector_store %arg8[%swap3A_779, %swap3A_780, %swap3A_781], %swap3A_784 {strides = array<i32>} : memref<8x9x128xf32, #tpu.memory_space<vmem>>, vector<1x1x16xf32>,
    %get3A_785 = arith.constant 1 : i32
    %get3A_786 = arith.constant 3 : i32
    %get3A_787 = arith.index_cast %get3A_785 : i32 to index
    %get3A_788 = arith.index_cast %get3A_786 : i32 to index
    %get3A_789 = arith.constant 48 : index
    %get3A_790 = tpu.vector_load %arg7[%get3A_787, %get3A_788, %get3A_789] {strides = array<i32>} : memref<8x4x128xf32, #tpu.memory_space<vmem>>, vector<1x1x16xf32>,
    %get3A_791 = vector.shape_cast %get3A_790 : vector<1x1x16xf32> to vector<16xf32>
    %swap3A_792 = arith.constant 1 : i32
    %swap3A_793 = arith.constant 8 : i32
    %swap3A_794 = arith.index_cast %swap3A_792 : i32 to index
    %swap3A_795 = arith.index_cast %swap3A_793 : i32 to index
    %swap3A_796 = arith.constant 48 : index
    %swap3A_797 = tpu.vector_load %arg8[%swap3A_794, %swap3A_795, %swap3A_796] {strides = array<i32>} : memref<8x9x128xf32, #tpu.memory_space<vmem>>, vector<1x1x16xf32>,
    %swap3A_798 = vector.shape_cast %swap3A_797 : vector<1x1x16xf32> to vector<16xf32>
    %swap3A_799 = vector.shape_cast %get3A_791 : vector<16xf32> to vector<1x1x16xf32>
    tpu.vector_store %arg8[%swap3A_794, %swap3A_795, %swap3A_796], %swap3A_799 {strides = array<i32>} : memref<8x9x128xf32, #tpu.memory_space<vmem>>, vector<1x1x16xf32>,
    %get3A_800 = arith.constant 1 : i32
    %get3A_801 = arith.constant 3 : i32
    %get3A_802 = arith.index_cast %get3A_800 : i32 to index
    %get3A_803 = arith.index_cast %get3A_801 : i32 to index
    %get3A_804 = arith.constant 64 : index
    %get3A_805 = tpu.vector_load %arg7[%get3A_802, %get3A_803, %get3A_804] {strides = array<i32>} : memref<8x4x128xf32, #tpu.memory_space<vmem>>, vector<1x1x16xf32>,
    %get3A_806 = vector.shape_cast %get3A_805 : vector<1x1x16xf32> to vector<16xf32>
    %swap3A_807 = arith.constant 1 : i32
    %swap3A_808 = arith.constant 8 : i32
    %swap3A_809 = arith.index_cast %swap3A_807 : i32 to index
    %swap3A_810 = arith.index_cast %swap3A_808 : i32 to index
    %swap3A_811 = arith.constant 64 : index
    %swap3A_812 = tpu.vector_load %arg8[%swap3A_809, %swap3A_810, %swap3A_811] {strides = array<i32>} : memref<8x9x128xf32, #tpu.memory_space<vmem>>, vector<1x1x16xf32>,
    %swap3A_813 = vector.shape_cast %swap3A_812 : vector<1x1x16xf32> to vector<16xf32>
    %swap3A_814 = vector.shape_cast %get3A_806 : vector<16xf32> to vector<1x1x16xf32>
    tpu.vector_store %arg8[%swap3A_809, %swap3A_810, %swap3A_811], %swap3A_814 {strides = array<i32>} : memref<8x9x128xf32, #tpu.memory_space<vmem>>, vector<1x1x16xf32>,
    %get3A_815 = arith.constant 1 : i32
    %get3A_816 = arith.constant 3 : i32
    %get3A_817 = arith.index_cast %get3A_815 : i32 to index
    %get3A_818 = arith.index_cast %get3A_816 : i32 to index
    %get3A_819 = arith.constant 80 : index
    %get3A_820 = tpu.vector_load %arg7[%get3A_817, %get3A_818, %get3A_819] {strides = array<i32>} : memref<8x4x128xf32, #tpu.memory_space<vmem>>, vector<1x1x16xf32>,
    %get3A_821 = vector.shape_cast %get3A_820 : vector<1x1x16xf32> to vector<16xf32>
    %swap3A_822 = arith.constant 1 : i32
    %swap3A_823 = arith.constant 8 : i32
    %swap3A_824 = arith.index_cast %swap3A_822 : i32 to index
    %swap3A_825 = arith.index_cast %swap3A_823 : i32 to index
    %swap3A_826 = arith.constant 80 : index
    %swap3A_827 = tpu.vector_load %arg8[%swap3A_824, %swap3A_825, %swap3A_826] {strides = array<i32>} : memref<8x9x128xf32, #tpu.memory_space<vmem>>, vector<1x1x16xf32>,
    %swap3A_828 = vector.shape_cast %swap3A_827 : vector<1x1x16xf32> to vector<16xf32>
    %swap3A_829 = vector.shape_cast %get3A_821 : vector<16xf32> to vector<1x1x16xf32>
    tpu.vector_store %arg8[%swap3A_824, %swap3A_825, %swap3A_826], %swap3A_829 {strides = array<i32>} : memref<8x9x128xf32, #tpu.memory_space<vmem>>, vector<1x1x16xf32>,
    %get3A_830 = arith.constant 1 : i32
    %get3A_831 = arith.constant 3 : i32
    %get3A_832 = arith.index_cast %get3A_830 : i32 to index
    %get3A_833 = arith.index_cast %get3A_831 : i32 to index
    %get3A_834 = arith.constant 96 : index
    %get3A_835 = tpu.vector_load %arg7[%get3A_832, %get3A_833, %get3A_834] {strides = array<i32>} : memref<8x4x128xf32, #tpu.memory_space<vmem>>, vector<1x1x16xf32>,
    %get3A_836 = vector.shape_cast %get3A_835 : vector<1x1x16xf32> to vector<16xf32>
    %swap3A_837 = arith.constant 1 : i32
    %swap3A_838 = arith.constant 8 : i32
    %swap3A_839 = arith.index_cast %swap3A_837 : i32 to index
    %swap3A_840 = arith.index_cast %swap3A_838 : i32 to index
    %swap3A_841 = arith.constant 96 : index
    %swap3A_842 = tpu.vector_load %arg8[%swap3A_839, %swap3A_840, %swap3A_841] {strides = array<i32>} : memref<8x9x128xf32, #tpu.memory_space<vmem>>, vector<1x1x16xf32>,
    %swap3A_843 = vector.shape_cast %swap3A_842 : vector<1x1x16xf32> to vector<16xf32>
    %swap3A_844 = vector.shape_cast %get3A_836 : vector<16xf32> to vector<1x1x16xf32>
    tpu.vector_store %arg8[%swap3A_839, %swap3A_840, %swap3A_841], %swap3A_844 {strides = array<i32>} : memref<8x9x128xf32, #tpu.memory_space<vmem>>, vector<1x1x16xf32>,
    %get3A_845 = arith.constant 1 : i32
    %get3A_846 = arith.constant 3 : i32
    %get3A_847 = arith.index_cast %get3A_845 : i32 to index
    %get3A_848 = arith.index_cast %get3A_846 : i32 to index
    %get3A_849 = arith.constant 112 : index
    %get3A_850 = tpu.vector_load %arg7[%get3A_847, %get3A_848, %get3A_849] {strides = array<i32>} : memref<8x4x128xf32, #tpu.memory_space<vmem>>, vector<1x1x16xf32>,
    %get3A_851 = vector.shape_cast %get3A_850 : vector<1x1x16xf32> to vector<16xf32>
    %swap3A_852 = arith.constant 1 : i32
    %swap3A_853 = arith.constant 8 : i32
    %swap3A_854 = arith.index_cast %swap3A_852 : i32 to index
    %swap3A_855 = arith.index_cast %swap3A_853 : i32 to index
    %swap3A_856 = arith.constant 112 : index
    %swap3A_857 = tpu.vector_load %arg8[%swap3A_854, %swap3A_855, %swap3A_856] {strides = array<i32>} : memref<8x9x128xf32, #tpu.memory_space<vmem>>, vector<1x1x16xf32>,
    %swap3A_858 = vector.shape_cast %swap3A_857 : vector<1x1x16xf32> to vector<16xf32>
    %swap3A_859 = vector.shape_cast %get3A_851 : vector<16xf32> to vector<1x1x16xf32>
    tpu.vector_store %arg8[%swap3A_854, %swap3A_855, %swap3A_856], %swap3A_859 {strides = array<i32>} : memref<8x9x128xf32, #tpu.memory_space<vmem>>, vector<1x1x16xf32>,
    %dma_start3A_860 = arith.constant 1 : i32
    %dma_start3A_861 = arith.constant 1 : i32
    %dma_start3A_862 = arith.constant 1 : i32
    %dma_start3A_863 = arith.constant 0 : i32
    %dma_start3A_864 = tpu.memref_slice %arg8[%dma_start3A_860, %dma_start3A_862, %dma_start3A_863] : memref<8x9x128xf32, #tpu.memory_space<vmem>> -> memref<1x8x128xf32, #tpu.memory_space<vmem>>
    %dma_start3A_865 = tpu.memref_squeeze %dma_start3A_864 : memref<1x8x128xf32, #tpu.memory_space<vmem>> -> memref<8x128xf32, #tpu.memory_space<vmem>>
    %dma_start3A_866 = arith.constant 2040 : i32
    %dma_start3A_867 = arith.constant 0 : i32
    %dma_start3A_868 = tpu.memref_slice %arg4[%dma_start3A_861, %arg1, %dma_start3A_866, %dma_start3A_867] : memref<8x16x2048x128xf32, #tpu.memory_space<hbm>> -> memref<1x1x8x128xf32, #tpu.memory_space<hbm>>
    %dma_start3A_869 = tpu.memref_squeeze %dma_start3A_868 : memref<1x1x8x128xf32, #tpu.memory_space<hbm>> -> memref<8x128xf32, #tpu.memory_space<hbm>>
    %dma_start3A_870 = arith.constant 2040 : i32
    %dma_start3A_871 = arith.constant 0 : i32
    %dma_start3A_872 = tpu.memref_slice %arg4[%dma_start3A_861, %arg1, %dma_start3A_870, %dma_start3A_871] : memref<8x16x2048x128xf32, #tpu.memory_space<hbm>> -> memref<1x1x8x128xf32, #tpu.memory_space<hbm>>
    %dma_start3A_873 = tpu.memref_squeeze %dma_start3A_872 : memref<1x1x8x128xf32, #tpu.memory_space<hbm>> -> memref<8x128xf32, #tpu.memory_space<hbm>>
    %dma_start3A_874 = arith.constant 1 : i32
    %dma_start3A_875 = arith.constant 0 : i32
    %dma_start3A_876 = tpu.memref_slice %arg8[%dma_start3A_860, %dma_start3A_874, %dma_start3A_875] : memref<8x9x128xf32, #tpu.memory_space<vmem>> -> memref<1x8x128xf32, #tpu.memory_space<vmem>>
    %dma_start3A_877 = tpu.memref_squeeze %dma_start3A_876 : memref<1x8x128xf32, #tpu.memory_space<vmem>> -> memref<8x128xf32, #tpu.memory_space<vmem>>
    tpu.enqueue_dma source(%dma_start3A_877 : memref<8x128xf32, #tpu.memory_space<vmem>>) target(%dma_start3A_873 : memref<8x128xf32, #tpu.memory_space<hbm>>) target_semaphore(%arg14 : memref<!tpu.dma_semaphore, #tpu.memory_space<semaphore_mem>>)
    %get3A_878 = arith.constant 2 : i32
    %get3A_879 = arith.constant 3 : i32
    %get3A_880 = arith.index_cast %get3A_878 : i32 to index
    %get3A_881 = arith.index_cast %get3A_879 : i32 to index
    %get3A_882 = arith.constant 0 : index
    %get3A_883 = tpu.vector_load %arg7[%get3A_880, %get3A_881, %get3A_882] {strides = array<i32>} : memref<8x4x128xf32, #tpu.memory_space<vmem>>, vector<1x1x16xf32>,
    %get3A_884 = vector.shape_cast %get3A_883 : vector<1x1x16xf32> to vector<16xf32>
    %swap3A_885 = arith.constant 2 : i32
    %swap3A_886 = arith.constant 8 : i32
    %swap3A_887 = arith.index_cast %swap3A_885 : i32 to index
    %swap3A_888 = arith.index_cast %swap3A_886 : i32 to index
    %swap3A_889 = arith.constant 0 : index
    %swap3A_890 = tpu.vector_load %arg8[%swap3A_887, %swap3A_888, %swap3A_889] {strides = array<i32>} : memref<8x9x128xf32, #tpu.memory_space<vmem>>, vector<1x1x16xf32>,
    %swap3A_891 = vector.shape_cast %swap3A_890 : vector<1x1x16xf32> to vector<16xf32>
    %swap3A_892 = vector.shape_cast %get3A_884 : vector<16xf32> to vector<1x1x16xf32>
    tpu.vector_store %arg8[%swap3A_887, %swap3A_888, %swap3A_889], %swap3A_892 {strides = array<i32>} : memref<8x9x128xf32, #tpu.memory_space<vmem>>, vector<1x1x16xf32>,
    %get3A_893 = arith.constant 2 : i32
    %get3A_894 = arith.constant 3 : i32
    %get3A_895 = arith.index_cast %get3A_893 : i32 to index
    %get3A_896 = arith.index_cast %get3A_894 : i32 to index
    %get3A_897 = arith.constant 16 : index
    %get3A_898 = tpu.vector_load %arg7[%get3A_895, %get3A_896, %get3A_897] {strides = array<i32>} : memref<8x4x128xf32, #tpu.memory_space<vmem>>, vector<1x1x16xf32>,
    %get3A_899 = vector.shape_cast %get3A_898 : vector<1x1x16xf32> to vector<16xf32>
    %swap3A_900 = arith.constant 2 : i32
    %swap3A_901 = arith.constant 8 : i32
    %swap3A_902 = arith.index_cast %swap3A_900 : i32 to index
    %swap3A_903 = arith.index_cast %swap3A_901 : i32 to index
    %swap3A_904 = arith.constant 16 : index
    %swap3A_905 = tpu.vector_load %arg8[%swap3A_902, %swap3A_903, %swap3A_904] {strides = array<i32>} : memref<8x9x128xf32, #tpu.memory_space<vmem>>, vector<1x1x16xf32>,
    %swap3A_906 = vector.shape_cast %swap3A_905 : vector<1x1x16xf32> to vector<16xf32>
    %swap3A_907 = vector.shape_cast %get3A_899 : vector<16xf32> to vector<1x1x16xf32>
    tpu.vector_store %arg8[%swap3A_902, %swap3A_903, %swap3A_904], %swap3A_907 {strides = array<i32>} : memref<8x9x128xf32, #tpu.memory_space<vmem>>, vector<1x1x16xf32>,
    %get3A_908 = arith.constant 2 : i32
    %get3A_909 = arith.constant 3 : i32
    %get3A_910 = arith.index_cast %get3A_908 : i32 to index
    %get3A_911 = arith.index_cast %get3A_909 : i32 to index
    %get3A_912 = arith.constant 32 : index
    %get3A_913 = tpu.vector_load %arg7[%get3A_910, %get3A_911, %get3A_912] {strides = array<i32>} : memref<8x4x128xf32, #tpu.memory_space<vmem>>, vector<1x1x16xf32>,
    %get3A_914 = vector.shape_cast %get3A_913 : vector<1x1x16xf32> to vector<16xf32>
    %swap3A_915 = arith.constant 2 : i32
    %swap3A_916 = arith.constant 8 : i32
    %swap3A_917 = arith.index_cast %swap3A_915 : i32 to index
    %swap3A_918 = arith.index_cast %swap3A_916 : i32 to index
    %swap3A_919 = arith.constant 32 : index
    %swap3A_920 = tpu.vector_load %arg8[%swap3A_917, %swap3A_918, %swap3A_919] {strides = array<i32>} : memref<8x9x128xf32, #tpu.memory_space<vmem>>, vector<1x1x16xf32>,
    %swap3A_921 = vector.shape_cast %swap3A_920 : vector<1x1x16xf32> to vector<16xf32>
    %swap3A_922 = vector.shape_cast %get3A_914 : vector<16xf32> to vector<1x1x16xf32>
    tpu.vector_store %arg8[%swap3A_917, %swap3A_918, %swap3A_919], %swap3A_922 {strides = array<i32>} : memref<8x9x128xf32, #tpu.memory_space<vmem>>, vector<1x1x16xf32>,
    %get3A_923 = arith.constant 2 : i32
    %get3A_924 = arith.constant 3 : i32
    %get3A_925 = arith.index_cast %get3A_923 : i32 to index
    %get3A_926 = arith.index_cast %get3A_924 : i32 to index
    %get3A_927 = arith.constant 48 : index
    %get3A_928 = tpu.vector_load %arg7[%get3A_925, %get3A_926, %get3A_927] {strides = array<i32>} : memref<8x4x128xf32, #tpu.memory_space<vmem>>, vector<1x1x16xf32>,
    %get3A_929 = vector.shape_cast %get3A_928 : vector<1x1x16xf32> to vector<16xf32>
    %swap3A_930 = arith.constant 2 : i32
    %swap3A_931 = arith.constant 8 : i32
    %swap3A_932 = arith.index_cast %swap3A_930 : i32 to index
    %swap3A_933 = arith.index_cast %swap3A_931 : i32 to index
    %swap3A_934 = arith.constant 48 : index
    %swap3A_935 = tpu.vector_load %arg8[%swap3A_932, %swap3A_933, %swap3A_934] {strides = array<i32>} : memref<8x9x128xf32, #tpu.memory_space<vmem>>, vector<1x1x16xf32>,
    %swap3A_936 = vector.shape_cast %swap3A_935 : vector<1x1x16xf32> to vector<16xf32>
    %swap3A_937 = vector.shape_cast %get3A_929 : vector<16xf32> to vector<1x1x16xf32>
    tpu.vector_store %arg8[%swap3A_932, %swap3A_933, %swap3A_934], %swap3A_937 {strides = array<i32>} : memref<8x9x128xf32, #tpu.memory_space<vmem>>, vector<1x1x16xf32>,
    %get3A_938 = arith.constant 2 : i32
    %get3A_939 = arith.constant 3 : i32
    %get3A_940 = arith.index_cast %get3A_938 : i32 to index
    %get3A_941 = arith.index_cast %get3A_939 : i32 to index
    %get3A_942 = arith.constant 64 : index
    %get3A_943 = tpu.vector_load %arg7[%get3A_940, %get3A_941, %get3A_942] {strides = array<i32>} : memref<8x4x128xf32, #tpu.memory_space<vmem>>, vector<1x1x16xf32>,
    %get3A_944 = vector.shape_cast %get3A_943 : vector<1x1x16xf32> to vector<16xf32>
    %swap3A_945 = arith.constant 2 : i32
    %swap3A_946 = arith.constant 8 : i32
    %swap3A_947 = arith.index_cast %swap3A_945 : i32 to index
    %swap3A_948 = arith.index_cast %swap3A_946 : i32 to index
    %swap3A_949 = arith.constant 64 : index
    %swap3A_950 = tpu.vector_load %arg8[%swap3A_947, %swap3A_948, %swap3A_949] {strides = array<i32>} : memref<8x9x128xf32, #tpu.memory_space<vmem>>, vector<1x1x16xf32>,
    %swap3A_951 = vector.shape_cast %swap3A_950 : vector<1x1x16xf32> to vector<16xf32>
    %swap3A_952 = vector.shape_cast %get3A_944 : vector<16xf32> to vector<1x1x16xf32>
    tpu.vector_store %arg8[%swap3A_947, %swap3A_948, %swap3A_949], %swap3A_952 {strides = array<i32>} : memref<8x9x128xf32, #tpu.memory_space<vmem>>, vector<1x1x16xf32>,
    %get3A_953 = arith.constant 2 : i32
    %get3A_954 = arith.constant 3 : i32
    %get3A_955 = arith.index_cast %get3A_953 : i32 to index
    %get3A_956 = arith.index_cast %get3A_954 : i32 to index
    %get3A_957 = arith.constant 80 : index
    %get3A_958 = tpu.vector_load %arg7[%get3A_955, %get3A_956, %get3A_957] {strides = array<i32>} : memref<8x4x128xf32, #tpu.memory_space<vmem>>, vector<1x1x16xf32>,
    %get3A_959 = vector.shape_cast %get3A_958 : vector<1x1x16xf32> to vector<16xf32>
    %swap3A_960 = arith.constant 2 : i32
    %swap3A_961 = arith.constant 8 : i32
    %swap3A_962 = arith.index_cast %swap3A_960 : i32 to index
    %swap3A_963 = arith.index_cast %swap3A_961 : i32 to index
    %swap3A_964 = arith.constant 80 : index
    %swap3A_965 = tpu.vector_load %arg8[%swap3A_962, %swap3A_963, %swap3A_964] {strides = array<i32>} : memref<8x9x128xf32, #tpu.memory_space<vmem>>, vector<1x1x16xf32>,
    %swap3A_966 = vector.shape_cast %swap3A_965 : vector<1x1x16xf32> to vector<16xf32>
    %swap3A_967 = vector.shape_cast %get3A_959 : vector<16xf32> to vector<1x1x16xf32>
    tpu.vector_store %arg8[%swap3A_962, %swap3A_963, %swap3A_964], %swap3A_967 {strides = array<i32>} : memref<8x9x128xf32, #tpu.memory_space<vmem>>, vector<1x1x16xf32>,
    %get3A_968 = arith.constant 2 : i32
    %get3A_969 = arith.constant 3 : i32
    %get3A_970 = arith.index_cast %get3A_968 : i32 to index
    %get3A_971 = arith.index_cast %get3A_969 : i32 to index
    %get3A_972 = arith.constant 96 : index
    %get3A_973 = tpu.vector_load %arg7[%get3A_970, %get3A_971, %get3A_972] {strides = array<i32>} : memref<8x4x128xf32, #tpu.memory_space<vmem>>, vector<1x1x16xf32>,
    %get3A_974 = vector.shape_cast %get3A_973 : vector<1x1x16xf32> to vector<16xf32>
    %swap3A_975 = arith.constant 2 : i32
    %swap3A_976 = arith.constant 8 : i32
    %swap3A_977 = arith.index_cast %swap3A_975 : i32 to index
    %swap3A_978 = arith.index_cast %swap3A_976 : i32 to index
    %swap3A_979 = arith.constant 96 : index
    %swap3A_980 = tpu.vector_load %arg8[%swap3A_977, %swap3A_978, %swap3A_979] {strides = array<i32>} : memref<8x9x128xf32, #tpu.memory_space<vmem>>, vector<1x1x16xf32>,
    %swap3A_981 = vector.shape_cast %swap3A_980 : vector<1x1x16xf32> to vector<16xf32>
    %swap3A_982 = vector.shape_cast %get3A_974 : vector<16xf32> to vector<1x1x16xf32>
    tpu.vector_store %arg8[%swap3A_977, %swap3A_978, %swap3A_979], %swap3A_982 {strides = array<i32>} : memref<8x9x128xf32, #tpu.memory_space<vmem>>, vector<1x1x16xf32>,
    %get3A_983 = arith.constant 2 : i32
    %get3A_984 = arith.constant 3 : i32
    %get3A_985 = arith.index_cast %get3A_983 : i32 to index
    %get3A_986 = arith.index_cast %get3A_984 : i32 to index
    %get3A_987 = arith.constant 112 : index
    %get3A_988 = tpu.vector_load %arg7[%get3A_985, %get3A_986, %get3A_987] {strides = array<i32>} : memref<8x4x128xf32, #tpu.memory_space<vmem>>, vector<1x1x16xf32>,
    %get3A_989 = vector.shape_cast %get3A_988 : vector<1x1x16xf32> to vector<16xf32>
    %swap3A_990 = arith.constant 2 : i32
    %swap3A_991 = arith.constant 8 : i32
    %swap3A_992 = arith.index_cast %swap3A_990 : i32 to index
    %swap3A_993 = arith.index_cast %swap3A_991 : i32 to index
    %swap3A_994 = arith.constant 112 : index
    %swap3A_995 = tpu.vector_load %arg8[%swap3A_992, %swap3A_993, %swap3A_994] {strides = array<i32>} : memref<8x9x128xf32, #tpu.memory_space<vmem>>, vector<1x1x16xf32>,
    %swap3A_996 = vector.shape_cast %swap3A_995 : vector<1x1x16xf32> to vector<16xf32>
    %swap3A_997 = vector.shape_cast %get3A_989 : vector<16xf32> to vector<1x1x16xf32>
    tpu.vector_store %arg8[%swap3A_992, %swap3A_993, %swap3A_994], %swap3A_997 {strides = array<i32>} : memref<8x9x128xf32, #tpu.memory_space<vmem>>, vector<1x1x16xf32>,
    %dma_start3A_998 = arith.constant 2 : i32
    %dma_start3A_999 = arith.constant 2 : i32
    %dma_start3A_1000 = arith.constant 1 : i32
    %dma_start3A_1001 = arith.constant 0 : i32
    %dma_start3A_1002 = tpu.memref_slice %arg8[%dma_start3A_998, %dma_start3A_1000, %dma_start3A_1001] : memref<8x9x128xf32, #tpu.memory_space<vmem>> -> memref<1x8x128xf32, #tpu.memory_space<vmem>>
    %dma_start3A_1003 = tpu.memref_squeeze %dma_start3A_1002 : memref<1x8x128xf32, #tpu.memory_space<vmem>> -> memref<8x128xf32, #tpu.memory_space<vmem>>
    %dma_start3A_1004 = arith.constant 2040 : i32
    %dma_start3A_1005 = arith.constant 0 : i32
    %dma_start3A_1006 = tpu.memref_slice %arg4[%dma_start3A_999, %arg1, %dma_start3A_1004, %dma_start3A_1005] : memref<8x16x2048x128xf32, #tpu.memory_space<hbm>> -> memref<1x1x8x128xf32, #tpu.memory_space<hbm>>
    %dma_start3A_1007 = tpu.memref_squeeze %dma_start3A_1006 : memref<1x1x8x128xf32, #tpu.memory_space<hbm>> -> memref<8x128xf32, #tpu.memory_space<hbm>>
    %dma_start3A_1008 = arith.constant 2040 : i32
    %dma_start3A_1009 = arith.constant 0 : i32
    %dma_start3A_1010 = tpu.memref_slice %arg4[%dma_start3A_999, %arg1, %dma_start3A_1008, %dma_start3A_1009] : memref<8x16x2048x128xf32, #tpu.memory_space<hbm>> -> memref<1x1x8x128xf32, #tpu.memory_space<hbm>>
    %dma_start3A_1011 = tpu.memref_squeeze %dma_start3A_1010 : memref<1x1x8x128xf32, #tpu.memory_space<hbm>> -> memref<8x128xf32, #tpu.memory_space<hbm>>
    %dma_start3A_1012 = arith.constant 1 : i32
    %dma_start3A_1013 = arith.constant 0 : i32
    %dma_start3A_1014 = tpu.memref_slice %arg8[%dma_start3A_998, %dma_start3A_1012, %dma_start3A_1013] : memref<8x9x128xf32, #tpu.memory_space<vmem>> -> memref<1x8x128xf32, #tpu.memory_space<vmem>>
    %dma_start3A_1015 = tpu.memref_squeeze %dma_start3A_1014 : memref<1x8x128xf32, #tpu.memory_space<vmem>> -> memref<8x128xf32, #tpu.memory_space<vmem>>
    tpu.enqueue_dma source(%dma_start3A_1015 : memref<8x128xf32, #tpu.memory_space<vmem>>) target(%dma_start3A_1011 : memref<8x128xf32, #tpu.memory_space<hbm>>) target_semaphore(%arg14 : memref<!tpu.dma_semaphore, #tpu.memory_space<semaphore_mem>>)
    %get3A_1016 = arith.constant 3 : i32
    %get3A_1017 = arith.constant 3 : i32
    %get3A_1018 = arith.index_cast %get3A_1016 : i32 to index
    %get3A_1019 = arith.index_cast %get3A_1017 : i32 to index
    %get3A_1020 = arith.constant 0 : index
    %get3A_1021 = tpu.vector_load %arg7[%get3A_1018, %get3A_1019, %get3A_1020] {strides = array<i32>} : memref<8x4x128xf32, #tpu.memory_space<vmem>>, vector<1x1x16xf32>,
    %get3A_1022 = vector.shape_cast %get3A_1021 : vector<1x1x16xf32> to vector<16xf32>
    %swap3A_1023 = arith.constant 3 : i32
    %swap3A_1024 = arith.constant 8 : i32
    %swap3A_1025 = arith.index_cast %swap3A_1023 : i32 to index
    %swap3A_1026 = arith.index_cast %swap3A_1024 : i32 to index
    %swap3A_1027 = arith.constant 0 : index
    %swap3A_1028 = tpu.vector_load %arg8[%swap3A_1025, %swap3A_1026, %swap3A_1027] {strides = array<i32>} : memref<8x9x128xf32, #tpu.memory_space<vmem>>, vector<1x1x16xf32>,
    %swap3A_1029 = vector.shape_cast %swap3A_1028 : vector<1x1x16xf32> to vector<16xf32>
    %swap3A_1030 = vector.shape_cast %get3A_1022 : vector<16xf32> to vector<1x1x16xf32>
    tpu.vector_store %arg8[%swap3A_1025, %swap3A_1026, %swap3A_1027], %swap3A_1030 {strides = array<i32>} : memref<8x9x128xf32, #tpu.memory_space<vmem>>, vector<1x1x16xf32>,
    %get3A_1031 = arith.constant 3 : i32
    %get3A_1032 = arith.constant 3 : i32
    %get3A_1033 = arith.index_cast %get3A_1031 : i32 to index
    %get3A_1034 = arith.index_cast %get3A_1032 : i32 to index
    %get3A_1035 = arith.constant 16 : index
    %get3A_1036 = tpu.vector_load %arg7[%get3A_1033, %get3A_1034, %get3A_1035] {strides = array<i32>} : memref<8x4x128xf32, #tpu.memory_space<vmem>>, vector<1x1x16xf32>,
    %get3A_1037 = vector.shape_cast %get3A_1036 : vector<1x1x16xf32> to vector<16xf32>
    %swap3A_1038 = arith.constant 3 : i32
    %swap3A_1039 = arith.constant 8 : i32
    %swap3A_1040 = arith.index_cast %swap3A_1038 : i32 to index
    %swap3A_1041 = arith.index_cast %swap3A_1039 : i32 to index
    %swap3A_1042 = arith.constant 16 : index
    %swap3A_1043 = tpu.vector_load %arg8[%swap3A_1040, %swap3A_1041, %swap3A_1042] {strides = array<i32>} : memref<8x9x128xf32, #tpu.memory_space<vmem>>, vector<1x1x16xf32>,
    %swap3A_1044 = vector.shape_cast %swap3A_1043 : vector<1x1x16xf32> to vector<16xf32>
    %swap3A_1045 = vector.shape_cast %get3A_1037 : vector<16xf32> to vector<1x1x16xf32>
    tpu.vector_store %arg8[%swap3A_1040, %swap3A_1041, %swap3A_1042], %swap3A_1045 {strides = array<i32>} : memref<8x9x128xf32, #tpu.memory_space<vmem>>, vector<1x1x16xf32>,
    %get3A_1046 = arith.constant 3 : i32
    %get3A_1047 = arith.constant 3 : i32
    %get3A_1048 = arith.index_cast %get3A_1046 : i32 to index
    %get3A_1049 = arith.index_cast %get3A_1047 : i32 to index
    %get3A_1050 = arith.constant 32 : index
    %get3A_1051 = tpu.vector_load %arg7[%get3A_1048, %get3A_1049, %get3A_1050] {strides = array<i32>} : memref<8x4x128xf32, #tpu.memory_space<vmem>>, vector<1x1x16xf32>,
    %get3A_1052 = vector.shape_cast %get3A_1051 : vector<1x1x16xf32> to vector<16xf32>
    %swap3A_1053 = arith.constant 3 : i32
    %swap3A_1054 = arith.constant 8 : i32
    %swap3A_1055 = arith.index_cast %swap3A_1053 : i32 to index
    %swap3A_1056 = arith.index_cast %swap3A_1054 : i32 to index
    %swap3A_1057 = arith.constant 32 : index
    %swap3A_1058 = tpu.vector_load %arg8[%swap3A_1055, %swap3A_1056, %swap3A_1057] {strides = array<i32>} : memref<8x9x128xf32, #tpu.memory_space<vmem>>, vector<1x1x16xf32>,
    %swap3A_1059 = vector.shape_cast %swap3A_1058 : vector<1x1x16xf32> to vector<16xf32>
    %swap3A_1060 = vector.shape_cast %get3A_1052 : vector<16xf32> to vector<1x1x16xf32>
    tpu.vector_store %arg8[%swap3A_1055, %swap3A_1056, %swap3A_1057], %swap3A_1060 {strides = array<i32>} : memref<8x9x128xf32, #tpu.memory_space<vmem>>, vector<1x1x16xf32>,
    %get3A_1061 = arith.constant 3 : i32
    %get3A_1062 = arith.constant 3 : i32
    %get3A_1063 = arith.index_cast %get3A_1061 : i32 to index
    %get3A_1064 = arith.index_cast %get3A_1062 : i32 to index
    %get3A_1065 = arith.constant 48 : index
    %get3A_1066 = tpu.vector_load %arg7[%get3A_1063, %get3A_1064, %get3A_1065] {strides = array<i32>} : memref<8x4x128xf32, #tpu.memory_space<vmem>>, vector<1x1x16xf32>,
    %get3A_1067 = vector.shape_cast %get3A_1066 : vector<1x1x16xf32> to vector<16xf32>
    %swap3A_1068 = arith.constant 3 : i32
    %swap3A_1069 = arith.constant 8 : i32
    %swap3A_1070 = arith.index_cast %swap3A_1068 : i32 to index
    %swap3A_1071 = arith.index_cast %swap3A_1069 : i32 to index
    %swap3A_1072 = arith.constant 48 : index
    %swap3A_1073 = tpu.vector_load %arg8[%swap3A_1070, %swap3A_1071, %swap3A_1072] {strides = array<i32>} : memref<8x9x128xf32, #tpu.memory_space<vmem>>, vector<1x1x16xf32>,
    %swap3A_1074 = vector.shape_cast %swap3A_1073 : vector<1x1x16xf32> to vector<16xf32>
    %swap3A_1075 = vector.shape_cast %get3A_1067 : vector<16xf32> to vector<1x1x16xf32>
    tpu.vector_store %arg8[%swap3A_1070, %swap3A_1071, %swap3A_1072], %swap3A_1075 {strides = array<i32>} : memref<8x9x128xf32, #tpu.memory_space<vmem>>, vector<1x1x16xf32>,
    %get3A_1076 = arith.constant 3 : i32
    %get3A_1077 = arith.constant 3 : i32
    %get3A_1078 = arith.index_cast %get3A_1076 : i32 to index
    %get3A_1079 = arith.index_cast %get3A_1077 : i32 to index
    %get3A_1080 = arith.constant 64 : index
    %get3A_1081 = tpu.vector_load %arg7[%get3A_1078, %get3A_1079, %get3A_1080] {strides = array<i32>} : memref<8x4x128xf32, #tpu.memory_space<vmem>>, vector<1x1x16xf32>,
    %get3A_1082 = vector.shape_cast %get3A_1081 : vector<1x1x16xf32> to vector<16xf32>
    %swap3A_1083 = arith.constant 3 : i32
    %swap3A_1084 = arith.constant 8 : i32
    %swap3A_1085 = arith.index_cast %swap3A_1083 : i32 to index
    %swap3A_1086 = arith.index_cast %swap3A_1084 : i32 to index
    %swap3A_1087 = arith.constant 64 : index
    %swap3A_1088 = tpu.vector_load %arg8[%swap3A_1085, %swap3A_1086, %swap3A_1087] {strides = array<i32>} : memref<8x9x128xf32, #tpu.memory_space<vmem>>, vector<1x1x16xf32>,
    %swap3A_1089 = vector.shape_cast %swap3A_1088 : vector<1x1x16xf32> to vector<16xf32>
    %swap3A_1090 = vector.shape_cast %get3A_1082 : vector<16xf32> to vector<1x1x16xf32>
    tpu.vector_store %arg8[%swap3A_1085, %swap3A_1086, %swap3A_1087], %swap3A_1090 {strides = array<i32>} : memref<8x9x128xf32, #tpu.memory_space<vmem>>, vector<1x1x16xf32>,
    %get3A_1091 = arith.constant 3 : i32
    %get3A_1092 = arith.constant 3 : i32
    %get3A_1093 = arith.index_cast %get3A_1091 : i32 to index
    %get3A_1094 = arith.index_cast %get3A_1092 : i32 to index
    %get3A_1095 = arith.constant 80 : index
    %get3A_1096 = tpu.vector_load %arg7[%get3A_1093, %get3A_1094, %get3A_1095] {strides = array<i32>} : memref<8x4x128xf32, #tpu.memory_space<vmem>>, vector<1x1x16xf32>,
    %get3A_1097 = vector.shape_cast %get3A_1096 : vector<1x1x16xf32> to vector<16xf32>
    %swap3A_1098 = arith.constant 3 : i32
    %swap3A_1099 = arith.constant 8 : i32
    %swap3A_1100 = arith.index_cast %swap3A_1098 : i32 to index
    %swap3A_1101 = arith.index_cast %swap3A_1099 : i32 to index
    %swap3A_1102 = arith.constant 80 : index
    %swap3A_1103 = tpu.vector_load %arg8[%swap3A_1100, %swap3A_1101, %swap3A_1102] {strides = array<i32>} : memref<8x9x128xf32, #tpu.memory_space<vmem>>, vector<1x1x16xf32>,
    %swap3A_1104 = vector.shape_cast %swap3A_1103 : vector<1x1x16xf32> to vector<16xf32>
    %swap3A_1105 = vector.shape_cast %get3A_1097 : vector<16xf32> to vector<1x1x16xf32>
    tpu.vector_store %arg8[%swap3A_1100, %swap3A_1101, %swap3A_1102], %swap3A_1105 {strides = array<i32>} : memref<8x9x128xf32, #tpu.memory_space<vmem>>, vector<1x1x16xf32>,
    %get3A_1106 = arith.constant 3 : i32
    %get3A_1107 = arith.constant 3 : i32
    %get3A_1108 = arith.index_cast %get3A_1106 : i32 to index
    %get3A_1109 = arith.index_cast %get3A_1107 : i32 to index
    %get3A_1110 = arith.constant 96 : index
    %get3A_1111 = tpu.vector_load %arg7[%get3A_1108, %get3A_1109, %get3A_1110] {strides = array<i32>} : memref<8x4x128xf32, #tpu.memory_space<vmem>>, vector<1x1x16xf32>,
    %get3A_1112 = vector.shape_cast %get3A_1111 : vector<1x1x16xf32> to vector<16xf32>
    %swap3A_1113 = arith.constant 3 : i32
    %swap3A_1114 = arith.constant 8 : i32
    %swap3A_1115 = arith.index_cast %swap3A_1113 : i32 to index
    %swap3A_1116 = arith.index_cast %swap3A_1114 : i32 to index
    %swap3A_1117 = arith.constant 96 : index
    %swap3A_1118 = tpu.vector_load %arg8[%swap3A_1115, %swap3A_1116, %swap3A_1117] {strides = array<i32>} : memref<8x9x128xf32, #tpu.memory_space<vmem>>, vector<1x1x16xf32>,
    %swap3A_1119 = vector.shape_cast %swap3A_1118 : vector<1x1x16xf32> to vector<16xf32>
    %swap3A_1120 = vector.shape_cast %get3A_1112 : vector<16xf32> to vector<1x1x16xf32>
    tpu.vector_store %arg8[%swap3A_1115, %swap3A_1116, %swap3A_1117], %swap3A_1120 {strides = array<i32>} : memref<8x9x128xf32, #tpu.memory_space<vmem>>, vector<1x1x16xf32>,
    %get3A_1121 = arith.constant 3 : i32
    %get3A_1122 = arith.constant 3 : i32
    %get3A_1123 = arith.index_cast %get3A_1121 : i32 to index
    %get3A_1124 = arith.index_cast %get3A_1122 : i32 to index
    %get3A_1125 = arith.constant 112 : index
    %get3A_1126 = tpu.vector_load %arg7[%get3A_1123, %get3A_1124, %get3A_1125] {strides = array<i32>} : memref<8x4x128xf32, #tpu.memory_space<vmem>>, vector<1x1x16xf32>,
    %get3A_1127 = vector.shape_cast %get3A_1126 : vector<1x1x16xf32> to vector<16xf32>
    %swap3A_1128 = arith.constant 3 : i32
    %swap3A_1129 = arith.constant 8 : i32
    %swap3A_1130 = arith.index_cast %swap3A_1128 : i32 to index
    %swap3A_1131 = arith.index_cast %swap3A_1129 : i32 to index
    %swap3A_1132 = arith.constant 112 : index
    %swap3A_1133 = tpu.vector_load %arg8[%swap3A_1130, %swap3A_1131, %swap3A_1132] {strides = array<i32>} : memref<8x9x128xf32, #tpu.memory_space<vmem>>, vector<1x1x16xf32>,
    %swap3A_1134 = vector.shape_cast %swap3A_1133 : vector<1x1x16xf32> to vector<16xf32>
    %swap3A_1135 = vector.shape_cast %get3A_1127 : vector<16xf32> to vector<1x1x16xf32>
    tpu.vector_store %arg8[%swap3A_1130, %swap3A_1131, %swap3A_1132], %swap3A_1135 {strides = array<i32>} : memref<8x9x128xf32, #tpu.memory_space<vmem>>, vector<1x1x16xf32>,
    %dma_start3A_1136 = arith.constant 3 : i32
    %dma_start3A_1137 = arith.constant 3 : i32
    %dma_start3A_1138 = arith.constant 1 : i32
    %dma_start3A_1139 = arith.constant 0 : i32
    %dma_start3A_1140 = tpu.memref_slice %arg8[%dma_start3A_1136, %dma_start3A_1138, %dma_start3A_1139] : memref<8x9x128xf32, #tpu.memory_space<vmem>> -> memref<1x8x128xf32, #tpu.memory_space<vmem>>
    %dma_start3A_1141 = tpu.memref_squeeze %dma_start3A_1140 : memref<1x8x128xf32, #tpu.memory_space<vmem>> -> memref<8x128xf32, #tpu.memory_space<vmem>>
    %dma_start3A_1142 = arith.constant 2040 : i32
    %dma_start3A_1143 = arith.constant 0 : i32
    %dma_start3A_1144 = tpu.memref_slice %arg4[%dma_start3A_1137, %arg1, %dma_start3A_1142, %dma_start3A_1143] : memref<8x16x2048x128xf32, #tpu.memory_space<hbm>> -> memref<1x1x8x128xf32, #tpu.memory_space<hbm>>
    %dma_start3A_1145 = tpu.memref_squeeze %dma_start3A_1144 : memref<1x1x8x128xf32, #tpu.memory_space<hbm>> -> memref<8x128xf32, #tpu.memory_space<hbm>>
    %dma_start3A_1146 = arith.constant 2040 : i32
    %dma_start3A_1147 = arith.constant 0 : i32
    %dma_start3A_1148 = tpu.memref_slice %arg4[%dma_start3A_1137, %arg1, %dma_start3A_1146, %dma_start3A_1147] : memref<8x16x2048x128xf32, #tpu.memory_space<hbm>> -> memref<1x1x8x128xf32, #tpu.memory_space<hbm>>
    %dma_start3A_1149 = tpu.memref_squeeze %dma_start3A_1148 : memref<1x1x8x128xf32, #tpu.memory_space<hbm>> -> memref<8x128xf32, #tpu.memory_space<hbm>>
    %dma_start3A_1150 = arith.constant 1 : i32
    %dma_start3A_1151 = arith.constant 0 : i32
    %dma_start3A_1152 = tpu.memref_slice %arg8[%dma_start3A_1136, %dma_start3A_1150, %dma_start3A_1151] : memref<8x9x128xf32, #tpu.memory_space<vmem>> -> memref<1x8x128xf32, #tpu.memory_space<vmem>>
    %dma_start3A_1153 = tpu.memref_squeeze %dma_start3A_1152 : memref<1x8x128xf32, #tpu.memory_space<vmem>> -> memref<8x128xf32, #tpu.memory_space<vmem>>
    tpu.enqueue_dma source(%dma_start3A_1153 : memref<8x128xf32, #tpu.memory_space<vmem>>) target(%dma_start3A_1149 : memref<8x128xf32, #tpu.memory_space<hbm>>) target_semaphore(%arg14 : memref<!tpu.dma_semaphore, #tpu.memory_space<semaphore_mem>>)
    %get3A_1154 = arith.constant 4 : i32
    %get3A_1155 = arith.constant 3 : i32
    %get3A_1156 = arith.index_cast %get3A_1154 : i32 to index
    %get3A_1157 = arith.index_cast %get3A_1155 : i32 to index
    %get3A_1158 = arith.constant 0 : index
    %get3A_1159 = tpu.vector_load %arg7[%get3A_1156, %get3A_1157, %get3A_1158] {strides = array<i32>} : memref<8x4x128xf32, #tpu.memory_space<vmem>>, vector<1x1x16xf32>,
    %get3A_1160 = vector.shape_cast %get3A_1159 : vector<1x1x16xf32> to vector<16xf32>
    %swap3A_1161 = arith.constant 4 : i32
    %swap3A_1162 = arith.constant 8 : i32
    %swap3A_1163 = arith.index_cast %swap3A_1161 : i32 to index
    %swap3A_1164 = arith.index_cast %swap3A_1162 : i32 to index
    %swap3A_1165 = arith.constant 0 : index
    %swap3A_1166 = tpu.vector_load %arg8[%swap3A_1163, %swap3A_1164, %swap3A_1165] {strides = array<i32>} : memref<8x9x128xf32, #tpu.memory_space<vmem>>, vector<1x1x16xf32>,
    %swap3A_1167 = vector.shape_cast %swap3A_1166 : vector<1x1x16xf32> to vector<16xf32>
    %swap3A_1168 = vector.shape_cast %get3A_1160 : vector<16xf32> to vector<1x1x16xf32>
    tpu.vector_store %arg8[%swap3A_1163, %swap3A_1164, %swap3A_1165], %swap3A_1168 {strides = array<i32>} : memref<8x9x128xf32, #tpu.memory_space<vmem>>, vector<1x1x16xf32>,
    %get3A_1169 = arith.constant 4 : i32
    %get3A_1170 = arith.constant 3 : i32
    %get3A_1171 = arith.index_cast %get3A_1169 : i32 to index
    %get3A_1172 = arith.index_cast %get3A_1170 : i32 to index
    %get3A_1173 = arith.constant 16 : index
    %get3A_1174 = tpu.vector_load %arg7[%get3A_1171, %get3A_1172, %get3A_1173] {strides = array<i32>} : memref<8x4x128xf32, #tpu.memory_space<vmem>>, vector<1x1x16xf32>,
    %get3A_1175 = vector.shape_cast %get3A_1174 : vector<1x1x16xf32> to vector<16xf32>
    %swap3A_1176 = arith.constant 4 : i32
    %swap3A_1177 = arith.constant 8 : i32
    %swap3A_1178 = arith.index_cast %swap3A_1176 : i32 to index
    %swap3A_1179 = arith.index_cast %swap3A_1177 : i32 to index
    %swap3A_1180 = arith.constant 16 : index
    %swap3A_1181 = tpu.vector_load %arg8[%swap3A_1178, %swap3A_1179, %swap3A_1180] {strides = array<i32>} : memref<8x9x128xf32, #tpu.memory_space<vmem>>, vector<1x1x16xf32>,
    %swap3A_1182 = vector.shape_cast %swap3A_1181 : vector<1x1x16xf32> to vector<16xf32>
    %swap3A_1183 = vector.shape_cast %get3A_1175 : vector<16xf32> to vector<1x1x16xf32>
    tpu.vector_store %arg8[%swap3A_1178, %swap3A_1179, %swap3A_1180], %swap3A_1183 {strides = array<i32>} : memref<8x9x128xf32, #tpu.memory_space<vmem>>, vector<1x1x16xf32>,
    %get3A_1184 = arith.constant 4 : i32
    %get3A_1185 = arith.constant 3 : i32
    %get3A_1186 = arith.index_cast %get3A_1184 : i32 to index
    %get3A_1187 = arith.index_cast %get3A_1185 : i32 to index
    %get3A_1188 = arith.constant 32 : index
    %get3A_1189 = tpu.vector_load %arg7[%get3A_1186, %get3A_1187, %get3A_1188] {strides = array<i32>} : memref<8x4x128xf32, #tpu.memory_space<vmem>>, vector<1x1x16xf32>,
    %get3A_1190 = vector.shape_cast %get3A_1189 : vector<1x1x16xf32> to vector<16xf32>
    %swap3A_1191 = arith.constant 4 : i32
    %swap3A_1192 = arith.constant 8 : i32
    %swap3A_1193 = arith.index_cast %swap3A_1191 : i32 to index
    %swap3A_1194 = arith.index_cast %swap3A_1192 : i32 to index
    %swap3A_1195 = arith.constant 32 : index
    %swap3A_1196 = tpu.vector_load %arg8[%swap3A_1193, %swap3A_1194, %swap3A_1195] {strides = array<i32>} : memref<8x9x128xf32, #tpu.memory_space<vmem>>, vector<1x1x16xf32>,
    %swap3A_1197 = vector.shape_cast %swap3A_1196 : vector<1x1x16xf32> to vector<16xf32>
    %swap3A_1198 = vector.shape_cast %get3A_1190 : vector<16xf32> to vector<1x1x16xf32>
    tpu.vector_store %arg8[%swap3A_1193, %swap3A_1194, %swap3A_1195], %swap3A_1198 {strides = array<i32>} : memref<8x9x128xf32, #tpu.memory_space<vmem>>, vector<1x1x16xf32>,
    %get3A_1199 = arith.constant 4 : i32
    %get3A_1200 = arith.constant 3 : i32
    %get3A_1201 = arith.index_cast %get3A_1199 : i32 to index
    %get3A_1202 = arith.index_cast %get3A_1200 : i32 to index
    %get3A_1203 = arith.constant 48 : index
    %get3A_1204 = tpu.vector_load %arg7[%get3A_1201, %get3A_1202, %get3A_1203] {strides = array<i32>} : memref<8x4x128xf32, #tpu.memory_space<vmem>>, vector<1x1x16xf32>,
    %get3A_1205 = vector.shape_cast %get3A_1204 : vector<1x1x16xf32> to vector<16xf32>
    %swap3A_1206 = arith.constant 4 : i32
    %swap3A_1207 = arith.constant 8 : i32
    %swap3A_1208 = arith.index_cast %swap3A_1206 : i32 to index
    %swap3A_1209 = arith.index_cast %swap3A_1207 : i32 to index
    %swap3A_1210 = arith.constant 48 : index
    %swap3A_1211 = tpu.vector_load %arg8[%swap3A_1208, %swap3A_1209, %swap3A_1210] {strides = array<i32>} : memref<8x9x128xf32, #tpu.memory_space<vmem>>, vector<1x1x16xf32>,
    %swap3A_1212 = vector.shape_cast %swap3A_1211 : vector<1x1x16xf32> to vector<16xf32>
    %swap3A_1213 = vector.shape_cast %get3A_1205 : vector<16xf32> to vector<1x1x16xf32>
    tpu.vector_store %arg8[%swap3A_1208, %swap3A_1209, %swap3A_1210], %swap3A_1213 {strides = array<i32>} : memref<8x9x128xf32, #tpu.memory_space<vmem>>, vector<1x1x16xf32>,
    %get3A_1214 = arith.constant 4 : i32
    %get3A_1215 = arith.constant 3 : i32
    %get3A_1216 = arith.index_cast %get3A_1214 : i32 to index
    %get3A_1217 = arith.index_cast %get3A_1215 : i32 to index
    %get3A_1218 = arith.constant 64 : index
    %get3A_1219 = tpu.vector_load %arg7[%get3A_1216, %get3A_1217, %get3A_1218] {strides = array<i32>} : memref<8x4x128xf32, #tpu.memory_space<vmem>>, vector<1x1x16xf32>,
    %get3A_1220 = vector.shape_cast %get3A_1219 : vector<1x1x16xf32> to vector<16xf32>
    %swap3A_1221 = arith.constant 4 : i32
    %swap3A_1222 = arith.constant 8 : i32
    %swap3A_1223 = arith.index_cast %swap3A_1221 : i32 to index
    %swap3A_1224 = arith.index_cast %swap3A_1222 : i32 to index
    %swap3A_1225 = arith.constant 64 : index
    %swap3A_1226 = tpu.vector_load %arg8[%swap3A_1223, %swap3A_1224, %swap3A_1225] {strides = array<i32>} : memref<8x9x128xf32, #tpu.memory_space<vmem>>, vector<1x1x16xf32>,
    %swap3A_1227 = vector.shape_cast %swap3A_1226 : vector<1x1x16xf32> to vector<16xf32>
    %swap3A_1228 = vector.shape_cast %get3A_1220 : vector<16xf32> to vector<1x1x16xf32>
    tpu.vector_store %arg8[%swap3A_1223, %swap3A_1224, %swap3A_1225], %swap3A_1228 {strides = array<i32>} : memref<8x9x128xf32, #tpu.memory_space<vmem>>, vector<1x1x16xf32>,
    %get3A_1229 = arith.constant 4 : i32
    %get3A_1230 = arith.constant 3 : i32
    %get3A_1231 = arith.index_cast %get3A_1229 : i32 to index
    %get3A_1232 = arith.index_cast %get3A_1230 : i32 to index
    %get3A_1233 = arith.constant 80 : index
    %get3A_1234 = tpu.vector_load %arg7[%get3A_1231, %get3A_1232, %get3A_1233] {strides = array<i32>} : memref<8x4x128xf32, #tpu.memory_space<vmem>>, vector<1x1x16xf32>,
    %get3A_1235 = vector.shape_cast %get3A_1234 : vector<1x1x16xf32> to vector<16xf32>
    %swap3A_1236 = arith.constant 4 : i32
    %swap3A_1237 = arith.constant 8 : i32
    %swap3A_1238 = arith.index_cast %swap3A_1236 : i32 to index
    %swap3A_1239 = arith.index_cast %swap3A_1237 : i32 to index
    %swap3A_1240 = arith.constant 80 : index
    %swap3A_1241 = tpu.vector_load %arg8[%swap3A_1238, %swap3A_1239, %swap3A_1240] {strides = array<i32>} : memref<8x9x128xf32, #tpu.memory_space<vmem>>, vector<1x1x16xf32>,
    %swap3A_1242 = vector.shape_cast %swap3A_1241 : vector<1x1x16xf32> to vector<16xf32>
    %swap3A_1243 = vector.shape_cast %get3A_1235 : vector<16xf32> to vector<1x1x16xf32>
    tpu.vector_store %arg8[%swap3A_1238, %swap3A_1239, %swap3A_1240], %swap3A_1243 {strides = array<i32>} : memref<8x9x128xf32, #tpu.memory_space<vmem>>, vector<1x1x16xf32>,
    %get3A_1244 = arith.constant 4 : i32
    %get3A_1245 = arith.constant 3 : i32
    %get3A_1246 = arith.index_cast %get3A_1244 : i32 to index
    %get3A_1247 = arith.index_cast %get3A_1245 : i32 to index
    %get3A_1248 = arith.constant 96 : index
    %get3A_1249 = tpu.vector_load %arg7[%get3A_1246, %get3A_1247, %get3A_1248] {strides = array<i32>} : memref<8x4x128xf32, #tpu.memory_space<vmem>>, vector<1x1x16xf32>,
    %get3A_1250 = vector.shape_cast %get3A_1249 : vector<1x1x16xf32> to vector<16xf32>
    %swap3A_1251 = arith.constant 4 : i32
    %swap3A_1252 = arith.constant 8 : i32
    %swap3A_1253 = arith.index_cast %swap3A_1251 : i32 to index
    %swap3A_1254 = arith.index_cast %swap3A_1252 : i32 to index
    %swap3A_1255 = arith.constant 96 : index
    %swap3A_1256 = tpu.vector_load %arg8[%swap3A_1253, %swap3A_1254, %swap3A_1255] {strides = array<i32>} : memref<8x9x128xf32, #tpu.memory_space<vmem>>, vector<1x1x16xf32>,
    %swap3A_1257 = vector.shape_cast %swap3A_1256 : vector<1x1x16xf32> to vector<16xf32>
    %swap3A_1258 = vector.shape_cast %get3A_1250 : vector<16xf32> to vector<1x1x16xf32>
    tpu.vector_store %arg8[%swap3A_1253, %swap3A_1254, %swap3A_1255], %swap3A_1258 {strides = array<i32>} : memref<8x9x128xf32, #tpu.memory_space<vmem>>, vector<1x1x16xf32>,
    %get3A_1259 = arith.constant 4 : i32
    %get3A_1260 = arith.constant 3 : i32
    %get3A_1261 = arith.index_cast %get3A_1259 : i32 to index
    %get3A_1262 = arith.index_cast %get3A_1260 : i32 to index
    %get3A_1263 = arith.constant 112 : index
    %get3A_1264 = tpu.vector_load %arg7[%get3A_1261, %get3A_1262, %get3A_1263] {strides = array<i32>} : memref<8x4x128xf32, #tpu.memory_space<vmem>>, vector<1x1x16xf32>,
    %get3A_1265 = vector.shape_cast %get3A_1264 : vector<1x1x16xf32> to vector<16xf32>
    %swap3A_1266 = arith.constant 4 : i32
    %swap3A_1267 = arith.constant 8 : i32
    %swap3A_1268 = arith.index_cast %swap3A_1266 : i32 to index
    %swap3A_1269 = arith.index_cast %swap3A_1267 : i32 to index
    %swap3A_1270 = arith.constant 112 : index
    %swap3A_1271 = tpu.vector_load %arg8[%swap3A_1268, %swap3A_1269, %swap3A_1270] {strides = array<i32>} : memref<8x9x128xf32, #tpu.memory_space<vmem>>, vector<1x1x16xf32>,
    %swap3A_1272 = vector.shape_cast %swap3A_1271 : vector<1x1x16xf32> to vector<16xf32>
    %swap3A_1273 = vector.shape_cast %get3A_1265 : vector<16xf32> to vector<1x1x16xf32>
    tpu.vector_store %arg8[%swap3A_1268, %swap3A_1269, %swap3A_1270], %swap3A_1273 {strides = array<i32>} : memref<8x9x128xf32, #tpu.memory_space<vmem>>, vector<1x1x16xf32>,
    %dma_start3A_1274 = arith.constant 4 : i32
    %dma_start3A_1275 = arith.constant 4 : i32
    %dma_start3A_1276 = arith.constant 1 : i32
    %dma_start3A_1277 = arith.constant 0 : i32
    %dma_start3A_1278 = tpu.memref_slice %arg8[%dma_start3A_1274, %dma_start3A_1276, %dma_start3A_1277] : memref<8x9x128xf32, #tpu.memory_space<vmem>> -> memref<1x8x128xf32, #tpu.memory_space<vmem>>
    %dma_start3A_1279 = tpu.memref_squeeze %dma_start3A_1278 : memref<1x8x128xf32, #tpu.memory_space<vmem>> -> memref<8x128xf32, #tpu.memory_space<vmem>>
    %dma_start3A_1280 = arith.constant 2040 : i32
    %dma_start3A_1281 = arith.constant 0 : i32
    %dma_start3A_1282 = tpu.memref_slice %arg4[%dma_start3A_1275, %arg1, %dma_start3A_1280, %dma_start3A_1281] : memref<8x16x2048x128xf32, #tpu.memory_space<hbm>> -> memref<1x1x8x128xf32, #tpu.memory_space<hbm>>
    %dma_start3A_1283 = tpu.memref_squeeze %dma_start3A_1282 : memref<1x1x8x128xf32, #tpu.memory_space<hbm>> -> memref<8x128xf32, #tpu.memory_space<hbm>>
    %dma_start3A_1284 = arith.constant 2040 : i32
    %dma_start3A_1285 = arith.constant 0 : i32
    %dma_start3A_1286 = tpu.memref_slice %arg4[%dma_start3A_1275, %arg1, %dma_start3A_1284, %dma_start3A_1285] : memref<8x16x2048x128xf32, #tpu.memory_space<hbm>> -> memref<1x1x8x128xf32, #tpu.memory_space<hbm>>
    %dma_start3A_1287 = tpu.memref_squeeze %dma_start3A_1286 : memref<1x1x8x128xf32, #tpu.memory_space<hbm>> -> memref<8x128xf32, #tpu.memory_space<hbm>>
    %dma_start3A_1288 = arith.constant 1 : i32
    %dma_start3A_1289 = arith.constant 0 : i32
    %dma_start3A_1290 = tpu.memref_slice %arg8[%dma_start3A_1274, %dma_start3A_1288, %dma_start3A_1289] : memref<8x9x128xf32, #tpu.memory_space<vmem>> -> memref<1x8x128xf32, #tpu.memory_space<vmem>>
    %dma_start3A_1291 = tpu.memref_squeeze %dma_start3A_1290 : memref<1x8x128xf32, #tpu.memory_space<vmem>> -> memref<8x128xf32, #tpu.memory_space<vmem>>
    tpu.enqueue_dma source(%dma_start3A_1291 : memref<8x128xf32, #tpu.memory_space<vmem>>) target(%dma_start3A_1287 : memref<8x128xf32, #tpu.memory_space<hbm>>) target_semaphore(%arg14 : memref<!tpu.dma_semaphore, #tpu.memory_space<semaphore_mem>>)
    %get3A_1292 = arith.constant 5 : i32
    %get3A_1293 = arith.constant 3 : i32
    %get3A_1294 = arith.index_cast %get3A_1292 : i32 to index
    %get3A_1295 = arith.index_cast %get3A_1293 : i32 to index
    %get3A_1296 = arith.constant 0 : index
    %get3A_1297 = tpu.vector_load %arg7[%get3A_1294, %get3A_1295, %get3A_1296] {strides = array<i32>} : memref<8x4x128xf32, #tpu.memory_space<vmem>>, vector<1x1x16xf32>,
    %get3A_1298 = vector.shape_cast %get3A_1297 : vector<1x1x16xf32> to vector<16xf32>
    %swap3A_1299 = arith.constant 5 : i32
    %swap3A_1300 = arith.constant 8 : i32
    %swap3A_1301 = arith.index_cast %swap3A_1299 : i32 to index
    %swap3A_1302 = arith.index_cast %swap3A_1300 : i32 to index
    %swap3A_1303 = arith.constant 0 : index
    %swap3A_1304 = tpu.vector_load %arg8[%swap3A_1301, %swap3A_1302, %swap3A_1303] {strides = array<i32>} : memref<8x9x128xf32, #tpu.memory_space<vmem>>, vector<1x1x16xf32>,
    %swap3A_1305 = vector.shape_cast %swap3A_1304 : vector<1x1x16xf32> to vector<16xf32>
    %swap3A_1306 = vector.shape_cast %get3A_1298 : vector<16xf32> to vector<1x1x16xf32>
    tpu.vector_store %arg8[%swap3A_1301, %swap3A_1302, %swap3A_1303], %swap3A_1306 {strides = array<i32>} : memref<8x9x128xf32, #tpu.memory_space<vmem>>, vector<1x1x16xf32>,
    %get3A_1307 = arith.constant 5 : i32
    %get3A_1308 = arith.constant 3 : i32
    %get3A_1309 = arith.index_cast %get3A_1307 : i32 to index
    %get3A_1310 = arith.index_cast %get3A_1308 : i32 to index
    %get3A_1311 = arith.constant 16 : index
    %get3A_1312 = tpu.vector_load %arg7[%get3A_1309, %get3A_1310, %get3A_1311] {strides = array<i32>} : memref<8x4x128xf32, #tpu.memory_space<vmem>>, vector<1x1x16xf32>,
    %get3A_1313 = vector.shape_cast %get3A_1312 : vector<1x1x16xf32> to vector<16xf32>
    %swap3A_1314 = arith.constant 5 : i32
    %swap3A_1315 = arith.constant 8 : i32
    %swap3A_1316 = arith.index_cast %swap3A_1314 : i32 to index
    %swap3A_1317 = arith.index_cast %swap3A_1315 : i32 to index
    %swap3A_1318 = arith.constant 16 : index
    %swap3A_1319 = tpu.vector_load %arg8[%swap3A_1316, %swap3A_1317, %swap3A_1318] {strides = array<i32>} : memref<8x9x128xf32, #tpu.memory_space<vmem>>, vector<1x1x16xf32>,
    %swap3A_1320 = vector.shape_cast %swap3A_1319 : vector<1x1x16xf32> to vector<16xf32>
    %swap3A_1321 = vector.shape_cast %get3A_1313 : vector<16xf32> to vector<1x1x16xf32>
    tpu.vector_store %arg8[%swap3A_1316, %swap3A_1317, %swap3A_1318], %swap3A_1321 {strides = array<i32>} : memref<8x9x128xf32, #tpu.memory_space<vmem>>, vector<1x1x16xf32>,
    %get3A_1322 = arith.constant 5 : i32
    %get3A_1323 = arith.constant 3 : i32
    %get3A_1324 = arith.index_cast %get3A_1322 : i32 to index
    %get3A_1325 = arith.index_cast %get3A_1323 : i32 to index
    %get3A_1326 = arith.constant 32 : index
    %get3A_1327 = tpu.vector_load %arg7[%get3A_1324, %get3A_1325, %get3A_1326] {strides = array<i32>} : memref<8x4x128xf32, #tpu.memory_space<vmem>>, vector<1x1x16xf32>,
    %get3A_1328 = vector.shape_cast %get3A_1327 : vector<1x1x16xf32> to vector<16xf32>
    %swap3A_1329 = arith.constant 5 : i32
    %swap3A_1330 = arith.constant 8 : i32
    %swap3A_1331 = arith.index_cast %swap3A_1329 : i32 to index
    %swap3A_1332 = arith.index_cast %swap3A_1330 : i32 to index
    %swap3A_1333 = arith.constant 32 : index
    %swap3A_1334 = tpu.vector_load %arg8[%swap3A_1331, %swap3A_1332, %swap3A_1333] {strides = array<i32>} : memref<8x9x128xf32, #tpu.memory_space<vmem>>, vector<1x1x16xf32>,
    %swap3A_1335 = vector.shape_cast %swap3A_1334 : vector<1x1x16xf32> to vector<16xf32>
    %swap3A_1336 = vector.shape_cast %get3A_1328 : vector<16xf32> to vector<1x1x16xf32>
    tpu.vector_store %arg8[%swap3A_1331, %swap3A_1332, %swap3A_1333], %swap3A_1336 {strides = array<i32>} : memref<8x9x128xf32, #tpu.memory_space<vmem>>, vector<1x1x16xf32>,
    %get3A_1337 = arith.constant 5 : i32
    %get3A_1338 = arith.constant 3 : i32
    %get3A_1339 = arith.index_cast %get3A_1337 : i32 to index
    %get3A_1340 = arith.index_cast %get3A_1338 : i32 to index
    %get3A_1341 = arith.constant 48 : index
    %get3A_1342 = tpu.vector_load %arg7[%get3A_1339, %get3A_1340, %get3A_1341] {strides = array<i32>} : memref<8x4x128xf32, #tpu.memory_space<vmem>>, vector<1x1x16xf32>,
    %get3A_1343 = vector.shape_cast %get3A_1342 : vector<1x1x16xf32> to vector<16xf32>
    %swap3A_1344 = arith.constant 5 : i32
    %swap3A_1345 = arith.constant 8 : i32
    %swap3A_1346 = arith.index_cast %swap3A_1344 : i32 to index
    %swap3A_1347 = arith.index_cast %swap3A_1345 : i32 to index
    %swap3A_1348 = arith.constant 48 : index
    %swap3A_1349 = tpu.vector_load %arg8[%swap3A_1346, %swap3A_1347, %swap3A_1348] {strides = array<i32>} : memref<8x9x128xf32, #tpu.memory_space<vmem>>, vector<1x1x16xf32>,
    %swap3A_1350 = vector.shape_cast %swap3A_1349 : vector<1x1x16xf32> to vector<16xf32>
    %swap3A_1351 = vector.shape_cast %get3A_1343 : vector<16xf32> to vector<1x1x16xf32>
    tpu.vector_store %arg8[%swap3A_1346, %swap3A_1347, %swap3A_1348], %swap3A_1351 {strides = array<i32>} : memref<8x9x128xf32, #tpu.memory_space<vmem>>, vector<1x1x16xf32>,
    %get3A_1352 = arith.constant 5 : i32
    %get3A_1353 = arith.constant 3 : i32
    %get3A_1354 = arith.index_cast %get3A_1352 : i32 to index
    %get3A_1355 = arith.index_cast %get3A_1353 : i32 to index
    %get3A_1356 = arith.constant 64 : index
    %get3A_1357 = tpu.vector_load %arg7[%get3A_1354, %get3A_1355, %get3A_1356] {strides = array<i32>} : memref<8x4x128xf32, #tpu.memory_space<vmem>>, vector<1x1x16xf32>,
    %get3A_1358 = vector.shape_cast %get3A_1357 : vector<1x1x16xf32> to vector<16xf32>
    %swap3A_1359 = arith.constant 5 : i32
    %swap3A_1360 = arith.constant 8 : i32
    %swap3A_1361 = arith.index_cast %swap3A_1359 : i32 to index
    %swap3A_1362 = arith.index_cast %swap3A_1360 : i32 to index
    %swap3A_1363 = arith.constant 64 : index
    %swap3A_1364 = tpu.vector_load %arg8[%swap3A_1361, %swap3A_1362, %swap3A_1363] {strides = array<i32>} : memref<8x9x128xf32, #tpu.memory_space<vmem>>, vector<1x1x16xf32>,
    %swap3A_1365 = vector.shape_cast %swap3A_1364 : vector<1x1x16xf32> to vector<16xf32>
    %swap3A_1366 = vector.shape_cast %get3A_1358 : vector<16xf32> to vector<1x1x16xf32>
    tpu.vector_store %arg8[%swap3A_1361, %swap3A_1362, %swap3A_1363], %swap3A_1366 {strides = array<i32>} : memref<8x9x128xf32, #tpu.memory_space<vmem>>, vector<1x1x16xf32>,
    %get3A_1367 = arith.constant 5 : i32
    %get3A_1368 = arith.constant 3 : i32
    %get3A_1369 = arith.index_cast %get3A_1367 : i32 to index
    %get3A_1370 = arith.index_cast %get3A_1368 : i32 to index
    %get3A_1371 = arith.constant 80 : index
    %get3A_1372 = tpu.vector_load %arg7[%get3A_1369, %get3A_1370, %get3A_1371] {strides = array<i32>} : memref<8x4x128xf32, #tpu.memory_space<vmem>>, vector<1x1x16xf32>,
    %get3A_1373 = vector.shape_cast %get3A_1372 : vector<1x1x16xf32> to vector<16xf32>
    %swap3A_1374 = arith.constant 5 : i32
    %swap3A_1375 = arith.constant 8 : i32
    %swap3A_1376 = arith.index_cast %swap3A_1374 : i32 to index
    %swap3A_1377 = arith.index_cast %swap3A_1375 : i32 to index
    %swap3A_1378 = arith.constant 80 : index
    %swap3A_1379 = tpu.vector_load %arg8[%swap3A_1376, %swap3A_1377, %swap3A_1378] {strides = array<i32>} : memref<8x9x128xf32, #tpu.memory_space<vmem>>, vector<1x1x16xf32>,
    %swap3A_1380 = vector.shape_cast %swap3A_1379 : vector<1x1x16xf32> to vector<16xf32>
    %swap3A_1381 = vector.shape_cast %get3A_1373 : vector<16xf32> to vector<1x1x16xf32>
    tpu.vector_store %arg8[%swap3A_1376, %swap3A_1377, %swap3A_1378], %swap3A_1381 {strides = array<i32>} : memref<8x9x128xf32, #tpu.memory_space<vmem>>, vector<1x1x16xf32>,
    %get3A_1382 = arith.constant 5 : i32
    %get3A_1383 = arith.constant 3 : i32
    %get3A_1384 = arith.index_cast %get3A_1382 : i32 to index
    %get3A_1385 = arith.index_cast %get3A_1383 : i32 to index
    %get3A_1386 = arith.constant 96 : index
    %get3A_1387 = tpu.vector_load %arg7[%get3A_1384, %get3A_1385, %get3A_1386] {strides = array<i32>} : memref<8x4x128xf32, #tpu.memory_space<vmem>>, vector<1x1x16xf32>,
    %get3A_1388 = vector.shape_cast %get3A_1387 : vector<1x1x16xf32> to vector<16xf32>
    %swap3A_1389 = arith.constant 5 : i32
    %swap3A_1390 = arith.constant 8 : i32
    %swap3A_1391 = arith.index_cast %swap3A_1389 : i32 to index
    %swap3A_1392 = arith.index_cast %swap3A_1390 : i32 to index
    %swap3A_1393 = arith.constant 96 : index
    %swap3A_1394 = tpu.vector_load %arg8[%swap3A_1391, %swap3A_1392, %swap3A_1393] {strides = array<i32>} : memref<8x9x128xf32, #tpu.memory_space<vmem>>, vector<1x1x16xf32>,
    %swap3A_1395 = vector.shape_cast %swap3A_1394 : vector<1x1x16xf32> to vector<16xf32>
    %swap3A_1396 = vector.shape_cast %get3A_1388 : vector<16xf32> to vector<1x1x16xf32>
    tpu.vector_store %arg8[%swap3A_1391, %swap3A_1392, %swap3A_1393], %swap3A_1396 {strides = array<i32>} : memref<8x9x128xf32, #tpu.memory_space<vmem>>, vector<1x1x16xf32>,
    %get3A_1397 = arith.constant 5 : i32
    %get3A_1398 = arith.constant 3 : i32
    %get3A_1399 = arith.index_cast %get3A_1397 : i32 to index
    %get3A_1400 = arith.index_cast %get3A_1398 : i32 to index
    %get3A_1401 = arith.constant 112 : index
    %get3A_1402 = tpu.vector_load %arg7[%get3A_1399, %get3A_1400, %get3A_1401] {strides = array<i32>} : memref<8x4x128xf32, #tpu.memory_space<vmem>>, vector<1x1x16xf32>,
    %get3A_1403 = vector.shape_cast %get3A_1402 : vector<1x1x16xf32> to vector<16xf32>
    %swap3A_1404 = arith.constant 5 : i32
    %swap3A_1405 = arith.constant 8 : i32
    %swap3A_1406 = arith.index_cast %swap3A_1404 : i32 to index
    %swap3A_1407 = arith.index_cast %swap3A_1405 : i32 to index
    %swap3A_1408 = arith.constant 112 : index
    %swap3A_1409 = tpu.vector_load %arg8[%swap3A_1406, %swap3A_1407, %swap3A_1408] {strides = array<i32>} : memref<8x9x128xf32, #tpu.memory_space<vmem>>, vector<1x1x16xf32>,
    %swap3A_1410 = vector.shape_cast %swap3A_1409 : vector<1x1x16xf32> to vector<16xf32>
    %swap3A_1411 = vector.shape_cast %get3A_1403 : vector<16xf32> to vector<1x1x16xf32>
    tpu.vector_store %arg8[%swap3A_1406, %swap3A_1407, %swap3A_1408], %swap3A_1411 {strides = array<i32>} : memref<8x9x128xf32, #tpu.memory_space<vmem>>, vector<1x1x16xf32>,
    %dma_start3A_1412 = arith.constant 5 : i32
    %dma_start3A_1413 = arith.constant 5 : i32
    %dma_start3A_1414 = arith.constant 1 : i32
    %dma_start3A_1415 = arith.constant 0 : i32
    %dma_start3A_1416 = tpu.memref_slice %arg8[%dma_start3A_1412, %dma_start3A_1414, %dma_start3A_1415] : memref<8x9x128xf32, #tpu.memory_space<vmem>> -> memref<1x8x128xf32, #tpu.memory_space<vmem>>
    %dma_start3A_1417 = tpu.memref_squeeze %dma_start3A_1416 : memref<1x8x128xf32, #tpu.memory_space<vmem>> -> memref<8x128xf32, #tpu.memory_space<vmem>>
    %dma_start3A_1418 = arith.constant 2040 : i32
    %dma_start3A_1419 = arith.constant 0 : i32
    %dma_start3A_1420 = tpu.memref_slice %arg4[%dma_start3A_1413, %arg1, %dma_start3A_1418, %dma_start3A_1419] : memref<8x16x2048x128xf32, #tpu.memory_space<hbm>> -> memref<1x1x8x128xf32, #tpu.memory_space<hbm>>
    %dma_start3A_1421 = tpu.memref_squeeze %dma_start3A_1420 : memref<1x1x8x128xf32, #tpu.memory_space<hbm>> -> memref<8x128xf32, #tpu.memory_space<hbm>>
    %dma_start3A_1422 = arith.constant 2040 : i32
    %dma_start3A_1423 = arith.constant 0 : i32
    %dma_start3A_1424 = tpu.memref_slice %arg4[%dma_start3A_1413, %arg1, %dma_start3A_1422, %dma_start3A_1423] : memref<8x16x2048x128xf32, #tpu.memory_space<hbm>> -> memref<1x1x8x128xf32, #tpu.memory_space<hbm>>
    %dma_start3A_1425 = tpu.memref_squeeze %dma_start3A_1424 : memref<1x1x8x128xf32, #tpu.memory_space<hbm>> -> memref<8x128xf32, #tpu.memory_space<hbm>>
    %dma_start3A_1426 = arith.constant 1 : i32
    %dma_start3A_1427 = arith.constant 0 : i32
    %dma_start3A_1428 = tpu.memref_slice %arg8[%dma_start3A_1412, %dma_start3A_1426, %dma_start3A_1427] : memref<8x9x128xf32, #tpu.memory_space<vmem>> -> memref<1x8x128xf32, #tpu.memory_space<vmem>>
    %dma_start3A_1429 = tpu.memref_squeeze %dma_start3A_1428 : memref<1x8x128xf32, #tpu.memory_space<vmem>> -> memref<8x128xf32, #tpu.memory_space<vmem>>
    tpu.enqueue_dma source(%dma_start3A_1429 : memref<8x128xf32, #tpu.memory_space<vmem>>) target(%dma_start3A_1425 : memref<8x128xf32, #tpu.memory_space<hbm>>) target_semaphore(%arg14 : memref<!tpu.dma_semaphore, #tpu.memory_space<semaphore_mem>>)
    %get3A_1430 = arith.constant 6 : i32
    %get3A_1431 = arith.constant 3 : i32
    %get3A_1432 = arith.index_cast %get3A_1430 : i32 to index
    %get3A_1433 = arith.index_cast %get3A_1431 : i32 to index
    %get3A_1434 = arith.constant 0 : index
    %get3A_1435 = tpu.vector_load %arg7[%get3A_1432, %get3A_1433, %get3A_1434] {strides = array<i32>} : memref<8x4x128xf32, #tpu.memory_space<vmem>>, vector<1x1x16xf32>,
    %get3A_1436 = vector.shape_cast %get3A_1435 : vector<1x1x16xf32> to vector<16xf32>
    %swap3A_1437 = arith.constant 6 : i32
    %swap3A_1438 = arith.constant 8 : i32
    %swap3A_1439 = arith.index_cast %swap3A_1437 : i32 to index
    %swap3A_1440 = arith.index_cast %swap3A_1438 : i32 to index
    %swap3A_1441 = arith.constant 0 : index
    %swap3A_1442 = tpu.vector_load %arg8[%swap3A_1439, %swap3A_1440, %swap3A_1441] {strides = array<i32>} : memref<8x9x128xf32, #tpu.memory_space<vmem>>, vector<1x1x16xf32>,
    %swap3A_1443 = vector.shape_cast %swap3A_1442 : vector<1x1x16xf32> to vector<16xf32>
    %swap3A_1444 = vector.shape_cast %get3A_1436 : vector<16xf32> to vector<1x1x16xf32>
    tpu.vector_store %arg8[%swap3A_1439, %swap3A_1440, %swap3A_1441], %swap3A_1444 {strides = array<i32>} : memref<8x9x128xf32, #tpu.memory_space<vmem>>, vector<1x1x16xf32>,
    %get3A_1445 = arith.constant 6 : i32
    %get3A_1446 = arith.constant 3 : i32
    %get3A_1447 = arith.index_cast %get3A_1445 : i32 to index
    %get3A_1448 = arith.index_cast %get3A_1446 : i32 to index
    %get3A_1449 = arith.constant 16 : index
    %get3A_1450 = tpu.vector_load %arg7[%get3A_1447, %get3A_1448, %get3A_1449] {strides = array<i32>} : memref<8x4x128xf32, #tpu.memory_space<vmem>>, vector<1x1x16xf32>,
    %get3A_1451 = vector.shape_cast %get3A_1450 : vector<1x1x16xf32> to vector<16xf32>
    %swap3A_1452 = arith.constant 6 : i32
    %swap3A_1453 = arith.constant 8 : i32
    %swap3A_1454 = arith.index_cast %swap3A_1452 : i32 to index
    %swap3A_1455 = arith.index_cast %swap3A_1453 : i32 to index
    %swap3A_1456 = arith.constant 16 : index
    %swap3A_1457 = tpu.vector_load %arg8[%swap3A_1454, %swap3A_1455, %swap3A_1456] {strides = array<i32>} : memref<8x9x128xf32, #tpu.memory_space<vmem>>, vector<1x1x16xf32>,
    %swap3A_1458 = vector.shape_cast %swap3A_1457 : vector<1x1x16xf32> to vector<16xf32>
    %swap3A_1459 = vector.shape_cast %get3A_1451 : vector<16xf32> to vector<1x1x16xf32>
    tpu.vector_store %arg8[%swap3A_1454, %swap3A_1455, %swap3A_1456], %swap3A_1459 {strides = array<i32>} : memref<8x9x128xf32, #tpu.memory_space<vmem>>, vector<1x1x16xf32>,
    %get3A_1460 = arith.constant 6 : i32
    %get3A_1461 = arith.constant 3 : i32
    %get3A_1462 = arith.index_cast %get3A_1460 : i32 to index
    %get3A_1463 = arith.index_cast %get3A_1461 : i32 to index
    %get3A_1464 = arith.constant 32 : index
    %get3A_1465 = tpu.vector_load %arg7[%get3A_1462, %get3A_1463, %get3A_1464] {strides = array<i32>} : memref<8x4x128xf32, #tpu.memory_space<vmem>>, vector<1x1x16xf32>,
    %get3A_1466 = vector.shape_cast %get3A_1465 : vector<1x1x16xf32> to vector<16xf32>
    %swap3A_1467 = arith.constant 6 : i32
    %swap3A_1468 = arith.constant 8 : i32
    %swap3A_1469 = arith.index_cast %swap3A_1467 : i32 to index
    %swap3A_1470 = arith.index_cast %swap3A_1468 : i32 to index
    %swap3A_1471 = arith.constant 32 : index
    %swap3A_1472 = tpu.vector_load %arg8[%swap3A_1469, %swap3A_1470, %swap3A_1471] {strides = array<i32>} : memref<8x9x128xf32, #tpu.memory_space<vmem>>, vector<1x1x16xf32>,
    %swap3A_1473 = vector.shape_cast %swap3A_1472 : vector<1x1x16xf32> to vector<16xf32>
    %swap3A_1474 = vector.shape_cast %get3A_1466 : vector<16xf32> to vector<1x1x16xf32>
    tpu.vector_store %arg8[%swap3A_1469, %swap3A_1470, %swap3A_1471], %swap3A_1474 {strides = array<i32>} : memref<8x9x128xf32, #tpu.memory_space<vmem>>, vector<1x1x16xf32>,
    %get3A_1475 = arith.constant 6 : i32
    %get3A_1476 = arith.constant 3 : i32
    %get3A_1477 = arith.index_cast %get3A_1475 : i32 to index
    %get3A_1478 = arith.index_cast %get3A_1476 : i32 to index
    %get3A_1479 = arith.constant 48 : index
    %get3A_1480 = tpu.vector_load %arg7[%get3A_1477, %get3A_1478, %get3A_1479] {strides = array<i32>} : memref<8x4x128xf32, #tpu.memory_space<vmem>>, vector<1x1x16xf32>,
    %get3A_1481 = vector.shape_cast %get3A_1480 : vector<1x1x16xf32> to vector<16xf32>
    %swap3A_1482 = arith.constant 6 : i32
    %swap3A_1483 = arith.constant 8 : i32
    %swap3A_1484 = arith.index_cast %swap3A_1482 : i32 to index
    %swap3A_1485 = arith.index_cast %swap3A_1483 : i32 to index
    %swap3A_1486 = arith.constant 48 : index
    %swap3A_1487 = tpu.vector_load %arg8[%swap3A_1484, %swap3A_1485, %swap3A_1486] {strides = array<i32>} : memref<8x9x128xf32, #tpu.memory_space<vmem>>, vector<1x1x16xf32>,
    %swap3A_1488 = vector.shape_cast %swap3A_1487 : vector<1x1x16xf32> to vector<16xf32>
    %swap3A_1489 = vector.shape_cast %get3A_1481 : vector<16xf32> to vector<1x1x16xf32>
    tpu.vector_store %arg8[%swap3A_1484, %swap3A_1485, %swap3A_1486], %swap3A_1489 {strides = array<i32>} : memref<8x9x128xf32, #tpu.memory_space<vmem>>, vector<1x1x16xf32>,
    %get3A_1490 = arith.constant 6 : i32
    %get3A_1491 = arith.constant 3 : i32
    %get3A_1492 = arith.index_cast %get3A_1490 : i32 to index
    %get3A_1493 = arith.index_cast %get3A_1491 : i32 to index
    %get3A_1494 = arith.constant 64 : index
    %get3A_1495 = tpu.vector_load %arg7[%get3A_1492, %get3A_1493, %get3A_1494] {strides = array<i32>} : memref<8x4x128xf32, #tpu.memory_space<vmem>>, vector<1x1x16xf32>,
    %get3A_1496 = vector.shape_cast %get3A_1495 : vector<1x1x16xf32> to vector<16xf32>
    %swap3A_1497 = arith.constant 6 : i32
    %swap3A_1498 = arith.constant 8 : i32
    %swap3A_1499 = arith.index_cast %swap3A_1497 : i32 to index
    %swap3A_1500 = arith.index_cast %swap3A_1498 : i32 to index
    %swap3A_1501 = arith.constant 64 : index
    %swap3A_1502 = tpu.vector_load %arg8[%swap3A_1499, %swap3A_1500, %swap3A_1501] {strides = array<i32>} : memref<8x9x128xf32, #tpu.memory_space<vmem>>, vector<1x1x16xf32>,
    %swap3A_1503 = vector.shape_cast %swap3A_1502 : vector<1x1x16xf32> to vector<16xf32>
    %swap3A_1504 = vector.shape_cast %get3A_1496 : vector<16xf32> to vector<1x1x16xf32>
    tpu.vector_store %arg8[%swap3A_1499, %swap3A_1500, %swap3A_1501], %swap3A_1504 {strides = array<i32>} : memref<8x9x128xf32, #tpu.memory_space<vmem>>, vector<1x1x16xf32>,
    %get3A_1505 = arith.constant 6 : i32
    %get3A_1506 = arith.constant 3 : i32
    %get3A_1507 = arith.index_cast %get3A_1505 : i32 to index
    %get3A_1508 = arith.index_cast %get3A_1506 : i32 to index
    %get3A_1509 = arith.constant 80 : index
    %get3A_1510 = tpu.vector_load %arg7[%get3A_1507, %get3A_1508, %get3A_1509] {strides = array<i32>} : memref<8x4x128xf32, #tpu.memory_space<vmem>>, vector<1x1x16xf32>,
    %get3A_1511 = vector.shape_cast %get3A_1510 : vector<1x1x16xf32> to vector<16xf32>
    %swap3A_1512 = arith.constant 6 : i32
    %swap3A_1513 = arith.constant 8 : i32
    %swap3A_1514 = arith.index_cast %swap3A_1512 : i32 to index
    %swap3A_1515 = arith.index_cast %swap3A_1513 : i32 to index
    %swap3A_1516 = arith.constant 80 : index
    %swap3A_1517 = tpu.vector_load %arg8[%swap3A_1514, %swap3A_1515, %swap3A_1516] {strides = array<i32>} : memref<8x9x128xf32, #tpu.memory_space<vmem>>, vector<1x1x16xf32>,
    %swap3A_1518 = vector.shape_cast %swap3A_1517 : vector<1x1x16xf32> to vector<16xf32>
    %swap3A_1519 = vector.shape_cast %get3A_1511 : vector<16xf32> to vector<1x1x16xf32>
    tpu.vector_store %arg8[%swap3A_1514, %swap3A_1515, %swap3A_1516], %swap3A_1519 {strides = array<i32>} : memref<8x9x128xf32, #tpu.memory_space<vmem>>, vector<1x1x16xf32>,
    %get3A_1520 = arith.constant 6 : i32
    %get3A_1521 = arith.constant 3 : i32
    %get3A_1522 = arith.index_cast %get3A_1520 : i32 to index
    %get3A_1523 = arith.index_cast %get3A_1521 : i32 to index
    %get3A_1524 = arith.constant 96 : index
    %get3A_1525 = tpu.vector_load %arg7[%get3A_1522, %get3A_1523, %get3A_1524] {strides = array<i32>} : memref<8x4x128xf32, #tpu.memory_space<vmem>>, vector<1x1x16xf32>,
    %get3A_1526 = vector.shape_cast %get3A_1525 : vector<1x1x16xf32> to vector<16xf32>
    %swap3A_1527 = arith.constant 6 : i32
    %swap3A_1528 = arith.constant 8 : i32
    %swap3A_1529 = arith.index_cast %swap3A_1527 : i32 to index
    %swap3A_1530 = arith.index_cast %swap3A_1528 : i32 to index
    %swap3A_1531 = arith.constant 96 : index
    %swap3A_1532 = tpu.vector_load %arg8[%swap3A_1529, %swap3A_1530, %swap3A_1531] {strides = array<i32>} : memref<8x9x128xf32, #tpu.memory_space<vmem>>, vector<1x1x16xf32>,
    %swap3A_1533 = vector.shape_cast %swap3A_1532 : vector<1x1x16xf32> to vector<16xf32>
    %swap3A_1534 = vector.shape_cast %get3A_1526 : vector<16xf32> to vector<1x1x16xf32>
    tpu.vector_store %arg8[%swap3A_1529, %swap3A_1530, %swap3A_1531], %swap3A_1534 {strides = array<i32>} : memref<8x9x128xf32, #tpu.memory_space<vmem>>, vector<1x1x16xf32>,
    %get3A_1535 = arith.constant 6 : i32
    %get3A_1536 = arith.constant 3 : i32
    %get3A_1537 = arith.index_cast %get3A_1535 : i32 to index
    %get3A_1538 = arith.index_cast %get3A_1536 : i32 to index
    %get3A_1539 = arith.constant 112 : index
    %get3A_1540 = tpu.vector_load %arg7[%get3A_1537, %get3A_1538, %get3A_1539] {strides = array<i32>} : memref<8x4x128xf32, #tpu.memory_space<vmem>>, vector<1x1x16xf32>,
    %get3A_1541 = vector.shape_cast %get3A_1540 : vector<1x1x16xf32> to vector<16xf32>
    %swap3A_1542 = arith.constant 6 : i32
    %swap3A_1543 = arith.constant 8 : i32
    %swap3A_1544 = arith.index_cast %swap3A_1542 : i32 to index
    %swap3A_1545 = arith.index_cast %swap3A_1543 : i32 to index
    %swap3A_1546 = arith.constant 112 : index
    %swap3A_1547 = tpu.vector_load %arg8[%swap3A_1544, %swap3A_1545, %swap3A_1546] {strides = array<i32>} : memref<8x9x128xf32, #tpu.memory_space<vmem>>, vector<1x1x16xf32>,
    %swap3A_1548 = vector.shape_cast %swap3A_1547 : vector<1x1x16xf32> to vector<16xf32>
    %swap3A_1549 = vector.shape_cast %get3A_1541 : vector<16xf32> to vector<1x1x16xf32>
    tpu.vector_store %arg8[%swap3A_1544, %swap3A_1545, %swap3A_1546], %swap3A_1549 {strides = array<i32>} : memref<8x9x128xf32, #tpu.memory_space<vmem>>, vector<1x1x16xf32>,
    %dma_start3A_1550 = arith.constant 6 : i32
    %dma_start3A_1551 = arith.constant 6 : i32
    %dma_start3A_1552 = arith.constant 1 : i32
    %dma_start3A_1553 = arith.constant 0 : i32
    %dma_start3A_1554 = tpu.memref_slice %arg8[%dma_start3A_1550, %dma_start3A_1552, %dma_start3A_1553] : memref<8x9x128xf32, #tpu.memory_space<vmem>> -> memref<1x8x128xf32, #tpu.memory_space<vmem>>
    %dma_start3A_1555 = tpu.memref_squeeze %dma_start3A_1554 : memref<1x8x128xf32, #tpu.memory_space<vmem>> -> memref<8x128xf32, #tpu.memory_space<vmem>>
    %dma_start3A_1556 = arith.constant 2040 : i32
    %dma_start3A_1557 = arith.constant 0 : i32
    %dma_start3A_1558 = tpu.memref_slice %arg4[%dma_start3A_1551, %arg1, %dma_start3A_1556, %dma_start3A_1557] : memref<8x16x2048x128xf32, #tpu.memory_space<hbm>> -> memref<1x1x8x128xf32, #tpu.memory_space<hbm>>
    %dma_start3A_1559 = tpu.memref_squeeze %dma_start3A_1558 : memref<1x1x8x128xf32, #tpu.memory_space<hbm>> -> memref<8x128xf32, #tpu.memory_space<hbm>>
    %dma_start3A_1560 = arith.constant 2040 : i32
    %dma_start3A_1561 = arith.constant 0 : i32
    %dma_start3A_1562 = tpu.memref_slice %arg4[%dma_start3A_1551, %arg1, %dma_start3A_1560, %dma_start3A_1561] : memref<8x16x2048x128xf32, #tpu.memory_space<hbm>> -> memref<1x1x8x128xf32, #tpu.memory_space<hbm>>
    %dma_start3A_1563 = tpu.memref_squeeze %dma_start3A_1562 : memref<1x1x8x128xf32, #tpu.memory_space<hbm>> -> memref<8x128xf32, #tpu.memory_space<hbm>>
    %dma_start3A_1564 = arith.constant 1 : i32
    %dma_start3A_1565 = arith.constant 0 : i32
    %dma_start3A_1566 = tpu.memref_slice %arg8[%dma_start3A_1550, %dma_start3A_1564, %dma_start3A_1565] : memref<8x9x128xf32, #tpu.memory_space<vmem>> -> memref<1x8x128xf32, #tpu.memory_space<vmem>>
    %dma_start3A_1567 = tpu.memref_squeeze %dma_start3A_1566 : memref<1x8x128xf32, #tpu.memory_space<vmem>> -> memref<8x128xf32, #tpu.memory_space<vmem>>
    tpu.enqueue_dma source(%dma_start3A_1567 : memref<8x128xf32, #tpu.memory_space<vmem>>) target(%dma_start3A_1563 : memref<8x128xf32, #tpu.memory_space<hbm>>) target_semaphore(%arg14 : memref<!tpu.dma_semaphore, #tpu.memory_space<semaphore_mem>>)
    %get3A_1568 = arith.constant 7 : i32
    %get3A_1569 = arith.constant 3 : i32
    %get3A_1570 = arith.index_cast %get3A_1568 : i32 to index
    %get3A_1571 = arith.index_cast %get3A_1569 : i32 to index
    %get3A_1572 = arith.constant 0 : index
    %get3A_1573 = tpu.vector_load %arg7[%get3A_1570, %get3A_1571, %get3A_1572] {strides = array<i32>} : memref<8x4x128xf32, #tpu.memory_space<vmem>>, vector<1x1x16xf32>,
    %get3A_1574 = vector.shape_cast %get3A_1573 : vector<1x1x16xf32> to vector<16xf32>
    %swap3A_1575 = arith.constant 7 : i32
    %swap3A_1576 = arith.constant 8 : i32
    %swap3A_1577 = arith.index_cast %swap3A_1575 : i32 to index
    %swap3A_1578 = arith.index_cast %swap3A_1576 : i32 to index
    %swap3A_1579 = arith.constant 0 : index
    %swap3A_1580 = tpu.vector_load %arg8[%swap3A_1577, %swap3A_1578, %swap3A_1579] {strides = array<i32>} : memref<8x9x128xf32, #tpu.memory_space<vmem>>, vector<1x1x16xf32>,
    %swap3A_1581 = vector.shape_cast %swap3A_1580 : vector<1x1x16xf32> to vector<16xf32>
    %swap3A_1582 = vector.shape_cast %get3A_1574 : vector<16xf32> to vector<1x1x16xf32>
    tpu.vector_store %arg8[%swap3A_1577, %swap3A_1578, %swap3A_1579], %swap3A_1582 {strides = array<i32>} : memref<8x9x128xf32, #tpu.memory_space<vmem>>, vector<1x1x16xf32>,
    %get3A_1583 = arith.constant 7 : i32
    %get3A_1584 = arith.constant 3 : i32
    %get3A_1585 = arith.index_cast %get3A_1583 : i32 to index
    %get3A_1586 = arith.index_cast %get3A_1584 : i32 to index
    %get3A_1587 = arith.constant 16 : index
    %get3A_1588 = tpu.vector_load %arg7[%get3A_1585, %get3A_1586, %get3A_1587] {strides = array<i32>} : memref<8x4x128xf32, #tpu.memory_space<vmem>>, vector<1x1x16xf32>,
    %get3A_1589 = vector.shape_cast %get3A_1588 : vector<1x1x16xf32> to vector<16xf32>
    %swap3A_1590 = arith.constant 7 : i32
    %swap3A_1591 = arith.constant 8 : i32
    %swap3A_1592 = arith.index_cast %swap3A_1590 : i32 to index
    %swap3A_1593 = arith.index_cast %swap3A_1591 : i32 to index
    %swap3A_1594 = arith.constant 16 : index
    %swap3A_1595 = tpu.vector_load %arg8[%swap3A_1592, %swap3A_1593, %swap3A_1594] {strides = array<i32>} : memref<8x9x128xf32, #tpu.memory_space<vmem>>, vector<1x1x16xf32>,
    %swap3A_1596 = vector.shape_cast %swap3A_1595 : vector<1x1x16xf32> to vector<16xf32>
    %swap3A_1597 = vector.shape_cast %get3A_1589 : vector<16xf32> to vector<1x1x16xf32>
    tpu.vector_store %arg8[%swap3A_1592, %swap3A_1593, %swap3A_1594], %swap3A_1597 {strides = array<i32>} : memref<8x9x128xf32, #tpu.memory_space<vmem>>, vector<1x1x16xf32>,
    %get3A_1598 = arith.constant 7 : i32
    %get3A_1599 = arith.constant 3 : i32
    %get3A_1600 = arith.index_cast %get3A_1598 : i32 to index
    %get3A_1601 = arith.index_cast %get3A_1599 : i32 to index
    %get3A_1602 = arith.constant 32 : index
    %get3A_1603 = tpu.vector_load %arg7[%get3A_1600, %get3A_1601, %get3A_1602] {strides = array<i32>} : memref<8x4x128xf32, #tpu.memory_space<vmem>>, vector<1x1x16xf32>,
    %get3A_1604 = vector.shape_cast %get3A_1603 : vector<1x1x16xf32> to vector<16xf32>
    %swap3A_1605 = arith.constant 7 : i32
    %swap3A_1606 = arith.constant 8 : i32
    %swap3A_1607 = arith.index_cast %swap3A_1605 : i32 to index
    %swap3A_1608 = arith.index_cast %swap3A_1606 : i32 to index
    %swap3A_1609 = arith.constant 32 : index
    %swap3A_1610 = tpu.vector_load %arg8[%swap3A_1607, %swap3A_1608, %swap3A_1609] {strides = array<i32>} : memref<8x9x128xf32, #tpu.memory_space<vmem>>, vector<1x1x16xf32>,
    %swap3A_1611 = vector.shape_cast %swap3A_1610 : vector<1x1x16xf32> to vector<16xf32>
    %swap3A_1612 = vector.shape_cast %get3A_1604 : vector<16xf32> to vector<1x1x16xf32>
    tpu.vector_store %arg8[%swap3A_1607, %swap3A_1608, %swap3A_1609], %swap3A_1612 {strides = array<i32>} : memref<8x9x128xf32, #tpu.memory_space<vmem>>, vector<1x1x16xf32>,
    %get3A_1613 = arith.constant 7 : i32
    %get3A_1614 = arith.constant 3 : i32
    %get3A_1615 = arith.index_cast %get3A_1613 : i32 to index
    %get3A_1616 = arith.index_cast %get3A_1614 : i32 to index
    %get3A_1617 = arith.constant 48 : index
    %get3A_1618 = tpu.vector_load %arg7[%get3A_1615, %get3A_1616, %get3A_1617] {strides = array<i32>} : memref<8x4x128xf32, #tpu.memory_space<vmem>>, vector<1x1x16xf32>,
    %get3A_1619 = vector.shape_cast %get3A_1618 : vector<1x1x16xf32> to vector<16xf32>
    %swap3A_1620 = arith.constant 7 : i32
    %swap3A_1621 = arith.constant 8 : i32
    %swap3A_1622 = arith.index_cast %swap3A_1620 : i32 to index
    %swap3A_1623 = arith.index_cast %swap3A_1621 : i32 to index
    %swap3A_1624 = arith.constant 48 : index
    %swap3A_1625 = tpu.vector_load %arg8[%swap3A_1622, %swap3A_1623, %swap3A_1624] {strides = array<i32>} : memref<8x9x128xf32, #tpu.memory_space<vmem>>, vector<1x1x16xf32>,
    %swap3A_1626 = vector.shape_cast %swap3A_1625 : vector<1x1x16xf32> to vector<16xf32>
    %swap3A_1627 = vector.shape_cast %get3A_1619 : vector<16xf32> to vector<1x1x16xf32>
    tpu.vector_store %arg8[%swap3A_1622, %swap3A_1623, %swap3A_1624], %swap3A_1627 {strides = array<i32>} : memref<8x9x128xf32, #tpu.memory_space<vmem>>, vector<1x1x16xf32>,
    %get3A_1628 = arith.constant 7 : i32
    %get3A_1629 = arith.constant 3 : i32
    %get3A_1630 = arith.index_cast %get3A_1628 : i32 to index
    %get3A_1631 = arith.index_cast %get3A_1629 : i32 to index
    %get3A_1632 = arith.constant 64 : index
    %get3A_1633 = tpu.vector_load %arg7[%get3A_1630, %get3A_1631, %get3A_1632] {strides = array<i32>} : memref<8x4x128xf32, #tpu.memory_space<vmem>>, vector<1x1x16xf32>,
    %get3A_1634 = vector.shape_cast %get3A_1633 : vector<1x1x16xf32> to vector<16xf32>
    %swap3A_1635 = arith.constant 7 : i32
    %swap3A_1636 = arith.constant 8 : i32
    %swap3A_1637 = arith.index_cast %swap3A_1635 : i32 to index
    %swap3A_1638 = arith.index_cast %swap3A_1636 : i32 to index
    %swap3A_1639 = arith.constant 64 : index
    %swap3A_1640 = tpu.vector_load %arg8[%swap3A_1637, %swap3A_1638, %swap3A_1639] {strides = array<i32>} : memref<8x9x128xf32, #tpu.memory_space<vmem>>, vector<1x1x16xf32>,
    %swap3A_1641 = vector.shape_cast %swap3A_1640 : vector<1x1x16xf32> to vector<16xf32>
    %swap3A_1642 = vector.shape_cast %get3A_1634 : vector<16xf32> to vector<1x1x16xf32>
    tpu.vector_store %arg8[%swap3A_1637, %swap3A_1638, %swap3A_1639], %swap3A_1642 {strides = array<i32>} : memref<8x9x128xf32, #tpu.memory_space<vmem>>, vector<1x1x16xf32>,
    %get3A_1643 = arith.constant 7 : i32
    %get3A_1644 = arith.constant 3 : i32
    %get3A_1645 = arith.index_cast %get3A_1643 : i32 to index
    %get3A_1646 = arith.index_cast %get3A_1644 : i32 to index
    %get3A_1647 = arith.constant 80 : index
    %get3A_1648 = tpu.vector_load %arg7[%get3A_1645, %get3A_1646, %get3A_1647] {strides = array<i32>} : memref<8x4x128xf32, #tpu.memory_space<vmem>>, vector<1x1x16xf32>,
    %get3A_1649 = vector.shape_cast %get3A_1648 : vector<1x1x16xf32> to vector<16xf32>
    %swap3A_1650 = arith.constant 7 : i32
    %swap3A_1651 = arith.constant 8 : i32
    %swap3A_1652 = arith.index_cast %swap3A_1650 : i32 to index
    %swap3A_1653 = arith.index_cast %swap3A_1651 : i32 to index
    %swap3A_1654 = arith.constant 80 : index
    %swap3A_1655 = tpu.vector_load %arg8[%swap3A_1652, %swap3A_1653, %swap3A_1654] {strides = array<i32>} : memref<8x9x128xf32, #tpu.memory_space<vmem>>, vector<1x1x16xf32>,
    %swap3A_1656 = vector.shape_cast %swap3A_1655 : vector<1x1x16xf32> to vector<16xf32>
    %swap3A_1657 = vector.shape_cast %get3A_1649 : vector<16xf32> to vector<1x1x16xf32>
    tpu.vector_store %arg8[%swap3A_1652, %swap3A_1653, %swap3A_1654], %swap3A_1657 {strides = array<i32>} : memref<8x9x128xf32, #tpu.memory_space<vmem>>, vector<1x1x16xf32>,
    %get3A_1658 = arith.constant 7 : i32
    %get3A_1659 = arith.constant 3 : i32
    %get3A_1660 = arith.index_cast %get3A_1658 : i32 to index
    %get3A_1661 = arith.index_cast %get3A_1659 : i32 to index
    %get3A_1662 = arith.constant 96 : index
    %get3A_1663 = tpu.vector_load %arg7[%get3A_1660, %get3A_1661, %get3A_1662] {strides = array<i32>} : memref<8x4x128xf32, #tpu.memory_space<vmem>>, vector<1x1x16xf32>,
    %get3A_1664 = vector.shape_cast %get3A_1663 : vector<1x1x16xf32> to vector<16xf32>
    %swap3A_1665 = arith.constant 7 : i32
    %swap3A_1666 = arith.constant 8 : i32
    %swap3A_1667 = arith.index_cast %swap3A_1665 : i32 to index
    %swap3A_1668 = arith.index_cast %swap3A_1666 : i32 to index
    %swap3A_1669 = arith.constant 96 : index
    %swap3A_1670 = tpu.vector_load %arg8[%swap3A_1667, %swap3A_1668, %swap3A_1669] {strides = array<i32>} : memref<8x9x128xf32, #tpu.memory_space<vmem>>, vector<1x1x16xf32>,
    %swap3A_1671 = vector.shape_cast %swap3A_1670 : vector<1x1x16xf32> to vector<16xf32>
    %swap3A_1672 = vector.shape_cast %get3A_1664 : vector<16xf32> to vector<1x1x16xf32>
    tpu.vector_store %arg8[%swap3A_1667, %swap3A_1668, %swap3A_1669], %swap3A_1672 {strides = array<i32>} : memref<8x9x128xf32, #tpu.memory_space<vmem>>, vector<1x1x16xf32>,
    %get3A_1673 = arith.constant 7 : i32
    %get3A_1674 = arith.constant 3 : i32
    %get3A_1675 = arith.index_cast %get3A_1673 : i32 to index
    %get3A_1676 = arith.index_cast %get3A_1674 : i32 to index
    %get3A_1677 = arith.constant 112 : index
    %get3A_1678 = tpu.vector_load %arg7[%get3A_1675, %get3A_1676, %get3A_1677] {strides = array<i32>} : memref<8x4x128xf32, #tpu.memory_space<vmem>>, vector<1x1x16xf32>,
    %get3A_1679 = vector.shape_cast %get3A_1678 : vector<1x1x16xf32> to vector<16xf32>
    %swap3A_1680 = arith.constant 7 : i32
    %swap3A_1681 = arith.constant 8 : i32
    %swap3A_1682 = arith.index_cast %swap3A_1680 : i32 to index
    %swap3A_1683 = arith.index_cast %swap3A_1681 : i32 to index
    %swap3A_1684 = arith.constant 112 : index
    %swap3A_1685 = tpu.vector_load %arg8[%swap3A_1682, %swap3A_1683, %swap3A_1684] {strides = array<i32>} : memref<8x9x128xf32, #tpu.memory_space<vmem>>, vector<1x1x16xf32>,
    %swap3A_1686 = vector.shape_cast %swap3A_1685 : vector<1x1x16xf32> to vector<16xf32>
    %swap3A_1687 = vector.shape_cast %get3A_1679 : vector<16xf32> to vector<1x1x16xf32>
    tpu.vector_store %arg8[%swap3A_1682, %swap3A_1683, %swap3A_1684], %swap3A_1687 {strides = array<i32>} : memref<8x9x128xf32, #tpu.memory_space<vmem>>, vector<1x1x16xf32>,
    %dma_start3A_1688 = arith.constant 7 : i32
    %dma_start3A_1689 = arith.constant 7 : i32
    %dma_start3A_1690 = arith.constant 1 : i32
    %dma_start3A_1691 = arith.constant 0 : i32
    %dma_start3A_1692 = tpu.memref_slice %arg8[%dma_start3A_1688, %dma_start3A_1690, %dma_start3A_1691] : memref<8x9x128xf32, #tpu.memory_space<vmem>> -> memref<1x8x128xf32, #tpu.memory_space<vmem>>
    %dma_start3A_1693 = tpu.memref_squeeze %dma_start3A_1692 : memref<1x8x128xf32, #tpu.memory_space<vmem>> -> memref<8x128xf32, #tpu.memory_space<vmem>>
    %dma_start3A_1694 = arith.constant 2040 : i32
    %dma_start3A_1695 = arith.constant 0 : i32
    %dma_start3A_1696 = tpu.memref_slice %arg4[%dma_start3A_1689, %arg1, %dma_start3A_1694, %dma_start3A_1695] : memref<8x16x2048x128xf32, #tpu.memory_space<hbm>> -> memref<1x1x8x128xf32, #tpu.memory_space<hbm>>
    %dma_start3A_1697 = tpu.memref_squeeze %dma_start3A_1696 : memref<1x1x8x128xf32, #tpu.memory_space<hbm>> -> memref<8x128xf32, #tpu.memory_space<hbm>>
    %dma_start3A_1698 = arith.constant 2040 : i32
    %dma_start3A_1699 = arith.constant 0 : i32
    %dma_start3A_1700 = tpu.memref_slice %arg4[%dma_start3A_1689, %arg1, %dma_start3A_1698, %dma_start3A_1699] : memref<8x16x2048x128xf32, #tpu.memory_space<hbm>> -> memref<1x1x8x128xf32, #tpu.memory_space<hbm>>
    %dma_start3A_1701 = tpu.memref_squeeze %dma_start3A_1700 : memref<1x1x8x128xf32, #tpu.memory_space<hbm>> -> memref<8x128xf32, #tpu.memory_space<hbm>>
    %dma_start3A_1702 = arith.constant 1 : i32
    %dma_start3A_1703 = arith.constant 0 : i32
    %dma_start3A_1704 = tpu.memref_slice %arg8[%dma_start3A_1688, %dma_start3A_1702, %dma_start3A_1703] : memref<8x9x128xf32, #tpu.memory_space<vmem>> -> memref<1x8x128xf32, #tpu.memory_space<vmem>>
    %dma_start3A_1705 = tpu.memref_squeeze %dma_start3A_1704 : memref<1x8x128xf32, #tpu.memory_space<vmem>> -> memref<8x128xf32, #tpu.memory_space<vmem>>
    tpu.enqueue_dma source(%dma_start3A_1705 : memref<8x128xf32, #tpu.memory_space<vmem>>) target(%dma_start3A_1701 : memref<8x128xf32, #tpu.memory_space<hbm>>) target_semaphore(%arg14 : memref<!tpu.dma_semaphore, #tpu.memory_space<semaphore_mem>>)
    %dma_wait3A_1706 = arith.constant 0 : i32
    %dma_wait3A_1707 = arith.constant 0 : i32
    %dma_wait3A_1708 = arith.constant 0 : i32
    %dma_wait3A_1709 = tpu.memref_slice %arg5[%dma_wait3A_1707, %dma_wait3A_1708] : memref<264x128xf32, #tpu.memory_space<vmem>> -> memref<264x128xf32, #tpu.memory_space<vmem>>
    %dma_wait3A_1710 = arith.constant 0 : i32
    %dma_wait3A_1711 = tpu.memref_slice %arg3[%dma_wait3A_1706, %arg1, %add3A_1, %dma_wait3A_1710] : memref<1x16x2048x128xf32, #tpu.memory_space<hbm>> -> memref<1x1x264x128xf32, #tpu.memory_space<hbm>>
    %dma_wait3A_1712 = tpu.memref_squeeze %dma_wait3A_1711 : memref<1x1x264x128xf32, #tpu.memory_space<hbm>> -> memref<264x128xf32, #tpu.memory_space<hbm>>
    %dma_wait3A_1713 = arith.constant 0 : i32
    %dma_wait3A_1714 = arith.constant 0 : i32
    %dma_wait3A_1715 = tpu.memref_slice %arg5[%dma_wait3A_1713, %dma_wait3A_1714] : memref<264x128xf32, #tpu.memory_space<vmem>> -> memref<264x128xf32, #tpu.memory_space<vmem>>
    %dma_wait3A_1716 = arith.constant 0 : i32
    %dma_wait3A_1717 = tpu.memref_slice %arg3[%dma_wait3A_1706, %arg1, %add3A_1, %dma_wait3A_1716] : memref<1x16x2048x128xf32, #tpu.memory_space<hbm>> -> memref<1x1x264x128xf32, #tpu.memory_space<hbm>>
    %dma_wait3A_1718 = tpu.memref_squeeze %dma_wait3A_1717 : memref<1x1x264x128xf32, #tpu.memory_space<hbm>> -> memref<264x128xf32, #tpu.memory_space<hbm>>
    tpu.wait_dma2 semaphore(%arg9 : memref<!tpu.dma_semaphore, #tpu.memory_space<semaphore_mem>>) src(%dma_wait3A_1718 : memref<264x128xf32, #tpu.memory_space<hbm>>) dst(%dma_wait3A_1715 : memref<264x128xf32, #tpu.memory_space<vmem>>)
    %add3A_1719 = arith.constant 0 : i32
    %add3A_1720 = arith.addi %multiple_of3A, %add3A_1719 : i32
    %dma_start3A_1721 = arith.constant 0 : i32
    %dma_start3A_1722 = arith.constant 1 : i32
    %dma_start3A_1723 = arith.constant 0 : i32
    %dma_start3A_1724 = tpu.memref_slice %arg5[%dma_start3A_1722, %dma_start3A_1723] : memref<264x128xf32, #tpu.memory_space<vmem>> -> memref<256x128xf32, #tpu.memory_space<vmem>>
    %dma_start3A_1725 = arith.constant 0 : i32
    %dma_start3A_1726 = tpu.memref_slice %arg4[%dma_start3A_1721, %arg1, %add3A_1720, %dma_start3A_1725] : memref<8x16x2048x128xf32, #tpu.memory_space<hbm>> -> memref<1x1x256x128xf32, #tpu.memory_space<hbm>>
    %dma_start3A_1727 = tpu.memref_squeeze %dma_start3A_1726 : memref<1x1x256x128xf32, #tpu.memory_space<hbm>> -> memref<256x128xf32, #tpu.memory_space<hbm>>
    %dma_start3A_1728 = arith.constant 0 : i32
    %dma_start3A_1729 = tpu.memref_slice %arg4[%dma_start3A_1721, %arg1, %add3A_1720, %dma_start3A_1728] : memref<8x16x2048x128xf32, #tpu.memory_space<hbm>> -> memref<1x1x256x128xf32, #tpu.memory_space<hbm>>
    %dma_start3A_1730 = tpu.memref_squeeze %dma_start3A_1729 : memref<1x1x256x128xf32, #tpu.memory_space<hbm>> -> memref<256x128xf32, #tpu.memory_space<hbm>>
    %dma_start3A_1731 = arith.constant 1 : i32
    %dma_start3A_1732 = arith.constant 0 : i32
    %dma_start3A_1733 = tpu.memref_slice %arg5[%dma_start3A_1731, %dma_start3A_1732] : memref<264x128xf32, #tpu.memory_space<vmem>> -> memref<256x128xf32, #tpu.memory_space<vmem>>
    tpu.enqueue_dma source(%dma_start3A_1733 : memref<256x128xf32, #tpu.memory_space<vmem>>) target(%dma_start3A_1730 : memref<256x128xf32, #tpu.memory_space<hbm>>) target_semaphore(%arg11 : memref<!tpu.dma_semaphore, #tpu.memory_space<semaphore_mem>>)
    %add3A_1734 = arith.constant 0 : i32
    %add3A_1735 = arith.addi %multiple_of3A, %add3A_1734 : i32
    %dma_start3A_1736 = arith.constant 1 : i32
    %dma_start3A_1737 = arith.constant 1 : i32
    %dma_start3A_1738 = arith.constant 0 : i32
    %dma_start3A_1739 = tpu.memref_slice %arg5[%dma_start3A_1737, %dma_start3A_1738] : memref<264x128xf32, #tpu.memory_space<vmem>> -> memref<256x128xf32, #tpu.memory_space<vmem>>
    %dma_start3A_1740 = arith.constant 0 : i32
    %dma_start3A_1741 = tpu.memref_slice %arg4[%dma_start3A_1736, %arg1, %add3A_1735, %dma_start3A_1740] : memref<8x16x2048x128xf32, #tpu.memory_space<hbm>> -> memref<1x1x256x128xf32, #tpu.memory_space<hbm>>
    %dma_start3A_1742 = tpu.memref_squeeze %dma_start3A_1741 : memref<1x1x256x128xf32, #tpu.memory_space<hbm>> -> memref<256x128xf32, #tpu.memory_space<hbm>>
    %dma_start3A_1743 = arith.constant 0 : i32
    %dma_start3A_1744 = tpu.memref_slice %arg4[%dma_start3A_1736, %arg1, %add3A_1735, %dma_start3A_1743] : memref<8x16x2048x128xf32, #tpu.memory_space<hbm>> -> memref<1x1x256x128xf32, #tpu.memory_space<hbm>>
    %dma_start3A_1745 = tpu.memref_squeeze %dma_start3A_1744 : memref<1x1x256x128xf32, #tpu.memory_space<hbm>> -> memref<256x128xf32, #tpu.memory_space<hbm>>
    %dma_start3A_1746 = arith.constant 1 : i32
    %dma_start3A_1747 = arith.constant 0 : i32
    %dma_start3A_1748 = tpu.memref_slice %arg5[%dma_start3A_1746, %dma_start3A_1747] : memref<264x128xf32, #tpu.memory_space<vmem>> -> memref<256x128xf32, #tpu.memory_space<vmem>>
    tpu.enqueue_dma source(%dma_start3A_1748 : memref<256x128xf32, #tpu.memory_space<vmem>>) target(%dma_start3A_1745 : memref<256x128xf32, #tpu.memory_space<hbm>>) target_semaphore(%arg11 : memref<!tpu.dma_semaphore, #tpu.memory_space<semaphore_mem>>)
    %add3A_1749 = arith.constant 0 : i32
    %add3A_1750 = arith.addi %multiple_of3A, %add3A_1749 : i32
    %dma_start3A_1751 = arith.constant 2 : i32
    %dma_start3A_1752 = arith.constant 1 : i32
    %dma_start3A_1753 = arith.constant 0 : i32
    %dma_start3A_1754 = tpu.memref_slice %arg5[%dma_start3A_1752, %dma_start3A_1753] : memref<264x128xf32, #tpu.memory_space<vmem>> -> memref<256x128xf32, #tpu.memory_space<vmem>>
    %dma_start3A_1755 = arith.constant 0 : i32
    %dma_start3A_1756 = tpu.memref_slice %arg4[%dma_start3A_1751, %arg1, %add3A_1750, %dma_start3A_1755] : memref<8x16x2048x128xf32, #tpu.memory_space<hbm>> -> memref<1x1x256x128xf32, #tpu.memory_space<hbm>>
    %dma_start3A_1757 = tpu.memref_squeeze %dma_start3A_1756 : memref<1x1x256x128xf32, #tpu.memory_space<hbm>> -> memref<256x128xf32, #tpu.memory_space<hbm>>
    %dma_start3A_1758 = arith.constant 0 : i32
    %dma_start3A_1759 = tpu.memref_slice %arg4[%dma_start3A_1751, %arg1, %add3A_1750, %dma_start3A_1758] : memref<8x16x2048x128xf32, #tpu.memory_space<hbm>> -> memref<1x1x256x128xf32, #tpu.memory_space<hbm>>
    %dma_start3A_1760 = tpu.memref_squeeze %dma_start3A_1759 : memref<1x1x256x128xf32, #tpu.memory_space<hbm>> -> memref<256x128xf32, #tpu.memory_space<hbm>>
    %dma_start3A_1761 = arith.constant 1 : i32
    %dma_start3A_1762 = arith.constant 0 : i32
    %dma_start3A_1763 = tpu.memref_slice %arg5[%dma_start3A_1761, %dma_start3A_1762] : memref<264x128xf32, #tpu.memory_space<vmem>> -> memref<256x128xf32, #tpu.memory_space<vmem>>
    tpu.enqueue_dma source(%dma_start3A_1763 : memref<256x128xf32, #tpu.memory_space<vmem>>) target(%dma_start3A_1760 : memref<256x128xf32, #tpu.memory_space<hbm>>) target_semaphore(%arg11 : memref<!tpu.dma_semaphore, #tpu.memory_space<semaphore_mem>>)
    %add3A_1764 = arith.constant 0 : i32
    %add3A_1765 = arith.addi %multiple_of3A, %add3A_1764 : i32
    %dma_start3A_1766 = arith.constant 3 : i32
    %dma_start3A_1767 = arith.constant 1 : i32
    %dma_start3A_1768 = arith.constant 0 : i32
    %dma_start3A_1769 = tpu.memref_slice %arg5[%dma_start3A_1767, %dma_start3A_1768] : memref<264x128xf32, #tpu.memory_space<vmem>> -> memref<256x128xf32, #tpu.memory_space<vmem>>
    %dma_start3A_1770 = arith.constant 0 : i32
    %dma_start3A_1771 = tpu.memref_slice %arg4[%dma_start3A_1766, %arg1, %add3A_1765, %dma_start3A_1770] : memref<8x16x2048x128xf32, #tpu.memory_space<hbm>> -> memref<1x1x256x128xf32, #tpu.memory_space<hbm>>
    %dma_start3A_1772 = tpu.memref_squeeze %dma_start3A_1771 : memref<1x1x256x128xf32, #tpu.memory_space<hbm>> -> memref<256x128xf32, #tpu.memory_space<hbm>>
    %dma_start3A_1773 = arith.constant 0 : i32
    %dma_start3A_1774 = tpu.memref_slice %arg4[%dma_start3A_1766, %arg1, %add3A_1765, %dma_start3A_1773] : memref<8x16x2048x128xf32, #tpu.memory_space<hbm>> -> memref<1x1x256x128xf32, #tpu.memory_space<hbm>>
    %dma_start3A_1775 = tpu.memref_squeeze %dma_start3A_1774 : memref<1x1x256x128xf32, #tpu.memory_space<hbm>> -> memref<256x128xf32, #tpu.memory_space<hbm>>
    %dma_start3A_1776 = arith.constant 1 : i32
    %dma_start3A_1777 = arith.constant 0 : i32
    %dma_start3A_1778 = tpu.memref_slice %arg5[%dma_start3A_1776, %dma_start3A_1777] : memref<264x128xf32, #tpu.memory_space<vmem>> -> memref<256x128xf32, #tpu.memory_space<vmem>>
    tpu.enqueue_dma source(%dma_start3A_1778 : memref<256x128xf32, #tpu.memory_space<vmem>>) target(%dma_start3A_1775 : memref<256x128xf32, #tpu.memory_space<hbm>>) target_semaphore(%arg11 : memref<!tpu.dma_semaphore, #tpu.memory_space<semaphore_mem>>)
    %add3A_1779 = arith.constant 0 : i32
    %add3A_1780 = arith.addi %multiple_of3A, %add3A_1779 : i32
    %dma_start3A_1781 = arith.constant 4 : i32
    %dma_start3A_1782 = arith.constant 1 : i32
    %dma_start3A_1783 = arith.constant 0 : i32
    %dma_start3A_1784 = tpu.memref_slice %arg5[%dma_start3A_1782, %dma_start3A_1783] : memref<264x128xf32, #tpu.memory_space<vmem>> -> memref<256x128xf32, #tpu.memory_space<vmem>>
    %dma_start3A_1785 = arith.constant 0 : i32
    %dma_start3A_1786 = tpu.memref_slice %arg4[%dma_start3A_1781, %arg1, %add3A_1780, %dma_start3A_1785] : memref<8x16x2048x128xf32, #tpu.memory_space<hbm>> -> memref<1x1x256x128xf32, #tpu.memory_space<hbm>>
    %dma_start3A_1787 = tpu.memref_squeeze %dma_start3A_1786 : memref<1x1x256x128xf32, #tpu.memory_space<hbm>> -> memref<256x128xf32, #tpu.memory_space<hbm>>
    %dma_start3A_1788 = arith.constant 0 : i32
    %dma_start3A_1789 = tpu.memref_slice %arg4[%dma_start3A_1781, %arg1, %add3A_1780, %dma_start3A_1788] : memref<8x16x2048x128xf32, #tpu.memory_space<hbm>> -> memref<1x1x256x128xf32, #tpu.memory_space<hbm>>
    %dma_start3A_1790 = tpu.memref_squeeze %dma_start3A_1789 : memref<1x1x256x128xf32, #tpu.memory_space<hbm>> -> memref<256x128xf32, #tpu.memory_space<hbm>>
    %dma_start3A_1791 = arith.constant 1 : i32
    %dma_start3A_1792 = arith.constant 0 : i32
    %dma_start3A_1793 = tpu.memref_slice %arg5[%dma_start3A_1791, %dma_start3A_1792] : memref<264x128xf32, #tpu.memory_space<vmem>> -> memref<256x128xf32, #tpu.memory_space<vmem>>
    tpu.enqueue_dma source(%dma_start3A_1793 : memref<256x128xf32, #tpu.memory_space<vmem>>) target(%dma_start3A_1790 : memref<256x128xf32, #tpu.memory_space<hbm>>) target_semaphore(%arg11 : memref<!tpu.dma_semaphore, #tpu.memory_space<semaphore_mem>>)
    %add3A_1794 = arith.constant 0 : i32
    %add3A_1795 = arith.addi %multiple_of3A, %add3A_1794 : i32
    %dma_start3A_1796 = arith.constant 5 : i32
    %dma_start3A_1797 = arith.constant 1 : i32
    %dma_start3A_1798 = arith.constant 0 : i32
    %dma_start3A_1799 = tpu.memref_slice %arg5[%dma_start3A_1797, %dma_start3A_1798] : memref<264x128xf32, #tpu.memory_space<vmem>> -> memref<256x128xf32, #tpu.memory_space<vmem>>
    %dma_start3A_1800 = arith.constant 0 : i32
    %dma_start3A_1801 = tpu.memref_slice %arg4[%dma_start3A_1796, %arg1, %add3A_1795, %dma_start3A_1800] : memref<8x16x2048x128xf32, #tpu.memory_space<hbm>> -> memref<1x1x256x128xf32, #tpu.memory_space<hbm>>
    %dma_start3A_1802 = tpu.memref_squeeze %dma_start3A_1801 : memref<1x1x256x128xf32, #tpu.memory_space<hbm>> -> memref<256x128xf32, #tpu.memory_space<hbm>>
    %dma_start3A_1803 = arith.constant 0 : i32
    %dma_start3A_1804 = tpu.memref_slice %arg4[%dma_start3A_1796, %arg1, %add3A_1795, %dma_start3A_1803] : memref<8x16x2048x128xf32, #tpu.memory_space<hbm>> -> memref<1x1x256x128xf32, #tpu.memory_space<hbm>>
    %dma_start3A_1805 = tpu.memref_squeeze %dma_start3A_1804 : memref<1x1x256x128xf32, #tpu.memory_space<hbm>> -> memref<256x128xf32, #tpu.memory_space<hbm>>
    %dma_start3A_1806 = arith.constant 1 : i32
    %dma_start3A_1807 = arith.constant 0 : i32
    %dma_start3A_1808 = tpu.memref_slice %arg5[%dma_start3A_1806, %dma_start3A_1807] : memref<264x128xf32, #tpu.memory_space<vmem>> -> memref<256x128xf32, #tpu.memory_space<vmem>>
    tpu.enqueue_dma source(%dma_start3A_1808 : memref<256x128xf32, #tpu.memory_space<vmem>>) target(%dma_start3A_1805 : memref<256x128xf32, #tpu.memory_space<hbm>>) target_semaphore(%arg11 : memref<!tpu.dma_semaphore, #tpu.memory_space<semaphore_mem>>)
    %add3A_1809 = arith.constant 0 : i32
    %add3A_1810 = arith.addi %multiple_of3A, %add3A_1809 : i32
    %dma_start3A_1811 = arith.constant 6 : i32
    %dma_start3A_1812 = arith.constant 1 : i32
    %dma_start3A_1813 = arith.constant 0 : i32
    %dma_start3A_1814 = tpu.memref_slice %arg5[%dma_start3A_1812, %dma_start3A_1813] : memref<264x128xf32, #tpu.memory_space<vmem>> -> memref<256x128xf32, #tpu.memory_space<vmem>>
    %dma_start3A_1815 = arith.constant 0 : i32
    %dma_start3A_1816 = tpu.memref_slice %arg4[%dma_start3A_1811, %arg1, %add3A_1810, %dma_start3A_1815] : memref<8x16x2048x128xf32, #tpu.memory_space<hbm>> -> memref<1x1x256x128xf32, #tpu.memory_space<hbm>>
    %dma_start3A_1817 = tpu.memref_squeeze %dma_start3A_1816 : memref<1x1x256x128xf32, #tpu.memory_space<hbm>> -> memref<256x128xf32, #tpu.memory_space<hbm>>
    %dma_start3A_1818 = arith.constant 0 : i32
    %dma_start3A_1819 = tpu.memref_slice %arg4[%dma_start3A_1811, %arg1, %add3A_1810, %dma_start3A_1818] : memref<8x16x2048x128xf32, #tpu.memory_space<hbm>> -> memref<1x1x256x128xf32, #tpu.memory_space<hbm>>
    %dma_start3A_1820 = tpu.memref_squeeze %dma_start3A_1819 : memref<1x1x256x128xf32, #tpu.memory_space<hbm>> -> memref<256x128xf32, #tpu.memory_space<hbm>>
    %dma_start3A_1821 = arith.constant 1 : i32
    %dma_start3A_1822 = arith.constant 0 : i32
    %dma_start3A_1823 = tpu.memref_slice %arg5[%dma_start3A_1821, %dma_start3A_1822] : memref<264x128xf32, #tpu.memory_space<vmem>> -> memref<256x128xf32, #tpu.memory_space<vmem>>
    tpu.enqueue_dma source(%dma_start3A_1823 : memref<256x128xf32, #tpu.memory_space<vmem>>) target(%dma_start3A_1820 : memref<256x128xf32, #tpu.memory_space<hbm>>) target_semaphore(%arg11 : memref<!tpu.dma_semaphore, #tpu.memory_space<semaphore_mem>>)
    %add3A_1824 = arith.constant 0 : i32
    %add3A_1825 = arith.addi %multiple_of3A, %add3A_1824 : i32
    %dma_start3A_1826 = arith.constant 7 : i32
    %dma_start3A_1827 = arith.constant 1 : i32
    %dma_start3A_1828 = arith.constant 0 : i32
    %dma_start3A_1829 = tpu.memref_slice %arg5[%dma_start3A_1827, %dma_start3A_1828] : memref<264x128xf32, #tpu.memory_space<vmem>> -> memref<256x128xf32, #tpu.memory_space<vmem>>
    %dma_start3A_1830 = arith.constant 0 : i32
    %dma_start3A_1831 = tpu.memref_slice %arg4[%dma_start3A_1826, %arg1, %add3A_1825, %dma_start3A_1830] : memref<8x16x2048x128xf32, #tpu.memory_space<hbm>> -> memref<1x1x256x128xf32, #tpu.memory_space<hbm>>
    %dma_start3A_1832 = tpu.memref_squeeze %dma_start3A_1831 : memref<1x1x256x128xf32, #tpu.memory_space<hbm>> -> memref<256x128xf32, #tpu.memory_space<hbm>>
    %dma_start3A_1833 = arith.constant 0 : i32
    %dma_start3A_1834 = tpu.memref_slice %arg4[%dma_start3A_1826, %arg1, %add3A_1825, %dma_start3A_1833] : memref<8x16x2048x128xf32, #tpu.memory_space<hbm>> -> memref<1x1x256x128xf32, #tpu.memory_space<hbm>>
    %dma_start3A_1835 = tpu.memref_squeeze %dma_start3A_1834 : memref<1x1x256x128xf32, #tpu.memory_space<hbm>> -> memref<256x128xf32, #tpu.memory_space<hbm>>
    %dma_start3A_1836 = arith.constant 1 : i32
    %dma_start3A_1837 = arith.constant 0 : i32
    %dma_start3A_1838 = tpu.memref_slice %arg5[%dma_start3A_1836, %dma_start3A_1837] : memref<264x128xf32, #tpu.memory_space<vmem>> -> memref<256x128xf32, #tpu.memory_space<vmem>>
    tpu.enqueue_dma source(%dma_start3A_1838 : memref<256x128xf32, #tpu.memory_space<vmem>>) target(%dma_start3A_1835 : memref<256x128xf32, #tpu.memory_space<hbm>>) target_semaphore(%arg11 : memref<!tpu.dma_semaphore, #tpu.memory_space<semaphore_mem>>)
    %dma_wait3A_1839 = arith.constant 0 : i32
    %dma_wait3A_1840 = arith.constant 0 : i32
    %dma_wait3A_1841 = arith.constant 0 : i32
    %dma_wait3A_1842 = tpu.memref_slice %arg6[%dma_wait3A_1840, %dma_wait3A_1841] : memref<264x128xf32, #tpu.memory_space<vmem>> -> memref<264x128xf32, #tpu.memory_space<vmem>>
    %dma_wait3A_1843 = arith.constant 0 : i32
    %dma_wait3A_1844 = tpu.memref_slice %arg3[%dma_wait3A_1839, %arg1, %add3A_15, %dma_wait3A_1843] : memref<1x16x2048x128xf32, #tpu.memory_space<hbm>> -> memref<1x1x264x128xf32, #tpu.memory_space<hbm>>
    %dma_wait3A_1845 = tpu.memref_squeeze %dma_wait3A_1844 : memref<1x1x264x128xf32, #tpu.memory_space<hbm>> -> memref<264x128xf32, #tpu.memory_space<hbm>>
    %dma_wait3A_1846 = arith.constant 0 : i32
    %dma_wait3A_1847 = arith.constant 0 : i32
    %dma_wait3A_1848 = tpu.memref_slice %arg6[%dma_wait3A_1846, %dma_wait3A_1847] : memref<264x128xf32, #tpu.memory_space<vmem>> -> memref<264x128xf32, #tpu.memory_space<vmem>>
    %dma_wait3A_1849 = arith.constant 0 : i32
    %dma_wait3A_1850 = tpu.memref_slice %arg3[%dma_wait3A_1839, %arg1, %add3A_15, %dma_wait3A_1849] : memref<1x16x2048x128xf32, #tpu.memory_space<hbm>> -> memref<1x1x264x128xf32, #tpu.memory_space<hbm>>
    %dma_wait3A_1851 = tpu.memref_squeeze %dma_wait3A_1850 : memref<1x1x264x128xf32, #tpu.memory_space<hbm>> -> memref<264x128xf32, #tpu.memory_space<hbm>>
    tpu.wait_dma2 semaphore(%arg10 : memref<!tpu.dma_semaphore, #tpu.memory_space<semaphore_mem>>) src(%dma_wait3A_1851 : memref<264x128xf32, #tpu.memory_space<hbm>>) dst(%dma_wait3A_1848 : memref<264x128xf32, #tpu.memory_space<vmem>>)
    %add3A_1852 = arith.constant 256 : i32
    %add3A_1853 = arith.addi %multiple_of3A, %add3A_1852 : i32
    %dma_start3A_1854 = arith.constant 0 : i32
    %dma_start3A_1855 = arith.constant 1 : i32
    %dma_start3A_1856 = arith.constant 0 : i32
    %dma_start3A_1857 = tpu.memref_slice %arg6[%dma_start3A_1855, %dma_start3A_1856] : memref<264x128xf32, #tpu.memory_space<vmem>> -> memref<256x128xf32, #tpu.memory_space<vmem>>
    %dma_start3A_1858 = arith.constant 0 : i32
    %dma_start3A_1859 = tpu.memref_slice %arg4[%dma_start3A_1854, %arg1, %add3A_1853, %dma_start3A_1858] : memref<8x16x2048x128xf32, #tpu.memory_space<hbm>> -> memref<1x1x256x128xf32, #tpu.memory_space<hbm>>
    %dma_start3A_1860 = tpu.memref_squeeze %dma_start3A_1859 : memref<1x1x256x128xf32, #tpu.memory_space<hbm>> -> memref<256x128xf32, #tpu.memory_space<hbm>>
    %dma_start3A_1861 = arith.constant 0 : i32
    %dma_start3A_1862 = tpu.memref_slice %arg4[%dma_start3A_1854, %arg1, %add3A_1853, %dma_start3A_1861] : memref<8x16x2048x128xf32, #tpu.memory_space<hbm>> -> memref<1x1x256x128xf32, #tpu.memory_space<hbm>>
    %dma_start3A_1863 = tpu.memref_squeeze %dma_start3A_1862 : memref<1x1x256x128xf32, #tpu.memory_space<hbm>> -> memref<256x128xf32, #tpu.memory_space<hbm>>
    %dma_start3A_1864 = arith.constant 1 : i32
    %dma_start3A_1865 = arith.constant 0 : i32
    %dma_start3A_1866 = tpu.memref_slice %arg6[%dma_start3A_1864, %dma_start3A_1865] : memref<264x128xf32, #tpu.memory_space<vmem>> -> memref<256x128xf32, #tpu.memory_space<vmem>>
    tpu.enqueue_dma source(%dma_start3A_1866 : memref<256x128xf32, #tpu.memory_space<vmem>>) target(%dma_start3A_1863 : memref<256x128xf32, #tpu.memory_space<hbm>>) target_semaphore(%arg12 : memref<!tpu.dma_semaphore, #tpu.memory_space<semaphore_mem>>)
    %add3A_1867 = arith.constant 256 : i32
    %add3A_1868 = arith.addi %multiple_of3A, %add3A_1867 : i32
    %dma_start3A_1869 = arith.constant 1 : i32
    %dma_start3A_1870 = arith.constant 1 : i32
    %dma_start3A_1871 = arith.constant 0 : i32
    %dma_start3A_1872 = tpu.memref_slice %arg6[%dma_start3A_1870, %dma_start3A_1871] : memref<264x128xf32, #tpu.memory_space<vmem>> -> memref<256x128xf32, #tpu.memory_space<vmem>>
    %dma_start3A_1873 = arith.constant 0 : i32
    %dma_start3A_1874 = tpu.memref_slice %arg4[%dma_start3A_1869, %arg1, %add3A_1868, %dma_start3A_1873] : memref<8x16x2048x128xf32, #tpu.memory_space<hbm>> -> memref<1x1x256x128xf32, #tpu.memory_space<hbm>>
    %dma_start3A_1875 = tpu.memref_squeeze %dma_start3A_1874 : memref<1x1x256x128xf32, #tpu.memory_space<hbm>> -> memref<256x128xf32, #tpu.memory_space<hbm>>
    %dma_start3A_1876 = arith.constant 0 : i32
    %dma_start3A_1877 = tpu.memref_slice %arg4[%dma_start3A_1869, %arg1, %add3A_1868, %dma_start3A_1876] : memref<8x16x2048x128xf32, #tpu.memory_space<hbm>> -> memref<1x1x256x128xf32, #tpu.memory_space<hbm>>
    %dma_start3A_1878 = tpu.memref_squeeze %dma_start3A_1877 : memref<1x1x256x128xf32, #tpu.memory_space<hbm>> -> memref<256x128xf32, #tpu.memory_space<hbm>>
    %dma_start3A_1879 = arith.constant 1 : i32
    %dma_start3A_1880 = arith.constant 0 : i32
    %dma_start3A_1881 = tpu.memref_slice %arg6[%dma_start3A_1879, %dma_start3A_1880] : memref<264x128xf32, #tpu.memory_space<vmem>> -> memref<256x128xf32, #tpu.memory_space<vmem>>
    tpu.enqueue_dma source(%dma_start3A_1881 : memref<256x128xf32, #tpu.memory_space<vmem>>) target(%dma_start3A_1878 : memref<256x128xf32, #tpu.memory_space<hbm>>) target_semaphore(%arg12 : memref<!tpu.dma_semaphore, #tpu.memory_space<semaphore_mem>>)
    %add3A_1882 = arith.constant 256 : i32
    %add3A_1883 = arith.addi %multiple_of3A, %add3A_1882 : i32
    %dma_start3A_1884 = arith.constant 2 : i32
    %dma_start3A_1885 = arith.constant 1 : i32
    %dma_start3A_1886 = arith.constant 0 : i32
    %dma_start3A_1887 = tpu.memref_slice %arg6[%dma_start3A_1885, %dma_start3A_1886] : memref<264x128xf32, #tpu.memory_space<vmem>> -> memref<256x128xf32, #tpu.memory_space<vmem>>
    %dma_start3A_1888 = arith.constant 0 : i32
    %dma_start3A_1889 = tpu.memref_slice %arg4[%dma_start3A_1884, %arg1, %add3A_1883, %dma_start3A_1888] : memref<8x16x2048x128xf32, #tpu.memory_space<hbm>> -> memref<1x1x256x128xf32, #tpu.memory_space<hbm>>
    %dma_start3A_1890 = tpu.memref_squeeze %dma_start3A_1889 : memref<1x1x256x128xf32, #tpu.memory_space<hbm>> -> memref<256x128xf32, #tpu.memory_space<hbm>>
    %dma_start3A_1891 = arith.constant 0 : i32
    %dma_start3A_1892 = tpu.memref_slice %arg4[%dma_start3A_1884, %arg1, %add3A_1883, %dma_start3A_1891] : memref<8x16x2048x128xf32, #tpu.memory_space<hbm>> -> memref<1x1x256x128xf32, #tpu.memory_space<hbm>>
    %dma_start3A_1893 = tpu.memref_squeeze %dma_start3A_1892 : memref<1x1x256x128xf32, #tpu.memory_space<hbm>> -> memref<256x128xf32, #tpu.memory_space<hbm>>
    %dma_start3A_1894 = arith.constant 1 : i32
    %dma_start3A_1895 = arith.constant 0 : i32
    %dma_start3A_1896 = tpu.memref_slice %arg6[%dma_start3A_1894, %dma_start3A_1895] : memref<264x128xf32, #tpu.memory_space<vmem>> -> memref<256x128xf32, #tpu.memory_space<vmem>>
    tpu.enqueue_dma source(%dma_start3A_1896 : memref<256x128xf32, #tpu.memory_space<vmem>>) target(%dma_start3A_1893 : memref<256x128xf32, #tpu.memory_space<hbm>>) target_semaphore(%arg12 : memref<!tpu.dma_semaphore, #tpu.memory_space<semaphore_mem>>)
    %add3A_1897 = arith.constant 256 : i32
    %add3A_1898 = arith.addi %multiple_of3A, %add3A_1897 : i32
    %dma_start3A_1899 = arith.constant 3 : i32
    %dma_start3A_1900 = arith.constant 1 : i32
    %dma_start3A_1901 = arith.constant 0 : i32
    %dma_start3A_1902 = tpu.memref_slice %arg6[%dma_start3A_1900, %dma_start3A_1901] : memref<264x128xf32, #tpu.memory_space<vmem>> -> memref<256x128xf32, #tpu.memory_space<vmem>>
    %dma_start3A_1903 = arith.constant 0 : i32
    %dma_start3A_1904 = tpu.memref_slice %arg4[%dma_start3A_1899, %arg1, %add3A_1898, %dma_start3A_1903] : memref<8x16x2048x128xf32, #tpu.memory_space<hbm>> -> memref<1x1x256x128xf32, #tpu.memory_space<hbm>>
    %dma_start3A_1905 = tpu.memref_squeeze %dma_start3A_1904 : memref<1x1x256x128xf32, #tpu.memory_space<hbm>> -> memref<256x128xf32, #tpu.memory_space<hbm>>
    %dma_start3A_1906 = arith.constant 0 : i32
    %dma_start3A_1907 = tpu.memref_slice %arg4[%dma_start3A_1899, %arg1, %add3A_1898, %dma_start3A_1906] : memref<8x16x2048x128xf32, #tpu.memory_space<hbm>> -> memref<1x1x256x128xf32, #tpu.memory_space<hbm>>
    %dma_start3A_1908 = tpu.memref_squeeze %dma_start3A_1907 : memref<1x1x256x128xf32, #tpu.memory_space<hbm>> -> memref<256x128xf32, #tpu.memory_space<hbm>>
    %dma_start3A_1909 = arith.constant 1 : i32
    %dma_start3A_1910 = arith.constant 0 : i32
    %dma_start3A_1911 = tpu.memref_slice %arg6[%dma_start3A_1909, %dma_start3A_1910] : memref<264x128xf32, #tpu.memory_space<vmem>> -> memref<256x128xf32, #tpu.memory_space<vmem>>
    tpu.enqueue_dma source(%dma_start3A_1911 : memref<256x128xf32, #tpu.memory_space<vmem>>) target(%dma_start3A_1908 : memref<256x128xf32, #tpu.memory_space<hbm>>) target_semaphore(%arg12 : memref<!tpu.dma_semaphore, #tpu.memory_space<semaphore_mem>>)
    %add3A_1912 = arith.constant 256 : i32
    %add3A_1913 = arith.addi %multiple_of3A, %add3A_1912 : i32
    %dma_start3A_1914 = arith.constant 4 : i32
    %dma_start3A_1915 = arith.constant 1 : i32
    %dma_start3A_1916 = arith.constant 0 : i32
    %dma_start3A_1917 = tpu.memref_slice %arg6[%dma_start3A_1915, %dma_start3A_1916] : memref<264x128xf32, #tpu.memory_space<vmem>> -> memref<256x128xf32, #tpu.memory_space<vmem>>
    %dma_start3A_1918 = arith.constant 0 : i32
    %dma_start3A_1919 = tpu.memref_slice %arg4[%dma_start3A_1914, %arg1, %add3A_1913, %dma_start3A_1918] : memref<8x16x2048x128xf32, #tpu.memory_space<hbm>> -> memref<1x1x256x128xf32, #tpu.memory_space<hbm>>
    %dma_start3A_1920 = tpu.memref_squeeze %dma_start3A_1919 : memref<1x1x256x128xf32, #tpu.memory_space<hbm>> -> memref<256x128xf32, #tpu.memory_space<hbm>>
    %dma_start3A_1921 = arith.constant 0 : i32
    %dma_start3A_1922 = tpu.memref_slice %arg4[%dma_start3A_1914, %arg1, %add3A_1913, %dma_start3A_1921] : memref<8x16x2048x128xf32, #tpu.memory_space<hbm>> -> memref<1x1x256x128xf32, #tpu.memory_space<hbm>>
    %dma_start3A_1923 = tpu.memref_squeeze %dma_start3A_1922 : memref<1x1x256x128xf32, #tpu.memory_space<hbm>> -> memref<256x128xf32, #tpu.memory_space<hbm>>
    %dma_start3A_1924 = arith.constant 1 : i32
    %dma_start3A_1925 = arith.constant 0 : i32
    %dma_start3A_1926 = tpu.memref_slice %arg6[%dma_start3A_1924, %dma_start3A_1925] : memref<264x128xf32, #tpu.memory_space<vmem>> -> memref<256x128xf32, #tpu.memory_space<vmem>>
    tpu.enqueue_dma source(%dma_start3A_1926 : memref<256x128xf32, #tpu.memory_space<vmem>>) target(%dma_start3A_1923 : memref<256x128xf32, #tpu.memory_space<hbm>>) target_semaphore(%arg12 : memref<!tpu.dma_semaphore, #tpu.memory_space<semaphore_mem>>)
    %add3A_1927 = arith.constant 256 : i32
    %add3A_1928 = arith.addi %multiple_of3A, %add3A_1927 : i32
    %dma_start3A_1929 = arith.constant 5 : i32
    %dma_start3A_1930 = arith.constant 1 : i32
    %dma_start3A_1931 = arith.constant 0 : i32
    %dma_start3A_1932 = tpu.memref_slice %arg6[%dma_start3A_1930, %dma_start3A_1931] : memref<264x128xf32, #tpu.memory_space<vmem>> -> memref<256x128xf32, #tpu.memory_space<vmem>>
    %dma_start3A_1933 = arith.constant 0 : i32
    %dma_start3A_1934 = tpu.memref_slice %arg4[%dma_start3A_1929, %arg1, %add3A_1928, %dma_start3A_1933] : memref<8x16x2048x128xf32, #tpu.memory_space<hbm>> -> memref<1x1x256x128xf32, #tpu.memory_space<hbm>>
    %dma_start3A_1935 = tpu.memref_squeeze %dma_start3A_1934 : memref<1x1x256x128xf32, #tpu.memory_space<hbm>> -> memref<256x128xf32, #tpu.memory_space<hbm>>
    %dma_start3A_1936 = arith.constant 0 : i32
    %dma_start3A_1937 = tpu.memref_slice %arg4[%dma_start3A_1929, %arg1, %add3A_1928, %dma_start3A_1936] : memref<8x16x2048x128xf32, #tpu.memory_space<hbm>> -> memref<1x1x256x128xf32, #tpu.memory_space<hbm>>
    %dma_start3A_1938 = tpu.memref_squeeze %dma_start3A_1937 : memref<1x1x256x128xf32, #tpu.memory_space<hbm>> -> memref<256x128xf32, #tpu.memory_space<hbm>>
    %dma_start3A_1939 = arith.constant 1 : i32
    %dma_start3A_1940 = arith.constant 0 : i32
    %dma_start3A_1941 = tpu.memref_slice %arg6[%dma_start3A_1939, %dma_start3A_1940] : memref<264x128xf32, #tpu.memory_space<vmem>> -> memref<256x128xf32, #tpu.memory_space<vmem>>
    tpu.enqueue_dma source(%dma_start3A_1941 : memref<256x128xf32, #tpu.memory_space<vmem>>) target(%dma_start3A_1938 : memref<256x128xf32, #tpu.memory_space<hbm>>) target_semaphore(%arg12 : memref<!tpu.dma_semaphore, #tpu.memory_space<semaphore_mem>>)
    %add3A_1942 = arith.constant 256 : i32
    %add3A_1943 = arith.addi %multiple_of3A, %add3A_1942 : i32
    %dma_start3A_1944 = arith.constant 6 : i32
    %dma_start3A_1945 = arith.constant 1 : i32
    %dma_start3A_1946 = arith.constant 0 : i32
    %dma_start3A_1947 = tpu.memref_slice %arg6[%dma_start3A_1945, %dma_start3A_1946] : memref<264x128xf32, #tpu.memory_space<vmem>> -> memref<256x128xf32, #tpu.memory_space<vmem>>
    %dma_start3A_1948 = arith.constant 0 : i32
    %dma_start3A_1949 = tpu.memref_slice %arg4[%dma_start3A_1944, %arg1, %add3A_1943, %dma_start3A_1948] : memref<8x16x2048x128xf32, #tpu.memory_space<hbm>> -> memref<1x1x256x128xf32, #tpu.memory_space<hbm>>
    %dma_start3A_1950 = tpu.memref_squeeze %dma_start3A_1949 : memref<1x1x256x128xf32, #tpu.memory_space<hbm>> -> memref<256x128xf32, #tpu.memory_space<hbm>>
    %dma_start3A_1951 = arith.constant 0 : i32
    %dma_start3A_1952 = tpu.memref_slice %arg4[%dma_start3A_1944, %arg1, %add3A_1943, %dma_start3A_1951] : memref<8x16x2048x128xf32, #tpu.memory_space<hbm>> -> memref<1x1x256x128xf32, #tpu.memory_space<hbm>>
    %dma_start3A_1953 = tpu.memref_squeeze %dma_start3A_1952 : memref<1x1x256x128xf32, #tpu.memory_space<hbm>> -> memref<256x128xf32, #tpu.memory_space<hbm>>
    %dma_start3A_1954 = arith.constant 1 : i32
    %dma_start3A_1955 = arith.constant 0 : i32
    %dma_start3A_1956 = tpu.memref_slice %arg6[%dma_start3A_1954, %dma_start3A_1955] : memref<264x128xf32, #tpu.memory_space<vmem>> -> memref<256x128xf32, #tpu.memory_space<vmem>>
    tpu.enqueue_dma source(%dma_start3A_1956 : memref<256x128xf32, #tpu.memory_space<vmem>>) target(%dma_start3A_1953 : memref<256x128xf32, #tpu.memory_space<hbm>>) target_semaphore(%arg12 : memref<!tpu.dma_semaphore, #tpu.memory_space<semaphore_mem>>)
    %add3A_1957 = arith.constant 256 : i32
    %add3A_1958 = arith.addi %multiple_of3A, %add3A_1957 : i32
    %dma_start3A_1959 = arith.constant 7 : i32
    %dma_start3A_1960 = arith.constant 1 : i32
    %dma_start3A_1961 = arith.constant 0 : i32
    %dma_start3A_1962 = tpu.memref_slice %arg6[%dma_start3A_1960, %dma_start3A_1961] : memref<264x128xf32, #tpu.memory_space<vmem>> -> memref<256x128xf32, #tpu.memory_space<vmem>>
    %dma_start3A_1963 = arith.constant 0 : i32
    %dma_start3A_1964 = tpu.memref_slice %arg4[%dma_start3A_1959, %arg1, %add3A_1958, %dma_start3A_1963] : memref<8x16x2048x128xf32, #tpu.memory_space<hbm>> -> memref<1x1x256x128xf32, #tpu.memory_space<hbm>>
    %dma_start3A_1965 = tpu.memref_squeeze %dma_start3A_1964 : memref<1x1x256x128xf32, #tpu.memory_space<hbm>> -> memref<256x128xf32, #tpu.memory_space<hbm>>
    %dma_start3A_1966 = arith.constant 0 : i32
    %dma_start3A_1967 = tpu.memref_slice %arg4[%dma_start3A_1959, %arg1, %add3A_1958, %dma_start3A_1966] : memref<8x16x2048x128xf32, #tpu.memory_space<hbm>> -> memref<1x1x256x128xf32, #tpu.memory_space<hbm>>
    %dma_start3A_1968 = tpu.memref_squeeze %dma_start3A_1967 : memref<1x1x256x128xf32, #tpu.memory_space<hbm>> -> memref<256x128xf32, #tpu.memory_space<hbm>>
    %dma_start3A_1969 = arith.constant 1 : i32
    %dma_start3A_1970 = arith.constant 0 : i32
    %dma_start3A_1971 = tpu.memref_slice %arg6[%dma_start3A_1969, %dma_start3A_1970] : memref<264x128xf32, #tpu.memory_space<vmem>> -> memref<256x128xf32, #tpu.memory_space<vmem>>
    tpu.enqueue_dma source(%dma_start3A_1971 : memref<256x128xf32, #tpu.memory_space<vmem>>) target(%dma_start3A_1968 : memref<256x128xf32, #tpu.memory_space<hbm>>) target_semaphore(%arg12 : memref<!tpu.dma_semaphore, #tpu.memory_space<semaphore_mem>>)
    %dma_wait3A_1972 = arith.constant 0 : i32
    %dma_wait3A_1973 = arith.constant 1 : i32
    %dma_wait3A_1974 = arith.constant 0 : i32
    %dma_wait3A_1975 = tpu.memref_slice %arg5[%dma_wait3A_1973, %dma_wait3A_1974] : memref<264x128xf32, #tpu.memory_space<vmem>> -> memref<256x128xf32, #tpu.memory_space<vmem>>
    %dma_wait3A_1976 = arith.constant 0 : i32
    %dma_wait3A_1977 = tpu.memref_slice %arg4[%dma_wait3A_1972, %arg1, %add3A_1720, %dma_wait3A_1976] : memref<8x16x2048x128xf32, #tpu.memory_space<hbm>> -> memref<1x1x256x128xf32, #tpu.memory_space<hbm>>
    %dma_wait3A_1978 = tpu.memref_squeeze %dma_wait3A_1977 : memref<1x1x256x128xf32, #tpu.memory_space<hbm>> -> memref<256x128xf32, #tpu.memory_space<hbm>>
    %dma_wait3A_1979 = arith.constant 0 : i32
    %dma_wait3A_1980 = tpu.memref_slice %arg4[%dma_wait3A_1972, %arg1, %add3A_1720, %dma_wait3A_1979] : memref<8x16x2048x128xf32, #tpu.memory_space<hbm>> -> memref<1x1x256x128xf32, #tpu.memory_space<hbm>>
    %dma_wait3A_1981 = tpu.memref_squeeze %dma_wait3A_1980 : memref<1x1x256x128xf32, #tpu.memory_space<hbm>> -> memref<256x128xf32, #tpu.memory_space<hbm>>
    %dma_wait3A_1982 = arith.constant 1 : i32
    %dma_wait3A_1983 = arith.constant 0 : i32
    %dma_wait3A_1984 = tpu.memref_slice %arg5[%dma_wait3A_1982, %dma_wait3A_1983] : memref<264x128xf32, #tpu.memory_space<vmem>> -> memref<256x128xf32, #tpu.memory_space<vmem>>
    tpu.wait_dma2 semaphore(%arg11 : memref<!tpu.dma_semaphore, #tpu.memory_space<semaphore_mem>>) src(%dma_wait3A_1984 : memref<256x128xf32, #tpu.memory_space<vmem>>) dst(%dma_wait3A_1981 : memref<256x128xf32, #tpu.memory_space<hbm>>)
    %dma_wait3A_1985 = arith.constant 1 : i32
    %dma_wait3A_1986 = arith.constant 1 : i32
    %dma_wait3A_1987 = arith.constant 0 : i32
    %dma_wait3A_1988 = tpu.memref_slice %arg5[%dma_wait3A_1986, %dma_wait3A_1987] : memref<264x128xf32, #tpu.memory_space<vmem>> -> memref<256x128xf32, #tpu.memory_space<vmem>>
    %dma_wait3A_1989 = arith.constant 0 : i32
    %dma_wait3A_1990 = tpu.memref_slice %arg4[%dma_wait3A_1985, %arg1, %add3A_1735, %dma_wait3A_1989] : memref<8x16x2048x128xf32, #tpu.memory_space<hbm>> -> memref<1x1x256x128xf32, #tpu.memory_space<hbm>>
    %dma_wait3A_1991 = tpu.memref_squeeze %dma_wait3A_1990 : memref<1x1x256x128xf32, #tpu.memory_space<hbm>> -> memref<256x128xf32, #tpu.memory_space<hbm>>
    %dma_wait3A_1992 = arith.constant 0 : i32
    %dma_wait3A_1993 = tpu.memref_slice %arg4[%dma_wait3A_1985, %arg1, %add3A_1735, %dma_wait3A_1992] : memref<8x16x2048x128xf32, #tpu.memory_space<hbm>> -> memref<1x1x256x128xf32, #tpu.memory_space<hbm>>
    %dma_wait3A_1994 = tpu.memref_squeeze %dma_wait3A_1993 : memref<1x1x256x128xf32, #tpu.memory_space<hbm>> -> memref<256x128xf32, #tpu.memory_space<hbm>>
    %dma_wait3A_1995 = arith.constant 1 : i32
    %dma_wait3A_1996 = arith.constant 0 : i32
    %dma_wait3A_1997 = tpu.memref_slice %arg5[%dma_wait3A_1995, %dma_wait3A_1996] : memref<264x128xf32, #tpu.memory_space<vmem>> -> memref<256x128xf32, #tpu.memory_space<vmem>>
    tpu.wait_dma2 semaphore(%arg11 : memref<!tpu.dma_semaphore, #tpu.memory_space<semaphore_mem>>) src(%dma_wait3A_1997 : memref<256x128xf32, #tpu.memory_space<vmem>>) dst(%dma_wait3A_1994 : memref<256x128xf32, #tpu.memory_space<hbm>>)
    %dma_wait3A_1998 = arith.constant 2 : i32
    %dma_wait3A_1999 = arith.constant 1 : i32
    %dma_wait3A_2000 = arith.constant 0 : i32
    %dma_wait3A_2001 = tpu.memref_slice %arg5[%dma_wait3A_1999, %dma_wait3A_2000] : memref<264x128xf32, #tpu.memory_space<vmem>> -> memref<256x128xf32, #tpu.memory_space<vmem>>
    %dma_wait3A_2002 = arith.constant 0 : i32
    %dma_wait3A_2003 = tpu.memref_slice %arg4[%dma_wait3A_1998, %arg1, %add3A_1750, %dma_wait3A_2002] : memref<8x16x2048x128xf32, #tpu.memory_space<hbm>> -> memref<1x1x256x128xf32, #tpu.memory_space<hbm>>
    %dma_wait3A_2004 = tpu.memref_squeeze %dma_wait3A_2003 : memref<1x1x256x128xf32, #tpu.memory_space<hbm>> -> memref<256x128xf32, #tpu.memory_space<hbm>>
    %dma_wait3A_2005 = arith.constant 0 : i32
    %dma_wait3A_2006 = tpu.memref_slice %arg4[%dma_wait3A_1998, %arg1, %add3A_1750, %dma_wait3A_2005] : memref<8x16x2048x128xf32, #tpu.memory_space<hbm>> -> memref<1x1x256x128xf32, #tpu.memory_space<hbm>>
    %dma_wait3A_2007 = tpu.memref_squeeze %dma_wait3A_2006 : memref<1x1x256x128xf32, #tpu.memory_space<hbm>> -> memref<256x128xf32, #tpu.memory_space<hbm>>
    %dma_wait3A_2008 = arith.constant 1 : i32
    %dma_wait3A_2009 = arith.constant 0 : i32
    %dma_wait3A_2010 = tpu.memref_slice %arg5[%dma_wait3A_2008, %dma_wait3A_2009] : memref<264x128xf32, #tpu.memory_space<vmem>> -> memref<256x128xf32, #tpu.memory_space<vmem>>
    tpu.wait_dma2 semaphore(%arg11 : memref<!tpu.dma_semaphore, #tpu.memory_space<semaphore_mem>>) src(%dma_wait3A_2010 : memref<256x128xf32, #tpu.memory_space<vmem>>) dst(%dma_wait3A_2007 : memref<256x128xf32, #tpu.memory_space<hbm>>)
    %dma_wait3A_2011 = arith.constant 3 : i32
    %dma_wait3A_2012 = arith.constant 1 : i32
    %dma_wait3A_2013 = arith.constant 0 : i32
    %dma_wait3A_2014 = tpu.memref_slice %arg5[%dma_wait3A_2012, %dma_wait3A_2013] : memref<264x128xf32, #tpu.memory_space<vmem>> -> memref<256x128xf32, #tpu.memory_space<vmem>>
    %dma_wait3A_2015 = arith.constant 0 : i32
    %dma_wait3A_2016 = tpu.memref_slice %arg4[%dma_wait3A_2011, %arg1, %add3A_1765, %dma_wait3A_2015] : memref<8x16x2048x128xf32, #tpu.memory_space<hbm>> -> memref<1x1x256x128xf32, #tpu.memory_space<hbm>>
    %dma_wait3A_2017 = tpu.memref_squeeze %dma_wait3A_2016 : memref<1x1x256x128xf32, #tpu.memory_space<hbm>> -> memref<256x128xf32, #tpu.memory_space<hbm>>
    %dma_wait3A_2018 = arith.constant 0 : i32
    %dma_wait3A_2019 = tpu.memref_slice %arg4[%dma_wait3A_2011, %arg1, %add3A_1765, %dma_wait3A_2018] : memref<8x16x2048x128xf32, #tpu.memory_space<hbm>> -> memref<1x1x256x128xf32, #tpu.memory_space<hbm>>
    %dma_wait3A_2020 = tpu.memref_squeeze %dma_wait3A_2019 : memref<1x1x256x128xf32, #tpu.memory_space<hbm>> -> memref<256x128xf32, #tpu.memory_space<hbm>>
    %dma_wait3A_2021 = arith.constant 1 : i32
    %dma_wait3A_2022 = arith.constant 0 : i32
    %dma_wait3A_2023 = tpu.memref_slice %arg5[%dma_wait3A_2021, %dma_wait3A_2022] : memref<264x128xf32, #tpu.memory_space<vmem>> -> memref<256x128xf32, #tpu.memory_space<vmem>>
    tpu.wait_dma2 semaphore(%arg11 : memref<!tpu.dma_semaphore, #tpu.memory_space<semaphore_mem>>) src(%dma_wait3A_2023 : memref<256x128xf32, #tpu.memory_space<vmem>>) dst(%dma_wait3A_2020 : memref<256x128xf32, #tpu.memory_space<hbm>>)
    %dma_wait3A_2024 = arith.constant 4 : i32
    %dma_wait3A_2025 = arith.constant 1 : i32
    %dma_wait3A_2026 = arith.constant 0 : i32
    %dma_wait3A_2027 = tpu.memref_slice %arg5[%dma_wait3A_2025, %dma_wait3A_2026] : memref<264x128xf32, #tpu.memory_space<vmem>> -> memref<256x128xf32, #tpu.memory_space<vmem>>
    %dma_wait3A_2028 = arith.constant 0 : i32
    %dma_wait3A_2029 = tpu.memref_slice %arg4[%dma_wait3A_2024, %arg1, %add3A_1780, %dma_wait3A_2028] : memref<8x16x2048x128xf32, #tpu.memory_space<hbm>> -> memref<1x1x256x128xf32, #tpu.memory_space<hbm>>
    %dma_wait3A_2030 = tpu.memref_squeeze %dma_wait3A_2029 : memref<1x1x256x128xf32, #tpu.memory_space<hbm>> -> memref<256x128xf32, #tpu.memory_space<hbm>>
    %dma_wait3A_2031 = arith.constant 0 : i32
    %dma_wait3A_2032 = tpu.memref_slice %arg4[%dma_wait3A_2024, %arg1, %add3A_1780, %dma_wait3A_2031] : memref<8x16x2048x128xf32, #tpu.memory_space<hbm>> -> memref<1x1x256x128xf32, #tpu.memory_space<hbm>>
    %dma_wait3A_2033 = tpu.memref_squeeze %dma_wait3A_2032 : memref<1x1x256x128xf32, #tpu.memory_space<hbm>> -> memref<256x128xf32, #tpu.memory_space<hbm>>
    %dma_wait3A_2034 = arith.constant 1 : i32
    %dma_wait3A_2035 = arith.constant 0 : i32
    %dma_wait3A_2036 = tpu.memref_slice %arg5[%dma_wait3A_2034, %dma_wait3A_2035] : memref<264x128xf32, #tpu.memory_space<vmem>> -> memref<256x128xf32, #tpu.memory_space<vmem>>
    tpu.wait_dma2 semaphore(%arg11 : memref<!tpu.dma_semaphore, #tpu.memory_space<semaphore_mem>>) src(%dma_wait3A_2036 : memref<256x128xf32, #tpu.memory_space<vmem>>) dst(%dma_wait3A_2033 : memref<256x128xf32, #tpu.memory_space<hbm>>)
    %dma_wait3A_2037 = arith.constant 5 : i32
    %dma_wait3A_2038 = arith.constant 1 : i32
    %dma_wait3A_2039 = arith.constant 0 : i32
    %dma_wait3A_2040 = tpu.memref_slice %arg5[%dma_wait3A_2038, %dma_wait3A_2039] : memref<264x128xf32, #tpu.memory_space<vmem>> -> memref<256x128xf32, #tpu.memory_space<vmem>>
    %dma_wait3A_2041 = arith.constant 0 : i32
    %dma_wait3A_2042 = tpu.memref_slice %arg4[%dma_wait3A_2037, %arg1, %add3A_1795, %dma_wait3A_2041] : memref<8x16x2048x128xf32, #tpu.memory_space<hbm>> -> memref<1x1x256x128xf32, #tpu.memory_space<hbm>>
    %dma_wait3A_2043 = tpu.memref_squeeze %dma_wait3A_2042 : memref<1x1x256x128xf32, #tpu.memory_space<hbm>> -> memref<256x128xf32, #tpu.memory_space<hbm>>
    %dma_wait3A_2044 = arith.constant 0 : i32
    %dma_wait3A_2045 = tpu.memref_slice %arg4[%dma_wait3A_2037, %arg1, %add3A_1795, %dma_wait3A_2044] : memref<8x16x2048x128xf32, #tpu.memory_space<hbm>> -> memref<1x1x256x128xf32, #tpu.memory_space<hbm>>
    %dma_wait3A_2046 = tpu.memref_squeeze %dma_wait3A_2045 : memref<1x1x256x128xf32, #tpu.memory_space<hbm>> -> memref<256x128xf32, #tpu.memory_space<hbm>>
    %dma_wait3A_2047 = arith.constant 1 : i32
    %dma_wait3A_2048 = arith.constant 0 : i32
    %dma_wait3A_2049 = tpu.memref_slice %arg5[%dma_wait3A_2047, %dma_wait3A_2048] : memref<264x128xf32, #tpu.memory_space<vmem>> -> memref<256x128xf32, #tpu.memory_space<vmem>>
    tpu.wait_dma2 semaphore(%arg11 : memref<!tpu.dma_semaphore, #tpu.memory_space<semaphore_mem>>) src(%dma_wait3A_2049 : memref<256x128xf32, #tpu.memory_space<vmem>>) dst(%dma_wait3A_2046 : memref<256x128xf32, #tpu.memory_space<hbm>>)
    %dma_wait3A_2050 = arith.constant 6 : i32
    %dma_wait3A_2051 = arith.constant 1 : i32
    %dma_wait3A_2052 = arith.constant 0 : i32
    %dma_wait3A_2053 = tpu.memref_slice %arg5[%dma_wait3A_2051, %dma_wait3A_2052] : memref<264x128xf32, #tpu.memory_space<vmem>> -> memref<256x128xf32, #tpu.memory_space<vmem>>
    %dma_wait3A_2054 = arith.constant 0 : i32
    %dma_wait3A_2055 = tpu.memref_slice %arg4[%dma_wait3A_2050, %arg1, %add3A_1810, %dma_wait3A_2054] : memref<8x16x2048x128xf32, #tpu.memory_space<hbm>> -> memref<1x1x256x128xf32, #tpu.memory_space<hbm>>
    %dma_wait3A_2056 = tpu.memref_squeeze %dma_wait3A_2055 : memref<1x1x256x128xf32, #tpu.memory_space<hbm>> -> memref<256x128xf32, #tpu.memory_space<hbm>>
    %dma_wait3A_2057 = arith.constant 0 : i32
    %dma_wait3A_2058 = tpu.memref_slice %arg4[%dma_wait3A_2050, %arg1, %add3A_1810, %dma_wait3A_2057] : memref<8x16x2048x128xf32, #tpu.memory_space<hbm>> -> memref<1x1x256x128xf32, #tpu.memory_space<hbm>>
    %dma_wait3A_2059 = tpu.memref_squeeze %dma_wait3A_2058 : memref<1x1x256x128xf32, #tpu.memory_space<hbm>> -> memref<256x128xf32, #tpu.memory_space<hbm>>
    %dma_wait3A_2060 = arith.constant 1 : i32
    %dma_wait3A_2061 = arith.constant 0 : i32
    %dma_wait3A_2062 = tpu.memref_slice %arg5[%dma_wait3A_2060, %dma_wait3A_2061] : memref<264x128xf32, #tpu.memory_space<vmem>> -> memref<256x128xf32, #tpu.memory_space<vmem>>
    tpu.wait_dma2 semaphore(%arg11 : memref<!tpu.dma_semaphore, #tpu.memory_space<semaphore_mem>>) src(%dma_wait3A_2062 : memref<256x128xf32, #tpu.memory_space<vmem>>) dst(%dma_wait3A_2059 : memref<256x128xf32, #tpu.memory_space<hbm>>)
    %dma_wait3A_2063 = arith.constant 7 : i32
    %dma_wait3A_2064 = arith.constant 1 : i32
    %dma_wait3A_2065 = arith.constant 0 : i32
    %dma_wait3A_2066 = tpu.memref_slice %arg5[%dma_wait3A_2064, %dma_wait3A_2065] : memref<264x128xf32, #tpu.memory_space<vmem>> -> memref<256x128xf32, #tpu.memory_space<vmem>>
    %dma_wait3A_2067 = arith.constant 0 : i32
    %dma_wait3A_2068 = tpu.memref_slice %arg4[%dma_wait3A_2063, %arg1, %add3A_1825, %dma_wait3A_2067] : memref<8x16x2048x128xf32, #tpu.memory_space<hbm>> -> memref<1x1x256x128xf32, #tpu.memory_space<hbm>>
    %dma_wait3A_2069 = tpu.memref_squeeze %dma_wait3A_2068 : memref<1x1x256x128xf32, #tpu.memory_space<hbm>> -> memref<256x128xf32, #tpu.memory_space<hbm>>
    %dma_wait3A_2070 = arith.constant 0 : i32
    %dma_wait3A_2071 = tpu.memref_slice %arg4[%dma_wait3A_2063, %arg1, %add3A_1825, %dma_wait3A_2070] : memref<8x16x2048x128xf32, #tpu.memory_space<hbm>> -> memref<1x1x256x128xf32, #tpu.memory_space<hbm>>
    %dma_wait3A_2072 = tpu.memref_squeeze %dma_wait3A_2071 : memref<1x1x256x128xf32, #tpu.memory_space<hbm>> -> memref<256x128xf32, #tpu.memory_space<hbm>>
    %dma_wait3A_2073 = arith.constant 1 : i32
    %dma_wait3A_2074 = arith.constant 0 : i32
    %dma_wait3A_2075 = tpu.memref_slice %arg5[%dma_wait3A_2073, %dma_wait3A_2074] : memref<264x128xf32, #tpu.memory_space<vmem>> -> memref<256x128xf32, #tpu.memory_space<vmem>>
    tpu.wait_dma2 semaphore(%arg11 : memref<!tpu.dma_semaphore, #tpu.memory_space<semaphore_mem>>) src(%dma_wait3A_2075 : memref<256x128xf32, #tpu.memory_space<vmem>>) dst(%dma_wait3A_2072 : memref<256x128xf32, #tpu.memory_space<hbm>>)
    %add3A_2076 = arith.constant 512 : i32
    %add3A_2077 = arith.addi %multiple_of3A, %add3A_2076 : i32
    %dma_start3A_2078 = arith.constant 0 : i32
    %dma_start3A_2079 = arith.constant 0 : i32
    %dma_start3A_2080 = arith.constant 0 : i32
    %dma_start3A_2081 = tpu.memref_slice %arg5[%dma_start3A_2079, %dma_start3A_2080] : memref<264x128xf32, #tpu.memory_space<vmem>> -> memref<264x128xf32, #tpu.memory_space<vmem>>
    %dma_start3A_2082 = arith.constant 0 : i32
    %dma_start3A_2083 = tpu.memref_slice %arg3[%dma_start3A_2078, %arg1, %add3A_2077, %dma_start3A_2082] : memref<1x16x2048x128xf32, #tpu.memory_space<hbm>> -> memref<1x1x264x128xf32, #tpu.memory_space<hbm>>
    %dma_start3A_2084 = tpu.memref_squeeze %dma_start3A_2083 : memref<1x1x264x128xf32, #tpu.memory_space<hbm>> -> memref<264x128xf32, #tpu.memory_space<hbm>>
    %dma_start3A_2085 = arith.constant 0 : i32
    %dma_start3A_2086 = arith.constant 0 : i32
    %dma_start3A_2087 = tpu.memref_slice %arg5[%dma_start3A_2085, %dma_start3A_2086] : memref<264x128xf32, #tpu.memory_space<vmem>> -> memref<264x128xf32, #tpu.memory_space<vmem>>
    %dma_start3A_2088 = arith.constant 0 : i32
    %dma_start3A_2089 = tpu.memref_slice %arg3[%dma_start3A_2078, %arg1, %add3A_2077, %dma_start3A_2088] : memref<1x16x2048x128xf32, #tpu.memory_space<hbm>> -> memref<1x1x264x128xf32, #tpu.memory_space<hbm>>
    %dma_start3A_2090 = tpu.memref_squeeze %dma_start3A_2089 : memref<1x1x264x128xf32, #tpu.memory_space<hbm>> -> memref<264x128xf32, #tpu.memory_space<hbm>>
    tpu.enqueue_dma source(%dma_start3A_2090 : memref<264x128xf32, #tpu.memory_space<hbm>>) target(%dma_start3A_2087 : memref<264x128xf32, #tpu.memory_space<vmem>>) target_semaphore(%arg9 : memref<!tpu.dma_semaphore, #tpu.memory_space<semaphore_mem>>)
    %dma_wait3A_2091 = arith.constant 0 : i32
    %dma_wait3A_2092 = arith.constant 0 : i32
    %dma_wait3A_2093 = arith.constant 0 : i32
    %dma_wait3A_2094 = tpu.memref_slice %arg5[%dma_wait3A_2092, %dma_wait3A_2093] : memref<264x128xf32, #tpu.memory_space<vmem>> -> memref<264x128xf32, #tpu.memory_space<vmem>>
    %dma_wait3A_2095 = arith.constant 0 : i32
    %dma_wait3A_2096 = tpu.memref_slice %arg3[%dma_wait3A_2091, %arg1, %add3A_2077, %dma_wait3A_2095] : memref<1x16x2048x128xf32, #tpu.memory_space<hbm>> -> memref<1x1x264x128xf32, #tpu.memory_space<hbm>>
    %dma_wait3A_2097 = tpu.memref_squeeze %dma_wait3A_2096 : memref<1x1x264x128xf32, #tpu.memory_space<hbm>> -> memref<264x128xf32, #tpu.memory_space<hbm>>
    %dma_wait3A_2098 = arith.constant 0 : i32
    %dma_wait3A_2099 = arith.constant 0 : i32
    %dma_wait3A_2100 = tpu.memref_slice %arg5[%dma_wait3A_2098, %dma_wait3A_2099] : memref<264x128xf32, #tpu.memory_space<vmem>> -> memref<264x128xf32, #tpu.memory_space<vmem>>
    %dma_wait3A_2101 = arith.constant 0 : i32
    %dma_wait3A_2102 = tpu.memref_slice %arg3[%dma_wait3A_2091, %arg1, %add3A_2077, %dma_wait3A_2101] : memref<1x16x2048x128xf32, #tpu.memory_space<hbm>> -> memref<1x1x264x128xf32, #tpu.memory_space<hbm>>
    %dma_wait3A_2103 = tpu.memref_squeeze %dma_wait3A_2102 : memref<1x1x264x128xf32, #tpu.memory_space<hbm>> -> memref<264x128xf32, #tpu.memory_space<hbm>>
    tpu.wait_dma2 semaphore(%arg9 : memref<!tpu.dma_semaphore, #tpu.memory_space<semaphore_mem>>) src(%dma_wait3A_2103 : memref<264x128xf32, #tpu.memory_space<hbm>>) dst(%dma_wait3A_2100 : memref<264x128xf32, #tpu.memory_space<vmem>>)
    %add3A_2104 = arith.constant 512 : i32
    %add3A_2105 = arith.addi %multiple_of3A, %add3A_2104 : i32
    %dma_start3A_2106 = arith.constant 0 : i32
    %dma_start3A_2107 = arith.constant 1 : i32
    %dma_start3A_2108 = arith.constant 0 : i32
    %dma_start3A_2109 = tpu.memref_slice %arg5[%dma_start3A_2107, %dma_start3A_2108] : memref<264x128xf32, #tpu.memory_space<vmem>> -> memref<256x128xf32, #tpu.memory_space<vmem>>
    %dma_start3A_2110 = arith.constant 0 : i32
    %dma_start3A_2111 = tpu.memref_slice %arg4[%dma_start3A_2106, %arg1, %add3A_2105, %dma_start3A_2110] : memref<8x16x2048x128xf32, #tpu.memory_space<hbm>> -> memref<1x1x256x128xf32, #tpu.memory_space<hbm>>
    %dma_start3A_2112 = tpu.memref_squeeze %dma_start3A_2111 : memref<1x1x256x128xf32, #tpu.memory_space<hbm>> -> memref<256x128xf32, #tpu.memory_space<hbm>>
    %dma_start3A_2113 = arith.constant 0 : i32
    %dma_start3A_2114 = tpu.memref_slice %arg4[%dma_start3A_2106, %arg1, %add3A_2105, %dma_start3A_2113] : memref<8x16x2048x128xf32, #tpu.memory_space<hbm>> -> memref<1x1x256x128xf32, #tpu.memory_space<hbm>>
    %dma_start3A_2115 = tpu.memref_squeeze %dma_start3A_2114 : memref<1x1x256x128xf32, #tpu.memory_space<hbm>> -> memref<256x128xf32, #tpu.memory_space<hbm>>
    %dma_start3A_2116 = arith.constant 1 : i32
    %dma_start3A_2117 = arith.constant 0 : i32
    %dma_start3A_2118 = tpu.memref_slice %arg5[%dma_start3A_2116, %dma_start3A_2117] : memref<264x128xf32, #tpu.memory_space<vmem>> -> memref<256x128xf32, #tpu.memory_space<vmem>>
    tpu.enqueue_dma source(%dma_start3A_2118 : memref<256x128xf32, #tpu.memory_space<vmem>>) target(%dma_start3A_2115 : memref<256x128xf32, #tpu.memory_space<hbm>>) target_semaphore(%arg11 : memref<!tpu.dma_semaphore, #tpu.memory_space<semaphore_mem>>)
    %add3A_2119 = arith.constant 512 : i32
    %add3A_2120 = arith.addi %multiple_of3A, %add3A_2119 : i32
    %dma_start3A_2121 = arith.constant 1 : i32
    %dma_start3A_2122 = arith.constant 1 : i32
    %dma_start3A_2123 = arith.constant 0 : i32
    %dma_start3A_2124 = tpu.memref_slice %arg5[%dma_start3A_2122, %dma_start3A_2123] : memref<264x128xf32, #tpu.memory_space<vmem>> -> memref<256x128xf32, #tpu.memory_space<vmem>>
    %dma_start3A_2125 = arith.constant 0 : i32
    %dma_start3A_2126 = tpu.memref_slice %arg4[%dma_start3A_2121, %arg1, %add3A_2120, %dma_start3A_2125] : memref<8x16x2048x128xf32, #tpu.memory_space<hbm>> -> memref<1x1x256x128xf32, #tpu.memory_space<hbm>>
    %dma_start3A_2127 = tpu.memref_squeeze %dma_start3A_2126 : memref<1x1x256x128xf32, #tpu.memory_space<hbm>> -> memref<256x128xf32, #tpu.memory_space<hbm>>
    %dma_start3A_2128 = arith.constant 0 : i32
    %dma_start3A_2129 = tpu.memref_slice %arg4[%dma_start3A_2121, %arg1, %add3A_2120, %dma_start3A_2128] : memref<8x16x2048x128xf32, #tpu.memory_space<hbm>> -> memref<1x1x256x128xf32, #tpu.memory_space<hbm>>
    %dma_start3A_2130 = tpu.memref_squeeze %dma_start3A_2129 : memref<1x1x256x128xf32, #tpu.memory_space<hbm>> -> memref<256x128xf32, #tpu.memory_space<hbm>>
    %dma_start3A_2131 = arith.constant 1 : i32
    %dma_start3A_2132 = arith.constant 0 : i32
    %dma_start3A_2133 = tpu.memref_slice %arg5[%dma_start3A_2131, %dma_start3A_2132] : memref<264x128xf32, #tpu.memory_space<vmem>> -> memref<256x128xf32, #tpu.memory_space<vmem>>
    tpu.enqueue_dma source(%dma_start3A_2133 : memref<256x128xf32, #tpu.memory_space<vmem>>) target(%dma_start3A_2130 : memref<256x128xf32, #tpu.memory_space<hbm>>) target_semaphore(%arg11 : memref<!tpu.dma_semaphore, #tpu.memory_space<semaphore_mem>>)
    %add3A_2134 = arith.constant 512 : i32
    %add3A_2135 = arith.addi %multiple_of3A, %add3A_2134 : i32
    %dma_start3A_2136 = arith.constant 2 : i32
    %dma_start3A_2137 = arith.constant 1 : i32
    %dma_start3A_2138 = arith.constant 0 : i32
    %dma_start3A_2139 = tpu.memref_slice %arg5[%dma_start3A_2137, %dma_start3A_2138] : memref<264x128xf32, #tpu.memory_space<vmem>> -> memref<256x128xf32, #tpu.memory_space<vmem>>
    %dma_start3A_2140 = arith.constant 0 : i32
    %dma_start3A_2141 = tpu.memref_slice %arg4[%dma_start3A_2136, %arg1, %add3A_2135, %dma_start3A_2140] : memref<8x16x2048x128xf32, #tpu.memory_space<hbm>> -> memref<1x1x256x128xf32, #tpu.memory_space<hbm>>
    %dma_start3A_2142 = tpu.memref_squeeze %dma_start3A_2141 : memref<1x1x256x128xf32, #tpu.memory_space<hbm>> -> memref<256x128xf32, #tpu.memory_space<hbm>>
    %dma_start3A_2143 = arith.constant 0 : i32
    %dma_start3A_2144 = tpu.memref_slice %arg4[%dma_start3A_2136, %arg1, %add3A_2135, %dma_start3A_2143] : memref<8x16x2048x128xf32, #tpu.memory_space<hbm>> -> memref<1x1x256x128xf32, #tpu.memory_space<hbm>>
    %dma_start3A_2145 = tpu.memref_squeeze %dma_start3A_2144 : memref<1x1x256x128xf32, #tpu.memory_space<hbm>> -> memref<256x128xf32, #tpu.memory_space<hbm>>
    %dma_start3A_2146 = arith.constant 1 : i32
    %dma_start3A_2147 = arith.constant 0 : i32
    %dma_start3A_2148 = tpu.memref_slice %arg5[%dma_start3A_2146, %dma_start3A_2147] : memref<264x128xf32, #tpu.memory_space<vmem>> -> memref<256x128xf32, #tpu.memory_space<vmem>>
    tpu.enqueue_dma source(%dma_start3A_2148 : memref<256x128xf32, #tpu.memory_space<vmem>>) target(%dma_start3A_2145 : memref<256x128xf32, #tpu.memory_space<hbm>>) target_semaphore(%arg11 : memref<!tpu.dma_semaphore, #tpu.memory_space<semaphore_mem>>)
    %add3A_2149 = arith.constant 512 : i32
    %add3A_2150 = arith.addi %multiple_of3A, %add3A_2149 : i32
    %dma_start3A_2151 = arith.constant 3 : i32
    %dma_start3A_2152 = arith.constant 1 : i32
    %dma_start3A_2153 = arith.constant 0 : i32
    %dma_start3A_2154 = tpu.memref_slice %arg5[%dma_start3A_2152, %dma_start3A_2153] : memref<264x128xf32, #tpu.memory_space<vmem>> -> memref<256x128xf32, #tpu.memory_space<vmem>>
    %dma_start3A_2155 = arith.constant 0 : i32
    %dma_start3A_2156 = tpu.memref_slice %arg4[%dma_start3A_2151, %arg1, %add3A_2150, %dma_start3A_2155] : memref<8x16x2048x128xf32, #tpu.memory_space<hbm>> -> memref<1x1x256x128xf32, #tpu.memory_space<hbm>>
    %dma_start3A_2157 = tpu.memref_squeeze %dma_start3A_2156 : memref<1x1x256x128xf32, #tpu.memory_space<hbm>> -> memref<256x128xf32, #tpu.memory_space<hbm>>
    %dma_start3A_2158 = arith.constant 0 : i32
    %dma_start3A_2159 = tpu.memref_slice %arg4[%dma_start3A_2151, %arg1, %add3A_2150, %dma_start3A_2158] : memref<8x16x2048x128xf32, #tpu.memory_space<hbm>> -> memref<1x1x256x128xf32, #tpu.memory_space<hbm>>
    %dma_start3A_2160 = tpu.memref_squeeze %dma_start3A_2159 : memref<1x1x256x128xf32, #tpu.memory_space<hbm>> -> memref<256x128xf32, #tpu.memory_space<hbm>>
    %dma_start3A_2161 = arith.constant 1 : i32
    %dma_start3A_2162 = arith.constant 0 : i32
    %dma_start3A_2163 = tpu.memref_slice %arg5[%dma_start3A_2161, %dma_start3A_2162] : memref<264x128xf32, #tpu.memory_space<vmem>> -> memref<256x128xf32, #tpu.memory_space<vmem>>
    tpu.enqueue_dma source(%dma_start3A_2163 : memref<256x128xf32, #tpu.memory_space<vmem>>) target(%dma_start3A_2160 : memref<256x128xf32, #tpu.memory_space<hbm>>) target_semaphore(%arg11 : memref<!tpu.dma_semaphore, #tpu.memory_space<semaphore_mem>>)
    %add3A_2164 = arith.constant 512 : i32
    %add3A_2165 = arith.addi %multiple_of3A, %add3A_2164 : i32
    %dma_start3A_2166 = arith.constant 4 : i32
    %dma_start3A_2167 = arith.constant 1 : i32
    %dma_start3A_2168 = arith.constant 0 : i32
    %dma_start3A_2169 = tpu.memref_slice %arg5[%dma_start3A_2167, %dma_start3A_2168] : memref<264x128xf32, #tpu.memory_space<vmem>> -> memref<256x128xf32, #tpu.memory_space<vmem>>
    %dma_start3A_2170 = arith.constant 0 : i32
    %dma_start3A_2171 = tpu.memref_slice %arg4[%dma_start3A_2166, %arg1, %add3A_2165, %dma_start3A_2170] : memref<8x16x2048x128xf32, #tpu.memory_space<hbm>> -> memref<1x1x256x128xf32, #tpu.memory_space<hbm>>
    %dma_start3A_2172 = tpu.memref_squeeze %dma_start3A_2171 : memref<1x1x256x128xf32, #tpu.memory_space<hbm>> -> memref<256x128xf32, #tpu.memory_space<hbm>>
    %dma_start3A_2173 = arith.constant 0 : i32
    %dma_start3A_2174 = tpu.memref_slice %arg4[%dma_start3A_2166, %arg1, %add3A_2165, %dma_start3A_2173] : memref<8x16x2048x128xf32, #tpu.memory_space<hbm>> -> memref<1x1x256x128xf32, #tpu.memory_space<hbm>>
    %dma_start3A_2175 = tpu.memref_squeeze %dma_start3A_2174 : memref<1x1x256x128xf32, #tpu.memory_space<hbm>> -> memref<256x128xf32, #tpu.memory_space<hbm>>
    %dma_start3A_2176 = arith.constant 1 : i32
    %dma_start3A_2177 = arith.constant 0 : i32
    %dma_start3A_2178 = tpu.memref_slice %arg5[%dma_start3A_2176, %dma_start3A_2177] : memref<264x128xf32, #tpu.memory_space<vmem>> -> memref<256x128xf32, #tpu.memory_space<vmem>>
    tpu.enqueue_dma source(%dma_start3A_2178 : memref<256x128xf32, #tpu.memory_space<vmem>>) target(%dma_start3A_2175 : memref<256x128xf32, #tpu.memory_space<hbm>>) target_semaphore(%arg11 : memref<!tpu.dma_semaphore, #tpu.memory_space<semaphore_mem>>)
    %add3A_2179 = arith.constant 512 : i32
    %add3A_2180 = arith.addi %multiple_of3A, %add3A_2179 : i32
    %dma_start3A_2181 = arith.constant 5 : i32
    %dma_start3A_2182 = arith.constant 1 : i32
    %dma_start3A_2183 = arith.constant 0 : i32
    %dma_start3A_2184 = tpu.memref_slice %arg5[%dma_start3A_2182, %dma_start3A_2183] : memref<264x128xf32, #tpu.memory_space<vmem>> -> memref<256x128xf32, #tpu.memory_space<vmem>>
    %dma_start3A_2185 = arith.constant 0 : i32
    %dma_start3A_2186 = tpu.memref_slice %arg4[%dma_start3A_2181, %arg1, %add3A_2180, %dma_start3A_2185] : memref<8x16x2048x128xf32, #tpu.memory_space<hbm>> -> memref<1x1x256x128xf32, #tpu.memory_space<hbm>>
    %dma_start3A_2187 = tpu.memref_squeeze %dma_start3A_2186 : memref<1x1x256x128xf32, #tpu.memory_space<hbm>> -> memref<256x128xf32, #tpu.memory_space<hbm>>
    %dma_start3A_2188 = arith.constant 0 : i32
    %dma_start3A_2189 = tpu.memref_slice %arg4[%dma_start3A_2181, %arg1, %add3A_2180, %dma_start3A_2188] : memref<8x16x2048x128xf32, #tpu.memory_space<hbm>> -> memref<1x1x256x128xf32, #tpu.memory_space<hbm>>
    %dma_start3A_2190 = tpu.memref_squeeze %dma_start3A_2189 : memref<1x1x256x128xf32, #tpu.memory_space<hbm>> -> memref<256x128xf32, #tpu.memory_space<hbm>>
    %dma_start3A_2191 = arith.constant 1 : i32
    %dma_start3A_2192 = arith.constant 0 : i32
    %dma_start3A_2193 = tpu.memref_slice %arg5[%dma_start3A_2191, %dma_start3A_2192] : memref<264x128xf32, #tpu.memory_space<vmem>> -> memref<256x128xf32, #tpu.memory_space<vmem>>
    tpu.enqueue_dma source(%dma_start3A_2193 : memref<256x128xf32, #tpu.memory_space<vmem>>) target(%dma_start3A_2190 : memref<256x128xf32, #tpu.memory_space<hbm>>) target_semaphore(%arg11 : memref<!tpu.dma_semaphore, #tpu.memory_space<semaphore_mem>>)
    %add3A_2194 = arith.constant 512 : i32
    %add3A_2195 = arith.addi %multiple_of3A, %add3A_2194 : i32
    %dma_start3A_2196 = arith.constant 6 : i32
    %dma_start3A_2197 = arith.constant 1 : i32
    %dma_start3A_2198 = arith.constant 0 : i32
    %dma_start3A_2199 = tpu.memref_slice %arg5[%dma_start3A_2197, %dma_start3A_2198] : memref<264x128xf32, #tpu.memory_space<vmem>> -> memref<256x128xf32, #tpu.memory_space<vmem>>
    %dma_start3A_2200 = arith.constant 0 : i32
    %dma_start3A_2201 = tpu.memref_slice %arg4[%dma_start3A_2196, %arg1, %add3A_2195, %dma_start3A_2200] : memref<8x16x2048x128xf32, #tpu.memory_space<hbm>> -> memref<1x1x256x128xf32, #tpu.memory_space<hbm>>
    %dma_start3A_2202 = tpu.memref_squeeze %dma_start3A_2201 : memref<1x1x256x128xf32, #tpu.memory_space<hbm>> -> memref<256x128xf32, #tpu.memory_space<hbm>>
    %dma_start3A_2203 = arith.constant 0 : i32
    %dma_start3A_2204 = tpu.memref_slice %arg4[%dma_start3A_2196, %arg1, %add3A_2195, %dma_start3A_2203] : memref<8x16x2048x128xf32, #tpu.memory_space<hbm>> -> memref<1x1x256x128xf32, #tpu.memory_space<hbm>>
    %dma_start3A_2205 = tpu.memref_squeeze %dma_start3A_2204 : memref<1x1x256x128xf32, #tpu.memory_space<hbm>> -> memref<256x128xf32, #tpu.memory_space<hbm>>
    %dma_start3A_2206 = arith.constant 1 : i32
    %dma_start3A_2207 = arith.constant 0 : i32
    %dma_start3A_2208 = tpu.memref_slice %arg5[%dma_start3A_2206, %dma_start3A_2207] : memref<264x128xf32, #tpu.memory_space<vmem>> -> memref<256x128xf32, #tpu.memory_space<vmem>>
    tpu.enqueue_dma source(%dma_start3A_2208 : memref<256x128xf32, #tpu.memory_space<vmem>>) target(%dma_start3A_2205 : memref<256x128xf32, #tpu.memory_space<hbm>>) target_semaphore(%arg11 : memref<!tpu.dma_semaphore, #tpu.memory_space<semaphore_mem>>)
    %add3A_2209 = arith.constant 512 : i32
    %add3A_2210 = arith.addi %multiple_of3A, %add3A_2209 : i32
    %dma_start3A_2211 = arith.constant 7 : i32
    %dma_start3A_2212 = arith.constant 1 : i32
    %dma_start3A_2213 = arith.constant 0 : i32
    %dma_start3A_2214 = tpu.memref_slice %arg5[%dma_start3A_2212, %dma_start3A_2213] : memref<264x128xf32, #tpu.memory_space<vmem>> -> memref<256x128xf32, #tpu.memory_space<vmem>>
    %dma_start3A_2215 = arith.constant 0 : i32
    %dma_start3A_2216 = tpu.memref_slice %arg4[%dma_start3A_2211, %arg1, %add3A_2210, %dma_start3A_2215] : memref<8x16x2048x128xf32, #tpu.memory_space<hbm>> -> memref<1x1x256x128xf32, #tpu.memory_space<hbm>>
    %dma_start3A_2217 = tpu.memref_squeeze %dma_start3A_2216 : memref<1x1x256x128xf32, #tpu.memory_space<hbm>> -> memref<256x128xf32, #tpu.memory_space<hbm>>
    %dma_start3A_2218 = arith.constant 0 : i32
    %dma_start3A_2219 = tpu.memref_slice %arg4[%dma_start3A_2211, %arg1, %add3A_2210, %dma_start3A_2218] : memref<8x16x2048x128xf32, #tpu.memory_space<hbm>> -> memref<1x1x256x128xf32, #tpu.memory_space<hbm>>
    %dma_start3A_2220 = tpu.memref_squeeze %dma_start3A_2219 : memref<1x1x256x128xf32, #tpu.memory_space<hbm>> -> memref<256x128xf32, #tpu.memory_space<hbm>>
    %dma_start3A_2221 = arith.constant 1 : i32
    %dma_start3A_2222 = arith.constant 0 : i32
    %dma_start3A_2223 = tpu.memref_slice %arg5[%dma_start3A_2221, %dma_start3A_2222] : memref<264x128xf32, #tpu.memory_space<vmem>> -> memref<256x128xf32, #tpu.memory_space<vmem>>
    tpu.enqueue_dma source(%dma_start3A_2223 : memref<256x128xf32, #tpu.memory_space<vmem>>) target(%dma_start3A_2220 : memref<256x128xf32, #tpu.memory_space<hbm>>) target_semaphore(%arg11 : memref<!tpu.dma_semaphore, #tpu.memory_space<semaphore_mem>>)
    %dma_wait3A_2224 = arith.constant 0 : i32
    %dma_wait3A_2225 = arith.constant 1 : i32
    %dma_wait3A_2226 = arith.constant 0 : i32
    %dma_wait3A_2227 = tpu.memref_slice %arg6[%dma_wait3A_2225, %dma_wait3A_2226] : memref<264x128xf32, #tpu.memory_space<vmem>> -> memref<256x128xf32, #tpu.memory_space<vmem>>
    %dma_wait3A_2228 = arith.constant 0 : i32
    %dma_wait3A_2229 = tpu.memref_slice %arg4[%dma_wait3A_2224, %arg1, %add3A_1853, %dma_wait3A_2228] : memref<8x16x2048x128xf32, #tpu.memory_space<hbm>> -> memref<1x1x256x128xf32, #tpu.memory_space<hbm>>
    %dma_wait3A_2230 = tpu.memref_squeeze %dma_wait3A_2229 : memref<1x1x256x128xf32, #tpu.memory_space<hbm>> -> memref<256x128xf32, #tpu.memory_space<hbm>>
    %dma_wait3A_2231 = arith.constant 0 : i32
    %dma_wait3A_2232 = tpu.memref_slice %arg4[%dma_wait3A_2224, %arg1, %add3A_1853, %dma_wait3A_2231] : memref<8x16x2048x128xf32, #tpu.memory_space<hbm>> -> memref<1x1x256x128xf32, #tpu.memory_space<hbm>>
    %dma_wait3A_2233 = tpu.memref_squeeze %dma_wait3A_2232 : memref<1x1x256x128xf32, #tpu.memory_space<hbm>> -> memref<256x128xf32, #tpu.memory_space<hbm>>
    %dma_wait3A_2234 = arith.constant 1 : i32
    %dma_wait3A_2235 = arith.constant 0 : i32
    %dma_wait3A_2236 = tpu.memref_slice %arg6[%dma_wait3A_2234, %dma_wait3A_2235] : memref<264x128xf32, #tpu.memory_space<vmem>> -> memref<256x128xf32, #tpu.memory_space<vmem>>
    tpu.wait_dma2 semaphore(%arg12 : memref<!tpu.dma_semaphore, #tpu.memory_space<semaphore_mem>>) src(%dma_wait3A_2236 : memref<256x128xf32, #tpu.memory_space<vmem>>) dst(%dma_wait3A_2233 : memref<256x128xf32, #tpu.memory_space<hbm>>)
    %dma_wait3A_2237 = arith.constant 1 : i32
    %dma_wait3A_2238 = arith.constant 1 : i32
    %dma_wait3A_2239 = arith.constant 0 : i32
    %dma_wait3A_2240 = tpu.memref_slice %arg6[%dma_wait3A_2238, %dma_wait3A_2239] : memref<264x128xf32, #tpu.memory_space<vmem>> -> memref<256x128xf32, #tpu.memory_space<vmem>>
    %dma_wait3A_2241 = arith.constant 0 : i32
    %dma_wait3A_2242 = tpu.memref_slice %arg4[%dma_wait3A_2237, %arg1, %add3A_1868, %dma_wait3A_2241] : memref<8x16x2048x128xf32, #tpu.memory_space<hbm>> -> memref<1x1x256x128xf32, #tpu.memory_space<hbm>>
    %dma_wait3A_2243 = tpu.memref_squeeze %dma_wait3A_2242 : memref<1x1x256x128xf32, #tpu.memory_space<hbm>> -> memref<256x128xf32, #tpu.memory_space<hbm>>
    %dma_wait3A_2244 = arith.constant 0 : i32
    %dma_wait3A_2245 = tpu.memref_slice %arg4[%dma_wait3A_2237, %arg1, %add3A_1868, %dma_wait3A_2244] : memref<8x16x2048x128xf32, #tpu.memory_space<hbm>> -> memref<1x1x256x128xf32, #tpu.memory_space<hbm>>
    %dma_wait3A_2246 = tpu.memref_squeeze %dma_wait3A_2245 : memref<1x1x256x128xf32, #tpu.memory_space<hbm>> -> memref<256x128xf32, #tpu.memory_space<hbm>>
    %dma_wait3A_2247 = arith.constant 1 : i32
    %dma_wait3A_2248 = arith.constant 0 : i32
    %dma_wait3A_2249 = tpu.memref_slice %arg6[%dma_wait3A_2247, %dma_wait3A_2248] : memref<264x128xf32, #tpu.memory_space<vmem>> -> memref<256x128xf32, #tpu.memory_space<vmem>>
    tpu.wait_dma2 semaphore(%arg12 : memref<!tpu.dma_semaphore, #tpu.memory_space<semaphore_mem>>) src(%dma_wait3A_2249 : memref<256x128xf32, #tpu.memory_space<vmem>>) dst(%dma_wait3A_2246 : memref<256x128xf32, #tpu.memory_space<hbm>>)
    %dma_wait3A_2250 = arith.constant 2 : i32
    %dma_wait3A_2251 = arith.constant 1 : i32
    %dma_wait3A_2252 = arith.constant 0 : i32
    %dma_wait3A_2253 = tpu.memref_slice %arg6[%dma_wait3A_2251, %dma_wait3A_2252] : memref<264x128xf32, #tpu.memory_space<vmem>> -> memref<256x128xf32, #tpu.memory_space<vmem>>
    %dma_wait3A_2254 = arith.constant 0 : i32
    %dma_wait3A_2255 = tpu.memref_slice %arg4[%dma_wait3A_2250, %arg1, %add3A_1883, %dma_wait3A_2254] : memref<8x16x2048x128xf32, #tpu.memory_space<hbm>> -> memref<1x1x256x128xf32, #tpu.memory_space<hbm>>
    %dma_wait3A_2256 = tpu.memref_squeeze %dma_wait3A_2255 : memref<1x1x256x128xf32, #tpu.memory_space<hbm>> -> memref<256x128xf32, #tpu.memory_space<hbm>>
    %dma_wait3A_2257 = arith.constant 0 : i32
    %dma_wait3A_2258 = tpu.memref_slice %arg4[%dma_wait3A_2250, %arg1, %add3A_1883, %dma_wait3A_2257] : memref<8x16x2048x128xf32, #tpu.memory_space<hbm>> -> memref<1x1x256x128xf32, #tpu.memory_space<hbm>>
    %dma_wait3A_2259 = tpu.memref_squeeze %dma_wait3A_2258 : memref<1x1x256x128xf32, #tpu.memory_space<hbm>> -> memref<256x128xf32, #tpu.memory_space<hbm>>
    %dma_wait3A_2260 = arith.constant 1 : i32
    %dma_wait3A_2261 = arith.constant 0 : i32
    %dma_wait3A_2262 = tpu.memref_slice %arg6[%dma_wait3A_2260, %dma_wait3A_2261] : memref<264x128xf32, #tpu.memory_space<vmem>> -> memref<256x128xf32, #tpu.memory_space<vmem>>
    tpu.wait_dma2 semaphore(%arg12 : memref<!tpu.dma_semaphore, #tpu.memory_space<semaphore_mem>>) src(%dma_wait3A_2262 : memref<256x128xf32, #tpu.memory_space<vmem>>) dst(%dma_wait3A_2259 : memref<256x128xf32, #tpu.memory_space<hbm>>)
    %dma_wait3A_2263 = arith.constant 3 : i32
    %dma_wait3A_2264 = arith.constant 1 : i32
    %dma_wait3A_2265 = arith.constant 0 : i32
    %dma_wait3A_2266 = tpu.memref_slice %arg6[%dma_wait3A_2264, %dma_wait3A_2265] : memref<264x128xf32, #tpu.memory_space<vmem>> -> memref<256x128xf32, #tpu.memory_space<vmem>>
    %dma_wait3A_2267 = arith.constant 0 : i32
    %dma_wait3A_2268 = tpu.memref_slice %arg4[%dma_wait3A_2263, %arg1, %add3A_1898, %dma_wait3A_2267] : memref<8x16x2048x128xf32, #tpu.memory_space<hbm>> -> memref<1x1x256x128xf32, #tpu.memory_space<hbm>>
    %dma_wait3A_2269 = tpu.memref_squeeze %dma_wait3A_2268 : memref<1x1x256x128xf32, #tpu.memory_space<hbm>> -> memref<256x128xf32, #tpu.memory_space<hbm>>
    %dma_wait3A_2270 = arith.constant 0 : i32
    %dma_wait3A_2271 = tpu.memref_slice %arg4[%dma_wait3A_2263, %arg1, %add3A_1898, %dma_wait3A_2270] : memref<8x16x2048x128xf32, #tpu.memory_space<hbm>> -> memref<1x1x256x128xf32, #tpu.memory_space<hbm>>
    %dma_wait3A_2272 = tpu.memref_squeeze %dma_wait3A_2271 : memref<1x1x256x128xf32, #tpu.memory_space<hbm>> -> memref<256x128xf32, #tpu.memory_space<hbm>>
    %dma_wait3A_2273 = arith.constant 1 : i32
    %dma_wait3A_2274 = arith.constant 0 : i32
    %dma_wait3A_2275 = tpu.memref_slice %arg6[%dma_wait3A_2273, %dma_wait3A_2274] : memref<264x128xf32, #tpu.memory_space<vmem>> -> memref<256x128xf32, #tpu.memory_space<vmem>>
    tpu.wait_dma2 semaphore(%arg12 : memref<!tpu.dma_semaphore, #tpu.memory_space<semaphore_mem>>) src(%dma_wait3A_2275 : memref<256x128xf32, #tpu.memory_space<vmem>>) dst(%dma_wait3A_2272 : memref<256x128xf32, #tpu.memory_space<hbm>>)
    %dma_wait3A_2276 = arith.constant 4 : i32
    %dma_wait3A_2277 = arith.constant 1 : i32
    %dma_wait3A_2278 = arith.constant 0 : i32
    %dma_wait3A_2279 = tpu.memref_slice %arg6[%dma_wait3A_2277, %dma_wait3A_2278] : memref<264x128xf32, #tpu.memory_space<vmem>> -> memref<256x128xf32, #tpu.memory_space<vmem>>
    %dma_wait3A_2280 = arith.constant 0 : i32
    %dma_wait3A_2281 = tpu.memref_slice %arg4[%dma_wait3A_2276, %arg1, %add3A_1913, %dma_wait3A_2280] : memref<8x16x2048x128xf32, #tpu.memory_space<hbm>> -> memref<1x1x256x128xf32, #tpu.memory_space<hbm>>
    %dma_wait3A_2282 = tpu.memref_squeeze %dma_wait3A_2281 : memref<1x1x256x128xf32, #tpu.memory_space<hbm>> -> memref<256x128xf32, #tpu.memory_space<hbm>>
    %dma_wait3A_2283 = arith.constant 0 : i32
    %dma_wait3A_2284 = tpu.memref_slice %arg4[%dma_wait3A_2276, %arg1, %add3A_1913, %dma_wait3A_2283] : memref<8x16x2048x128xf32, #tpu.memory_space<hbm>> -> memref<1x1x256x128xf32, #tpu.memory_space<hbm>>
    %dma_wait3A_2285 = tpu.memref_squeeze %dma_wait3A_2284 : memref<1x1x256x128xf32, #tpu.memory_space<hbm>> -> memref<256x128xf32, #tpu.memory_space<hbm>>
    %dma_wait3A_2286 = arith.constant 1 : i32
    %dma_wait3A_2287 = arith.constant 0 : i32
    %dma_wait3A_2288 = tpu.memref_slice %arg6[%dma_wait3A_2286, %dma_wait3A_2287] : memref<264x128xf32, #tpu.memory_space<vmem>> -> memref<256x128xf32, #tpu.memory_space<vmem>>
    tpu.wait_dma2 semaphore(%arg12 : memref<!tpu.dma_semaphore, #tpu.memory_space<semaphore_mem>>) src(%dma_wait3A_2288 : memref<256x128xf32, #tpu.memory_space<vmem>>) dst(%dma_wait3A_2285 : memref<256x128xf32, #tpu.memory_space<hbm>>)
    %dma_wait3A_2289 = arith.constant 5 : i32
    %dma_wait3A_2290 = arith.constant 1 : i32
    %dma_wait3A_2291 = arith.constant 0 : i32
    %dma_wait3A_2292 = tpu.memref_slice %arg6[%dma_wait3A_2290, %dma_wait3A_2291] : memref<264x128xf32, #tpu.memory_space<vmem>> -> memref<256x128xf32, #tpu.memory_space<vmem>>
    %dma_wait3A_2293 = arith.constant 0 : i32
    %dma_wait3A_2294 = tpu.memref_slice %arg4[%dma_wait3A_2289, %arg1, %add3A_1928, %dma_wait3A_2293] : memref<8x16x2048x128xf32, #tpu.memory_space<hbm>> -> memref<1x1x256x128xf32, #tpu.memory_space<hbm>>
    %dma_wait3A_2295 = tpu.memref_squeeze %dma_wait3A_2294 : memref<1x1x256x128xf32, #tpu.memory_space<hbm>> -> memref<256x128xf32, #tpu.memory_space<hbm>>
    %dma_wait3A_2296 = arith.constant 0 : i32
    %dma_wait3A_2297 = tpu.memref_slice %arg4[%dma_wait3A_2289, %arg1, %add3A_1928, %dma_wait3A_2296] : memref<8x16x2048x128xf32, #tpu.memory_space<hbm>> -> memref<1x1x256x128xf32, #tpu.memory_space<hbm>>
    %dma_wait3A_2298 = tpu.memref_squeeze %dma_wait3A_2297 : memref<1x1x256x128xf32, #tpu.memory_space<hbm>> -> memref<256x128xf32, #tpu.memory_space<hbm>>
    %dma_wait3A_2299 = arith.constant 1 : i32
    %dma_wait3A_2300 = arith.constant 0 : i32
    %dma_wait3A_2301 = tpu.memref_slice %arg6[%dma_wait3A_2299, %dma_wait3A_2300] : memref<264x128xf32, #tpu.memory_space<vmem>> -> memref<256x128xf32, #tpu.memory_space<vmem>>
    tpu.wait_dma2 semaphore(%arg12 : memref<!tpu.dma_semaphore, #tpu.memory_space<semaphore_mem>>) src(%dma_wait3A_2301 : memref<256x128xf32, #tpu.memory_space<vmem>>) dst(%dma_wait3A_2298 : memref<256x128xf32, #tpu.memory_space<hbm>>)
    %dma_wait3A_2302 = arith.constant 6 : i32
    %dma_wait3A_2303 = arith.constant 1 : i32
    %dma_wait3A_2304 = arith.constant 0 : i32
    %dma_wait3A_2305 = tpu.memref_slice %arg6[%dma_wait3A_2303, %dma_wait3A_2304] : memref<264x128xf32, #tpu.memory_space<vmem>> -> memref<256x128xf32, #tpu.memory_space<vmem>>
    %dma_wait3A_2306 = arith.constant 0 : i32
    %dma_wait3A_2307 = tpu.memref_slice %arg4[%dma_wait3A_2302, %arg1, %add3A_1943, %dma_wait3A_2306] : memref<8x16x2048x128xf32, #tpu.memory_space<hbm>> -> memref<1x1x256x128xf32, #tpu.memory_space<hbm>>
    %dma_wait3A_2308 = tpu.memref_squeeze %dma_wait3A_2307 : memref<1x1x256x128xf32, #tpu.memory_space<hbm>> -> memref<256x128xf32, #tpu.memory_space<hbm>>
    %dma_wait3A_2309 = arith.constant 0 : i32
    %dma_wait3A_2310 = tpu.memref_slice %arg4[%dma_wait3A_2302, %arg1, %add3A_1943, %dma_wait3A_2309] : memref<8x16x2048x128xf32, #tpu.memory_space<hbm>> -> memref<1x1x256x128xf32, #tpu.memory_space<hbm>>
    %dma_wait3A_2311 = tpu.memref_squeeze %dma_wait3A_2310 : memref<1x1x256x128xf32, #tpu.memory_space<hbm>> -> memref<256x128xf32, #tpu.memory_space<hbm>>
    %dma_wait3A_2312 = arith.constant 1 : i32
    %dma_wait3A_2313 = arith.constant 0 : i32
    %dma_wait3A_2314 = tpu.memref_slice %arg6[%dma_wait3A_2312, %dma_wait3A_2313] : memref<264x128xf32, #tpu.memory_space<vmem>> -> memref<256x128xf32, #tpu.memory_space<vmem>>
    tpu.wait_dma2 semaphore(%arg12 : memref<!tpu.dma_semaphore, #tpu.memory_space<semaphore_mem>>) src(%dma_wait3A_2314 : memref<256x128xf32, #tpu.memory_space<vmem>>) dst(%dma_wait3A_2311 : memref<256x128xf32, #tpu.memory_space<hbm>>)
    %dma_wait3A_2315 = arith.constant 7 : i32
    %dma_wait3A_2316 = arith.constant 1 : i32
    %dma_wait3A_2317 = arith.constant 0 : i32
    %dma_wait3A_2318 = tpu.memref_slice %arg6[%dma_wait3A_2316, %dma_wait3A_2317] : memref<264x128xf32, #tpu.memory_space<vmem>> -> memref<256x128xf32, #tpu.memory_space<vmem>>
    %dma_wait3A_2319 = arith.constant 0 : i32
    %dma_wait3A_2320 = tpu.memref_slice %arg4[%dma_wait3A_2315, %arg1, %add3A_1958, %dma_wait3A_2319] : memref<8x16x2048x128xf32, #tpu.memory_space<hbm>> -> memref<1x1x256x128xf32, #tpu.memory_space<hbm>>
    %dma_wait3A_2321 = tpu.memref_squeeze %dma_wait3A_2320 : memref<1x1x256x128xf32, #tpu.memory_space<hbm>> -> memref<256x128xf32, #tpu.memory_space<hbm>>
    %dma_wait3A_2322 = arith.constant 0 : i32
    %dma_wait3A_2323 = tpu.memref_slice %arg4[%dma_wait3A_2315, %arg1, %add3A_1958, %dma_wait3A_2322] : memref<8x16x2048x128xf32, #tpu.memory_space<hbm>> -> memref<1x1x256x128xf32, #tpu.memory_space<hbm>>
    %dma_wait3A_2324 = tpu.memref_squeeze %dma_wait3A_2323 : memref<1x1x256x128xf32, #tpu.memory_space<hbm>> -> memref<256x128xf32, #tpu.memory_space<hbm>>
    %dma_wait3A_2325 = arith.constant 1 : i32
    %dma_wait3A_2326 = arith.constant 0 : i32
    %dma_wait3A_2327 = tpu.memref_slice %arg6[%dma_wait3A_2325, %dma_wait3A_2326] : memref<264x128xf32, #tpu.memory_space<vmem>> -> memref<256x128xf32, #tpu.memory_space<vmem>>
    tpu.wait_dma2 semaphore(%arg12 : memref<!tpu.dma_semaphore, #tpu.memory_space<semaphore_mem>>) src(%dma_wait3A_2327 : memref<256x128xf32, #tpu.memory_space<vmem>>) dst(%dma_wait3A_2324 : memref<256x128xf32, #tpu.memory_space<hbm>>)
    %add3A_2328 = arith.constant 768 : i32
    %add3A_2329 = arith.addi %multiple_of3A, %add3A_2328 : i32
    %dma_start3A_2330 = arith.constant 0 : i32
    %dma_start3A_2331 = arith.constant 0 : i32
    %dma_start3A_2332 = arith.constant 0 : i32
    %dma_start3A_2333 = tpu.memref_slice %arg6[%dma_start3A_2331, %dma_start3A_2332] : memref<264x128xf32, #tpu.memory_space<vmem>> -> memref<264x128xf32, #tpu.memory_space<vmem>>
    %dma_start3A_2334 = arith.constant 0 : i32
    %dma_start3A_2335 = tpu.memref_slice %arg3[%dma_start3A_2330, %arg1, %add3A_2329, %dma_start3A_2334] : memref<1x16x2048x128xf32, #tpu.memory_space<hbm>> -> memref<1x1x264x128xf32, #tpu.memory_space<hbm>>
    %dma_start3A_2336 = tpu.memref_squeeze %dma_start3A_2335 : memref<1x1x264x128xf32, #tpu.memory_space<hbm>> -> memref<264x128xf32, #tpu.memory_space<hbm>>
    %dma_start3A_2337 = arith.constant 0 : i32
    %dma_start3A_2338 = arith.constant 0 : i32
    %dma_start3A_2339 = tpu.memref_slice %arg6[%dma_start3A_2337, %dma_start3A_2338] : memref<264x128xf32, #tpu.memory_space<vmem>> -> memref<264x128xf32, #tpu.memory_space<vmem>>
    %dma_start3A_2340 = arith.constant 0 : i32
    %dma_start3A_2341 = tpu.memref_slice %arg3[%dma_start3A_2330, %arg1, %add3A_2329, %dma_start3A_2340] : memref<1x16x2048x128xf32, #tpu.memory_space<hbm>> -> memref<1x1x264x128xf32, #tpu.memory_space<hbm>>
    %dma_start3A_2342 = tpu.memref_squeeze %dma_start3A_2341 : memref<1x1x264x128xf32, #tpu.memory_space<hbm>> -> memref<264x128xf32, #tpu.memory_space<hbm>>
    tpu.enqueue_dma source(%dma_start3A_2342 : memref<264x128xf32, #tpu.memory_space<hbm>>) target(%dma_start3A_2339 : memref<264x128xf32, #tpu.memory_space<vmem>>) target_semaphore(%arg10 : memref<!tpu.dma_semaphore, #tpu.memory_space<semaphore_mem>>)
    %dma_wait3A_2343 = arith.constant 0 : i32
    %dma_wait3A_2344 = arith.constant 0 : i32
    %dma_wait3A_2345 = arith.constant 0 : i32
    %dma_wait3A_2346 = tpu.memref_slice %arg6[%dma_wait3A_2344, %dma_wait3A_2345] : memref<264x128xf32, #tpu.memory_space<vmem>> -> memref<264x128xf32, #tpu.memory_space<vmem>>
    %dma_wait3A_2347 = arith.constant 0 : i32
    %dma_wait3A_2348 = tpu.memref_slice %arg3[%dma_wait3A_2343, %arg1, %add3A_2329, %dma_wait3A_2347] : memref<1x16x2048x128xf32, #tpu.memory_space<hbm>> -> memref<1x1x264x128xf32, #tpu.memory_space<hbm>>
    %dma_wait3A_2349 = tpu.memref_squeeze %dma_wait3A_2348 : memref<1x1x264x128xf32, #tpu.memory_space<hbm>> -> memref<264x128xf32, #tpu.memory_space<hbm>>
    %dma_wait3A_2350 = arith.constant 0 : i32
    %dma_wait3A_2351 = arith.constant 0 : i32
    %dma_wait3A_2352 = tpu.memref_slice %arg6[%dma_wait3A_2350, %dma_wait3A_2351] : memref<264x128xf32, #tpu.memory_space<vmem>> -> memref<264x128xf32, #tpu.memory_space<vmem>>
    %dma_wait3A_2353 = arith.constant 0 : i32
    %dma_wait3A_2354 = tpu.memref_slice %arg3[%dma_wait3A_2343, %arg1, %add3A_2329, %dma_wait3A_2353] : memref<1x16x2048x128xf32, #tpu.memory_space<hbm>> -> memref<1x1x264x128xf32, #tpu.memory_space<hbm>>
    %dma_wait3A_2355 = tpu.memref_squeeze %dma_wait3A_2354 : memref<1x1x264x128xf32, #tpu.memory_space<hbm>> -> memref<264x128xf32, #tpu.memory_space<hbm>>
    tpu.wait_dma2 semaphore(%arg10 : memref<!tpu.dma_semaphore, #tpu.memory_space<semaphore_mem>>) src(%dma_wait3A_2355 : memref<264x128xf32, #tpu.memory_space<hbm>>) dst(%dma_wait3A_2352 : memref<264x128xf32, #tpu.memory_space<vmem>>)
    %add3A_2356 = arith.constant 768 : i32
    %add3A_2357 = arith.addi %multiple_of3A, %add3A_2356 : i32
    %dma_start3A_2358 = arith.constant 0 : i32
    %dma_start3A_2359 = arith.constant 1 : i32
    %dma_start3A_2360 = arith.constant 0 : i32
    %dma_start3A_2361 = tpu.memref_slice %arg6[%dma_start3A_2359, %dma_start3A_2360] : memref<264x128xf32, #tpu.memory_space<vmem>> -> memref<256x128xf32, #tpu.memory_space<vmem>>
    %dma_start3A_2362 = arith.constant 0 : i32
    %dma_start3A_2363 = tpu.memref_slice %arg4[%dma_start3A_2358, %arg1, %add3A_2357, %dma_start3A_2362] : memref<8x16x2048x128xf32, #tpu.memory_space<hbm>> -> memref<1x1x256x128xf32, #tpu.memory_space<hbm>>
    %dma_start3A_2364 = tpu.memref_squeeze %dma_start3A_2363 : memref<1x1x256x128xf32, #tpu.memory_space<hbm>> -> memref<256x128xf32, #tpu.memory_space<hbm>>
    %dma_start3A_2365 = arith.constant 0 : i32
    %dma_start3A_2366 = tpu.memref_slice %arg4[%dma_start3A_2358, %arg1, %add3A_2357, %dma_start3A_2365] : memref<8x16x2048x128xf32, #tpu.memory_space<hbm>> -> memref<1x1x256x128xf32, #tpu.memory_space<hbm>>
    %dma_start3A_2367 = tpu.memref_squeeze %dma_start3A_2366 : memref<1x1x256x128xf32, #tpu.memory_space<hbm>> -> memref<256x128xf32, #tpu.memory_space<hbm>>
    %dma_start3A_2368 = arith.constant 1 : i32
    %dma_start3A_2369 = arith.constant 0 : i32
    %dma_start3A_2370 = tpu.memref_slice %arg6[%dma_start3A_2368, %dma_start3A_2369] : memref<264x128xf32, #tpu.memory_space<vmem>> -> memref<256x128xf32, #tpu.memory_space<vmem>>
    tpu.enqueue_dma source(%dma_start3A_2370 : memref<256x128xf32, #tpu.memory_space<vmem>>) target(%dma_start3A_2367 : memref<256x128xf32, #tpu.memory_space<hbm>>) target_semaphore(%arg12 : memref<!tpu.dma_semaphore, #tpu.memory_space<semaphore_mem>>)
    %add3A_2371 = arith.constant 768 : i32
    %add3A_2372 = arith.addi %multiple_of3A, %add3A_2371 : i32
    %dma_start3A_2373 = arith.constant 1 : i32
    %dma_start3A_2374 = arith.constant 1 : i32
    %dma_start3A_2375 = arith.constant 0 : i32
    %dma_start3A_2376 = tpu.memref_slice %arg6[%dma_start3A_2374, %dma_start3A_2375] : memref<264x128xf32, #tpu.memory_space<vmem>> -> memref<256x128xf32, #tpu.memory_space<vmem>>
    %dma_start3A_2377 = arith.constant 0 : i32
    %dma_start3A_2378 = tpu.memref_slice %arg4[%dma_start3A_2373, %arg1, %add3A_2372, %dma_start3A_2377] : memref<8x16x2048x128xf32, #tpu.memory_space<hbm>> -> memref<1x1x256x128xf32, #tpu.memory_space<hbm>>
    %dma_start3A_2379 = tpu.memref_squeeze %dma_start3A_2378 : memref<1x1x256x128xf32, #tpu.memory_space<hbm>> -> memref<256x128xf32, #tpu.memory_space<hbm>>
    %dma_start3A_2380 = arith.constant 0 : i32
    %dma_start3A_2381 = tpu.memref_slice %arg4[%dma_start3A_2373, %arg1, %add3A_2372, %dma_start3A_2380] : memref<8x16x2048x128xf32, #tpu.memory_space<hbm>> -> memref<1x1x256x128xf32, #tpu.memory_space<hbm>>
    %dma_start3A_2382 = tpu.memref_squeeze %dma_start3A_2381 : memref<1x1x256x128xf32, #tpu.memory_space<hbm>> -> memref<256x128xf32, #tpu.memory_space<hbm>>
    %dma_start3A_2383 = arith.constant 1 : i32
    %dma_start3A_2384 = arith.constant 0 : i32
    %dma_start3A_2385 = tpu.memref_slice %arg6[%dma_start3A_2383, %dma_start3A_2384] : memref<264x128xf32, #tpu.memory_space<vmem>> -> memref<256x128xf32, #tpu.memory_space<vmem>>
    tpu.enqueue_dma source(%dma_start3A_2385 : memref<256x128xf32, #tpu.memory_space<vmem>>) target(%dma_start3A_2382 : memref<256x128xf32, #tpu.memory_space<hbm>>) target_semaphore(%arg12 : memref<!tpu.dma_semaphore, #tpu.memory_space<semaphore_mem>>)
    %add3A_2386 = arith.constant 768 : i32
    %add3A_2387 = arith.addi %multiple_of3A, %add3A_2386 : i32
    %dma_start3A_2388 = arith.constant 2 : i32
    %dma_start3A_2389 = arith.constant 1 : i32
    %dma_start3A_2390 = arith.constant 0 : i32
    %dma_start3A_2391 = tpu.memref_slice %arg6[%dma_start3A_2389, %dma_start3A_2390] : memref<264x128xf32, #tpu.memory_space<vmem>> -> memref<256x128xf32, #tpu.memory_space<vmem>>
    %dma_start3A_2392 = arith.constant 0 : i32
    %dma_start3A_2393 = tpu.memref_slice %arg4[%dma_start3A_2388, %arg1, %add3A_2387, %dma_start3A_2392] : memref<8x16x2048x128xf32, #tpu.memory_space<hbm>> -> memref<1x1x256x128xf32, #tpu.memory_space<hbm>>
    %dma_start3A_2394 = tpu.memref_squeeze %dma_start3A_2393 : memref<1x1x256x128xf32, #tpu.memory_space<hbm>> -> memref<256x128xf32, #tpu.memory_space<hbm>>
    %dma_start3A_2395 = arith.constant 0 : i32
    %dma_start3A_2396 = tpu.memref_slice %arg4[%dma_start3A_2388, %arg1, %add3A_2387, %dma_start3A_2395] : memref<8x16x2048x128xf32, #tpu.memory_space<hbm>> -> memref<1x1x256x128xf32, #tpu.memory_space<hbm>>
    %dma_start3A_2397 = tpu.memref_squeeze %dma_start3A_2396 : memref<1x1x256x128xf32, #tpu.memory_space<hbm>> -> memref<256x128xf32, #tpu.memory_space<hbm>>
    %dma_start3A_2398 = arith.constant 1 : i32
    %dma_start3A_2399 = arith.constant 0 : i32
    %dma_start3A_2400 = tpu.memref_slice %arg6[%dma_start3A_2398, %dma_start3A_2399] : memref<264x128xf32, #tpu.memory_space<vmem>> -> memref<256x128xf32, #tpu.memory_space<vmem>>
    tpu.enqueue_dma source(%dma_start3A_2400 : memref<256x128xf32, #tpu.memory_space<vmem>>) target(%dma_start3A_2397 : memref<256x128xf32, #tpu.memory_space<hbm>>) target_semaphore(%arg12 : memref<!tpu.dma_semaphore, #tpu.memory_space<semaphore_mem>>)
    %add3A_2401 = arith.constant 768 : i32
    %add3A_2402 = arith.addi %multiple_of3A, %add3A_2401 : i32
    %dma_start3A_2403 = arith.constant 3 : i32
    %dma_start3A_2404 = arith.constant 1 : i32
    %dma_start3A_2405 = arith.constant 0 : i32
    %dma_start3A_2406 = tpu.memref_slice %arg6[%dma_start3A_2404, %dma_start3A_2405] : memref<264x128xf32, #tpu.memory_space<vmem>> -> memref<256x128xf32, #tpu.memory_space<vmem>>
    %dma_start3A_2407 = arith.constant 0 : i32
    %dma_start3A_2408 = tpu.memref_slice %arg4[%dma_start3A_2403, %arg1, %add3A_2402, %dma_start3A_2407] : memref<8x16x2048x128xf32, #tpu.memory_space<hbm>> -> memref<1x1x256x128xf32, #tpu.memory_space<hbm>>
    %dma_start3A_2409 = tpu.memref_squeeze %dma_start3A_2408 : memref<1x1x256x128xf32, #tpu.memory_space<hbm>> -> memref<256x128xf32, #tpu.memory_space<hbm>>
    %dma_start3A_2410 = arith.constant 0 : i32
    %dma_start3A_2411 = tpu.memref_slice %arg4[%dma_start3A_2403, %arg1, %add3A_2402, %dma_start3A_2410] : memref<8x16x2048x128xf32, #tpu.memory_space<hbm>> -> memref<1x1x256x128xf32, #tpu.memory_space<hbm>>
    %dma_start3A_2412 = tpu.memref_squeeze %dma_start3A_2411 : memref<1x1x256x128xf32, #tpu.memory_space<hbm>> -> memref<256x128xf32, #tpu.memory_space<hbm>>
    %dma_start3A_2413 = arith.constant 1 : i32
    %dma_start3A_2414 = arith.constant 0 : i32
    %dma_start3A_2415 = tpu.memref_slice %arg6[%dma_start3A_2413, %dma_start3A_2414] : memref<264x128xf32, #tpu.memory_space<vmem>> -> memref<256x128xf32, #tpu.memory_space<vmem>>
    tpu.enqueue_dma source(%dma_start3A_2415 : memref<256x128xf32, #tpu.memory_space<vmem>>) target(%dma_start3A_2412 : memref<256x128xf32, #tpu.memory_space<hbm>>) target_semaphore(%arg12 : memref<!tpu.dma_semaphore, #tpu.memory_space<semaphore_mem>>)
    %add3A_2416 = arith.constant 768 : i32
    %add3A_2417 = arith.addi %multiple_of3A, %add3A_2416 : i32
    %dma_start3A_2418 = arith.constant 4 : i32
    %dma_start3A_2419 = arith.constant 1 : i32
    %dma_start3A_2420 = arith.constant 0 : i32
    %dma_start3A_2421 = tpu.memref_slice %arg6[%dma_start3A_2419, %dma_start3A_2420] : memref<264x128xf32, #tpu.memory_space<vmem>> -> memref<256x128xf32, #tpu.memory_space<vmem>>
    %dma_start3A_2422 = arith.constant 0 : i32
    %dma_start3A_2423 = tpu.memref_slice %arg4[%dma_start3A_2418, %arg1, %add3A_2417, %dma_start3A_2422] : memref<8x16x2048x128xf32, #tpu.memory_space<hbm>> -> memref<1x1x256x128xf32, #tpu.memory_space<hbm>>
    %dma_start3A_2424 = tpu.memref_squeeze %dma_start3A_2423 : memref<1x1x256x128xf32, #tpu.memory_space<hbm>> -> memref<256x128xf32, #tpu.memory_space<hbm>>
    %dma_start3A_2425 = arith.constant 0 : i32
    %dma_start3A_2426 = tpu.memref_slice %arg4[%dma_start3A_2418, %arg1, %add3A_2417, %dma_start3A_2425] : memref<8x16x2048x128xf32, #tpu.memory_space<hbm>> -> memref<1x1x256x128xf32, #tpu.memory_space<hbm>>
    %dma_start3A_2427 = tpu.memref_squeeze %dma_start3A_2426 : memref<1x1x256x128xf32, #tpu.memory_space<hbm>> -> memref<256x128xf32, #tpu.memory_space<hbm>>
    %dma_start3A_2428 = arith.constant 1 : i32
    %dma_start3A_2429 = arith.constant 0 : i32
    %dma_start3A_2430 = tpu.memref_slice %arg6[%dma_start3A_2428, %dma_start3A_2429] : memref<264x128xf32, #tpu.memory_space<vmem>> -> memref<256x128xf32, #tpu.memory_space<vmem>>
    tpu.enqueue_dma source(%dma_start3A_2430 : memref<256x128xf32, #tpu.memory_space<vmem>>) target(%dma_start3A_2427 : memref<256x128xf32, #tpu.memory_space<hbm>>) target_semaphore(%arg12 : memref<!tpu.dma_semaphore, #tpu.memory_space<semaphore_mem>>)
    %add3A_2431 = arith.constant 768 : i32
    %add3A_2432 = arith.addi %multiple_of3A, %add3A_2431 : i32
    %dma_start3A_2433 = arith.constant 5 : i32
    %dma_start3A_2434 = arith.constant 1 : i32
    %dma_start3A_2435 = arith.constant 0 : i32
    %dma_start3A_2436 = tpu.memref_slice %arg6[%dma_start3A_2434, %dma_start3A_2435] : memref<264x128xf32, #tpu.memory_space<vmem>> -> memref<256x128xf32, #tpu.memory_space<vmem>>
    %dma_start3A_2437 = arith.constant 0 : i32
    %dma_start3A_2438 = tpu.memref_slice %arg4[%dma_start3A_2433, %arg1, %add3A_2432, %dma_start3A_2437] : memref<8x16x2048x128xf32, #tpu.memory_space<hbm>> -> memref<1x1x256x128xf32, #tpu.memory_space<hbm>>
    %dma_start3A_2439 = tpu.memref_squeeze %dma_start3A_2438 : memref<1x1x256x128xf32, #tpu.memory_space<hbm>> -> memref<256x128xf32, #tpu.memory_space<hbm>>
    %dma_start3A_2440 = arith.constant 0 : i32
    %dma_start3A_2441 = tpu.memref_slice %arg4[%dma_start3A_2433, %arg1, %add3A_2432, %dma_start3A_2440] : memref<8x16x2048x128xf32, #tpu.memory_space<hbm>> -> memref<1x1x256x128xf32, #tpu.memory_space<hbm>>
    %dma_start3A_2442 = tpu.memref_squeeze %dma_start3A_2441 : memref<1x1x256x128xf32, #tpu.memory_space<hbm>> -> memref<256x128xf32, #tpu.memory_space<hbm>>
    %dma_start3A_2443 = arith.constant 1 : i32
    %dma_start3A_2444 = arith.constant 0 : i32
    %dma_start3A_2445 = tpu.memref_slice %arg6[%dma_start3A_2443, %dma_start3A_2444] : memref<264x128xf32, #tpu.memory_space<vmem>> -> memref<256x128xf32, #tpu.memory_space<vmem>>
    tpu.enqueue_dma source(%dma_start3A_2445 : memref<256x128xf32, #tpu.memory_space<vmem>>) target(%dma_start3A_2442 : memref<256x128xf32, #tpu.memory_space<hbm>>) target_semaphore(%arg12 : memref<!tpu.dma_semaphore, #tpu.memory_space<semaphore_mem>>)
    %add3A_2446 = arith.constant 768 : i32
    %add3A_2447 = arith.addi %multiple_of3A, %add3A_2446 : i32
    %dma_start3A_2448 = arith.constant 6 : i32
    %dma_start3A_2449 = arith.constant 1 : i32
    %dma_start3A_2450 = arith.constant 0 : i32
    %dma_start3A_2451 = tpu.memref_slice %arg6[%dma_start3A_2449, %dma_start3A_2450] : memref<264x128xf32, #tpu.memory_space<vmem>> -> memref<256x128xf32, #tpu.memory_space<vmem>>
    %dma_start3A_2452 = arith.constant 0 : i32
    %dma_start3A_2453 = tpu.memref_slice %arg4[%dma_start3A_2448, %arg1, %add3A_2447, %dma_start3A_2452] : memref<8x16x2048x128xf32, #tpu.memory_space<hbm>> -> memref<1x1x256x128xf32, #tpu.memory_space<hbm>>
    %dma_start3A_2454 = tpu.memref_squeeze %dma_start3A_2453 : memref<1x1x256x128xf32, #tpu.memory_space<hbm>> -> memref<256x128xf32, #tpu.memory_space<hbm>>
    %dma_start3A_2455 = arith.constant 0 : i32
    %dma_start3A_2456 = tpu.memref_slice %arg4[%dma_start3A_2448, %arg1, %add3A_2447, %dma_start3A_2455] : memref<8x16x2048x128xf32, #tpu.memory_space<hbm>> -> memref<1x1x256x128xf32, #tpu.memory_space<hbm>>
    %dma_start3A_2457 = tpu.memref_squeeze %dma_start3A_2456 : memref<1x1x256x128xf32, #tpu.memory_space<hbm>> -> memref<256x128xf32, #tpu.memory_space<hbm>>
    %dma_start3A_2458 = arith.constant 1 : i32
    %dma_start3A_2459 = arith.constant 0 : i32
    %dma_start3A_2460 = tpu.memref_slice %arg6[%dma_start3A_2458, %dma_start3A_2459] : memref<264x128xf32, #tpu.memory_space<vmem>> -> memref<256x128xf32, #tpu.memory_space<vmem>>
    tpu.enqueue_dma source(%dma_start3A_2460 : memref<256x128xf32, #tpu.memory_space<vmem>>) target(%dma_start3A_2457 : memref<256x128xf32, #tpu.memory_space<hbm>>) target_semaphore(%arg12 : memref<!tpu.dma_semaphore, #tpu.memory_space<semaphore_mem>>)
    %add3A_2461 = arith.constant 768 : i32
    %add3A_2462 = arith.addi %multiple_of3A, %add3A_2461 : i32
    %dma_start3A_2463 = arith.constant 7 : i32
    %dma_start3A_2464 = arith.constant 1 : i32
    %dma_start3A_2465 = arith.constant 0 : i32
    %dma_start3A_2466 = tpu.memref_slice %arg6[%dma_start3A_2464, %dma_start3A_2465] : memref<264x128xf32, #tpu.memory_space<vmem>> -> memref<256x128xf32, #tpu.memory_space<vmem>>
    %dma_start3A_2467 = arith.constant 0 : i32
    %dma_start3A_2468 = tpu.memref_slice %arg4[%dma_start3A_2463, %arg1, %add3A_2462, %dma_start3A_2467] : memref<8x16x2048x128xf32, #tpu.memory_space<hbm>> -> memref<1x1x256x128xf32, #tpu.memory_space<hbm>>
    %dma_start3A_2469 = tpu.memref_squeeze %dma_start3A_2468 : memref<1x1x256x128xf32, #tpu.memory_space<hbm>> -> memref<256x128xf32, #tpu.memory_space<hbm>>
    %dma_start3A_2470 = arith.constant 0 : i32
    %dma_start3A_2471 = tpu.memref_slice %arg4[%dma_start3A_2463, %arg1, %add3A_2462, %dma_start3A_2470] : memref<8x16x2048x128xf32, #tpu.memory_space<hbm>> -> memref<1x1x256x128xf32, #tpu.memory_space<hbm>>
    %dma_start3A_2472 = tpu.memref_squeeze %dma_start3A_2471 : memref<1x1x256x128xf32, #tpu.memory_space<hbm>> -> memref<256x128xf32, #tpu.memory_space<hbm>>
    %dma_start3A_2473 = arith.constant 1 : i32
    %dma_start3A_2474 = arith.constant 0 : i32
    %dma_start3A_2475 = tpu.memref_slice %arg6[%dma_start3A_2473, %dma_start3A_2474] : memref<264x128xf32, #tpu.memory_space<vmem>> -> memref<256x128xf32, #tpu.memory_space<vmem>>
    tpu.enqueue_dma source(%dma_start3A_2475 : memref<256x128xf32, #tpu.memory_space<vmem>>) target(%dma_start3A_2472 : memref<256x128xf32, #tpu.memory_space<hbm>>) target_semaphore(%arg12 : memref<!tpu.dma_semaphore, #tpu.memory_space<semaphore_mem>>)
    %dma_wait3A_2476 = arith.constant 0 : i32
    %dma_wait3A_2477 = arith.constant 1 : i32
    %dma_wait3A_2478 = arith.constant 0 : i32
    %dma_wait3A_2479 = tpu.memref_slice %arg5[%dma_wait3A_2477, %dma_wait3A_2478] : memref<264x128xf32, #tpu.memory_space<vmem>> -> memref<256x128xf32, #tpu.memory_space<vmem>>
    %dma_wait3A_2480 = arith.constant 0 : i32
    %dma_wait3A_2481 = tpu.memref_slice %arg4[%dma_wait3A_2476, %arg1, %add3A_2105, %dma_wait3A_2480] : memref<8x16x2048x128xf32, #tpu.memory_space<hbm>> -> memref<1x1x256x128xf32, #tpu.memory_space<hbm>>
    %dma_wait3A_2482 = tpu.memref_squeeze %dma_wait3A_2481 : memref<1x1x256x128xf32, #tpu.memory_space<hbm>> -> memref<256x128xf32, #tpu.memory_space<hbm>>
    %dma_wait3A_2483 = arith.constant 0 : i32
    %dma_wait3A_2484 = tpu.memref_slice %arg4[%dma_wait3A_2476, %arg1, %add3A_2105, %dma_wait3A_2483] : memref<8x16x2048x128xf32, #tpu.memory_space<hbm>> -> memref<1x1x256x128xf32, #tpu.memory_space<hbm>>
    %dma_wait3A_2485 = tpu.memref_squeeze %dma_wait3A_2484 : memref<1x1x256x128xf32, #tpu.memory_space<hbm>> -> memref<256x128xf32, #tpu.memory_space<hbm>>
    %dma_wait3A_2486 = arith.constant 1 : i32
    %dma_wait3A_2487 = arith.constant 0 : i32
    %dma_wait3A_2488 = tpu.memref_slice %arg5[%dma_wait3A_2486, %dma_wait3A_2487] : memref<264x128xf32, #tpu.memory_space<vmem>> -> memref<256x128xf32, #tpu.memory_space<vmem>>
    tpu.wait_dma2 semaphore(%arg11 : memref<!tpu.dma_semaphore, #tpu.memory_space<semaphore_mem>>) src(%dma_wait3A_2488 : memref<256x128xf32, #tpu.memory_space<vmem>>) dst(%dma_wait3A_2485 : memref<256x128xf32, #tpu.memory_space<hbm>>)
    %dma_wait3A_2489 = arith.constant 1 : i32
    %dma_wait3A_2490 = arith.constant 1 : i32
    %dma_wait3A_2491 = arith.constant 0 : i32
    %dma_wait3A_2492 = tpu.memref_slice %arg5[%dma_wait3A_2490, %dma_wait3A_2491] : memref<264x128xf32, #tpu.memory_space<vmem>> -> memref<256x128xf32, #tpu.memory_space<vmem>>
    %dma_wait3A_2493 = arith.constant 0 : i32
    %dma_wait3A_2494 = tpu.memref_slice %arg4[%dma_wait3A_2489, %arg1, %add3A_2120, %dma_wait3A_2493] : memref<8x16x2048x128xf32, #tpu.memory_space<hbm>> -> memref<1x1x256x128xf32, #tpu.memory_space<hbm>>
    %dma_wait3A_2495 = tpu.memref_squeeze %dma_wait3A_2494 : memref<1x1x256x128xf32, #tpu.memory_space<hbm>> -> memref<256x128xf32, #tpu.memory_space<hbm>>
    %dma_wait3A_2496 = arith.constant 0 : i32
    %dma_wait3A_2497 = tpu.memref_slice %arg4[%dma_wait3A_2489, %arg1, %add3A_2120, %dma_wait3A_2496] : memref<8x16x2048x128xf32, #tpu.memory_space<hbm>> -> memref<1x1x256x128xf32, #tpu.memory_space<hbm>>
    %dma_wait3A_2498 = tpu.memref_squeeze %dma_wait3A_2497 : memref<1x1x256x128xf32, #tpu.memory_space<hbm>> -> memref<256x128xf32, #tpu.memory_space<hbm>>
    %dma_wait3A_2499 = arith.constant 1 : i32
    %dma_wait3A_2500 = arith.constant 0 : i32
    %dma_wait3A_2501 = tpu.memref_slice %arg5[%dma_wait3A_2499, %dma_wait3A_2500] : memref<264x128xf32, #tpu.memory_space<vmem>> -> memref<256x128xf32, #tpu.memory_space<vmem>>
    tpu.wait_dma2 semaphore(%arg11 : memref<!tpu.dma_semaphore, #tpu.memory_space<semaphore_mem>>) src(%dma_wait3A_2501 : memref<256x128xf32, #tpu.memory_space<vmem>>) dst(%dma_wait3A_2498 : memref<256x128xf32, #tpu.memory_space<hbm>>)
    %dma_wait3A_2502 = arith.constant 2 : i32
    %dma_wait3A_2503 = arith.constant 1 : i32
    %dma_wait3A_2504 = arith.constant 0 : i32
    %dma_wait3A_2505 = tpu.memref_slice %arg5[%dma_wait3A_2503, %dma_wait3A_2504] : memref<264x128xf32, #tpu.memory_space<vmem>> -> memref<256x128xf32, #tpu.memory_space<vmem>>
    %dma_wait3A_2506 = arith.constant 0 : i32
    %dma_wait3A_2507 = tpu.memref_slice %arg4[%dma_wait3A_2502, %arg1, %add3A_2135, %dma_wait3A_2506] : memref<8x16x2048x128xf32, #tpu.memory_space<hbm>> -> memref<1x1x256x128xf32, #tpu.memory_space<hbm>>
    %dma_wait3A_2508 = tpu.memref_squeeze %dma_wait3A_2507 : memref<1x1x256x128xf32, #tpu.memory_space<hbm>> -> memref<256x128xf32, #tpu.memory_space<hbm>>
    %dma_wait3A_2509 = arith.constant 0 : i32
    %dma_wait3A_2510 = tpu.memref_slice %arg4[%dma_wait3A_2502, %arg1, %add3A_2135, %dma_wait3A_2509] : memref<8x16x2048x128xf32, #tpu.memory_space<hbm>> -> memref<1x1x256x128xf32, #tpu.memory_space<hbm>>
    %dma_wait3A_2511 = tpu.memref_squeeze %dma_wait3A_2510 : memref<1x1x256x128xf32, #tpu.memory_space<hbm>> -> memref<256x128xf32, #tpu.memory_space<hbm>>
    %dma_wait3A_2512 = arith.constant 1 : i32
    %dma_wait3A_2513 = arith.constant 0 : i32
    %dma_wait3A_2514 = tpu.memref_slice %arg5[%dma_wait3A_2512, %dma_wait3A_2513] : memref<264x128xf32, #tpu.memory_space<vmem>> -> memref<256x128xf32, #tpu.memory_space<vmem>>
    tpu.wait_dma2 semaphore(%arg11 : memref<!tpu.dma_semaphore, #tpu.memory_space<semaphore_mem>>) src(%dma_wait3A_2514 : memref<256x128xf32, #tpu.memory_space<vmem>>) dst(%dma_wait3A_2511 : memref<256x128xf32, #tpu.memory_space<hbm>>)
    %dma_wait3A_2515 = arith.constant 3 : i32
    %dma_wait3A_2516 = arith.constant 1 : i32
    %dma_wait3A_2517 = arith.constant 0 : i32
    %dma_wait3A_2518 = tpu.memref_slice %arg5[%dma_wait3A_2516, %dma_wait3A_2517] : memref<264x128xf32, #tpu.memory_space<vmem>> -> memref<256x128xf32, #tpu.memory_space<vmem>>
    %dma_wait3A_2519 = arith.constant 0 : i32
    %dma_wait3A_2520 = tpu.memref_slice %arg4[%dma_wait3A_2515, %arg1, %add3A_2150, %dma_wait3A_2519] : memref<8x16x2048x128xf32, #tpu.memory_space<hbm>> -> memref<1x1x256x128xf32, #tpu.memory_space<hbm>>
    %dma_wait3A_2521 = tpu.memref_squeeze %dma_wait3A_2520 : memref<1x1x256x128xf32, #tpu.memory_space<hbm>> -> memref<256x128xf32, #tpu.memory_space<hbm>>
    %dma_wait3A_2522 = arith.constant 0 : i32
    %dma_wait3A_2523 = tpu.memref_slice %arg4[%dma_wait3A_2515, %arg1, %add3A_2150, %dma_wait3A_2522] : memref<8x16x2048x128xf32, #tpu.memory_space<hbm>> -> memref<1x1x256x128xf32, #tpu.memory_space<hbm>>
    %dma_wait3A_2524 = tpu.memref_squeeze %dma_wait3A_2523 : memref<1x1x256x128xf32, #tpu.memory_space<hbm>> -> memref<256x128xf32, #tpu.memory_space<hbm>>
    %dma_wait3A_2525 = arith.constant 1 : i32
    %dma_wait3A_2526 = arith.constant 0 : i32
    %dma_wait3A_2527 = tpu.memref_slice %arg5[%dma_wait3A_2525, %dma_wait3A_2526] : memref<264x128xf32, #tpu.memory_space<vmem>> -> memref<256x128xf32, #tpu.memory_space<vmem>>
    tpu.wait_dma2 semaphore(%arg11 : memref<!tpu.dma_semaphore, #tpu.memory_space<semaphore_mem>>) src(%dma_wait3A_2527 : memref<256x128xf32, #tpu.memory_space<vmem>>) dst(%dma_wait3A_2524 : memref<256x128xf32, #tpu.memory_space<hbm>>)
    %dma_wait3A_2528 = arith.constant 4 : i32
    %dma_wait3A_2529 = arith.constant 1 : i32
    %dma_wait3A_2530 = arith.constant 0 : i32
    %dma_wait3A_2531 = tpu.memref_slice %arg5[%dma_wait3A_2529, %dma_wait3A_2530] : memref<264x128xf32, #tpu.memory_space<vmem>> -> memref<256x128xf32, #tpu.memory_space<vmem>>
    %dma_wait3A_2532 = arith.constant 0 : i32
    %dma_wait3A_2533 = tpu.memref_slice %arg4[%dma_wait3A_2528, %arg1, %add3A_2165, %dma_wait3A_2532] : memref<8x16x2048x128xf32, #tpu.memory_space<hbm>> -> memref<1x1x256x128xf32, #tpu.memory_space<hbm>>
    %dma_wait3A_2534 = tpu.memref_squeeze %dma_wait3A_2533 : memref<1x1x256x128xf32, #tpu.memory_space<hbm>> -> memref<256x128xf32, #tpu.memory_space<hbm>>
    %dma_wait3A_2535 = arith.constant 0 : i32
    %dma_wait3A_2536 = tpu.memref_slice %arg4[%dma_wait3A_2528, %arg1, %add3A_2165, %dma_wait3A_2535] : memref<8x16x2048x128xf32, #tpu.memory_space<hbm>> -> memref<1x1x256x128xf32, #tpu.memory_space<hbm>>
    %dma_wait3A_2537 = tpu.memref_squeeze %dma_wait3A_2536 : memref<1x1x256x128xf32, #tpu.memory_space<hbm>> -> memref<256x128xf32, #tpu.memory_space<hbm>>
    %dma_wait3A_2538 = arith.constant 1 : i32
    %dma_wait3A_2539 = arith.constant 0 : i32
    %dma_wait3A_2540 = tpu.memref_slice %arg5[%dma_wait3A_2538, %dma_wait3A_2539] : memref<264x128xf32, #tpu.memory_space<vmem>> -> memref<256x128xf32, #tpu.memory_space<vmem>>
    tpu.wait_dma2 semaphore(%arg11 : memref<!tpu.dma_semaphore, #tpu.memory_space<semaphore_mem>>) src(%dma_wait3A_2540 : memref<256x128xf32, #tpu.memory_space<vmem>>) dst(%dma_wait3A_2537 : memref<256x128xf32, #tpu.memory_space<hbm>>)
    %dma_wait3A_2541 = arith.constant 5 : i32
    %dma_wait3A_2542 = arith.constant 1 : i32
    %dma_wait3A_2543 = arith.constant 0 : i32
    %dma_wait3A_2544 = tpu.memref_slice %arg5[%dma_wait3A_2542, %dma_wait3A_2543] : memref<264x128xf32, #tpu.memory_space<vmem>> -> memref<256x128xf32, #tpu.memory_space<vmem>>
    %dma_wait3A_2545 = arith.constant 0 : i32
    %dma_wait3A_2546 = tpu.memref_slice %arg4[%dma_wait3A_2541, %arg1, %add3A_2180, %dma_wait3A_2545] : memref<8x16x2048x128xf32, #tpu.memory_space<hbm>> -> memref<1x1x256x128xf32, #tpu.memory_space<hbm>>
    %dma_wait3A_2547 = tpu.memref_squeeze %dma_wait3A_2546 : memref<1x1x256x128xf32, #tpu.memory_space<hbm>> -> memref<256x128xf32, #tpu.memory_space<hbm>>
    %dma_wait3A_2548 = arith.constant 0 : i32
    %dma_wait3A_2549 = tpu.memref_slice %arg4[%dma_wait3A_2541, %arg1, %add3A_2180, %dma_wait3A_2548] : memref<8x16x2048x128xf32, #tpu.memory_space<hbm>> -> memref<1x1x256x128xf32, #tpu.memory_space<hbm>>
    %dma_wait3A_2550 = tpu.memref_squeeze %dma_wait3A_2549 : memref<1x1x256x128xf32, #tpu.memory_space<hbm>> -> memref<256x128xf32, #tpu.memory_space<hbm>>
    %dma_wait3A_2551 = arith.constant 1 : i32
    %dma_wait3A_2552 = arith.constant 0 : i32
    %dma_wait3A_2553 = tpu.memref_slice %arg5[%dma_wait3A_2551, %dma_wait3A_2552] : memref<264x128xf32, #tpu.memory_space<vmem>> -> memref<256x128xf32, #tpu.memory_space<vmem>>
    tpu.wait_dma2 semaphore(%arg11 : memref<!tpu.dma_semaphore, #tpu.memory_space<semaphore_mem>>) src(%dma_wait3A_2553 : memref<256x128xf32, #tpu.memory_space<vmem>>) dst(%dma_wait3A_2550 : memref<256x128xf32, #tpu.memory_space<hbm>>)
    %dma_wait3A_2554 = arith.constant 6 : i32
    %dma_wait3A_2555 = arith.constant 1 : i32
    %dma_wait3A_2556 = arith.constant 0 : i32
    %dma_wait3A_2557 = tpu.memref_slice %arg5[%dma_wait3A_2555, %dma_wait3A_2556] : memref<264x128xf32, #tpu.memory_space<vmem>> -> memref<256x128xf32, #tpu.memory_space<vmem>>
    %dma_wait3A_2558 = arith.constant 0 : i32
    %dma_wait3A_2559 = tpu.memref_slice %arg4[%dma_wait3A_2554, %arg1, %add3A_2195, %dma_wait3A_2558] : memref<8x16x2048x128xf32, #tpu.memory_space<hbm>> -> memref<1x1x256x128xf32, #tpu.memory_space<hbm>>
    %dma_wait3A_2560 = tpu.memref_squeeze %dma_wait3A_2559 : memref<1x1x256x128xf32, #tpu.memory_space<hbm>> -> memref<256x128xf32, #tpu.memory_space<hbm>>
    %dma_wait3A_2561 = arith.constant 0 : i32
    %dma_wait3A_2562 = tpu.memref_slice %arg4[%dma_wait3A_2554, %arg1, %add3A_2195, %dma_wait3A_2561] : memref<8x16x2048x128xf32, #tpu.memory_space<hbm>> -> memref<1x1x256x128xf32, #tpu.memory_space<hbm>>
    %dma_wait3A_2563 = tpu.memref_squeeze %dma_wait3A_2562 : memref<1x1x256x128xf32, #tpu.memory_space<hbm>> -> memref<256x128xf32, #tpu.memory_space<hbm>>
    %dma_wait3A_2564 = arith.constant 1 : i32
    %dma_wait3A_2565 = arith.constant 0 : i32
    %dma_wait3A_2566 = tpu.memref_slice %arg5[%dma_wait3A_2564, %dma_wait3A_2565] : memref<264x128xf32, #tpu.memory_space<vmem>> -> memref<256x128xf32, #tpu.memory_space<vmem>>
    tpu.wait_dma2 semaphore(%arg11 : memref<!tpu.dma_semaphore, #tpu.memory_space<semaphore_mem>>) src(%dma_wait3A_2566 : memref<256x128xf32, #tpu.memory_space<vmem>>) dst(%dma_wait3A_2563 : memref<256x128xf32, #tpu.memory_space<hbm>>)
    %dma_wait3A_2567 = arith.constant 7 : i32
    %dma_wait3A_2568 = arith.constant 1 : i32
    %dma_wait3A_2569 = arith.constant 0 : i32
    %dma_wait3A_2570 = tpu.memref_slice %arg5[%dma_wait3A_2568, %dma_wait3A_2569] : memref<264x128xf32, #tpu.memory_space<vmem>> -> memref<256x128xf32, #tpu.memory_space<vmem>>
    %dma_wait3A_2571 = arith.constant 0 : i32
    %dma_wait3A_2572 = tpu.memref_slice %arg4[%dma_wait3A_2567, %arg1, %add3A_2210, %dma_wait3A_2571] : memref<8x16x2048x128xf32, #tpu.memory_space<hbm>> -> memref<1x1x256x128xf32, #tpu.memory_space<hbm>>
    %dma_wait3A_2573 = tpu.memref_squeeze %dma_wait3A_2572 : memref<1x1x256x128xf32, #tpu.memory_space<hbm>> -> memref<256x128xf32, #tpu.memory_space<hbm>>
    %dma_wait3A_2574 = arith.constant 0 : i32
    %dma_wait3A_2575 = tpu.memref_slice %arg4[%dma_wait3A_2567, %arg1, %add3A_2210, %dma_wait3A_2574] : memref<8x16x2048x128xf32, #tpu.memory_space<hbm>> -> memref<1x1x256x128xf32, #tpu.memory_space<hbm>>
    %dma_wait3A_2576 = tpu.memref_squeeze %dma_wait3A_2575 : memref<1x1x256x128xf32, #tpu.memory_space<hbm>> -> memref<256x128xf32, #tpu.memory_space<hbm>>
    %dma_wait3A_2577 = arith.constant 1 : i32
    %dma_wait3A_2578 = arith.constant 0 : i32
    %dma_wait3A_2579 = tpu.memref_slice %arg5[%dma_wait3A_2577, %dma_wait3A_2578] : memref<264x128xf32, #tpu.memory_space<vmem>> -> memref<256x128xf32, #tpu.memory_space<vmem>>
    tpu.wait_dma2 semaphore(%arg11 : memref<!tpu.dma_semaphore, #tpu.memory_space<semaphore_mem>>) src(%dma_wait3A_2579 : memref<256x128xf32, #tpu.memory_space<vmem>>) dst(%dma_wait3A_2576 : memref<256x128xf32, #tpu.memory_space<hbm>>)
    %dma_wait3A_2580 = arith.constant 0 : i32
    %dma_wait3A_2581 = arith.constant 1 : i32
    %dma_wait3A_2582 = arith.constant 0 : i32
    %dma_wait3A_2583 = tpu.memref_slice %arg6[%dma_wait3A_2581, %dma_wait3A_2582] : memref<264x128xf32, #tpu.memory_space<vmem>> -> memref<256x128xf32, #tpu.memory_space<vmem>>
    %dma_wait3A_2584 = arith.constant 0 : i32
    %dma_wait3A_2585 = tpu.memref_slice %arg4[%dma_wait3A_2580, %arg1, %add3A_2357, %dma_wait3A_2584] : memref<8x16x2048x128xf32, #tpu.memory_space<hbm>> -> memref<1x1x256x128xf32, #tpu.memory_space<hbm>>
    %dma_wait3A_2586 = tpu.memref_squeeze %dma_wait3A_2585 : memref<1x1x256x128xf32, #tpu.memory_space<hbm>> -> memref<256x128xf32, #tpu.memory_space<hbm>>
    %dma_wait3A_2587 = arith.constant 0 : i32
    %dma_wait3A_2588 = tpu.memref_slice %arg4[%dma_wait3A_2580, %arg1, %add3A_2357, %dma_wait3A_2587] : memref<8x16x2048x128xf32, #tpu.memory_space<hbm>> -> memref<1x1x256x128xf32, #tpu.memory_space<hbm>>
    %dma_wait3A_2589 = tpu.memref_squeeze %dma_wait3A_2588 : memref<1x1x256x128xf32, #tpu.memory_space<hbm>> -> memref<256x128xf32, #tpu.memory_space<hbm>>
    %dma_wait3A_2590 = arith.constant 1 : i32
    %dma_wait3A_2591 = arith.constant 0 : i32
    %dma_wait3A_2592 = tpu.memref_slice %arg6[%dma_wait3A_2590, %dma_wait3A_2591] : memref<264x128xf32, #tpu.memory_space<vmem>> -> memref<256x128xf32, #tpu.memory_space<vmem>>
    tpu.wait_dma2 semaphore(%arg12 : memref<!tpu.dma_semaphore, #tpu.memory_space<semaphore_mem>>) src(%dma_wait3A_2592 : memref<256x128xf32, #tpu.memory_space<vmem>>) dst(%dma_wait3A_2589 : memref<256x128xf32, #tpu.memory_space<hbm>>)
    %dma_wait3A_2593 = arith.constant 1 : i32
    %dma_wait3A_2594 = arith.constant 1 : i32
    %dma_wait3A_2595 = arith.constant 0 : i32
    %dma_wait3A_2596 = tpu.memref_slice %arg6[%dma_wait3A_2594, %dma_wait3A_2595] : memref<264x128xf32, #tpu.memory_space<vmem>> -> memref<256x128xf32, #tpu.memory_space<vmem>>
    %dma_wait3A_2597 = arith.constant 0 : i32
    %dma_wait3A_2598 = tpu.memref_slice %arg4[%dma_wait3A_2593, %arg1, %add3A_2372, %dma_wait3A_2597] : memref<8x16x2048x128xf32, #tpu.memory_space<hbm>> -> memref<1x1x256x128xf32, #tpu.memory_space<hbm>>
    %dma_wait3A_2599 = tpu.memref_squeeze %dma_wait3A_2598 : memref<1x1x256x128xf32, #tpu.memory_space<hbm>> -> memref<256x128xf32, #tpu.memory_space<hbm>>
    %dma_wait3A_2600 = arith.constant 0 : i32
    %dma_wait3A_2601 = tpu.memref_slice %arg4[%dma_wait3A_2593, %arg1, %add3A_2372, %dma_wait3A_2600] : memref<8x16x2048x128xf32, #tpu.memory_space<hbm>> -> memref<1x1x256x128xf32, #tpu.memory_space<hbm>>
    %dma_wait3A_2602 = tpu.memref_squeeze %dma_wait3A_2601 : memref<1x1x256x128xf32, #tpu.memory_space<hbm>> -> memref<256x128xf32, #tpu.memory_space<hbm>>
    %dma_wait3A_2603 = arith.constant 1 : i32
    %dma_wait3A_2604 = arith.constant 0 : i32
    %dma_wait3A_2605 = tpu.memref_slice %arg6[%dma_wait3A_2603, %dma_wait3A_2604] : memref<264x128xf32, #tpu.memory_space<vmem>> -> memref<256x128xf32, #tpu.memory_space<vmem>>
    tpu.wait_dma2 semaphore(%arg12 : memref<!tpu.dma_semaphore, #tpu.memory_space<semaphore_mem>>) src(%dma_wait3A_2605 : memref<256x128xf32, #tpu.memory_space<vmem>>) dst(%dma_wait3A_2602 : memref<256x128xf32, #tpu.memory_space<hbm>>)
    %dma_wait3A_2606 = arith.constant 2 : i32
    %dma_wait3A_2607 = arith.constant 1 : i32
    %dma_wait3A_2608 = arith.constant 0 : i32
    %dma_wait3A_2609 = tpu.memref_slice %arg6[%dma_wait3A_2607, %dma_wait3A_2608] : memref<264x128xf32, #tpu.memory_space<vmem>> -> memref<256x128xf32, #tpu.memory_space<vmem>>
    %dma_wait3A_2610 = arith.constant 0 : i32
    %dma_wait3A_2611 = tpu.memref_slice %arg4[%dma_wait3A_2606, %arg1, %add3A_2387, %dma_wait3A_2610] : memref<8x16x2048x128xf32, #tpu.memory_space<hbm>> -> memref<1x1x256x128xf32, #tpu.memory_space<hbm>>
    %dma_wait3A_2612 = tpu.memref_squeeze %dma_wait3A_2611 : memref<1x1x256x128xf32, #tpu.memory_space<hbm>> -> memref<256x128xf32, #tpu.memory_space<hbm>>
    %dma_wait3A_2613 = arith.constant 0 : i32
    %dma_wait3A_2614 = tpu.memref_slice %arg4[%dma_wait3A_2606, %arg1, %add3A_2387, %dma_wait3A_2613] : memref<8x16x2048x128xf32, #tpu.memory_space<hbm>> -> memref<1x1x256x128xf32, #tpu.memory_space<hbm>>
    %dma_wait3A_2615 = tpu.memref_squeeze %dma_wait3A_2614 : memref<1x1x256x128xf32, #tpu.memory_space<hbm>> -> memref<256x128xf32, #tpu.memory_space<hbm>>
    %dma_wait3A_2616 = arith.constant 1 : i32
    %dma_wait3A_2617 = arith.constant 0 : i32
    %dma_wait3A_2618 = tpu.memref_slice %arg6[%dma_wait3A_2616, %dma_wait3A_2617] : memref<264x128xf32, #tpu.memory_space<vmem>> -> memref<256x128xf32, #tpu.memory_space<vmem>>
    tpu.wait_dma2 semaphore(%arg12 : memref<!tpu.dma_semaphore, #tpu.memory_space<semaphore_mem>>) src(%dma_wait3A_2618 : memref<256x128xf32, #tpu.memory_space<vmem>>) dst(%dma_wait3A_2615 : memref<256x128xf32, #tpu.memory_space<hbm>>)
    %dma_wait3A_2619 = arith.constant 3 : i32
    %dma_wait3A_2620 = arith.constant 1 : i32
    %dma_wait3A_2621 = arith.constant 0 : i32
    %dma_wait3A_2622 = tpu.memref_slice %arg6[%dma_wait3A_2620, %dma_wait3A_2621] : memref<264x128xf32, #tpu.memory_space<vmem>> -> memref<256x128xf32, #tpu.memory_space<vmem>>
    %dma_wait3A_2623 = arith.constant 0 : i32
    %dma_wait3A_2624 = tpu.memref_slice %arg4[%dma_wait3A_2619, %arg1, %add3A_2402, %dma_wait3A_2623] : memref<8x16x2048x128xf32, #tpu.memory_space<hbm>> -> memref<1x1x256x128xf32, #tpu.memory_space<hbm>>
    %dma_wait3A_2625 = tpu.memref_squeeze %dma_wait3A_2624 : memref<1x1x256x128xf32, #tpu.memory_space<hbm>> -> memref<256x128xf32, #tpu.memory_space<hbm>>
    %dma_wait3A_2626 = arith.constant 0 : i32
    %dma_wait3A_2627 = tpu.memref_slice %arg4[%dma_wait3A_2619, %arg1, %add3A_2402, %dma_wait3A_2626] : memref<8x16x2048x128xf32, #tpu.memory_space<hbm>> -> memref<1x1x256x128xf32, #tpu.memory_space<hbm>>
    %dma_wait3A_2628 = tpu.memref_squeeze %dma_wait3A_2627 : memref<1x1x256x128xf32, #tpu.memory_space<hbm>> -> memref<256x128xf32, #tpu.memory_space<hbm>>
    %dma_wait3A_2629 = arith.constant 1 : i32
    %dma_wait3A_2630 = arith.constant 0 : i32
    %dma_wait3A_2631 = tpu.memref_slice %arg6[%dma_wait3A_2629, %dma_wait3A_2630] : memref<264x128xf32, #tpu.memory_space<vmem>> -> memref<256x128xf32, #tpu.memory_space<vmem>>
    tpu.wait_dma2 semaphore(%arg12 : memref<!tpu.dma_semaphore, #tpu.memory_space<semaphore_mem>>) src(%dma_wait3A_2631 : memref<256x128xf32, #tpu.memory_space<vmem>>) dst(%dma_wait3A_2628 : memref<256x128xf32, #tpu.memory_space<hbm>>)
    %dma_wait3A_2632 = arith.constant 4 : i32
    %dma_wait3A_2633 = arith.constant 1 : i32
    %dma_wait3A_2634 = arith.constant 0 : i32
    %dma_wait3A_2635 = tpu.memref_slice %arg6[%dma_wait3A_2633, %dma_wait3A_2634] : memref<264x128xf32, #tpu.memory_space<vmem>> -> memref<256x128xf32, #tpu.memory_space<vmem>>
    %dma_wait3A_2636 = arith.constant 0 : i32
    %dma_wait3A_2637 = tpu.memref_slice %arg4[%dma_wait3A_2632, %arg1, %add3A_2417, %dma_wait3A_2636] : memref<8x16x2048x128xf32, #tpu.memory_space<hbm>> -> memref<1x1x256x128xf32, #tpu.memory_space<hbm>>
    %dma_wait3A_2638 = tpu.memref_squeeze %dma_wait3A_2637 : memref<1x1x256x128xf32, #tpu.memory_space<hbm>> -> memref<256x128xf32, #tpu.memory_space<hbm>>
    %dma_wait3A_2639 = arith.constant 0 : i32
    %dma_wait3A_2640 = tpu.memref_slice %arg4[%dma_wait3A_2632, %arg1, %add3A_2417, %dma_wait3A_2639] : memref<8x16x2048x128xf32, #tpu.memory_space<hbm>> -> memref<1x1x256x128xf32, #tpu.memory_space<hbm>>
    %dma_wait3A_2641 = tpu.memref_squeeze %dma_wait3A_2640 : memref<1x1x256x128xf32, #tpu.memory_space<hbm>> -> memref<256x128xf32, #tpu.memory_space<hbm>>
    %dma_wait3A_2642 = arith.constant 1 : i32
    %dma_wait3A_2643 = arith.constant 0 : i32
    %dma_wait3A_2644 = tpu.memref_slice %arg6[%dma_wait3A_2642, %dma_wait3A_2643] : memref<264x128xf32, #tpu.memory_space<vmem>> -> memref<256x128xf32, #tpu.memory_space<vmem>>
    tpu.wait_dma2 semaphore(%arg12 : memref<!tpu.dma_semaphore, #tpu.memory_space<semaphore_mem>>) src(%dma_wait3A_2644 : memref<256x128xf32, #tpu.memory_space<vmem>>) dst(%dma_wait3A_2641 : memref<256x128xf32, #tpu.memory_space<hbm>>)
    %dma_wait3A_2645 = arith.constant 5 : i32
    %dma_wait3A_2646 = arith.constant 1 : i32
    %dma_wait3A_2647 = arith.constant 0 : i32
    %dma_wait3A_2648 = tpu.memref_slice %arg6[%dma_wait3A_2646, %dma_wait3A_2647] : memref<264x128xf32, #tpu.memory_space<vmem>> -> memref<256x128xf32, #tpu.memory_space<vmem>>
    %dma_wait3A_2649 = arith.constant 0 : i32
    %dma_wait3A_2650 = tpu.memref_slice %arg4[%dma_wait3A_2645, %arg1, %add3A_2432, %dma_wait3A_2649] : memref<8x16x2048x128xf32, #tpu.memory_space<hbm>> -> memref<1x1x256x128xf32, #tpu.memory_space<hbm>>
    %dma_wait3A_2651 = tpu.memref_squeeze %dma_wait3A_2650 : memref<1x1x256x128xf32, #tpu.memory_space<hbm>> -> memref<256x128xf32, #tpu.memory_space<hbm>>
    %dma_wait3A_2652 = arith.constant 0 : i32
    %dma_wait3A_2653 = tpu.memref_slice %arg4[%dma_wait3A_2645, %arg1, %add3A_2432, %dma_wait3A_2652] : memref<8x16x2048x128xf32, #tpu.memory_space<hbm>> -> memref<1x1x256x128xf32, #tpu.memory_space<hbm>>
    %dma_wait3A_2654 = tpu.memref_squeeze %dma_wait3A_2653 : memref<1x1x256x128xf32, #tpu.memory_space<hbm>> -> memref<256x128xf32, #tpu.memory_space<hbm>>
    %dma_wait3A_2655 = arith.constant 1 : i32
    %dma_wait3A_2656 = arith.constant 0 : i32
    %dma_wait3A_2657 = tpu.memref_slice %arg6[%dma_wait3A_2655, %dma_wait3A_2656] : memref<264x128xf32, #tpu.memory_space<vmem>> -> memref<256x128xf32, #tpu.memory_space<vmem>>
    tpu.wait_dma2 semaphore(%arg12 : memref<!tpu.dma_semaphore, #tpu.memory_space<semaphore_mem>>) src(%dma_wait3A_2657 : memref<256x128xf32, #tpu.memory_space<vmem>>) dst(%dma_wait3A_2654 : memref<256x128xf32, #tpu.memory_space<hbm>>)
    %dma_wait3A_2658 = arith.constant 6 : i32
    %dma_wait3A_2659 = arith.constant 1 : i32
    %dma_wait3A_2660 = arith.constant 0 : i32
    %dma_wait3A_2661 = tpu.memref_slice %arg6[%dma_wait3A_2659, %dma_wait3A_2660] : memref<264x128xf32, #tpu.memory_space<vmem>> -> memref<256x128xf32, #tpu.memory_space<vmem>>
    %dma_wait3A_2662 = arith.constant 0 : i32
    %dma_wait3A_2663 = tpu.memref_slice %arg4[%dma_wait3A_2658, %arg1, %add3A_2447, %dma_wait3A_2662] : memref<8x16x2048x128xf32, #tpu.memory_space<hbm>> -> memref<1x1x256x128xf32, #tpu.memory_space<hbm>>
    %dma_wait3A_2664 = tpu.memref_squeeze %dma_wait3A_2663 : memref<1x1x256x128xf32, #tpu.memory_space<hbm>> -> memref<256x128xf32, #tpu.memory_space<hbm>>
    %dma_wait3A_2665 = arith.constant 0 : i32
    %dma_wait3A_2666 = tpu.memref_slice %arg4[%dma_wait3A_2658, %arg1, %add3A_2447, %dma_wait3A_2665] : memref<8x16x2048x128xf32, #tpu.memory_space<hbm>> -> memref<1x1x256x128xf32, #tpu.memory_space<hbm>>
    %dma_wait3A_2667 = tpu.memref_squeeze %dma_wait3A_2666 : memref<1x1x256x128xf32, #tpu.memory_space<hbm>> -> memref<256x128xf32, #tpu.memory_space<hbm>>
    %dma_wait3A_2668 = arith.constant 1 : i32
    %dma_wait3A_2669 = arith.constant 0 : i32
    %dma_wait3A_2670 = tpu.memref_slice %arg6[%dma_wait3A_2668, %dma_wait3A_2669] : memref<264x128xf32, #tpu.memory_space<vmem>> -> memref<256x128xf32, #tpu.memory_space<vmem>>
    tpu.wait_dma2 semaphore(%arg12 : memref<!tpu.dma_semaphore, #tpu.memory_space<semaphore_mem>>) src(%dma_wait3A_2670 : memref<256x128xf32, #tpu.memory_space<vmem>>) dst(%dma_wait3A_2667 : memref<256x128xf32, #tpu.memory_space<hbm>>)
    %dma_wait3A_2671 = arith.constant 7 : i32
    %dma_wait3A_2672 = arith.constant 1 : i32
    %dma_wait3A_2673 = arith.constant 0 : i32
    %dma_wait3A_2674 = tpu.memref_slice %arg6[%dma_wait3A_2672, %dma_wait3A_2673] : memref<264x128xf32, #tpu.memory_space<vmem>> -> memref<256x128xf32, #tpu.memory_space<vmem>>
    %dma_wait3A_2675 = arith.constant 0 : i32
    %dma_wait3A_2676 = tpu.memref_slice %arg4[%dma_wait3A_2671, %arg1, %add3A_2462, %dma_wait3A_2675] : memref<8x16x2048x128xf32, #tpu.memory_space<hbm>> -> memref<1x1x256x128xf32, #tpu.memory_space<hbm>>
    %dma_wait3A_2677 = tpu.memref_squeeze %dma_wait3A_2676 : memref<1x1x256x128xf32, #tpu.memory_space<hbm>> -> memref<256x128xf32, #tpu.memory_space<hbm>>
    %dma_wait3A_2678 = arith.constant 0 : i32
    %dma_wait3A_2679 = tpu.memref_slice %arg4[%dma_wait3A_2671, %arg1, %add3A_2462, %dma_wait3A_2678] : memref<8x16x2048x128xf32, #tpu.memory_space<hbm>> -> memref<1x1x256x128xf32, #tpu.memory_space<hbm>>
    %dma_wait3A_2680 = tpu.memref_squeeze %dma_wait3A_2679 : memref<1x1x256x128xf32, #tpu.memory_space<hbm>> -> memref<256x128xf32, #tpu.memory_space<hbm>>
    %dma_wait3A_2681 = arith.constant 1 : i32
    %dma_wait3A_2682 = arith.constant 0 : i32
    %dma_wait3A_2683 = tpu.memref_slice %arg6[%dma_wait3A_2681, %dma_wait3A_2682] : memref<264x128xf32, #tpu.memory_space<vmem>> -> memref<256x128xf32, #tpu.memory_space<vmem>>
    tpu.wait_dma2 semaphore(%arg12 : memref<!tpu.dma_semaphore, #tpu.memory_space<semaphore_mem>>) src(%dma_wait3A_2683 : memref<256x128xf32, #tpu.memory_space<vmem>>) dst(%dma_wait3A_2680 : memref<256x128xf32, #tpu.memory_space<hbm>>)
    %dma_wait3A_2684 = arith.constant 0 : i32
    %dma_wait3A_2685 = arith.constant 0 : i32
    %dma_wait3A_2686 = arith.constant 1 : i32
    %dma_wait3A_2687 = arith.constant 0 : i32
    %dma_wait3A_2688 = tpu.memref_slice %arg8[%dma_wait3A_2684, %dma_wait3A_2686, %dma_wait3A_2687] : memref<8x9x128xf32, #tpu.memory_space<vmem>> -> memref<1x8x128xf32, #tpu.memory_space<vmem>>
    %dma_wait3A_2689 = tpu.memref_squeeze %dma_wait3A_2688 : memref<1x8x128xf32, #tpu.memory_space<vmem>> -> memref<8x128xf32, #tpu.memory_space<vmem>>
    %dma_wait3A_2690 = arith.constant 2040 : i32
    %dma_wait3A_2691 = arith.constant 0 : i32
    %dma_wait3A_2692 = tpu.memref_slice %arg4[%dma_wait3A_2685, %arg1, %dma_wait3A_2690, %dma_wait3A_2691] : memref<8x16x2048x128xf32, #tpu.memory_space<hbm>> -> memref<1x1x8x128xf32, #tpu.memory_space<hbm>>
    %dma_wait3A_2693 = tpu.memref_squeeze %dma_wait3A_2692 : memref<1x1x8x128xf32, #tpu.memory_space<hbm>> -> memref<8x128xf32, #tpu.memory_space<hbm>>
    %dma_wait3A_2694 = arith.constant 2040 : i32
    %dma_wait3A_2695 = arith.constant 0 : i32
    %dma_wait3A_2696 = tpu.memref_slice %arg4[%dma_wait3A_2685, %arg1, %dma_wait3A_2694, %dma_wait3A_2695] : memref<8x16x2048x128xf32, #tpu.memory_space<hbm>> -> memref<1x1x8x128xf32, #tpu.memory_space<hbm>>
    %dma_wait3A_2697 = tpu.memref_squeeze %dma_wait3A_2696 : memref<1x1x8x128xf32, #tpu.memory_space<hbm>> -> memref<8x128xf32, #tpu.memory_space<hbm>>
    %dma_wait3A_2698 = arith.constant 1 : i32
    %dma_wait3A_2699 = arith.constant 0 : i32
    %dma_wait3A_2700 = tpu.memref_slice %arg8[%dma_wait3A_2684, %dma_wait3A_2698, %dma_wait3A_2699] : memref<8x9x128xf32, #tpu.memory_space<vmem>> -> memref<1x8x128xf32, #tpu.memory_space<vmem>>
    %dma_wait3A_2701 = tpu.memref_squeeze %dma_wait3A_2700 : memref<1x8x128xf32, #tpu.memory_space<vmem>> -> memref<8x128xf32, #tpu.memory_space<vmem>>
    tpu.wait_dma2 semaphore(%arg14 : memref<!tpu.dma_semaphore, #tpu.memory_space<semaphore_mem>>) src(%dma_wait3A_2701 : memref<8x128xf32, #tpu.memory_space<vmem>>) dst(%dma_wait3A_2697 : memref<8x128xf32, #tpu.memory_space<hbm>>)
    %dma_wait3A_2702 = arith.constant 1 : i32
    %dma_wait3A_2703 = arith.constant 1 : i32
    %dma_wait3A_2704 = arith.constant 1 : i32
    %dma_wait3A_2705 = arith.constant 0 : i32
    %dma_wait3A_2706 = tpu.memref_slice %arg8[%dma_wait3A_2702, %dma_wait3A_2704, %dma_wait3A_2705] : memref<8x9x128xf32, #tpu.memory_space<vmem>> -> memref<1x8x128xf32, #tpu.memory_space<vmem>>
    %dma_wait3A_2707 = tpu.memref_squeeze %dma_wait3A_2706 : memref<1x8x128xf32, #tpu.memory_space<vmem>> -> memref<8x128xf32, #tpu.memory_space<vmem>>
    %dma_wait3A_2708 = arith.constant 2040 : i32
    %dma_wait3A_2709 = arith.constant 0 : i32
    %dma_wait3A_2710 = tpu.memref_slice %arg4[%dma_wait3A_2703, %arg1, %dma_wait3A_2708, %dma_wait3A_2709] : memref<8x16x2048x128xf32, #tpu.memory_space<hbm>> -> memref<1x1x8x128xf32, #tpu.memory_space<hbm>>
    %dma_wait3A_2711 = tpu.memref_squeeze %dma_wait3A_2710 : memref<1x1x8x128xf32, #tpu.memory_space<hbm>> -> memref<8x128xf32, #tpu.memory_space<hbm>>
    %dma_wait3A_2712 = arith.constant 2040 : i32
    %dma_wait3A_2713 = arith.constant 0 : i32
    %dma_wait3A_2714 = tpu.memref_slice %arg4[%dma_wait3A_2703, %arg1, %dma_wait3A_2712, %dma_wait3A_2713] : memref<8x16x2048x128xf32, #tpu.memory_space<hbm>> -> memref<1x1x8x128xf32, #tpu.memory_space<hbm>>
    %dma_wait3A_2715 = tpu.memref_squeeze %dma_wait3A_2714 : memref<1x1x8x128xf32, #tpu.memory_space<hbm>> -> memref<8x128xf32, #tpu.memory_space<hbm>>
    %dma_wait3A_2716 = arith.constant 1 : i32
    %dma_wait3A_2717 = arith.constant 0 : i32
    %dma_wait3A_2718 = tpu.memref_slice %arg8[%dma_wait3A_2702, %dma_wait3A_2716, %dma_wait3A_2717] : memref<8x9x128xf32, #tpu.memory_space<vmem>> -> memref<1x8x128xf32, #tpu.memory_space<vmem>>
    %dma_wait3A_2719 = tpu.memref_squeeze %dma_wait3A_2718 : memref<1x8x128xf32, #tpu.memory_space<vmem>> -> memref<8x128xf32, #tpu.memory_space<vmem>>
    tpu.wait_dma2 semaphore(%arg14 : memref<!tpu.dma_semaphore, #tpu.memory_space<semaphore_mem>>) src(%dma_wait3A_2719 : memref<8x128xf32, #tpu.memory_space<vmem>>) dst(%dma_wait3A_2715 : memref<8x128xf32, #tpu.memory_space<hbm>>)
    %dma_wait3A_2720 = arith.constant 2 : i32
    %dma_wait3A_2721 = arith.constant 2 : i32
    %dma_wait3A_2722 = arith.constant 1 : i32
    %dma_wait3A_2723 = arith.constant 0 : i32
    %dma_wait3A_2724 = tpu.memref_slice %arg8[%dma_wait3A_2720, %dma_wait3A_2722, %dma_wait3A_2723] : memref<8x9x128xf32, #tpu.memory_space<vmem>> -> memref<1x8x128xf32, #tpu.memory_space<vmem>>
    %dma_wait3A_2725 = tpu.memref_squeeze %dma_wait3A_2724 : memref<1x8x128xf32, #tpu.memory_space<vmem>> -> memref<8x128xf32, #tpu.memory_space<vmem>>
    %dma_wait3A_2726 = arith.constant 2040 : i32
    %dma_wait3A_2727 = arith.constant 0 : i32
    %dma_wait3A_2728 = tpu.memref_slice %arg4[%dma_wait3A_2721, %arg1, %dma_wait3A_2726, %dma_wait3A_2727] : memref<8x16x2048x128xf32, #tpu.memory_space<hbm>> -> memref<1x1x8x128xf32, #tpu.memory_space<hbm>>
    %dma_wait3A_2729 = tpu.memref_squeeze %dma_wait3A_2728 : memref<1x1x8x128xf32, #tpu.memory_space<hbm>> -> memref<8x128xf32, #tpu.memory_space<hbm>>
    %dma_wait3A_2730 = arith.constant 2040 : i32
    %dma_wait3A_2731 = arith.constant 0 : i32
    %dma_wait3A_2732 = tpu.memref_slice %arg4[%dma_wait3A_2721, %arg1, %dma_wait3A_2730, %dma_wait3A_2731] : memref<8x16x2048x128xf32, #tpu.memory_space<hbm>> -> memref<1x1x8x128xf32, #tpu.memory_space<hbm>>
    %dma_wait3A_2733 = tpu.memref_squeeze %dma_wait3A_2732 : memref<1x1x8x128xf32, #tpu.memory_space<hbm>> -> memref<8x128xf32, #tpu.memory_space<hbm>>
    %dma_wait3A_2734 = arith.constant 1 : i32
    %dma_wait3A_2735 = arith.constant 0 : i32
    %dma_wait3A_2736 = tpu.memref_slice %arg8[%dma_wait3A_2720, %dma_wait3A_2734, %dma_wait3A_2735] : memref<8x9x128xf32, #tpu.memory_space<vmem>> -> memref<1x8x128xf32, #tpu.memory_space<vmem>>
    %dma_wait3A_2737 = tpu.memref_squeeze %dma_wait3A_2736 : memref<1x8x128xf32, #tpu.memory_space<vmem>> -> memref<8x128xf32, #tpu.memory_space<vmem>>
    tpu.wait_dma2 semaphore(%arg14 : memref<!tpu.dma_semaphore, #tpu.memory_space<semaphore_mem>>) src(%dma_wait3A_2737 : memref<8x128xf32, #tpu.memory_space<vmem>>) dst(%dma_wait3A_2733 : memref<8x128xf32, #tpu.memory_space<hbm>>)
    %dma_wait3A_2738 = arith.constant 3 : i32
    %dma_wait3A_2739 = arith.constant 3 : i32
    %dma_wait3A_2740 = arith.constant 1 : i32
    %dma_wait3A_2741 = arith.constant 0 : i32
    %dma_wait3A_2742 = tpu.memref_slice %arg8[%dma_wait3A_2738, %dma_wait3A_2740, %dma_wait3A_2741] : memref<8x9x128xf32, #tpu.memory_space<vmem>> -> memref<1x8x128xf32, #tpu.memory_space<vmem>>
    %dma_wait3A_2743 = tpu.memref_squeeze %dma_wait3A_2742 : memref<1x8x128xf32, #tpu.memory_space<vmem>> -> memref<8x128xf32, #tpu.memory_space<vmem>>
    %dma_wait3A_2744 = arith.constant 2040 : i32
    %dma_wait3A_2745 = arith.constant 0 : i32
    %dma_wait3A_2746 = tpu.memref_slice %arg4[%dma_wait3A_2739, %arg1, %dma_wait3A_2744, %dma_wait3A_2745] : memref<8x16x2048x128xf32, #tpu.memory_space<hbm>> -> memref<1x1x8x128xf32, #tpu.memory_space<hbm>>
    %dma_wait3A_2747 = tpu.memref_squeeze %dma_wait3A_2746 : memref<1x1x8x128xf32, #tpu.memory_space<hbm>> -> memref<8x128xf32, #tpu.memory_space<hbm>>
    %dma_wait3A_2748 = arith.constant 2040 : i32
    %dma_wait3A_2749 = arith.constant 0 : i32
    %dma_wait3A_2750 = tpu.memref_slice %arg4[%dma_wait3A_2739, %arg1, %dma_wait3A_2748, %dma_wait3A_2749] : memref<8x16x2048x128xf32, #tpu.memory_space<hbm>> -> memref<1x1x8x128xf32, #tpu.memory_space<hbm>>
    %dma_wait3A_2751 = tpu.memref_squeeze %dma_wait3A_2750 : memref<1x1x8x128xf32, #tpu.memory_space<hbm>> -> memref<8x128xf32, #tpu.memory_space<hbm>>
    %dma_wait3A_2752 = arith.constant 1 : i32
    %dma_wait3A_2753 = arith.constant 0 : i32
    %dma_wait3A_2754 = tpu.memref_slice %arg8[%dma_wait3A_2738, %dma_wait3A_2752, %dma_wait3A_2753] : memref<8x9x128xf32, #tpu.memory_space<vmem>> -> memref<1x8x128xf32, #tpu.memory_space<vmem>>
    %dma_wait3A_2755 = tpu.memref_squeeze %dma_wait3A_2754 : memref<1x8x128xf32, #tpu.memory_space<vmem>> -> memref<8x128xf32, #tpu.memory_space<vmem>>
    tpu.wait_dma2 semaphore(%arg14 : memref<!tpu.dma_semaphore, #tpu.memory_space<semaphore_mem>>) src(%dma_wait3A_2755 : memref<8x128xf32, #tpu.memory_space<vmem>>) dst(%dma_wait3A_2751 : memref<8x128xf32, #tpu.memory_space<hbm>>)
    %dma_wait3A_2756 = arith.constant 4 : i32
    %dma_wait3A_2757 = arith.constant 4 : i32
    %dma_wait3A_2758 = arith.constant 1 : i32
    %dma_wait3A_2759 = arith.constant 0 : i32
    %dma_wait3A_2760 = tpu.memref_slice %arg8[%dma_wait3A_2756, %dma_wait3A_2758, %dma_wait3A_2759] : memref<8x9x128xf32, #tpu.memory_space<vmem>> -> memref<1x8x128xf32, #tpu.memory_space<vmem>>
    %dma_wait3A_2761 = tpu.memref_squeeze %dma_wait3A_2760 : memref<1x8x128xf32, #tpu.memory_space<vmem>> -> memref<8x128xf32, #tpu.memory_space<vmem>>
    %dma_wait3A_2762 = arith.constant 2040 : i32
    %dma_wait3A_2763 = arith.constant 0 : i32
    %dma_wait3A_2764 = tpu.memref_slice %arg4[%dma_wait3A_2757, %arg1, %dma_wait3A_2762, %dma_wait3A_2763] : memref<8x16x2048x128xf32, #tpu.memory_space<hbm>> -> memref<1x1x8x128xf32, #tpu.memory_space<hbm>>
    %dma_wait3A_2765 = tpu.memref_squeeze %dma_wait3A_2764 : memref<1x1x8x128xf32, #tpu.memory_space<hbm>> -> memref<8x128xf32, #tpu.memory_space<hbm>>
    %dma_wait3A_2766 = arith.constant 2040 : i32
    %dma_wait3A_2767 = arith.constant 0 : i32
    %dma_wait3A_2768 = tpu.memref_slice %arg4[%dma_wait3A_2757, %arg1, %dma_wait3A_2766, %dma_wait3A_2767] : memref<8x16x2048x128xf32, #tpu.memory_space<hbm>> -> memref<1x1x8x128xf32, #tpu.memory_space<hbm>>
    %dma_wait3A_2769 = tpu.memref_squeeze %dma_wait3A_2768 : memref<1x1x8x128xf32, #tpu.memory_space<hbm>> -> memref<8x128xf32, #tpu.memory_space<hbm>>
    %dma_wait3A_2770 = arith.constant 1 : i32
    %dma_wait3A_2771 = arith.constant 0 : i32
    %dma_wait3A_2772 = tpu.memref_slice %arg8[%dma_wait3A_2756, %dma_wait3A_2770, %dma_wait3A_2771] : memref<8x9x128xf32, #tpu.memory_space<vmem>> -> memref<1x8x128xf32, #tpu.memory_space<vmem>>
    %dma_wait3A_2773 = tpu.memref_squeeze %dma_wait3A_2772 : memref<1x8x128xf32, #tpu.memory_space<vmem>> -> memref<8x128xf32, #tpu.memory_space<vmem>>
    tpu.wait_dma2 semaphore(%arg14 : memref<!tpu.dma_semaphore, #tpu.memory_space<semaphore_mem>>) src(%dma_wait3A_2773 : memref<8x128xf32, #tpu.memory_space<vmem>>) dst(%dma_wait3A_2769 : memref<8x128xf32, #tpu.memory_space<hbm>>)
    %dma_wait3A_2774 = arith.constant 5 : i32
    %dma_wait3A_2775 = arith.constant 5 : i32
    %dma_wait3A_2776 = arith.constant 1 : i32
    %dma_wait3A_2777 = arith.constant 0 : i32
    %dma_wait3A_2778 = tpu.memref_slice %arg8[%dma_wait3A_2774, %dma_wait3A_2776, %dma_wait3A_2777] : memref<8x9x128xf32, #tpu.memory_space<vmem>> -> memref<1x8x128xf32, #tpu.memory_space<vmem>>
    %dma_wait3A_2779 = tpu.memref_squeeze %dma_wait3A_2778 : memref<1x8x128xf32, #tpu.memory_space<vmem>> -> memref<8x128xf32, #tpu.memory_space<vmem>>
    %dma_wait3A_2780 = arith.constant 2040 : i32
    %dma_wait3A_2781 = arith.constant 0 : i32
    %dma_wait3A_2782 = tpu.memref_slice %arg4[%dma_wait3A_2775, %arg1, %dma_wait3A_2780, %dma_wait3A_2781] : memref<8x16x2048x128xf32, #tpu.memory_space<hbm>> -> memref<1x1x8x128xf32, #tpu.memory_space<hbm>>
    %dma_wait3A_2783 = tpu.memref_squeeze %dma_wait3A_2782 : memref<1x1x8x128xf32, #tpu.memory_space<hbm>> -> memref<8x128xf32, #tpu.memory_space<hbm>>
    %dma_wait3A_2784 = arith.constant 2040 : i32
    %dma_wait3A_2785 = arith.constant 0 : i32
    %dma_wait3A_2786 = tpu.memref_slice %arg4[%dma_wait3A_2775, %arg1, %dma_wait3A_2784, %dma_wait3A_2785] : memref<8x16x2048x128xf32, #tpu.memory_space<hbm>> -> memref<1x1x8x128xf32, #tpu.memory_space<hbm>>
    %dma_wait3A_2787 = tpu.memref_squeeze %dma_wait3A_2786 : memref<1x1x8x128xf32, #tpu.memory_space<hbm>> -> memref<8x128xf32, #tpu.memory_space<hbm>>
    %dma_wait3A_2788 = arith.constant 1 : i32
    %dma_wait3A_2789 = arith.constant 0 : i32
    %dma_wait3A_2790 = tpu.memref_slice %arg8[%dma_wait3A_2774, %dma_wait3A_2788, %dma_wait3A_2789] : memref<8x9x128xf32, #tpu.memory_space<vmem>> -> memref<1x8x128xf32, #tpu.memory_space<vmem>>
    %dma_wait3A_2791 = tpu.memref_squeeze %dma_wait3A_2790 : memref<1x8x128xf32, #tpu.memory_space<vmem>> -> memref<8x128xf32, #tpu.memory_space<vmem>>
    tpu.wait_dma2 semaphore(%arg14 : memref<!tpu.dma_semaphore, #tpu.memory_space<semaphore_mem>>) src(%dma_wait3A_2791 : memref<8x128xf32, #tpu.memory_space<vmem>>) dst(%dma_wait3A_2787 : memref<8x128xf32, #tpu.memory_space<hbm>>)
    %dma_wait3A_2792 = arith.constant 6 : i32
    %dma_wait3A_2793 = arith.constant 6 : i32
    %dma_wait3A_2794 = arith.constant 1 : i32
    %dma_wait3A_2795 = arith.constant 0 : i32
    %dma_wait3A_2796 = tpu.memref_slice %arg8[%dma_wait3A_2792, %dma_wait3A_2794, %dma_wait3A_2795] : memref<8x9x128xf32, #tpu.memory_space<vmem>> -> memref<1x8x128xf32, #tpu.memory_space<vmem>>
    %dma_wait3A_2797 = tpu.memref_squeeze %dma_wait3A_2796 : memref<1x8x128xf32, #tpu.memory_space<vmem>> -> memref<8x128xf32, #tpu.memory_space<vmem>>
    %dma_wait3A_2798 = arith.constant 2040 : i32
    %dma_wait3A_2799 = arith.constant 0 : i32
    %dma_wait3A_2800 = tpu.memref_slice %arg4[%dma_wait3A_2793, %arg1, %dma_wait3A_2798, %dma_wait3A_2799] : memref<8x16x2048x128xf32, #tpu.memory_space<hbm>> -> memref<1x1x8x128xf32, #tpu.memory_space<hbm>>
    %dma_wait3A_2801 = tpu.memref_squeeze %dma_wait3A_2800 : memref<1x1x8x128xf32, #tpu.memory_space<hbm>> -> memref<8x128xf32, #tpu.memory_space<hbm>>
    %dma_wait3A_2802 = arith.constant 2040 : i32
    %dma_wait3A_2803 = arith.constant 0 : i32
    %dma_wait3A_2804 = tpu.memref_slice %arg4[%dma_wait3A_2793, %arg1, %dma_wait3A_2802, %dma_wait3A_2803] : memref<8x16x2048x128xf32, #tpu.memory_space<hbm>> -> memref<1x1x8x128xf32, #tpu.memory_space<hbm>>
    %dma_wait3A_2805 = tpu.memref_squeeze %dma_wait3A_2804 : memref<1x1x8x128xf32, #tpu.memory_space<hbm>> -> memref<8x128xf32, #tpu.memory_space<hbm>>
    %dma_wait3A_2806 = arith.constant 1 : i32
    %dma_wait3A_2807 = arith.constant 0 : i32
    %dma_wait3A_2808 = tpu.memref_slice %arg8[%dma_wait3A_2792, %dma_wait3A_2806, %dma_wait3A_2807] : memref<8x9x128xf32, #tpu.memory_space<vmem>> -> memref<1x8x128xf32, #tpu.memory_space<vmem>>
    %dma_wait3A_2809 = tpu.memref_squeeze %dma_wait3A_2808 : memref<1x8x128xf32, #tpu.memory_space<vmem>> -> memref<8x128xf32, #tpu.memory_space<vmem>>
    tpu.wait_dma2 semaphore(%arg14 : memref<!tpu.dma_semaphore, #tpu.memory_space<semaphore_mem>>) src(%dma_wait3A_2809 : memref<8x128xf32, #tpu.memory_space<vmem>>) dst(%dma_wait3A_2805 : memref<8x128xf32, #tpu.memory_space<hbm>>)
    %dma_wait3A_2810 = arith.constant 7 : i32
    %dma_wait3A_2811 = arith.constant 7 : i32
    %dma_wait3A_2812 = arith.constant 1 : i32
    %dma_wait3A_2813 = arith.constant 0 : i32
    %dma_wait3A_2814 = tpu.memref_slice %arg8[%dma_wait3A_2810, %dma_wait3A_2812, %dma_wait3A_2813] : memref<8x9x128xf32, #tpu.memory_space<vmem>> -> memref<1x8x128xf32, #tpu.memory_space<vmem>>
    %dma_wait3A_2815 = tpu.memref_squeeze %dma_wait3A_2814 : memref<1x8x128xf32, #tpu.memory_space<vmem>> -> memref<8x128xf32, #tpu.memory_space<vmem>>
    %dma_wait3A_2816 = arith.constant 2040 : i32
    %dma_wait3A_2817 = arith.constant 0 : i32
    %dma_wait3A_2818 = tpu.memref_slice %arg4[%dma_wait3A_2811, %arg1, %dma_wait3A_2816, %dma_wait3A_2817] : memref<8x16x2048x128xf32, #tpu.memory_space<hbm>> -> memref<1x1x8x128xf32, #tpu.memory_space<hbm>>
    %dma_wait3A_2819 = tpu.memref_squeeze %dma_wait3A_2818 : memref<1x1x8x128xf32, #tpu.memory_space<hbm>> -> memref<8x128xf32, #tpu.memory_space<hbm>>
    %dma_wait3A_2820 = arith.constant 2040 : i32
    %dma_wait3A_2821 = arith.constant 0 : i32
    %dma_wait3A_2822 = tpu.memref_slice %arg4[%dma_wait3A_2811, %arg1, %dma_wait3A_2820, %dma_wait3A_2821] : memref<8x16x2048x128xf32, #tpu.memory_space<hbm>> -> memref<1x1x8x128xf32, #tpu.memory_space<hbm>>
    %dma_wait3A_2823 = tpu.memref_squeeze %dma_wait3A_2822 : memref<1x1x8x128xf32, #tpu.memory_space<hbm>> -> memref<8x128xf32, #tpu.memory_space<hbm>>
    %dma_wait3A_2824 = arith.constant 1 : i32
    %dma_wait3A_2825 = arith.constant 0 : i32
    %dma_wait3A_2826 = tpu.memref_slice %arg8[%dma_wait3A_2810, %dma_wait3A_2824, %dma_wait3A_2825] : memref<8x9x128xf32, #tpu.memory_space<vmem>> -> memref<1x8x128xf32, #tpu.memory_space<vmem>>
    %dma_wait3A_2827 = tpu.memref_squeeze %dma_wait3A_2826 : memref<1x8x128xf32, #tpu.memory_space<vmem>> -> memref<8x128xf32, #tpu.memory_space<vmem>>
    tpu.wait_dma2 semaphore(%arg14 : memref<!tpu.dma_semaphore, #tpu.memory_space<semaphore_mem>>) src(%dma_wait3A_2827 : memref<8x128xf32, #tpu.memory_space<vmem>>) dst(%dma_wait3A_2823 : memref<8x128xf32, #tpu.memory_space<hbm>>)
    return
  }
}

module attributes {stable_mosaic.version = 14 : i64} {
  func.func @_tc_body(%arg0: i32, %arg1: memref<8x1x4x128xf32, #tpu.memory_space<vmem>>, %arg2: memref<1x1x2048x128xf32, #tpu.memory_space<vmem>>, %arg3: memref<8x1x2048x128xf32, #tpu.memory_space<vmem>>) attributes {dimension_semantics = [#tpu.dimension_semantics<arbitrary>], iteration_bounds = array<i64: 16>, scalar_prefetch = 0 : i64, scratch_operands = 0 : i64, tpu.core_type = #tpu.core_type<tc>, window_params = [{transform_indices = @transform_0, window_bounds = array<i64: 8, 1, 4, 128>}, {transform_indices = @transform_1, window_bounds = array<i64: 1, 1, 2048, 128>}, {transform_indices = @transform_2, window_bounds = array<i64: 8, 1, 2048, 128>}]} {
    %get3A = arith.constant 0 : index
    %get3A_0 = arith.constant 0 : index
    %get3A_1 = arith.constant 1 : index
    %get3A_2 = arith.constant 0 : index
    %get3A_3 = vector.load %arg2[%get3A, %get3A_0, %get3A_1, %get3A_2] : memref<1x1x2048x128xf32, #tpu.memory_space<vmem>>, vector<1x1x2047x128xf32>
    %broadcast_in_dim3A = vector.shape_cast %get3A_3 : vector<1x1x2047x128xf32> to vector<1x1x2047x128xf32>
    %broadcast_in_dim3A_4 = vector.broadcast %broadcast_in_dim3A : vector<1x1x2047x128xf32> to vector<8x1x2047x128xf32>
    %swap3A = arith.constant 0 : index
    %swap3A_5 = arith.constant 0 : index
    %swap3A_6 = arith.constant 0 : index
    %swap3A_7 = arith.constant 0 : index
    %swap3A_8 = vector.load %arg3[%swap3A, %swap3A_5, %swap3A_6, %swap3A_7] : memref<8x1x2048x128xf32, #tpu.memory_space<vmem>>, vector<8x1x2047x128xf32>
    tpu.vector_store %arg3[%swap3A, %swap3A_5, %swap3A_6, %swap3A_7], %broadcast_in_dim3A_4 {strides = array<i32>} : memref<8x1x2048x128xf32, #tpu.memory_space<vmem>>, vector<8x1x2047x128xf32>,
    %get3A_9 = arith.constant 0 : index
    %get3A_10 = arith.constant 0 : index
    %get3A_11 = arith.constant 3 : index
    %get3A_12 = arith.constant 0 : index
    %get3A_13 = vector.load %arg1[%get3A_9, %get3A_10, %get3A_11, %get3A_12] : memref<8x1x4x128xf32, #tpu.memory_space<vmem>>, vector<8x1x1x128xf32>
    %swap3A_14 = arith.constant 0 : index
    %swap3A_15 = arith.constant 0 : index
    %swap3A_16 = arith.constant 2047 : index
    %swap3A_17 = arith.constant 0 : index
    %swap3A_18 = vector.load %arg3[%swap3A_14, %swap3A_15, %swap3A_16, %swap3A_17] : memref<8x1x2048x128xf32, #tpu.memory_space<vmem>>, vector<8x1x1x128xf32>
    tpu.vector_store %arg3[%swap3A_14, %swap3A_15, %swap3A_16, %swap3A_17], %get3A_13 {strides = array<i32>} : memref<8x1x2048x128xf32, #tpu.memory_space<vmem>>, vector<8x1x1x128xf32>,
    return
  }
  func.func @transform_0(%arg0: i32) -> (i32, i32, i32, i32) {
    %c0_i32 = arith.constant 0 : i32
    %c0_i32_0 = arith.constant 0 : i32
    %c0_i32_1 = arith.constant 0 : i32
    %c0_i32_2 = arith.constant 0 : i32
    return %c0_i32, %arg0, %c0_i32_0, %c0_i32_1 : i32, i32, i32, i32
  }
  func.func @transform_1(%arg0: i32) -> (i32, i32, i32, i32) {
    %c0_i32 = arith.constant 0 : i32
    %c0_i32_0 = arith.constant 0 : i32
    %c0_i32_1 = arith.constant 0 : i32
    %c0_i32_2 = arith.constant 0 : i32
    return %c0_i32, %arg0, %c0_i32_0, %c0_i32_1 : i32, i32, i32, i32
  }
  func.func @transform_2(%arg0: i32) -> (i32, i32, i32, i32) {
    %c0_i32 = arith.constant 0 : i32
    %c0_i32_0 = arith.constant 0 : i32
    %c0_i32_1 = arith.constant 0 : i32
    %c0_i32_2 = arith.constant 0 : i32
    return %c0_i32, %arg0, %c0_i32_0, %c0_i32_1 : i32, i32, i32, i32
  }
}

</mosaic_0001>

<sc_bundles>
// kernel: kernel.4.cloned.1.call-start
scs
__scs_entry_jumppad:
0x0: {  	(pc) =	sbr.rel $0x88, $3  }
0x1: {  	(tag) =	ssettag $0x0;
	lr =	simm.s32 $0x1  }
0x2: {  	[smem:$0x3F9D] =	sst lr;
	_ =	strace $0xD0000000  }
0x3: {  	_ = 	snop  }
0x4: {  	_ = 	snop  }
0x5: {  	_ = 	snop  }
0x6: {  	_ = 	snop  }
0x7: {  	_ = 	snop  }
__scs_overlays_trampoline_lowered:
0x8: {  	[smem:$0x3FAC] =	sst s0  }
0x9: {  	[smem:$0x3FAD] =	sst s1  }
0xa: {  	[smem:$0x3FAE] =	sst s2  }
0xb: {  	[smem:$0x3FAF] =	sst s3  }
0xc: {  	[smem:$0x3FB0] =	sst s4  }
0xd: {  	[smem:$0x3FB1] =	sst s5  }
0xe: {  	[smem:$0x3FB2] =	sst s6  }
0xf: {  	[smem:$0x3FB3] =	sst s7  }
0x10: {  	[smem:$0x3FB4] =	sst s8  }
0x11: {  	[smem:$0x3FB5] =	sst s9;
	s0 =	simm.s32 @!p0 $0x0  }
0x12: {  	s1 =	sld [smem:$0x3F9B];
	s0 =	simm.s32 @p0 $0x1  }
0x13: {  	[smem:$0x3FB6] =	sst s0;
	s0 =	simm.s32 @!p1 $0x0  }
0x14: {  	s2 =	sld [smem:$0x3F9A];
	s0 =	simm.s32 @p1 $0x1  }
0x15: {  	[smem:$0x3FB7] =	sst s0;
	s0 =	simm.s32 @!p2 $0x0  }
0x16: {  	s3 =	sld [smem:$0x3FDB];
	s0 =	simm.s32 @p2 $0x1  }
0x17: {  	s4 =	simm.s32 $0x1BF5;
	[smem:$0x3FB9] =	sst s0  }
0x18: {  	s0 =	sld [smem:$0x3F9C];
	_ =	swait.ge [sflag:s4], $0x0  }
0x19: {  	s7 =	sld [smem:$0x3F9D]  }
0x1a: {  	s8 =	sadd.s32 $0xFFFFE003, lr  }
0x1b: {  	s9 =	sadd.s32 $0xFFFFFEF7, lr;
	s5 =	simm.s32 $0xFFFFFFFF;
	p2 =	slt.u32 s8, $0xFFFFF086  }
0x1c: {  	p1 =	slt.u32 s9, $0xF7A;
	s5 =	simm.s32 @!p2 $0x0  }
0x1d: {  	s5 =	simm.s32 @p1 $0x1;
	p0 =	seq.s32 s7, s2  }
0x1e: {  	s7 =	smul.u32 @!p0 $0xF7A, s2;
	p2 =	seq.s32 @!p0 s5, $0x0  }
0x1f: {  	s9 =	smul.u32 $0xF7A, s1;
	s8 =	simm.s32 @!p0 $0x1BF5;
	p2 =	por !p2, p0  }
0x20: {  	[sflag:s8] =	ssyncset.s32 @!p0 $0xFFFFF086;
	s6 =	sadd.s32 @!p0 s3, s7;
	s7 =	simm.s32 @!p0 $0x108  }
0x21: {  	s3 =	sadd.s32 s3, s9;
	s6 =	sadd.s32 @!p0 $0x88, s6;
	s7 =	simm.s32 @p2 $0x1082  }
0x22: {  	[simem:s7], [sflag:s8] =	dma.local @!p0 [hbm:s6], $0xF7A  }
0x23: {  	s9 =	sor.u32 $0xD0000000, s2;
	s6 =	simm.s32 $0x108;
	_ =	swait.ge @!p0 [sflag:s8], $0x0  }
0x24: {  	s3 =	sadd.s32 $0x88, s3;
	s6 =	simm.s32 @!p1 $0x1082;
	[sflag:s4] =	ssyncset.s32 $0xFFFFF086  }
0x25: {  	[simem:s6], [sflag:s4] =	dma.local [hbm:s3], $0xF7A  }
0x26: {  	[smem:$0x3F9D] =	sst s1;
	(tag) =	ssettag s2;
	_ =	strace s9  }
0x27: {  	s1 =	sld [smem:$0x3FAD]  }
0x28: {  	s2 =	sld [smem:$0x3FAE]  }
0x29: {  	s4 =	sld [smem:$0x3FB0]  }
0x2a: {  	p0 =	seq.s32 s5, $0x0;
	s5 =	sld [smem:$0x3FB1]  }
0x2b: {  	s6 =	sld [smem:$0x3FB2]  }
0x2c: {  	s7 =	sld [smem:$0x3FB3]  }
0x2d: {  	s3 =	simm.s32 $0x108;
	s8 =	sld [smem:$0x3FB4]  }
0x2e: {  	s3 =	simm.s32 @!p0 $0x1082;
	s9 =	sld [smem:$0x3FB5]  }
0x2f: {  	lr =	sadd.s32 s0, s3;
	s0 =	sld [smem:$0x3FAC]  }
0x30: {  	s3 =	sld [smem:$0x3FAF]  }
0x31: {  	[smem:$0x3FB8] =	sst s10  }
0x32: {  	s10 =	sld [smem:$0x3FB6];
	_ =	sdelay $0x3  }
0x33: {  	p0 =	seq.s32 s10, $0x1;
	s10 =	sld [smem:$0x3FB8];
	_ =	sdelay $0x3  }
0x34: {  	[smem:$0x3FB8] =	sst s10  }
0x35: {  	s10 =	sld [smem:$0x3FB7];
	_ =	sdelay $0x3  }
0x36: {  	p1 =	seq.s32 s10, $0x1;
	s10 =	sld [smem:$0x3FB8];
	_ =	sdelay $0x3  }
0x37: {  	[smem:$0x3FB8] =	sst s10  }
0x38: {  	s10 =	sld [smem:$0x3FB9]  }
0x39: {  	_ = 	snop;
	(pc) =	sbr.ind lr, $3  }
0x3a: {  	_ = 	snop  }
0x3b: {  	_ = 	snop  }
0x3c: {  	p2 =	seq.s32 s10, $0x1;
	s10 =	sld [smem:$0x3FB8]  }
0x3d: {  	_ =	shalt  }
0x3e: {  	_ =	shalt  }
0x3f: {  	_ =	shalt  }
0x40: {  	_ =	shalt  }
0x41: {  	_ =	shalt  }
0x42: {  	_ =	shalt  }
0x43: {  	_ =	shalt  }
0x44: {  	_ =	shalt  }
0x45: {  	_ =	shalt  }
0x46: {  	_ =	shalt  }
0x47: {  	_ =	shalt  }
0x48: {  	_ =	shalt  }
0x49: {  	_ =	shalt  }
0x4a: {  	_ =	shalt  }
0x4b: {  	_ =	shalt  }
0x4c: {  	_ =	shalt  }
0x4d: {  	_ =	shalt  }
0x4e: {  	_ =	shalt  }
0x4f: {  	_ =	shalt  }
0x50: {  	_ =	shalt  }
0x51: {  	_ =	shalt  }
0x52: {  	_ =	shalt  }
0x53: {  	_ =	shalt  }
0x54: {  	_ =	shalt  }
0x55: {  	_ =	shalt  }
0x56: {  	_ =	shalt  }
0x57: {  	_ =	shalt  }
0x58: {  	_ =	shalt  }
0x59: {  	_ =	shalt  }
0x5a: {  	_ =	shalt  }
0x5b: {  	_ =	shalt  }
0x5c: {  	_ =	shalt  }
0x5d: {  	_ =	shalt  }
0x5e: {  	_ =	shalt  }
0x5f: {  	_ =	shalt  }
0x60: {  	_ =	shalt  }
0x61: {  	_ =	shalt  }
0x62: {  	_ =	shalt  }
0x63: {  	_ =	shalt  }
0x64: {  	_ =	shalt  }
0x65: {  	_ =	shalt  }
0x66: {  	_ =	shalt  }
0x67: {  	_ =	shalt  }
0x68: {  	_ =	shalt  }
0x69: {  	_ =	shalt  }
0x6a: {  	_ =	shalt  }
0x6b: {  	_ =	shalt  }
0x6c: {  	_ =	shalt  }
0x6d: {  	_ =	shalt  }
0x6e: {  	_ =	shalt  }
0x6f: {  	_ =	shalt  }
0x70: {  	_ =	shalt  }
0x71: {  	_ =	shalt  }
0x72: {  	_ =	shalt  }
0x73: {  	_ =	shalt  }
0x74: {  	_ =	shalt  }
0x75: {  	_ =	shalt  }
0x76: {  	_ =	shalt  }
0x77: {  	_ =	shalt  }
0x78: {  	_ =	shalt  }
0x79: {  	_ =	shalt  }
0x7a: {  	_ =	shalt  }
0x7b: {  	_ =	shalt  }
0x7c: {  	_ =	shalt  }
0x7d: {  	_ =	shalt  }
0x7e: {  	_ =	shalt  }
0x7f: {  	_ =	shalt  }
0x80: {  	_ =	shalt  }
0x81: {  	_ =	shalt  }
0x82: {  	_ =	shalt  }
0x83: {  	_ =	shalt  }
0x84: {  	_ =	shalt  }
0x85: {  	_ =	shalt  }
0x86: {  	_ =	shalt  }
0x87: {  	_ =	shalt  }
.Lfunc_end0:
.L_simem_size_0:
called_computation_lowered:
.L_overlay_start_0:
0x88: {  	s2 =	sld [smem:$0x3FD9]  }
0x89: {  	s3 =	sld [smem:$0x3FFE];
	_ =	sdelay $0x1  }
0x8a: {  	s1 =	srdreg.scid  }
0x8b: {  	s0 =	sand.u32 $0x1, s1  }
0x8c: {  	s15 =	sshll.u32 s0, $0xA;
	s2 =	sadd.s32 s3, s2  }
0x8d: {  	s2 =	sadd.s32 s2, s15  }
0x8e: {  	[smem:$0x3FC4] =	sst s2  }
0x8f: {  	_ = 	snop  }
0x90: {  	s2 =	sld [smem:$0x3FD0];
	_ =	sdelay $0x1  }
0x91: {  	s16 =	sld [smem:$0x3FC9]  }
0x92: {  	s5 =	simm.s32 $0xA;
	s6 =	simm.s32 $0x10;
	s4 =	sld [smem:$0x3FC7]  }
0x93: {  	[smem:s6], [sflag:s5] =	dma.local [hbm:s2], $0x1  }
0x94: {  	_ =	swait.eq [sflag:s5], $0x1  }
0x95: {  	[sflag:s5] =	ssyncset.done $0x0  }
0x96: {  	[sflag:s5] =	ssyncadd.s32 $0xFFFFFFFF  }
0x97: {  	s17 =	sld [smem:$0x10];
	(tm) =	ssettm $0x1  }
0x98: {  	s18 =	sld [smem:$0x3FFB];
	_ =	sdelay $0x3  }
0x99: {  	_ =	strace s18  }
0x9a: {  	s5 =	sld [smem:$0x3FFC];
	_ =	sdelay $0x3  }
0x9b: {  	_ =	strace s5  }
0x9c: {  	s5 =	sld [smem:$0x3FFD];
	_ =	sdelay $0x3  }
0x9d: {  	_ =	strace s5  }
0x9e: {  	_ =	strace $0x8FFFFFFF  }
0x9f: {  	s19 =	sld [smem:$0x3FDB];
	_ =	sdelay $0x1  }
0xa0: {  	s20 =	simm.s32 $_scs_section_size  }
0xa1: {  	s7 =	simm.s32 $_size__tile_overlayer_lowered;
	s8 =	simm.s32 $_tile_overlayer_lowered  }
0xa2: {  	s23 =	simm.s32 $0x1BFF;
	s22 =	sshll.u32 s8, $0x1;
	s5 =	sadd.s32 s20, s19  }
0xa3: {  	s9 =	simm.s32 $0x0;
	s21 =	sshll.u32 s7, $0x1;
	s7 =	sadd.s32 s22, s5  }
0xa4: {  	[timem:s9], [sflag:s23] =	dma.local [hbm:s7], s21  }
0xa5: {  	_ =	swait.ge [sflag:s23], s21  }
0xa6: {  	s6 =	ssub.s32 $0x0, s21;
	[sflag:s23] =	ssyncset.done $0x0  }
0xa7: {  	[sflag:s23] =	ssyncadd.s32 s6;
	_ =	sdelay $0x1  }
0xa8: {  	s24 =	simm.s32 $0x1B8B  }
0xa9: {  	_ =	swait.ge [sflag:s24], $0x1  }
0xaa: {  	[sflag:s24] =	ssyncset.done $0x0  }
0xab: {  	s25 =	simm.s32 $0x1B8E;
	[sflag:s24] =	ssyncadd.s32 $0xFFFFFFFF  }
0xac: {  	s26 =	simm.s32 $execute0_lowered;
	[smem:$0x3FD2] =	sst s25  }
0xad: {  	s6 =	sshll.u32 s26, $0x1;
	_ =	strace $0x80000046;
	[dreg:$0x1] =	wrdreg $0xFFFFFFFF  }
0xae: {  	s28 =	simm.s32 $_size_execute0_lowered;
	s5 =	sadd.s32 s5, s6;
	[dreg:$0x0] =	wrdreg $0x0  }
0xaf: {  	s6 =	sshll.u32 s28, $0x1;
	[dreg:$0x2] =	wrdreg s5  }
0xb0: {  	[dreg:$0x3] =	wrdreg s6  }
0xb1: {  	[dreg:$0x4] =	wrdreg $0xC0  }
0xb2: {  	_ =	task [dreg:s9], $0x5FFFF  }
0xb3: {  	[dreg:$0x1] =	wrdreg $0xFFFFFFFF  }
0xb4: {  	[dreg:$0x0] =	wrdreg $0x60  }
0xb5: {  	[dreg:$0x2] =	wrdreg s16  }
0xb6: {  	[dreg:$0x3] =	wrdreg s4  }
0xb7: {  	[dreg:$0x4] =	wrdreg s17  }
0xb8: {  	[dreg:$0x5] =	wrdreg $0x9  }
0xb9: {  	_ =	task.clear_ibuf [dreg:s9], $0x6FFFF;
	_ =	strace $0x90000046  }
0xba: {  	s29 =	simm.s32 $0x9;
	_ =	strace $0x80000048  }
0xbb: {  	_ =	swait.ge [sflag:s29], $0x1  }
0xbc: {  	[sflag:s29] =	ssyncadd.s32 $0xFFFFFFFF  }
0xbd: {  	_ =	strace $0x90000048  }
0xbe: {  	_ =	sfence  }
0xbf: {  	s30 =	sld [smem:$0x0];
	_ =	sdelay $0x2  }
0xc0: {  	s31 =	sshll.u32 s1, $0xD;
	s1 =	sshrl.u32 s1, $0x2  }
0xc1: {  	s3 =	sand.u32 $0x4000, s31;
	s1 =	sadd.s32 s1, s30  }
0xc2: {  	s0 =	sor.u32 s3, s0;
	s1 =	sshll.u32 s1, $0x11  }
0xc3: {  	s0 =	sor.u32 s1, s0  }
0xc4: {  	s0 =	sadd.s32 $0x8F2B, s0  }
0xc5: {  	[sflag:s0] =	ssyncadd.remote.s32 $0x1  }
0xc6: {  	_ =	sfence.sel $0xFFFF  }
0xc7: {  	[dreg:$0x0] =	wrdreg $0xFFFFFFFF;
	(pc) =	sbr.abs _section_cstart, $3  }
0xc8: {  	[dreg:$0x1] =	wrdreg $0xFFFFFFFF  }
0xc9: {  	_ =	task.clear_ibuf [dreg:s9], $0x2FFFF;
	_ =	strace $0x9FFFFFFF  }
0xca: {  	(tm) =	ssettm $0x7FFFFFFF  }
0xcb: {  	_ =	shalt  }
tec
execute0_lowered:
.L_overlay_start_1:
0x0: {  	(tag) =	ssettag $0x1  }
0x1: {  	s3 =	rddreg [dreg:$0x0]  }
0x2: {  	s0 =	rddreg [dreg:$0x1];
	s14 =	stileid.u32  }
0x3: {  	s1 =	srdreg.scid;
	s5 =	rddreg [dreg:$0x2];
	s15 =	sshll.u32 s14, $0x6  }
0x4: {  	s2 =	simm.s32 $0x0;
	s4 =	sand.u32 $0x1, s1;
	s3 =	sadd.s32 s3, s15  }
0x5: {  	s7 =	sshll.u32 s14, $0x12;
	[smem:$0x7FF] =	sst s2;
	s17 =	sadd.s32 $0x800, s3  }
0x6: {  	_ =	strace $0x80000047;
	s18 =	sadd.s32 $0xC00, s3;
	[dreg:$0x7] =	wrdreg s17  }
0x7: {  	s6 =	smul.u32 $0x1FC00, s4;
	s19 =	sadd.s32 $0x1000, s3;
	[dreg:$0x8] =	wrdreg s18  }
0x8: {  	s21 =	sshll.u32 s14, $0xF;
	s20 =	sadd.s32 $0x1400, s3;
	[dreg:$0x9] =	wrdreg s19  }
0x9: {  	s11 =	sadd.s32 $0x1800, s3;
	s7 =	sor.u32 s6, s7;
	[dreg:$0xa] =	wrdreg s20  }
0xa: {  	s22 =	sadd.s32 $0x1C00, s3;
	[dreg:$0xb] =	wrdreg s11;
	s10 =	sshrl.u32 s7, $0x3  }
0xb: {  	[dreg:$0xc] =	wrdreg s22;
	s6 =	sadd.s32 $0x8000, s7;
	s9 =	sadd.s32 s0, s10  }
0xc: {  	s8 =	sshrl.u32 s6, $0x3;
	s6 =	sadd.s32 $0x400, s3;
	[dreg:$0x4] =	wrdreg s9  }
0xd: {  	s11 =	sadd.s32 $0x100000, s5;
	s14 =	sadd.s32 s5, s10;
	[dreg:$0x6] =	wrdreg s6  }
0xe: {  	s15 =	sadd.s32 s10, s11;
	[dreg:$0x15] =	wrdreg s14  }
0xf: {  	s16 =	sadd.s32 s0, s8;
	[dreg:$0x17] =	wrdreg s15  }
0x10: {  	s20 =	sadd.s32 s5, s8;
	[dreg:$0x5] =	wrdreg s16  }
0x11: {  	s6 =	sor.u32 $0x7F80, s21;
	s22 =	sadd.s32 s8, s11;
	[dreg:$0x1d] =	wrdreg s20  }
0x12: {  	s9 =	sadd.s32 s21, s5;
	s23 =	sadd.s32 s5, s6;
	[dreg:$0x1f] =	wrdreg s22  }
0x13: {  	s24 =	sadd.s32 $0x87F80, s9;
	[dreg:$0xd] =	wrdreg s23  }
0x14: {  	s25 =	sadd.s32 $0x107F80, s9;
	[dreg:$0xe] =	wrdreg s24  }
0x15: {  	s26 =	sadd.s32 $0x187F80, s9;
	[dreg:$0xf] =	wrdreg s25  }
0x16: {  	s1 =	sadd.s32 $0x207F80, s9;
	[dreg:$0x10] =	wrdreg s26  }
0x17: {  	s12 =	sadd.s32 $0x287F80, s9;
	[dreg:$0x11] =	wrdreg s1  }
0x18: {  	s13 =	sadd.s32 $0x307F80, s9;
	[dreg:$0x12] =	wrdreg s12  }
0x19: {  	s14 =	sadd.s32 $0x200000, s5;
	s9 =	sadd.s32 $0x387F80, s9;
	[dreg:$0x13] =	wrdreg s13  }
0x1a: {  	s15 =	sadd.s32 $0x280000, s5;
	s17 =	sadd.s32 s10, s14;
	[dreg:$0x14] =	wrdreg s9  }
0x1b: {  	s18 =	sadd.s32 s10, s15;
	[dreg:$0x19] =	wrdreg s17  }
0x1c: {  	s9 =	sadd.s32 $0x80000, s5;
	[dreg:$0x1a] =	wrdreg s18;
	s24 =	sadd.s32 s8, s14  }
0x1d: {  	s13 =	sadd.s32 $0x180000, s5;
	s25 =	sadd.s32 s8, s15;
	[smem:$0x7E1] =	sst s24  }
0x1e: {  	s1 =	sadd.s32 $0x10000, s7;
	s12 =	sadd.s32 s10, s9;
	[smem:$0x7E2] =	sst s25  }
0x1f: {  	s7 =	sadd.s32 $0x18000, s7;
	s16 =	sadd.s32 s10, s13;
	[dreg:$0x16] =	wrdreg s12  }
0x20: {  	s21 =	sadd.s32 s8, s9;
	s23 =	sadd.s32 s8, s13;
	[dreg:$0x18] =	wrdreg s16  }
0x21: {  	s7 =	sshrl.u32 s7, $0x3;
	s16 =	sadd.s32 $0x300000, s5;
	[dreg:$0x1e] =	wrdreg s21  }
0x22: {  	[smem:$0x7E0] =	sst s23;
	s12 =	sshrl.u32 s1, $0x3;
	s1 =	sadd.s32 s0, s7  }
0x23: {  	s17 =	sadd.s32 $0x380000, s5;
	s19 =	sadd.s32 s10, s16;
	[smem:$0x7EE] =	sst s1  }
0x24: {  	s10 =	sadd.s32 s10, s17;
	[dreg:$0x1b] =	wrdreg s19  }
0x25: {  	s26 =	sadd.s32 s8, s16;
	[dreg:$0x1c] =	wrdreg s10  }
0x26: {  	s8 =	sadd.s32 s8, s17;
	[smem:$0x7E3] =	sst s26  }
0x27: {  	s18 =	sadd.s32 s0, s12;
	[smem:$0x7E4] =	sst s8  }
0x28: {  	s20 =	sadd.s32 s12, s9;
	[smem:$0x7E5] =	sst s18  }
0x29: {  	s21 =	sadd.s32 s12, s11;
	[smem:$0x7E7] =	sst s20  }
0x2a: {  	s22 =	sadd.s32 s12, s13;
	[smem:$0x7E8] =	sst s21  }
0x2b: {  	s23 =	sadd.s32 s12, s14;
	[smem:$0x7E9] =	sst s22  }
0x2c: {  	s24 =	sadd.s32 s12, s15;
	[smem:$0x7EA] =	sst s23  }
0x2d: {  	s28 =	simm.s32 $0x2;
	s25 =	sadd.s32 s12, s16;
	[smem:$0x7EB] =	sst s24  }
0x2e: {  	s29 =	simm.s32 $0x8480;
	s13 =	sadd.s32 s7, s13;
	[smem:$0x7EC] =	sst s25  }
0x2f: {  	s30 =	simm.s32 $0x3;
	s14 =	sadd.s32 s7, s14;
	[smem:$0x7F2] =	sst s13  }
0x30: {  	s31 =	simm.s32 $0x4;
	s15 =	sadd.s32 s7, s15;
	[smem:$0x7F3] =	sst s14  }
0x31: {  	s4 =	ssub.s32 $0x2, s4;
	s16 =	sadd.s32 s7, s16;
	[smem:$0x7F4] =	sst s15  }
0x32: {  	s19 =	sadd.s32 s5, s12;
	s26 =	sadd.s32 s12, s17;
	[smem:$0x7F5] =	sst s16  }
0x33: {  	s5 =	sadd.s32 s5, s7;
	s10 =	sadd.s32 s7, s9;
	[smem:$0x7E6] =	sst s19  }
0x34: {  	s12 =	sadd.s32 s7, s11;
	s18 =	sadd.s32 s7, s17;
	[smem:$0x7ED] =	sst s26  }
0x35: {  	s20 =	simm.s32 $0x10800;
	s21 =	simm.s32 $0x12000;
	[smem:$0x7EF] =	sst s5  }
0x36: {  	s22 =	sshrl.u32 s4, $0x1;
	s23 =	simm.s32 $0x10A00;
	[smem:$0x7F0] =	sst s10  }
0x37: {  	s24 =	simm.s32 $0x12800;
	s25 =	simm.s32 $0x10C00;
	[smem:$0x7F1] =	sst s12  }
0x38: {  	s9 =	simm.s32 $0x11000;
	s11 =	simm.s32 $0x11200;
	[smem:$0x7F6] =	sst s18  }
0x39: {  	s13 =	simm.s32 $0x11400;
	s14 =	simm.s32 $0x15000;
	[smem:$0x7F8] =	sst s20  }
0x3a: {  	s15 =	simm.s32 $0x11600;
	s16 =	simm.s32 $0x5;
	[smem:$0x7F9] =	sst s21  }
0x3b: {  	s17 =	simm.s32 $0x11880;
	s19 =	simm.s32 $0x11800;
	[smem:$0x7FA] =	sst s23  }
0x3c: {  	s7 =	ssub.s32 s4, s22;
	s4 =	sadd.s32 s0, s6;
	[smem:$0x7FB] =	sst s24  }
0x3d: {  	[smem:$0x7FC] =	sst s25;
	s26 =	simm.s32 $0x13000;
	s6 =	simm.s32 $0x8400  }
0x3e: {  	s10 =	simm.s32 $0x14000;
	s12 =	simm.s32 $0x14800;
	s18 =	simm.s32 $0x12080  }
0x3f: {  	s20 =	simm.s32 $0x13080;
	s21 =	simm.s32 $0x13880;
	s22 =	simm.s32 $0x14080  }
0x40: {  	s23 =	simm.s32 $0x14880;
	s24 =	simm.s32 $0x15080;
	s25 =	simm.s32 $0x1  }
0x41: {  	s0 =	simm.s32 $0x6;
	[smem:$0x7F7] =	sst s19;
	s5 =	smax.u32 s7, $0x1  }
0x42: {  	[smem:$0x7FD] =	sst s26;
	s19 =	simm.s32 $0x12880;
	s26 =	simm.s32 $0x80  }
.LBB2_1:
0x43: {  	s1 =	rddreg [dreg:$0x4]  }
0x44: {  	s7 =	rddreg [dreg:$0x5]  }
0x45: {  	s8 =	sld [smem:$0x7F8]  }
0x46: {  	[tilespmem:s2], [sflag:$0x1] =	stream.linear.gather [hbm4b:s1+s2], $0x8400, $0x38;
	[tilespmem:$0x15800] =	vst v63  }
0x47: {  	s1 =	sld [smem:$0x7F7]  }
0x48: {  	[tilespmem:s6], [sflag:$0x2] =	stream.linear.gather [hbm4b:s7+s2], $0x8400, $0x38;
	[tilespmem:$0x15800] =	vst v63  }
0x49: {  	s7 =	rddreg [dreg:$0x6]  }
0x4a: {  	[tilespmem:s1], [sflag:$0x5] =	stream.linear.gather [hbm4b:s4+s2], $0x400, $0x38;
	[tilespmem:$0x15800] =	vst v63  }
0x4b: {  	s1 =	sld [smem:$0x7F9]  }
0x4c: {  	[tilespmem:s8], [sflag:$0x5] =	stream.linear.gather [hbm4b:s3+s2], $0x200, $0x38;
	[tilespmem:$0x15800] =	vst v63  }
0x4d: {  	s8 =	sld [smem:$0x7FA]  }
0x4e: {  	[tilespmem:s1], [sflag:$0x5] =	stream.linear.gather [hbm4b:s4+s2], $0x400, $0x38;
	[tilespmem:$0x15800] =	vst v63  }
0x4f: {  	s1 =	sld [smem:$0x7FB]  }
0x50: {  	[tilespmem:s8], [sflag:$0x5] =	stream.linear.gather [hbm4b:s7+s2], $0x200, $0x38;
	[tilespmem:$0x15800] =	vst v63  }
0x51: {  	s7 =	rddreg [dreg:$0x7]  }
0x52: {  	s8 =	sld [smem:$0x7FC]  }
0x53: {  	[tilespmem:s1], [sflag:$0x5] =	stream.linear.gather [hbm4b:s4+s2], $0x400, $0x38;
	[tilespmem:$0x15800] =	vst v63  }
0x54: {  	s1 =	sld [smem:$0x7FD]  }
0x55: {  	[tilespmem:s8], [sflag:$0x5] =	stream.linear.gather [hbm4b:s7+s2], $0x200, $0x38;
	[tilespmem:$0x15800] =	vst v63  }
0x56: {  	_ = 	snop  }
0x57: {  	[tilespmem:s1], [sflag:$0x5] =	stream.linear.gather [hbm4b:s4+s2], $0x400, $0x38;
	[tilespmem:$0x15800] =	vst v63  }
0x58: {  	s7 =	rddreg [dreg:$0x8];
	s8 =	simm.s32 $0x10E00  }
0x59: {  	[tilespmem:s8], [sflag:$0x5] =	stream.linear.gather [hbm4b:s7+s2], $0x200, $0x38;
	[tilespmem:$0x15800] =	vst v63  }
0x5a: {  	s8 =	simm.s32 $0x13800  }
0x5b: {  	[tilespmem:s8], [sflag:$0x5] =	stream.linear.gather [hbm4b:s4+s2], $0x400, $0x38;
	[tilespmem:$0x15800] =	vst v63  }
0x5c: {  	s1 =	rddreg [dreg:$0x9]  }
0x5d: {  	[tilespmem:s9], [sflag:$0x5] =	stream.linear.gather [hbm4b:s1+s2], $0x200, $0x38;
	[tilespmem:$0x15800] =	vst v63  }
0x5e: {  	_ = 	snop  }
0x5f: {  	[tilespmem:s10], [sflag:$0x5] =	stream.linear.gather [hbm4b:s4+s2], $0x400, $0x38;
	[tilespmem:$0x15800] =	vst v63  }
0x60: {  	s8 =	rddreg [dreg:$0xa]  }
0x61: {  	[tilespmem:s11], [sflag:$0x5] =	stream.linear.gather [hbm4b:s8+s2], $0x200, $0x38;
	[tilespmem:$0x15800] =	vst v63  }
0x62: {  	_ = 	snop  }
0x63: {  	[tilespmem:s12], [sflag:$0x5] =	stream.linear.gather [hbm4b:s4+s2], $0x400, $0x38;
	[tilespmem:$0x15800] =	vst v63  }
0x64: {  	s7 =	rddreg [dreg:$0xb]  }
0x65: {  	[tilespmem:s13], [sflag:$0x5] =	stream.linear.gather [hbm4b:s7+s2], $0x200, $0x38;
	[tilespmem:$0x15800] =	vst v63  }
0x66: {  	_ = 	snop  }
0x67: {  	[tilespmem:s14], [sflag:$0x5] =	stream.linear.gather [hbm4b:s4+s2], $0x400, $0x38;
	[tilespmem:$0x15800] =	vst v63  }
0x68: {  	s8 =	rddreg [dreg:$0xc]  }
0x69: {  	[tilespmem:s15], [sflag:$0x5] =	stream.linear.gather [hbm4b:s8+s2], $0x200, $0x38;
	[tilespmem:$0x15800] =	vst v63  }
0x6a: {  	_ =	swait.ge [sflag:s16], $0x400  }
0x6b: {  	[sflag:s16] =	ssyncset.done $0x0  }
0x6c: {  	[sflag:s16] =	ssyncadd.s32 $0xFFFFFC00  }
0x6d: {  	_ =	swait.ge [sflag:s16], $0x200  }
0x6e: {  	[sflag:s16] =	ssyncset.done $0x0  }
0x6f: {  	[sflag:s16] =	ssyncadd.s32 $0xFFFFFE00  }
0x70: {  	_ =	swait.ge [sflag:s16], $0x400  }
0x71: {  	[sflag:s16] =	ssyncset.done $0x0  }
0x72: {  	[sflag:s16] =	ssyncadd.s32 $0xFFFFFC00  }
0x73: {  	_ =	swait.ge [sflag:s16], $0x200  }
0x74: {  	[sflag:s16] =	ssyncset.done $0x0  }
0x75: {  	[sflag:s16] =	ssyncadd.s32 $0xFFFFFE00  }
0x76: {  	_ =	swait.ge [sflag:s16], $0x400  }
0x77: {  	[sflag:s16] =	ssyncset.done $0x0  }
0x78: {  	[sflag:s16] =	ssyncadd.s32 $0xFFFFFC00  }
0x79: {  	_ =	swait.ge [sflag:s16], $0x200  }
0x7a: {  	[sflag:s16] =	ssyncset.done $0x0  }
0x7b: {  	[sflag:s16] =	ssyncadd.s32 $0xFFFFFE00  }
0x7c: {  	_ =	swait.ge [sflag:s16], $0x400  }
0x7d: {  	[sflag:s16] =	ssyncset.done $0x0  }
0x7e: {  	[sflag:s16] =	ssyncadd.s32 $0xFFFFFC00  }
0x7f: {  	_ =	swait.ge [sflag:s16], $0x200  }
0x80: {  	[sflag:s16] =	ssyncset.done $0x0  }
0x81: {  	[sflag:s16] =	ssyncadd.s32 $0xFFFFFE00  }
0x82: {  	_ =	swait.ge [sflag:s16], $0x400  }
0x83: {  	[sflag:s16] =	ssyncset.done $0x0  }
0x84: {  	[sflag:s16] =	ssyncadd.s32 $0xFFFFFC00  }
0x85: {  	_ =	swait.ge [sflag:s16], $0x200  }
0x86: {  	[sflag:s16] =	ssyncset.done $0x0  }
0x87: {  	[sflag:s16] =	ssyncadd.s32 $0xFFFFFE00  }
0x88: {  	_ =	swait.ge [sflag:s16], $0x400  }
0x89: {  	[sflag:s16] =	ssyncset.done $0x0  }
0x8a: {  	[sflag:s16] =	ssyncadd.s32 $0xFFFFFC00  }
0x8b: {  	_ =	swait.ge [sflag:s16], $0x200  }
0x8c: {  	[sflag:s16] =	ssyncset.done $0x0  }
0x8d: {  	[sflag:s16] =	ssyncadd.s32 $0xFFFFFE00  }
0x8e: {  	_ =	swait.ge [sflag:s16], $0x400  }
0x8f: {  	[sflag:s16] =	ssyncset.done $0x0  }
0x90: {  	[sflag:s16] =	ssyncadd.s32 $0xFFFFFC00  }
0x91: {  	_ =	swait.ge [sflag:s16], $0x200  }
0x92: {  	[sflag:s16] =	ssyncset.done $0x0  }
0x93: {  	[sflag:s16] =	ssyncadd.s32 $0xFFFFFE00  }
0x94: {  	_ =	swait.ge [sflag:s16], $0x400  }
0x95: {  	[sflag:s16] =	ssyncset.done $0x0  }
0x96: {  	[sflag:s16] =	ssyncadd.s32 $0xFFFFFC00  }
0x97: {  	_ =	swait.ge [sflag:s16], $0x200  }
0x98: {  	[sflag:s16] =	ssyncset.done $0x0  }
0x99: {  	[sflag:s16] =	ssyncadd.s32 $0xFFFFFE00  }
0x9a: {  	v0 =	vld [tilespmem:$0x10980]  }
0x9b: {  	v1 =	vld [tilespmem:$0x10990]  }
0x9c: {  	v2 =	vld [tilespmem:$0x109A0]  }
0x9d: {  	v3 =	vld [tilespmem:$0x109B0]  }
0x9e: {  	v4 =	vld [tilespmem:$0x109C0]  }
0x9f: {  	v5 =	vld [tilespmem:$0x109D0];
	[tilespmem:$0x11C00] =	vst v0  }
0xa0: {  	v6 =	vld [tilespmem:$0x109E0];
	[tilespmem:$0x11C10] =	vst v1  }
0xa1: {  	v7 =	vld [tilespmem:$0x109F0];
	[tilespmem:$0x11C20] =	vst v2  }
0xa2: {  	[tilespmem:$0x11C30] =	vst v3  }
0xa3: {  	[tilespmem:$0x11C40] =	vst v4  }
0xa4: {  	[tilespmem:$0x11C50] =	vst v5  }
0xa5: {  	[tilespmem:$0x11C60] =	vst v6  }
0xa6: {  	s7 =	rddreg [dreg:$0xd];
	[tilespmem:$0x11C70] =	vst v7  }
0xa7: {  	[hbm4b:s7+s2] =	stream.linear.scatter [tilespmem:s17], [sflag:$0x6], $0x400, $0x38;
	[tilespmem:$0x15800] =	vst v63  }
0xa8: {  	v8 =	vld [tilespmem:$0x10B80]  }
0xa9: {  	v9 =	vld [tilespmem:$0x10B90]  }
0xaa: {  	v10 =	vld [tilespmem:$0x10BA0]  }
0xab: {  	v11 =	vld [tilespmem:$0x10BB0]  }
0xac: {  	v12 =	vld [tilespmem:$0x10BC0]  }
0xad: {  	v13 =	vld [tilespmem:$0x10BD0];
	[tilespmem:$0x12400] =	vst v8  }
0xae: {  	v14 =	vld [tilespmem:$0x10BE0];
	[tilespmem:$0x12410] =	vst v9  }
0xaf: {  	v15 =	vld [tilespmem:$0x10BF0];
	[tilespmem:$0x12420] =	vst v10  }
0xb0: {  	[tilespmem:$0x12430] =	vst v11  }
0xb1: {  	[tilespmem:$0x12440] =	vst v12  }
0xb2: {  	[tilespmem:$0x12450] =	vst v13  }
0xb3: {  	[tilespmem:$0x12460] =	vst v14  }
0xb4: {  	s8 =	rddreg [dreg:$0xe];
	[tilespmem:$0x12470] =	vst v15  }
0xb5: {  	[hbm4b:s8+s2] =	stream.linear.scatter [tilespmem:s18], [sflag:$0x6], $0x400, $0x38;
	[tilespmem:$0x15800] =	vst v63  }
0xb6: {  	v16 =	vld [tilespmem:$0x10D80]  }
0xb7: {  	v17 =	vld [tilespmem:$0x10D90]  }
0xb8: {  	v18 =	vld [tilespmem:$0x10DA0]  }
0xb9: {  	v19 =	vld [tilespmem:$0x10DB0]  }
0xba: {  	v20 =	vld [tilespmem:$0x10DC0]  }
0xbb: {  	v21 =	vld [tilespmem:$0x10DD0];
	[tilespmem:$0x12C00] =	vst v16  }
0xbc: {  	v22 =	vld [tilespmem:$0x10DE0];
	[tilespmem:$0x12C10] =	vst v17  }
0xbd: {  	v23 =	vld [tilespmem:$0x10DF0];
	[tilespmem:$0x12C20] =	vst v18  }
0xbe: {  	[tilespmem:$0x12C30] =	vst v19  }
0xbf: {  	[tilespmem:$0x12C40] =	vst v20  }
0xc0: {  	[tilespmem:$0x12C50] =	vst v21  }
0xc1: {  	[tilespmem:$0x12C60] =	vst v22  }
0xc2: {  	s7 =	rddreg [dreg:$0xf];
	[tilespmem:$0x12C70] =	vst v23  }
0xc3: {  	[hbm4b:s7+s2] =	stream.linear.scatter [tilespmem:s19], [sflag:$0x6], $0x400, $0x38;
	[tilespmem:$0x15800] =	vst v63  }
0xc4: {  	v24 =	vld [tilespmem:$0x10F80]  }
0xc5: {  	v25 =	vld [tilespmem:$0x10F90]  }
0xc6: {  	v26 =	vld [tilespmem:$0x10FA0]  }
0xc7: {  	v27 =	vld [tilespmem:$0x10FB0]  }
0xc8: {  	v28 =	vld [tilespmem:$0x10FC0]  }
0xc9: {  	v29 =	vld [tilespmem:$0x10FD0];
	[tilespmem:$0x13400] =	vst v24  }
0xca: {  	v30 =	vld [tilespmem:$0x10FE0];
	[tilespmem:$0x13410] =	vst v25  }
0xcb: {  	v31 =	vld [tilespmem:$0x10FF0];
	[tilespmem:$0x13420] =	vst v26  }
0xcc: {  	[tilespmem:$0x13430] =	vst v27  }
0xcd: {  	[tilespmem:$0x13440] =	vst v28  }
0xce: {  	[tilespmem:$0x13450] =	vst v29  }
0xcf: {  	[tilespmem:$0x13460] =	vst v30  }
0xd0: {  	s8 =	rddreg [dreg:$0x10];
	[tilespmem:$0x13470] =	vst v31  }
0xd1: {  	[hbm4b:s8+s2] =	stream.linear.scatter [tilespmem:s20], [sflag:$0x6], $0x400, $0x38;
	[tilespmem:$0x15800] =	vst v63  }
0xd2: {  	v32 =	vld [tilespmem:$0x11180]  }
0xd3: {  	v33 =	vld [tilespmem:$0x11190]  }
0xd4: {  	v34 =	vld [tilespmem:$0x111A0]  }
0xd5: {  	v35 =	vld [tilespmem:$0x111B0]  }
0xd6: {  	v36 =	vld [tilespmem:$0x111C0]  }
0xd7: {  	v37 =	vld [tilespmem:$0x111D0];
	[tilespmem:$0x13C00] =	vst v32  }
0xd8: {  	v38 =	vld [tilespmem:$0x111E0];
	[tilespmem:$0x13C10] =	vst v33  }
0xd9: {  	v39 =	vld [tilespmem:$0x111F0];
	[tilespmem:$0x13C20] =	vst v34  }
0xda: {  	[tilespmem:$0x13C30] =	vst v35  }
0xdb: {  	[tilespmem:$0x13C40] =	vst v36  }
0xdc: {  	[tilespmem:$0x13C50] =	vst v37  }
0xdd: {  	[tilespmem:$0x13C60] =	vst v38  }
0xde: {  	s7 =	rddreg [dreg:$0x11];
	[tilespmem:$0x13C70] =	vst v39  }
0xdf: {  	[hbm4b:s7+s2] =	stream.linear.scatter [tilespmem:s21], [sflag:$0x6], $0x400, $0x38;
	[tilespmem:$0x15800] =	vst v63  }
0xe0: {  	v40 =	vld [tilespmem:$0x11380]  }
0xe1: {  	v41 =	vld [tilespmem:$0x11390]  }
0xe2: {  	v42 =	vld [tilespmem:$0x113A0]  }
0xe3: {  	v43 =	vld [tilespmem:$0x113B0]  }
0xe4: {  	v44 =	vld [tilespmem:$0x113C0]  }
0xe5: {  	v45 =	vld [tilespmem:$0x113D0];
	[tilespmem:$0x14400] =	vst v40  }
0xe6: {  	v46 =	vld [tilespmem:$0x113E0];
	[tilespmem:$0x14410] =	vst v41  }
0xe7: {  	v47 =	vld [tilespmem:$0x113F0];
	[tilespmem:$0x14420] =	vst v42  }
0xe8: {  	[tilespmem:$0x14430] =	vst v43  }
0xe9: {  	[tilespmem:$0x14440] =	vst v44  }
0xea: {  	[tilespmem:$0x14450] =	vst v45  }
0xeb: {  	[tilespmem:$0x14460] =	vst v46  }
0xec: {  	s8 =	rddreg [dreg:$0x12];
	[tilespmem:$0x14470] =	vst v47  }
0xed: {  	[hbm4b:s8+s2] =	stream.linear.scatter [tilespmem:s22], [sflag:$0x6], $0x400, $0x38;
	[tilespmem:$0x15800] =	vst v63  }
0xee: {  	v48 =	vld [tilespmem:$0x11580]  }
0xef: {  	v49 =	vld [tilespmem:$0x11590]  }
0xf0: {  	v50 =	vld [tilespmem:$0x115A0]  }
0xf1: {  	v51 =	vld [tilespmem:$0x115B0]  }
0xf2: {  	v52 =	vld [tilespmem:$0x115C0]  }
0xf3: {  	v53 =	vld [tilespmem:$0x115D0];
	[tilespmem:$0x14C00] =	vst v48  }
0xf4: {  	v54 =	vld [tilespmem:$0x115E0];
	[tilespmem:$0x14C10] =	vst v49  }
0xf5: {  	v55 =	vld [tilespmem:$0x115F0];
	[tilespmem:$0x14C20] =	vst v50  }
0xf6: {  	[tilespmem:$0x14C30] =	vst v51  }
0xf7: {  	[tilespmem:$0x14C40] =	vst v52  }
0xf8: {  	[tilespmem:$0x14C50] =	vst v53  }
0xf9: {  	[tilespmem:$0x14C60] =	vst v54  }
0xfa: {  	s7 =	rddreg [dreg:$0x13];
	[tilespmem:$0x14C70] =	vst v55  }
0xfb: {  	[hbm4b:s7+s2] =	stream.linear.scatter [tilespmem:s23], [sflag:$0x6], $0x400, $0x38;
	[tilespmem:$0x15800] =	vst v63  }
0xfc: {  	v56 =	vld [tilespmem:$0x11780]  }
0xfd: {  	v57 =	vld [tilespmem:$0x11790]  }
0xfe: {  	v58 =	vld [tilespmem:$0x117A0]  }
0xff: {  	v59 =	vld [tilespmem:$0x117B0]  }
0x100: {  	v60 =	vld [tilespmem:$0x117C0]  }
0x101: {  	v61 =	vld [tilespmem:$0x117D0];
	[tilespmem:$0x15400] =	vst v56  }
0x102: {  	v62 =	vld [tilespmem:$0x117E0];
	[tilespmem:$0x15410] =	vst v57  }
0x103: {  	v63 =	vld [tilespmem:$0x117F0];
	[tilespmem:$0x15420] =	vst v58  }
0x104: {  	[tilespmem:$0x15430] =	vst v59  }
0x105: {  	[tilespmem:$0x15440] =	vst v60  }
0x106: {  	[tilespmem:$0x15450] =	vst v61  }
0x107: {  	[tilespmem:$0x15460] =	vst v62  }
0x108: {  	s8 =	rddreg [dreg:$0x14];
	[tilespmem:$0x15470] =	vst v63  }
0x109: {  	[hbm4b:s8+s2] =	stream.linear.scatter [tilespmem:s24], [sflag:$0x6], $0x400, $0x38;
	[tilespmem:$0x15800] =	vst v63  }
0x10a: {  	_ =	swait.ge [sflag:s25], $0x8400  }
0x10b: {  	[sflag:s25] =	ssyncset.done $0x0  }
0x10c: {  	s7 =	rddreg [dreg:$0x15];
	[sflag:s25] =	ssyncadd.s32 $0xFFFF7C00  }
0x10d: {  	[hbm4b:s7+s2] =	stream.linear.scatter [tilespmem:s26], [sflag:$0x3], $0x8000, $0x38;
	[tilespmem:$0x15800] =	vst v63  }
0x10e: {  	s8 =	rddreg [dreg:$0x16]  }
0x10f: {  	[hbm4b:s8+s2] =	stream.linear.scatter [tilespmem:s26], [sflag:$0x3], $0x8000, $0x38;
	[tilespmem:$0x15800] =	vst v63  }
0x110: {  	s1 =	rddreg [dreg:$0x17]  }
0x111: {  	[hbm4b:s1+s2] =	stream.linear.scatter [tilespmem:s26], [sflag:$0x3], $0x8000, $0x38;
	[tilespmem:$0x15800] =	vst v63  }
0x112: {  	s8 =	rddreg [dreg:$0x18]  }
0x113: {  	[hbm4b:s8+s2] =	stream.linear.scatter [tilespmem:s26], [sflag:$0x3], $0x8000, $0x38;
	[tilespmem:$0x15800] =	vst v63  }
0x114: {  	s1 =	rddreg [dreg:$0x19]  }
0x115: {  	[hbm4b:s1+s2] =	stream.linear.scatter [tilespmem:s26], [sflag:$0x3], $0x8000, $0x38;
	[tilespmem:$0x15800] =	vst v63  }
0x116: {  	s8 =	rddreg [dreg:$0x1a]  }
0x117: {  	[hbm4b:s8+s2] =	stream.linear.scatter [tilespmem:s26], [sflag:$0x3], $0x8000, $0x38;
	[tilespmem:$0x15800] =	vst v63  }
0x118: {  	s1 =	rddreg [dreg:$0x1b]  }
0x119: {  	[hbm4b:s1+s2] =	stream.linear.scatter [tilespmem:s26], [sflag:$0x3], $0x8000, $0x38;
	[tilespmem:$0x15800] =	vst v63  }
0x11a: {  	s8 =	rddreg [dreg:$0x1c]  }
0x11b: {  	[hbm4b:s8+s2] =	stream.linear.scatter [tilespmem:s26], [sflag:$0x3], $0x8000, $0x38;
	[tilespmem:$0x15800] =	vst v63  }
0x11c: {  	_ =	swait.ge [sflag:s28], $0x8400  }
0x11d: {  	s7 =	rddreg [dreg:$0x1d];
	[sflag:s28] =	ssyncset.done $0x0  }
0x11e: {  	s8 =	rddreg [dreg:$0x1e];
	[sflag:s28] =	ssyncadd.s32 $0xFFFF7C00  }
0x11f: {  	[hbm4b:s7+s2] =	stream.linear.scatter [tilespmem:s29], [sflag:$0x4], $0x8000, $0x38;
	[tilespmem:$0x15800] =	vst v63  }
0x120: {  	s1 =	rddreg [dreg:$0x1f]  }
0x121: {  	[hbm4b:s8+s2] =	stream.linear.scatter [tilespmem:s29], [sflag:$0x4], $0x8000, $0x38;
	[tilespmem:$0x15800] =	vst v63  }
0x122: {  	s8 =	sld [smem:$0x7E0]  }
0x123: {  	[hbm4b:s1+s2] =	stream.linear.scatter [tilespmem:s29], [sflag:$0x4], $0x8000, $0x38;
	[tilespmem:$0x15800] =	vst v63  }
0x124: {  	s1 =	sld [smem:$0x7E1]  }
0x125: {  	[hbm4b:s8+s2] =	stream.linear.scatter [tilespmem:s29], [sflag:$0x4], $0x8000, $0x38;
	[tilespmem:$0x15800] =	vst v63  }
0x126: {  	s8 =	sld [smem:$0x7E2]  }
0x127: {  	[hbm4b:s1+s2] =	stream.linear.scatter [tilespmem:s29], [sflag:$0x4], $0x8000, $0x38;
	[tilespmem:$0x15800] =	vst v63  }
0x128: {  	s1 =	sld [smem:$0x7E3]  }
0x129: {  	[hbm4b:s8+s2] =	stream.linear.scatter [tilespmem:s29], [sflag:$0x4], $0x8000, $0x38;
	[tilespmem:$0x15800] =	vst v63  }
0x12a: {  	s8 =	sld [smem:$0x7E4]  }
0x12b: {  	[hbm4b:s1+s2] =	stream.linear.scatter [tilespmem:s29], [sflag:$0x4], $0x8000, $0x38;
	[tilespmem:$0x15800] =	vst v63  }
0x12c: {  	_ = 	snop  }
0x12d: {  	[hbm4b:s8+s2] =	stream.linear.scatter [tilespmem:s29], [sflag:$0x4], $0x8000, $0x38;
	[tilespmem:$0x15800] =	vst v63  }
0x12e: {  	_ =	swait.ge [sflag:s30], $0x8000  }
0x12f: {  	[sflag:s30] =	ssyncset.done $0x0  }
0x130: {  	[sflag:s30] =	ssyncadd.s32 $0xFFFF8000  }
0x131: {  	_ =	swait.ge [sflag:s30], $0x8000  }
0x132: {  	[sflag:s30] =	ssyncset.done $0x0  }
0x133: {  	[sflag:s30] =	ssyncadd.s32 $0xFFFF8000  }
0x134: {  	_ =	swait.ge [sflag:s30], $0x8000  }
0x135: {  	[sflag:s30] =	ssyncset.done $0x0  }
0x136: {  	[sflag:s30] =	ssyncadd.s32 $0xFFFF8000  }
0x137: {  	_ =	swait.ge [sflag:s30], $0x8000  }
0x138: {  	[sflag:s30] =	ssyncset.done $0x0  }
0x139: {  	[sflag:s30] =	ssyncadd.s32 $0xFFFF8000  }
0x13a: {  	_ =	swait.ge [sflag:s30], $0x8000  }
0x13b: {  	[sflag:s30] =	ssyncset.done $0x0  }
0x13c: {  	[sflag:s30] =	ssyncadd.s32 $0xFFFF8000  }
0x13d: {  	_ =	swait.ge [sflag:s30], $0x8000  }
0x13e: {  	[sflag:s30] =	ssyncset.done $0x0  }
0x13f: {  	[sflag:s30] =	ssyncadd.s32 $0xFFFF8000  }
0x140: {  	_ =	swait.ge [sflag:s30], $0x8000  }
0x141: {  	[sflag:s30] =	ssyncset.done $0x0  }
0x142: {  	[sflag:s30] =	ssyncadd.s32 $0xFFFF8000  }
0x143: {  	_ =	swait.ge [sflag:s30], $0x8000  }
0x144: {  	s8 =	sld [smem:$0x7E5]  }
0x145: {  	[sflag:s30] =	ssyncset.done $0x0  }
0x146: {  	[sflag:s30] =	ssyncadd.s32 $0xFFFF8000  }
0x147: {  	[tilespmem:s2], [sflag:$0x1] =	stream.linear.gather [hbm4b:s8+s2], $0x8400, $0x38;
	[tilespmem:$0x15800] =	vst v63  }
0x148: {  	_ =	swait.ge [sflag:s25], $0x8400  }
0x149: {  	s7 =	sld [smem:$0x7E6]  }
0x14a: {  	[sflag:s25] =	ssyncset.done $0x0  }
0x14b: {  	s8 =	sld [smem:$0x7E7];
	[sflag:s25] =	ssyncadd.s32 $0xFFFF7C00  }
0x14c: {  	[hbm4b:s7+s2] =	stream.linear.scatter [tilespmem:s26], [sflag:$0x3], $0x8000, $0x38;
	[tilespmem:$0x15800] =	vst v63  }
0x14d: {  	s1 =	sld [smem:$0x7E8]  }
0x14e: {  	[hbm4b:s8+s2] =	stream.linear.scatter [tilespmem:s26], [sflag:$0x3], $0x8000, $0x38;
	[tilespmem:$0x15800] =	vst v63  }
0x14f: {  	s8 =	sld [smem:$0x7E9]  }
0x150: {  	[hbm4b:s1+s2] =	stream.linear.scatter [tilespmem:s26], [sflag:$0x3], $0x8000, $0x38;
	[tilespmem:$0x15800] =	vst v63  }
0x151: {  	s1 =	sld [smem:$0x7EA]  }
0x152: {  	[hbm4b:s8+s2] =	stream.linear.scatter [tilespmem:s26], [sflag:$0x3], $0x8000, $0x38;
	[tilespmem:$0x15800] =	vst v63  }
0x153: {  	s8 =	sld [smem:$0x7EB]  }
0x154: {  	[hbm4b:s1+s2] =	stream.linear.scatter [tilespmem:s26], [sflag:$0x3], $0x8000, $0x38;
	[tilespmem:$0x15800] =	vst v63  }
0x155: {  	s1 =	sld [smem:$0x7EC]  }
0x156: {  	[hbm4b:s8+s2] =	stream.linear.scatter [tilespmem:s26], [sflag:$0x3], $0x8000, $0x38;
	[tilespmem:$0x15800] =	vst v63  }
0x157: {  	s8 =	sld [smem:$0x7ED]  }
0x158: {  	[hbm4b:s1+s2] =	stream.linear.scatter [tilespmem:s26], [sflag:$0x3], $0x8000, $0x38;
	[tilespmem:$0x15800] =	vst v63  }
0x159: {  	_ = 	snop  }
0x15a: {  	[hbm4b:s8+s2] =	stream.linear.scatter [tilespmem:s26], [sflag:$0x3], $0x8000, $0x38;
	[tilespmem:$0x15800] =	vst v63  }
0x15b: {  	_ =	swait.ge [sflag:s31], $0x8000  }
0x15c: {  	[sflag:s31] =	ssyncset.done $0x0  }
0x15d: {  	[sflag:s31] =	ssyncadd.s32 $0xFFFF8000  }
0x15e: {  	_ =	swait.ge [sflag:s31], $0x8000  }
0x15f: {  	[sflag:s31] =	ssyncset.done $0x0  }
0x160: {  	[sflag:s31] =	ssyncadd.s32 $0xFFFF8000  }
0x161: {  	_ =	swait.ge [sflag:s31], $0x8000  }
0x162: {  	[sflag:s31] =	ssyncset.done $0x0  }
0x163: {  	[sflag:s31] =	ssyncadd.s32 $0xFFFF8000  }
0x164: {  	_ =	swait.ge [sflag:s31], $0x8000  }
0x165: {  	[sflag:s31] =	ssyncset.done $0x0  }
0x166: {  	[sflag:s31] =	ssyncadd.s32 $0xFFFF8000  }
0x167: {  	_ =	swait.ge [sflag:s31], $0x8000  }
0x168: {  	[sflag:s31] =	ssyncset.done $0x0  }
0x169: {  	[sflag:s31] =	ssyncadd.s32 $0xFFFF8000  }
0x16a: {  	_ =	swait.ge [sflag:s31], $0x8000  }
0x16b: {  	[sflag:s31] =	ssyncset.done $0x0  }
0x16c: {  	[sflag:s31] =	ssyncadd.s32 $0xFFFF8000  }
0x16d: {  	_ =	swait.ge [sflag:s31], $0x8000  }
0x16e: {  	[sflag:s31] =	ssyncset.done $0x0  }
0x16f: {  	[sflag:s31] =	ssyncadd.s32 $0xFFFF8000  }
0x170: {  	_ =	swait.ge [sflag:s31], $0x8000  }
0x171: {  	s8 =	sld [smem:$0x7EE]  }
0x172: {  	[sflag:s31] =	ssyncset.done $0x0  }
0x173: {  	[sflag:s31] =	ssyncadd.s32 $0xFFFF8000  }
0x174: {  	[tilespmem:s6], [sflag:$0x2] =	stream.linear.gather [hbm4b:s8+s2], $0x8400, $0x38;
	[tilespmem:$0x15800] =	vst v63  }
0x175: {  	_ =	swait.ge [sflag:s28], $0x8400  }
0x176: {  	s7 =	sld [smem:$0x7EF]  }
0x177: {  	[sflag:s28] =	ssyncset.done $0x0  }
0x178: {  	s8 =	sld [smem:$0x7F0];
	[sflag:s28] =	ssyncadd.s32 $0xFFFF7C00  }
0x179: {  	[hbm4b:s7+s2] =	stream.linear.scatter [tilespmem:s29], [sflag:$0x4], $0x8000, $0x38;
	[tilespmem:$0x15800] =	vst v63  }
0x17a: {  	s1 =	sld [smem:$0x7F1]  }
0x17b: {  	[hbm4b:s8+s2] =	stream.linear.scatter [tilespmem:s29], [sflag:$0x4], $0x8000, $0x38;
	[tilespmem:$0x15800] =	vst v63  }
0x17c: {  	s8 =	sld [smem:$0x7F2]  }
0x17d: {  	[hbm4b:s1+s2] =	stream.linear.scatter [tilespmem:s29], [sflag:$0x4], $0x8000, $0x38;
	[tilespmem:$0x15800] =	vst v63  }
0x17e: {  	s1 =	sld [smem:$0x7F3]  }
0x17f: {  	[hbm4b:s8+s2] =	stream.linear.scatter [tilespmem:s29], [sflag:$0x4], $0x8000, $0x38;
	[tilespmem:$0x15800] =	vst v63  }
0x180: {  	s8 =	sld [smem:$0x7F4]  }
0x181: {  	[hbm4b:s1+s2] =	stream.linear.scatter [tilespmem:s29], [sflag:$0x4], $0x8000, $0x38;
	[tilespmem:$0x15800] =	vst v63  }
0x182: {  	s1 =	sld [smem:$0x7F5]  }
0x183: {  	[hbm4b:s8+s2] =	stream.linear.scatter [tilespmem:s29], [sflag:$0x4], $0x8000, $0x38;
	[tilespmem:$0x15800] =	vst v63  }
0x184: {  	s8 =	sld [smem:$0x7F6]  }
0x185: {  	[hbm4b:s1+s2] =	stream.linear.scatter [tilespmem:s29], [sflag:$0x4], $0x8000, $0x38;
	[tilespmem:$0x15800] =	vst v63  }
0x186: {  	_ = 	snop  }
0x187: {  	[hbm4b:s8+s2] =	stream.linear.scatter [tilespmem:s29], [sflag:$0x4], $0x8000, $0x38;
	[tilespmem:$0x15800] =	vst v63  }
0x188: {  	_ =	swait.ge [sflag:s30], $0x8000  }
0x189: {  	[sflag:s30] =	ssyncset.done $0x0  }
0x18a: {  	[sflag:s30] =	ssyncadd.s32 $0xFFFF8000  }
0x18b: {  	_ =	swait.ge [sflag:s30], $0x8000  }
0x18c: {  	[sflag:s30] =	ssyncset.done $0x0  }
0x18d: {  	[sflag:s30] =	ssyncadd.s32 $0xFFFF8000  }
0x18e: {  	_ =	swait.ge [sflag:s30], $0x8000  }
0x18f: {  	[sflag:s30] =	ssyncset.done $0x0  }
0x190: {  	[sflag:s30] =	ssyncadd.s32 $0xFFFF8000  }
0x191: {  	_ =	swait.ge [sflag:s30], $0x8000  }
0x192: {  	[sflag:s30] =	ssyncset.done $0x0  }
0x193: {  	[sflag:s30] =	ssyncadd.s32 $0xFFFF8000  }
0x194: {  	_ =	swait.ge [sflag:s30], $0x8000  }
0x195: {  	[sflag:s30] =	ssyncset.done $0x0  }
0x196: {  	[sflag:s30] =	ssyncadd.s32 $0xFFFF8000  }
0x197: {  	_ =	swait.ge [sflag:s30], $0x8000  }
0x198: {  	[sflag:s30] =	ssyncset.done $0x0  }
0x199: {  	[sflag:s30] =	ssyncadd.s32 $0xFFFF8000  }
0x19a: {  	_ =	swait.ge [sflag:s30], $0x8000  }
0x19b: {  	[sflag:s30] =	ssyncset.done $0x0  }
0x19c: {  	[sflag:s30] =	ssyncadd.s32 $0xFFFF8000  }
0x19d: {  	_ =	swait.ge [sflag:s30], $0x8000  }
0x19e: {  	[sflag:s30] =	ssyncset.done $0x0  }
0x19f: {  	[sflag:s30] =	ssyncadd.s32 $0xFFFF8000  }
0x1a0: {  	_ =	swait.ge [sflag:s31], $0x8000  }
0x1a1: {  	[sflag:s31] =	ssyncset.done $0x0  }
0x1a2: {  	[sflag:s31] =	ssyncadd.s32 $0xFFFF8000  }
0x1a3: {  	_ =	swait.ge [sflag:s31], $0x8000  }
0x1a4: {  	[sflag:s31] =	ssyncset.done $0x0  }
0x1a5: {  	[sflag:s31] =	ssyncadd.s32 $0xFFFF8000  }
0x1a6: {  	_ =	swait.ge [sflag:s31], $0x8000  }
0x1a7: {  	[sflag:s31] =	ssyncset.done $0x0  }
0x1a8: {  	[sflag:s31] =	ssyncadd.s32 $0xFFFF8000  }
0x1a9: {  	_ =	swait.ge [sflag:s31], $0x8000  }
0x1aa: {  	[sflag:s31] =	ssyncset.done $0x0  }
0x1ab: {  	[sflag:s31] =	ssyncadd.s32 $0xFFFF8000  }
0x1ac: {  	_ =	swait.ge [sflag:s31], $0x8000  }
0x1ad: {  	[sflag:s31] =	ssyncset.done $0x0  }
0x1ae: {  	[sflag:s31] =	ssyncadd.s32 $0xFFFF8000  }
0x1af: {  	_ =	swait.ge [sflag:s31], $0x8000  }
0x1b0: {  	[sflag:s31] =	ssyncset.done $0x0  }
0x1b1: {  	[sflag:s31] =	ssyncadd.s32 $0xFFFF8000  }
0x1b2: {  	_ =	swait.ge [sflag:s31], $0x8000  }
0x1b3: {  	[sflag:s31] =	ssyncset.done $0x0  }
0x1b4: {  	[sflag:s31] =	ssyncadd.s32 $0xFFFF8000  }
0x1b5: {  	_ =	swait.ge [sflag:s31], $0x8000  }
0x1b6: {  	[sflag:s31] =	ssyncset.done $0x0  }
0x1b7: {  	[sflag:s31] =	ssyncadd.s32 $0xFFFF8000  }
0x1b8: {  	_ =	swait.ge [sflag:s0], $0x400  }
0x1b9: {  	[sflag:s0] =	ssyncset.done $0x0  }
0x1ba: {  	[sflag:s0] =	ssyncadd.s32 $0xFFFFFC00  }
0x1bb: {  	_ =	swait.ge [sflag:s0], $0x400  }
0x1bc: {  	[sflag:s0] =	ssyncset.done $0x0  }
0x1bd: {  	[sflag:s0] =	ssyncadd.s32 $0xFFFFFC00  }
0x1be: {  	_ =	swait.ge [sflag:s0], $0x400  }
0x1bf: {  	[sflag:s0] =	ssyncset.done $0x0  }
0x1c0: {  	[sflag:s0] =	ssyncadd.s32 $0xFFFFFC00  }
0x1c1: {  	_ =	swait.ge [sflag:s0], $0x400  }
0x1c2: {  	[sflag:s0] =	ssyncset.done $0x0  }
0x1c3: {  	[sflag:s0] =	ssyncadd.s32 $0xFFFFFC00  }
0x1c4: {  	_ =	swait.ge [sflag:s0], $0x400  }
0x1c5: {  	[sflag:s0] =	ssyncset.done $0x0  }
0x1c6: {  	[sflag:s0] =	ssyncadd.s32 $0xFFFFFC00  }
0x1c7: {  	_ =	swait.ge [sflag:s0], $0x400  }
0x1c8: {  	[sflag:s0] =	ssyncset.done $0x0  }
0x1c9: {  	[sflag:s0] =	ssyncadd.s32 $0xFFFFFC00  }
0x1ca: {  	p0 =	sne.s32 s5, $0x1;
	_ =	swait.ge [sflag:s0], $0x400  }
.Ltmp0:
0x1cb: {  	[sflag:s0] =	ssyncset.done $0x0;
	(pc) =	sbr.rel @p0 .LBB2_1-.Ltmp0, $4  }
0x1cc: {  	[sflag:s0] =	ssyncadd.s32 $0xFFFFFC00  }
0x1cd: {  	_ =	swait.ge [sflag:s0], $0x400  }
0x1ce: {  	[sflag:s0] =	ssyncset.done $0x0  }
0x1cf: {  	s5 =	sadd.s32 $0xFFFFFFFF, s5;
	[sflag:s0] =	ssyncadd.s32 $0xFFFFFC00  }
0x1d0: {  	_ =	sfence.sel $0x180000  }
0x1d1: {  	[bflag:$0x0] =	sbarrier.arrive $0xFFFF  }
0x1d2: {  	_ =	strace $0x90000047  }
0x1d3: {  	s0 =	stileid.u32;
	[bflag:$0x2] =	sbarrier.arrive $0xFFFF  }
0x1d4: {  	p0 =	sne.s32 s0, $0x0;
	s0 =	rddreg [dreg:$0x3]  }
0x1d5: {  	s0 =	sadd.s32 @!p0 $0x100000, s0  }
0x1d6: {  	[sflag:s0] =	ssyncadd.tile.s32 @!p0 $0x1;
	_ =	shalt  }
.Lfunc_end2:
_tile_overlayer_lowered:
.L_overlay_start_2:
0x1d7: {  	(tag) =	ssettag $0x2  }
0x1d8: {  	s0 =	rddreg [dreg:$0x0];
	s2 =	stileid.u32  }
0x1d9: {  	s1 =	rddreg [dreg:$0x1];
	p0 =	sne.s32 s2, $0x0  }
0x1da: {  	s3 =	rddreg [dreg:$0x2];
	[bflag:$0x3] =	sbarrier.arrive $0xFFFF;
	s2 =	simm.s32 @!p0 $0x1C07  }
0x1db: {  	[timem:s3], [sflag:s2] =	dma.local @!p0 [hbm:s0], s1  }
0x1dc: {  	s0 =	simm.s32 @!p0 $0x7  }
0x1dd: {  	_ =	swait.ge @!p0 [sflag:s0], s1  }
0x1de: {  	s1 =	ssub.s32 @!p0 $0x0, s1;
	[sflag:s0] =	ssyncset.done @!p0 $0x0  }
0x1df: {  	[sflag:s0] =	ssyncadd.s32 @!p0 s1  }
0x1e0: {  	[bflag:$0x3] =	sbarrier.arrive $0xFFFF  }
0x1e1: {  	_ =	shalt  }

</sc_bundles>
